<compile_context>
chip_gen: v7x
topology: tpu7x:2x2x1
jax: 0.10.2.dev20260603
libtpu: 0.0.44.dev20260713+nightly
codegen_flags: <defaults>
</compile_context>

<pallas_src>
import functools

import jax
import jax.numpy as jnp
from jax import lax
from jax.experimental import pallas as pl
from jax.experimental.pallas import tpu as pltpu
from jax.experimental.pallas import tpu_sc as plsc

_NC = 2
_NS = 16
_CH = 128
_IB = 16
_F = 128



@functools.lru_cache(maxsize=None)
def _make_agg(U, nch):
    mesh = plsc.VectorSubcoreMesh(core_axis_name="c", subcore_axis_name="s")
    rpt = (U // _NS + 7) // 8 * 8
    UA = _NS * rpt
    assert nch % _IB == 0
    nblk = nch // _IB
    ib2 = _IB // 2

    out_type = jax.ShapeDtypeStruct((2 * UA, _F), jnp.float32)
    scratch = (
        pltpu.VMEM((_IB, _CH), jnp.int32),
        pltpu.VMEM((_IB, _CH), jnp.int32),
        pltpu.VMEM((_CH, _F), jnp.float32),
        pltpu.VMEM((_CH, _F), jnp.float32),
        pltpu.VMEM_SHARED((UA, _F), jnp.float32),
        pltpu.SemaphoreType.DMA,
        pltpu.SemaphoreType.DMA,
    )

    def body(ufeat, sfeat, eu_src, es_src, eu_dst, es_dst, zf, out,
             idx_s, idx_d, rows_a, rows_b, acc, sem_a, sem_b):
        c = lax.axis_index("c")
        t = lax.axis_index("s")
        base = t * rpt

        def run_side(src_feat, src_idx_h, dst_idx_h, out_base):
            pltpu.sync_copy(zf.at[pl.ds(base, rpt)], acc.at[pl.ds(base, rpt)])
            plsc.subcore_barrier()

            def block(bk, _):
                pltpu.sync_copy(src_idx_h.at[t, pl.ds(bk * _IB, _IB)], idx_s)
                pltpu.sync_copy(dst_idx_h.at[t, pl.ds(bk * _IB, _IB)], idx_d)
                pltpu.async_copy(src_feat.at[idx_s.at[0]], rows_a, sem_a)

                def pair(jj, _):
                    j0 = 2 * jj
                    pltpu.async_copy(src_feat.at[idx_s.at[j0 + 1]], rows_b,
                                     sem_b)
                    pltpu.make_async_copy(src_feat.at[idx_s.at[j0]], rows_a,
                                          sem_a).wait()
                    pltpu.sync_copy(rows_a, acc.at[idx_d.at[j0]], add=True)

                    @pl.when(jj + 1 < ib2)
                    def _():
                        pltpu.async_copy(src_feat.at[idx_s.at[j0 + 2]],
                                         rows_a, sem_a)

                    pltpu.make_async_copy(src_feat.at[idx_s.at[j0 + 1]],
                                          rows_b, sem_b).wait()
                    pltpu.sync_copy(rows_b, acc.at[idx_d.at[j0 + 1]],
                                    add=True)
                    return 0

                lax.fori_loop(0, ib2, pair, 0)
                return 0

            lax.fori_loop(0, nblk, block, 0)
            plsc.subcore_barrier()
            pltpu.sync_copy(acc.at[pl.ds(base, rpt)],
                            out.at[pl.ds(out_base + base, rpt)])

        @pl.when(c == 0)
        def _():
            run_side(sfeat, es_src, eu_dst, 0)

        @pl.when(c == 1)
        def _():
            run_side(ufeat, eu_src, es_dst, UA)

    return pl.kernel(body, out_type=out_type, mesh=mesh,
                     scratch_types=scratch)


@functools.lru_cache(maxsize=None)
def _make_counts(U, nch):
    mesh = plsc.VectorSubcoreMesh(core_axis_name="c", subcore_axis_name="s")
    rpt = (U // _NS + 7) // 8 * 8
    UA = _NS * rpt
    assert nch % _IB == 0
    nblk = nch // _IB

    out_type = jax.ShapeDtypeStruct((2 * UA, _F), jnp.float32)
    scratch = (
        pltpu.VMEM((_IB, _CH), jnp.int32),
        pltpu.VMEM((_CH, _F), jnp.float32),
        pltpu.VMEM_SHARED((UA, _F), jnp.float32),
        pltpu.SemaphoreType.DMA,
    )

    def body(eu_dst, es_dst, zf, ones_h, out, idx_d, ones_v, cnt, sem_s):
        c = lax.axis_index("c")
        t = lax.axis_index("s")
        base = t * rpt

        def run_side(dst_idx_h, out_base):
            pltpu.sync_copy(zf.at[pl.ds(base, rpt)], cnt.at[pl.ds(base, rpt)])
            pltpu.sync_copy(ones_h, ones_v)
            plsc.subcore_barrier()

            def block(bk, _):
                pltpu.sync_copy(dst_idx_h.at[t, pl.ds(bk * _IB, _IB)], idx_d)

                def fire(j, _):
                    pltpu.async_copy(ones_v, cnt.at[idx_d.at[j]], sem_s,
                                     add=True)
                    return 0

                lax.fori_loop(0, _IB, fire, 0)

                def drain(j, _):
                    pltpu.make_async_copy(ones_v, cnt.at[idx_d.at[j]],
                                          sem_s).wait()
                    return 0

                lax.fori_loop(0, _IB, drain, 0)
                return 0

            lax.fori_loop(0, nblk, block, 0)
            plsc.subcore_barrier()
            pltpu.sync_copy(cnt.at[pl.ds(base, rpt)],
                            out.at[pl.ds(out_base + base, rpt)])

        @pl.when(c == 0)
        def _():
            run_side(eu_dst, 0)

        @pl.when(c == 1)
        def _():
            run_side(es_dst, UA)

    return pl.kernel(body, out_type=out_type, mesh=mesh,
                     scratch_types=scratch)



_BLK = 2000


def _in_body(x_ref, w_ref, b_ref, o_ref):
    o_ref[0] = jnp.maximum(
        jnp.dot(x_ref[0], w_ref[0], preferred_element_type=jnp.float32)
        + b_ref[0], 0.0)


def _sage_body(h_ref, a_ref, c_ref, ws_ref, wn_ref, b_ref, o_ref):
    recip = 1.0 / jnp.maximum(c_ref[0][:, :1], 1.0)
    acc = jnp.dot(h_ref[0], ws_ref[0], preferred_element_type=jnp.float32)
    acc = acc + jnp.dot(a_ref[0].astype(jnp.float32) * recip, wn_ref[0],
                        preferred_element_type=jnp.float32)
    o_ref[0] = jnp.maximum(acc + b_ref[0], 0.0)


def _final_body(h_ref, a_ref, c_ref, ws_ref, wn_ref, b_ref, wo_ref, bo_ref,
                o_ref):
    recip = 1.0 / jnp.maximum(c_ref[0][:, :1], 1.0)
    acc = jnp.dot(h_ref[0], ws_ref[0], preferred_element_type=jnp.float32)
    acc = acc + jnp.dot(a_ref[0].astype(jnp.float32) * recip, wn_ref[0],
                        preferred_element_type=jnp.float32)
    acc = jnp.maximum(acc + b_ref[0], 0.0)
    y = jnp.dot(acc, wo_ref[0], preferred_element_type=jnp.float32) + bo_ref[0]
    n = jnp.sqrt(jnp.sum(y * y, axis=1, keepdims=True))
    o_ref[0] = y / jnp.maximum(n, 1e-12)


def _row_spec(blk, d):
    return pl.BlockSpec((1, blk, d), lambda i, j: (i, j, 0))


def _bcast_spec(shape):
    return pl.BlockSpec((1,) + shape[1:], lambda i, j: (i, 0, 0))


def _linrelu(x2, W2, b2):
    n = x2.shape[1]
    return pl.pallas_call(
        _in_body,
        grid=(2, n // _BLK),
        in_specs=[_row_spec(_BLK, x2.shape[2]), _bcast_spec(W2.shape),
                  _bcast_spec(b2.shape)],
        out_specs=_row_spec(_BLK, W2.shape[2]),
        out_shape=jax.ShapeDtypeStruct((2, n, W2.shape[2]), jnp.float32),
    )(x2, W2, b2)


def _sage(h2, a2, c2, Ws, Wn, b2):
    n = h2.shape[1]
    return pl.pallas_call(
        _sage_body,
        grid=(2, n // _BLK),
        in_specs=[_row_spec(_BLK, _F), _row_spec(_BLK, _F),
                  _row_spec(_BLK, _F), _bcast_spec(Ws.shape),
                  _bcast_spec(Wn.shape), _bcast_spec(b2.shape)],
        out_specs=_row_spec(_BLK, _F),
        out_shape=jax.ShapeDtypeStruct((2, n, _F), jnp.float32),
    )(h2, a2, c2, Ws, Wn, b2)


def _final(h2, a2, c2, Ws, Wn, b2, Wo, bo):
    n = h2.shape[1]
    dout = Wo.shape[2]
    return pl.pallas_call(
        _final_body,
        grid=(2, n // _BLK),
        in_specs=[_row_spec(_BLK, _F), _row_spec(_BLK, _F),
                  _row_spec(_BLK, _F), _bcast_spec(Ws.shape),
                  _bcast_spec(Wn.shape), _bcast_spec(b2.shape),
                  _bcast_spec(Wo.shape), _bcast_spec(bo.shape)],
        out_specs=_row_spec(_BLK, dout),
        out_shape=jax.ShapeDtypeStruct((2, n, dout), jnp.float32),
    )(h2, a2, c2, Ws, Wn, b2, Wo, bo)



def kernel(user_x, session_x, edge_user_idx, edge_session_idx, params):
    p = params
    U = user_x.shape[0]
    S = session_x.shape[0]
    E = edge_user_idx.shape[0]
    assert U == S and U % _NS == 0

    eu = edge_user_idx.astype(jnp.int32)
    es = edge_session_idx.astype(jnp.int32)

    nch = -(-E // (_NS * _CH))
    nch = -(-nch // _IB) * _IB
    pad = _NS * nch * _CH - E

    def chunked(x, val):
        return jnp.concatenate(
            [x, jnp.full((pad,), val, jnp.int32)]).reshape(_NS, nch, _CH)

    eu_src = chunked(eu, 0)
    eu_dst = chunked(eu, U)
    es_src = chunked(es, 0)
    es_dst = chunked(es, S)
    UA = _NS * ((U // _NS + 7) // 8 * 8)
    zf = jnp.zeros((UA, _F), jnp.float32)
    ones_h = jnp.ones((_CH, _F), jnp.float32)

    def stack(a, b):
        return jnp.stack([a, b])

    Win = stack(p["user_in_proj_W"], p["session_in_proj_W"])
    bin_ = stack(p["user_in_proj_b"], p["session_in_proj_b"])[:, None, :]
    h0 = _linrelu(stack(user_x, session_x), Win, bin_)

    agg1 = _make_agg(U, nch)(
        h0[0], h0[1], eu_src, es_src, eu_dst, es_dst, zf)
    agg1 = agg1.reshape(2, UA, _F)[:, :U]
    cnt = _make_counts(U, nch)(eu_dst, es_dst, zf, ones_h)
    cnt = cnt.reshape(2, UA, _F)[:, :U]

    Ws1 = stack(p["user_sage_1_self_W"], p["session_sage_1_self_W"])
    Wn1 = stack(p["user_sage_1_neigh_W"], p["session_sage_1_neigh_W"])
    b1 = stack(p["user_sage_1_self_b"] + p["user_sage_1_neigh_b"],
               p["session_sage_1_self_b"] + p["session_sage_1_neigh_b"]
               )[:, None, :]
    h1 = _sage(h0, agg1, cnt, Ws1, Wn1, b1)

    agg2 = _make_agg(U, nch)(
        h1[0], h1[1], eu_src, es_src, eu_dst, es_dst, zf)
    agg2 = agg2.reshape(2, UA, _F)[:, :U]

    Ws2 = stack(p["user_sage_2_self_W"], p["session_sage_2_self_W"])
    Wn2 = stack(p["user_sage_2_neigh_W"], p["session_sage_2_neigh_W"])
    b2 = stack(p["user_sage_2_self_b"] + p["user_sage_2_neigh_b"],
               p["session_sage_2_self_b"] + p["session_sage_2_neigh_b"]
               )[:, None, :]
    Wo = stack(p["user_out_W"], p["session_out_W"])
    bo = stack(p["user_out_b"], p["session_out_b"])[:, None, :]
    emb = _final(h1, agg2, cnt, Ws2, Wn2, b2, Wo, bo)
    return (emb[0], emb[1])

# --- scband reference (transcript-rebuilt; emitter-appended) ---
"""Pipeline reference for scband-bipartite-graph-sage-32478542692653 (READ-ONLY COPY).

The authoritative reference and input builder live on the scoring server;
editing this copy changes nothing except your own understanding.
"""

import jax, jax.numpy as jnp
import numpy as np


def _linear(x, W, b):
    return x @ W + b


def _agg_mean(src_x, idx, dst_size):
    s = jax.ops.segment_sum(src_x, idx, num_segments=dst_size)
    ones = jnp.ones((idx.shape[0], 1), dtype=src_x.dtype)
    cnt = jax.ops.segment_sum(ones, idx, num_segments=dst_size)
    return s / jnp.clip(cnt, 1.0)


def _normalize(x):
    n = jnp.sqrt(jnp.sum(x * x, axis=1, keepdims=True))
    return x / jnp.maximum(n, 1e-12)


_LAYERS = [
    ("user_in_proj", 256, 128),
    ("session_in_proj", 256, 128),
    ("user_sage_1_self", 128, 128),
    ("user_sage_1_neigh", 128, 128),
    ("session_sage_1_self", 128, 128),
    ("session_sage_1_neigh", 128, 128),
    ("user_sage_2_self", 128, 128),
    ("user_sage_2_neigh", 128, 128),
    ("session_sage_2_self", 128, 128),
    ("session_sage_2_neigh", 128, 128),
    ("user_out", 128, 64),
    ("session_out", 128, 64),
]


def setup_inputs(seed: int = 0):
    key = jax.random.key(seed)
    U, S, E = 10000, 10000, 320000
    k_ux, k_sx, k_eu, k_es, k_p = jax.random.split(key, 5)
    user_x = jax.random.normal(k_ux, (U, 256), dtype=jnp.float32)
    session_x = jax.random.normal(k_sx, (S, 256), dtype=jnp.float32)
    edge_user_idx = jax.random.randint(k_eu, (E,), 0, U, dtype=jnp.int32).astype(jnp.int64)
    edge_session_idx = jax.random.randint(k_es, (E,), 0, S, dtype=jnp.int32).astype(jnp.int64)
    params = {}
    pkeys = jax.random.split(k_p, len(_LAYERS) * 2)
    for i, (name, din, dout) in enumerate(_LAYERS):
        bound = 1.0 / np.sqrt(din)
        params[name + "_W"] = jax.random.uniform(pkeys[2 * i], (din, dout), jnp.float32, -bound, bound)
        params[name + "_b"] = jax.random.uniform(pkeys[2 * i + 1], (dout,), jnp.float32, -bound, bound)
    return {
        "user_x": user_x,
        "session_x": session_x,
        "edge_user_idx": edge_user_idx,
        "edge_session_idx": edge_session_idx,
        "params": params,
    }


def reference(user_x, session_x, edge_user_idx, edge_session_idx, params):
    p = params
    U = user_x.shape[0]
    S = session_x.shape[0]
    u0 = jax.nn.relu(_linear(user_x, p["user_in_proj_W"], p["user_in_proj_b"]))
    s0 = jax.nn.relu(_linear(session_x, p["session_in_proj_W"], p["session_in_proj_b"]))
    u_neigh_1 = _agg_mean(s0[edge_session_idx], edge_user_idx, U)
    s_neigh_1 = _agg_mean(u0[edge_user_idx], edge_session_idx, S)
    u1 = jax.nn.relu(
        _linear(u0, p["user_sage_1_self_W"], p["user_sage_1_self_b"]) +
        _linear(u_neigh_1, p["user_sage_1_neigh_W"], p["user_sage_1_neigh_b"]))
    s1 = jax.nn.relu(
        _linear(s0, p["session_sage_1_self_W"], p["session_sage_1_self_b"]) +
        _linear(s_neigh_1, p["session_sage_1_neigh_W"], p["session_sage_1_neigh_b"]))
    u_neigh_2 = _agg_mean(s1[edge_session_idx], edge_user_idx, U)
    s_neigh_2 = _agg_mean(u1[edge_user_idx], edge_session_idx, S)
    u2 = jax.nn.relu(
        _linear(u1, p["user_sage_2_self_W"], p["user_sage_2_self_b"]) +
        _linear(u_neigh_2, p["user_sage_2_neigh_W"], p["user_sage_2_neigh_b"]))
    s2 = jax.nn.relu(
        _linear(s1, p["session_sage_2_self_W"], p["session_sage_2_self_b"]) +
        _linear(s_neigh_2, p["session_sage_2_neigh_W"], p["session_sage_2_neigh_b"]))
    user_emb = _normalize(_linear(u2, p["user_out_W"], p["user_out_b"]))
    session_emb = _normalize(_linear(s2, p["session_out_W"], p["session_out_b"]))
    return (user_emb, session_emb)

if __name__ == "__main__":
    import jax
    _d = setup_inputs()
    print(jax.jit(kernel)(*tuple(_d.values())))

</pallas_src>

<mosaic_0001>
#map = affine_map<(d0, d1) -> (0, 0)>
#map1 = affine_map<(d0, d1) -> (0, 0, 0)>
module attributes {stable_mosaic.version = 14 : i64} {
  func.func @body(%arg0: i32, %arg1: i32, %arg2: memref<10000x128xf32, #tpu.memory_space<hbm>>, %arg3: memref<10000x128xf32, #tpu.memory_space<hbm>>, %arg4: memref<16x160x128xi32, #tpu.memory_space<hbm>>, %arg5: memref<16x160x128xi32, #tpu.memory_space<hbm>>, %arg6: memref<16x160x128xi32, #tpu.memory_space<hbm>>, %arg7: memref<16x160x128xi32, #tpu.memory_space<hbm>>, %arg8: memref<10112x128xf32, #tpu.memory_space<hbm>>, %arg9: memref<20224x128xf32, #tpu.memory_space<hbm>>, %arg10: memref<16x128xi32, #tpu.memory_space<vmem>>, %arg11: memref<16x128xi32, #tpu.memory_space<vmem>>, %arg12: memref<128x128xf32, #tpu.memory_space<vmem>>, %arg13: memref<128x128xf32, #tpu.memory_space<vmem>>, %arg14: memref<10112x128xf32, #tpu.memory_space<vmem_shared>>, %arg15: memref<!tpu.dma_semaphore, #tpu.memory_space<semaphore_mem>>, %arg16: memref<!tpu.dma_semaphore, #tpu.memory_space<semaphore_mem>>) attributes {dimension_semantics = [#tpu.dimension_semantics<core_parallel>, #tpu.dimension_semantics<subcore_parallel>], iteration_bounds = array<i64: 2, 16>, scalar_prefetch = 0 : i64, scratch_operands = 7 : i64, tpu.core_type = #tpu.core_type<sc_vector_subcore>, window_params = [{transform_indices = #map}, {transform_indices = #map}, {transform_indices = #map1}, {transform_indices = #map1}, {transform_indices = #map1}, {transform_indices = #map1}, {transform_indices = #map}, {transform_indices = #map}]} {
    %mul3A = arith.constant 632 : i32
    %mul3A_0 = arith.muli %arg1, %mul3A : i32
    %eq3A = arith.constant 0 : i32
    %eq3A_1 = arith.cmpi eq, %arg0, %eq3A : i32
    %convert_element_type3A = arith.extui %eq3A_1 : i1 to i32
    %cond3A = arith.constant 0 : i32
    %cond3A_2 = arith.cmpi ne, %convert_element_type3A, %cond3A : i32
    scf.if %cond3A_2 {
      "tpu.region"() ({
        %run_scoped3A = tpu.sem_alloc : memref<!tpu.dma_semaphore, #tpu.memory_space<semaphore_mem>>
        %dma_start3A = arith.constant 0 : i32
        %dma_start3A_16 = tpu.memref_slice %arg14[%mul3A_0, %dma_start3A] : memref<10112x128xf32, #tpu.memory_space<vmem_shared>> -> memref<632x128xf32, #tpu.memory_space<vmem_shared>>
        %dma_start3A_17 = arith.constant 0 : i32
        %dma_start3A_18 = tpu.memref_slice %arg8[%mul3A_0, %dma_start3A_17] : memref<10112x128xf32, #tpu.memory_space<hbm>> -> memref<632x128xf32, #tpu.memory_space<hbm>>
        tpu.enqueue_dma source(%dma_start3A_18 : memref<632x128xf32, #tpu.memory_space<hbm>>) target(%dma_start3A_16 : memref<632x128xf32, #tpu.memory_space<vmem_shared>>) target_semaphore(%run_scoped3A : memref<!tpu.dma_semaphore, #tpu.memory_space<semaphore_mem>>)
        %dma_wait3A = arith.constant 0 : i32
        %dma_wait3A_19 = tpu.memref_slice %arg14[%mul3A_0, %dma_wait3A] : memref<10112x128xf32, #tpu.memory_space<vmem_shared>> -> memref<632x128xf32, #tpu.memory_space<vmem_shared>>
        %dma_wait3A_20 = arith.constant 0 : i32
        %dma_wait3A_21 = tpu.memref_slice %arg8[%mul3A_0, %dma_wait3A_20] : memref<10112x128xf32, #tpu.memory_space<hbm>> -> memref<632x128xf32, #tpu.memory_space<hbm>>
        tpu.wait_dma2 semaphore(%run_scoped3A : memref<!tpu.dma_semaphore, #tpu.memory_space<semaphore_mem>>) src(%dma_wait3A_21 : memref<632x128xf32, #tpu.memory_space<hbm>>) dst(%dma_wait3A_19 : memref<632x128xf32, #tpu.memory_space<vmem_shared>>)
        tpu.yield
      }) : () -> ()
      %barrier3A = arith.constant 0 : index
      tpu.barrier barrier_id(%barrier3A)
      %scan3A = arith.constant 0 : i32
      %scan3A_8 = arith.constant 0 : i32
      %scan3A_9 = arith.constant 10 : i32
      %scan3A_10 = arith.addi %scan3A_8, %scan3A_9 : i32
      %scan3A_11 = arith.constant 1 : i32
      %scan3A_12 = scf.for %scan3A_16 = %scan3A_8 to %scan3A_10 step %scan3A_11 iter_args(%scan3A_17 = %scan3A) -> (i32)  : i32 {
        %mul3A_18 = arith.constant 16 : i32
        %mul3A_19 = arith.muli %scan3A_16, %mul3A_18 : i32
        "tpu.region"() ({
          %run_scoped3A = tpu.sem_alloc : memref<!tpu.dma_semaphore, #tpu.memory_space<semaphore_mem>>
          %dma_start3A_36 = arith.constant 0 : i32
          %dma_start3A_37 = tpu.memref_slice %arg5[%arg1, %mul3A_19, %dma_start3A_36] : memref<16x160x128xi32, #tpu.memory_space<hbm>> -> memref<1x16x128xi32, #tpu.memory_space<hbm>>
          %dma_start3A_38 = tpu.memref_squeeze %dma_start3A_37 : memref<1x16x128xi32, #tpu.memory_space<hbm>> -> memref<16x128xi32, #tpu.memory_space<hbm>>
          %dma_start3A_39 = arith.constant 0 : i32
          %dma_start3A_40 = tpu.memref_slice %arg5[%arg1, %mul3A_19, %dma_start3A_39] : memref<16x160x128xi32, #tpu.memory_space<hbm>> -> memref<1x16x128xi32, #tpu.memory_space<hbm>>
          %dma_start3A_41 = tpu.memref_squeeze %dma_start3A_40 : memref<1x16x128xi32, #tpu.memory_space<hbm>> -> memref<16x128xi32, #tpu.memory_space<hbm>>
          tpu.enqueue_dma source(%dma_start3A_41 : memref<16x128xi32, #tpu.memory_space<hbm>>) target(%arg10 : memref<16x128xi32, #tpu.memory_space<vmem>>) target_semaphore(%run_scoped3A : memref<!tpu.dma_semaphore, #tpu.memory_space<semaphore_mem>>)
          %dma_wait3A = arith.constant 0 : i32
          %dma_wait3A_42 = tpu.memref_slice %arg5[%arg1, %mul3A_19, %dma_wait3A] : memref<16x160x128xi32, #tpu.memory_space<hbm>> -> memref<1x16x128xi32, #tpu.memory_space<hbm>>
          %dma_wait3A_43 = tpu.memref_squeeze %dma_wait3A_42 : memref<1x16x128xi32, #tpu.memory_space<hbm>> -> memref<16x128xi32, #tpu.memory_space<hbm>>
          %dma_wait3A_44 = arith.constant 0 : i32
          %dma_wait3A_45 = tpu.memref_slice %arg5[%arg1, %mul3A_19, %dma_wait3A_44] : memref<16x160x128xi32, #tpu.memory_space<hbm>> -> memref<1x16x128xi32, #tpu.memory_space<hbm>>
          %dma_wait3A_46 = tpu.memref_squeeze %dma_wait3A_45 : memref<1x16x128xi32, #tpu.memory_space<hbm>> -> memref<16x128xi32, #tpu.memory_space<hbm>>
          tpu.wait_dma2 semaphore(%run_scoped3A : memref<!tpu.dma_semaphore, #tpu.memory_space<semaphore_mem>>) src(%dma_wait3A_46 : memref<16x128xi32, #tpu.memory_space<hbm>>) dst(%arg10 : memref<16x128xi32, #tpu.memory_space<vmem>>)
          tpu.yield
        }) : () -> ()
        %mul3A_20 = arith.constant 16 : i32
        %mul3A_21 = arith.muli %scan3A_16, %mul3A_20 : i32
        "tpu.region"() ({
          %run_scoped3A = tpu.sem_alloc : memref<!tpu.dma_semaphore, #tpu.memory_space<semaphore_mem>>
          %dma_start3A_36 = arith.constant 0 : i32
          %dma_start3A_37 = tpu.memref_slice %arg6[%arg1, %mul3A_21, %dma_start3A_36] : memref<16x160x128xi32, #tpu.memory_space<hbm>> -> memref<1x16x128xi32, #tpu.memory_space<hbm>>
          %dma_start3A_38 = tpu.memref_squeeze %dma_start3A_37 : memref<1x16x128xi32, #tpu.memory_space<hbm>> -> memref<16x128xi32, #tpu.memory_space<hbm>>
          %dma_start3A_39 = arith.constant 0 : i32
          %dma_start3A_40 = tpu.memref_slice %arg6[%arg1, %mul3A_21, %dma_start3A_39] : memref<16x160x128xi32, #tpu.memory_space<hbm>> -> memref<1x16x128xi32, #tpu.memory_space<hbm>>
          %dma_start3A_41 = tpu.memref_squeeze %dma_start3A_40 : memref<1x16x128xi32, #tpu.memory_space<hbm>> -> memref<16x128xi32, #tpu.memory_space<hbm>>
          tpu.enqueue_dma source(%dma_start3A_41 : memref<16x128xi32, #tpu.memory_space<hbm>>) target(%arg11 : memref<16x128xi32, #tpu.memory_space<vmem>>) target_semaphore(%run_scoped3A : memref<!tpu.dma_semaphore, #tpu.memory_space<semaphore_mem>>)
          %dma_wait3A = arith.constant 0 : i32
          %dma_wait3A_42 = tpu.memref_slice %arg6[%arg1, %mul3A_21, %dma_wait3A] : memref<16x160x128xi32, #tpu.memory_space<hbm>> -> memref<1x16x128xi32, #tpu.memory_space<hbm>>
          %dma_wait3A_43 = tpu.memref_squeeze %dma_wait3A_42 : memref<1x16x128xi32, #tpu.memory_space<hbm>> -> memref<16x128xi32, #tpu.memory_space<hbm>>
          %dma_wait3A_44 = arith.constant 0 : i32
          %dma_wait3A_45 = tpu.memref_slice %arg6[%arg1, %mul3A_21, %dma_wait3A_44] : memref<16x160x128xi32, #tpu.memory_space<hbm>> -> memref<1x16x128xi32, #tpu.memory_space<hbm>>
          %dma_wait3A_46 = tpu.memref_squeeze %dma_wait3A_45 : memref<1x16x128xi32, #tpu.memory_space<hbm>> -> memref<16x128xi32, #tpu.memory_space<hbm>>
          tpu.wait_dma2 semaphore(%run_scoped3A : memref<!tpu.dma_semaphore, #tpu.memory_space<semaphore_mem>>) src(%dma_wait3A_46 : memref<16x128xi32, #tpu.memory_space<hbm>>) dst(%arg11 : memref<16x128xi32, #tpu.memory_space<vmem>>)
          tpu.yield
        }) : () -> ()
        %dma_start3A = arith.constant 0 : i32
        %dma_start3A_22 = arith.constant 0 : i32
        %dma_start3A_23 = tpu.memref_slice %arg10[%dma_start3A, %dma_start3A_22] : memref<16x128xi32, #tpu.memory_space<vmem>> -> memref<1x128xi32, #tpu.memory_space<vmem>>
        %dma_start3A_24 = tpu.memref_squeeze %dma_start3A_23 : memref<1x128xi32, #tpu.memory_space<vmem>> -> memref<128xi32, #tpu.memory_space<vmem>>
        %dma_start3A_25 = arith.constant 0 : i32
        %dma_start3A_26 = arith.constant 0 : i32
        %dma_start3A_27 = tpu.memref_slice %arg3[%dma_start3A_25, %dma_start3A_26] : memref<10000x128xf32, #tpu.memory_space<hbm>> -> memref<10000x128xf32, #tpu.memory_space<hbm>>
        tpu.enqueue_indirect_dma source(%dma_start3A_27 : memref<10000x128xf32, #tpu.memory_space<hbm>>) target(%arg12 : memref<128x128xf32, #tpu.memory_space<vmem>>) offsets(%dma_start3A_24 : memref<128xi32, #tpu.memory_space<vmem>>) semaphore(%arg15 : memref<!tpu.dma_semaphore, #tpu.memory_space<semaphore_mem>>)
        %scan3A_28 = arith.constant 0 : i32
        %scan3A_29 = arith.constant 0 : i32
        %scan3A_30 = arith.constant 8 : i32
        %scan3A_31 = arith.addi %scan3A_29, %scan3A_30 : i32
        %scan3A_32 = arith.constant 1 : i32
        %scan3A_33 = scf.for %scan3A_36 = %scan3A_29 to %scan3A_31 step %scan3A_32 iter_args(%scan3A_37 = %scan3A_28) -> (i32)  : i32 {
          %mul3A_38 = arith.constant 2 : i32
          %mul3A_39 = arith.muli %mul3A_38, %scan3A_36 : i32
          %add3A_40 = arith.constant 1 : i32
          %add3A_41 = arith.addi %mul3A_39, %add3A_40 : i32
          %dma_start3A_42 = arith.constant 0 : i32
          %dma_start3A_43 = tpu.memref_slice %arg10[%add3A_41, %dma_start3A_42] : memref<16x128xi32, #tpu.memory_space<vmem>> -> memref<1x128xi32, #tpu.memory_space<vmem>>
          %dma_start3A_44 = tpu.memref_squeeze %dma_start3A_43 : memref<1x128xi32, #tpu.memory_space<vmem>> -> memref<128xi32, #tpu.memory_space<vmem>>
          %dma_start3A_45 = arith.constant 0 : i32
          %dma_start3A_46 = arith.constant 0 : i32
          %dma_start3A_47 = tpu.memref_slice %arg3[%dma_start3A_45, %dma_start3A_46] : memref<10000x128xf32, #tpu.memory_space<hbm>> -> memref<10000x128xf32, #tpu.memory_space<hbm>>
          tpu.enqueue_indirect_dma source(%dma_start3A_47 : memref<10000x128xf32, #tpu.memory_space<hbm>>) target(%arg13 : memref<128x128xf32, #tpu.memory_space<vmem>>) offsets(%dma_start3A_44 : memref<128xi32, #tpu.memory_space<vmem>>) semaphore(%arg16 : memref<!tpu.dma_semaphore, #tpu.memory_space<semaphore_mem>>)
          %dma_wait3A = arith.constant 0 : i32
          %dma_wait3A_48 = tpu.memref_slice %arg10[%mul3A_39, %dma_wait3A] : memref<16x128xi32, #tpu.memory_space<vmem>> -> memref<1x128xi32, #tpu.memory_space<vmem>>
          %dma_wait3A_49 = tpu.memref_squeeze %dma_wait3A_48 : memref<1x128xi32, #tpu.memory_space<vmem>> -> memref<128xi32, #tpu.memory_space<vmem>>
          %dma_wait3A_50 = arith.constant 0 : i32
          %dma_wait3A_51 = arith.constant 0 : i32
          %dma_wait3A_52 = tpu.memref_slice %arg3[%dma_wait3A_50, %dma_wait3A_51] : memref<10000x128xf32, #tpu.memory_space<hbm>> -> memref<10000x128xf32, #tpu.memory_space<hbm>>
          tpu.wait_indirect_dma semaphore(%arg15 : memref<!tpu.dma_semaphore, #tpu.memory_space<semaphore_mem>>) src(%dma_wait3A_52 : memref<10000x128xf32, #tpu.memory_space<hbm>>) dst(%arg12 : memref<128x128xf32, #tpu.memory_space<vmem>>)
          "tpu.region"() ({
            %run_scoped3A = tpu.sem_alloc : memref<!tpu.dma_semaphore, #tpu.memory_space<semaphore_mem>>
            %dma_start3A_70 = arith.constant 0 : i32
            %dma_start3A_71 = tpu.memref_slice %arg11[%mul3A_39, %dma_start3A_70] : memref<16x128xi32, #tpu.memory_space<vmem>> -> memref<1x128xi32, #tpu.memory_space<vmem>>
            %dma_start3A_72 = tpu.memref_squeeze %dma_start3A_71 : memref<1x128xi32, #tpu.memory_space<vmem>> -> memref<128xi32, #tpu.memory_space<vmem>>
            %dma_start3A_73 = arith.constant 0 : i32
            %dma_start3A_74 = arith.constant 0 : i32
            %dma_start3A_75 = tpu.memref_slice %arg14[%dma_start3A_73, %dma_start3A_74] : memref<10112x128xf32, #tpu.memory_space<vmem_shared>> -> memref<10112x128xf32, #tpu.memory_space<vmem_shared>>
            tpu.enqueue_indirect_dma source(%arg12 : memref<128x128xf32, #tpu.memory_space<vmem>>) target(%dma_start3A_75 : memref<10112x128xf32, #tpu.memory_space<vmem_shared>>) offsets(%dma_start3A_72 : memref<128xi32, #tpu.memory_space<vmem>>) semaphore(%run_scoped3A : memref<!tpu.dma_semaphore, #tpu.memory_space<semaphore_mem>>) {add = true}
            %dma_wait3A_76 = arith.constant 0 : i32
            %dma_wait3A_77 = tpu.memref_slice %arg11[%mul3A_39, %dma_wait3A_76] : memref<16x128xi32, #tpu.memory_space<vmem>> -> memref<1x128xi32, #tpu.memory_space<vmem>>
            %dma_wait3A_78 = tpu.memref_squeeze %dma_wait3A_77 : memref<1x128xi32, #tpu.memory_space<vmem>> -> memref<128xi32, #tpu.memory_space<vmem>>
            %dma_wait3A_79 = arith.constant 0 : i32
            %dma_wait3A_80 = arith.constant 0 : i32
            %dma_wait3A_81 = tpu.memref_slice %arg14[%dma_wait3A_79, %dma_wait3A_80] : memref<10112x128xf32, #tpu.memory_space<vmem_shared>> -> memref<10112x128xf32, #tpu.memory_space<vmem_shared>>
            tpu.wait_indirect_dma semaphore(%run_scoped3A : memref<!tpu.dma_semaphore, #tpu.memory_space<semaphore_mem>>) src(%arg12 : memref<128x128xf32, #tpu.memory_space<vmem>>) dst(%dma_wait3A_81 : memref<10112x128xf32, #tpu.memory_space<vmem_shared>>)
            tpu.yield
          }) : () -> ()
          %add3A_53 = arith.constant 1 : i32
          %add3A_54 = arith.addi %scan3A_36, %add3A_53 : i32
          %lt3A = arith.constant 8 : i32
          %lt3A_55 = arith.cmpi slt, %add3A_54, %lt3A : i32
          %convert_element_type3A_56 = arith.extui %lt3A_55 : i1 to i32
          %cond3A_57 = arith.constant 0 : i32
          %cond3A_58 = arith.cmpi ne, %convert_element_type3A_56, %cond3A_57 : i32
          scf.if %cond3A_58 {
            %add3A_70 = arith.constant 2 : i32
            %add3A_71 = arith.addi %mul3A_39, %add3A_70 : i32
            %dma_start3A_72 = arith.constant 0 : i32
            %dma_start3A_73 = tpu.memref_slice %arg10[%add3A_71, %dma_start3A_72] : memref<16x128xi32, #tpu.memory_space<vmem>> -> memref<1x128xi32, #tpu.memory_space<vmem>>
            %dma_start3A_74 = tpu.memref_squeeze %dma_start3A_73 : memref<1x128xi32, #tpu.memory_space<vmem>> -> memref<128xi32, #tpu.memory_space<vmem>>
            %dma_start3A_75 = arith.constant 0 : i32
            %dma_start3A_76 = arith.constant 0 : i32
            %dma_start3A_77 = tpu.memref_slice %arg3[%dma_start3A_75, %dma_start3A_76] : memref<10000x128xf32, #tpu.memory_space<hbm>> -> memref<10000x128xf32, #tpu.memory_space<hbm>>
            tpu.enqueue_indirect_dma source(%dma_start3A_77 : memref<10000x128xf32, #tpu.memory_space<hbm>>) target(%arg12 : memref<128x128xf32, #tpu.memory_space<vmem>>) offsets(%dma_start3A_74 : memref<128xi32, #tpu.memory_space<vmem>>) semaphore(%arg15 : memref<!tpu.dma_semaphore, #tpu.memory_space<semaphore_mem>>)
          } else {
          }
          %add3A_59 = arith.constant 1 : i32
          %add3A_60 = arith.addi %mul3A_39, %add3A_59 : i32
          %dma_wait3A_61 = arith.constant 0 : i32
          %dma_wait3A_62 = tpu.memref_slice %arg10[%add3A_60, %dma_wait3A_61] : memref<16x128xi32, #tpu.memory_space<vmem>> -> memref<1x128xi32, #tpu.memory_space<vmem>>
          %dma_wait3A_63 = tpu.memref_squeeze %dma_wait3A_62 : memref<1x128xi32, #tpu.memory_space<vmem>> -> memref<128xi32, #tpu.memory_space<vmem>>
          %dma_wait3A_64 = arith.constant 0 : i32
          %dma_wait3A_65 = arith.constant 0 : i32
          %dma_wait3A_66 = tpu.memref_slice %arg3[%dma_wait3A_64, %dma_wait3A_65] : memref<10000x128xf32, #tpu.memory_space<hbm>> -> memref<10000x128xf32, #tpu.memory_space<hbm>>
          tpu.wait_indirect_dma semaphore(%arg16 : memref<!tpu.dma_semaphore, #tpu.memory_space<semaphore_mem>>) src(%dma_wait3A_66 : memref<10000x128xf32, #tpu.memory_space<hbm>>) dst(%arg13 : memref<128x128xf32, #tpu.memory_space<vmem>>)
          %add3A_67 = arith.constant 1 : i32
          %add3A_68 = arith.addi %mul3A_39, %add3A_67 : i32
          "tpu.region"() ({
            %run_scoped3A = tpu.sem_alloc : memref<!tpu.dma_semaphore, #tpu.memory_space<semaphore_mem>>
            %dma_start3A_70 = arith.constant 0 : i32
            %dma_start3A_71 = tpu.memref_slice %arg11[%add3A_68, %dma_start3A_70] : memref<16x128xi32, #tpu.memory_space<vmem>> -> memref<1x128xi32, #tpu.memory_space<vmem>>
            %dma_start3A_72 = tpu.memref_squeeze %dma_start3A_71 : memref<1x128xi32, #tpu.memory_space<vmem>> -> memref<128xi32, #tpu.memory_space<vmem>>
            %dma_start3A_73 = arith.constant 0 : i32
            %dma_start3A_74 = arith.constant 0 : i32
            %dma_start3A_75 = tpu.memref_slice %arg14[%dma_start3A_73, %dma_start3A_74] : memref<10112x128xf32, #tpu.memory_space<vmem_shared>> -> memref<10112x128xf32, #tpu.memory_space<vmem_shared>>
            tpu.enqueue_indirect_dma source(%arg13 : memref<128x128xf32, #tpu.memory_space<vmem>>) target(%dma_start3A_75 : memref<10112x128xf32, #tpu.memory_space<vmem_shared>>) offsets(%dma_start3A_72 : memref<128xi32, #tpu.memory_space<vmem>>) semaphore(%run_scoped3A : memref<!tpu.dma_semaphore, #tpu.memory_space<semaphore_mem>>) {add = true}
            %dma_wait3A_76 = arith.constant 0 : i32
            %dma_wait3A_77 = tpu.memref_slice %arg11[%add3A_68, %dma_wait3A_76] : memref<16x128xi32, #tpu.memory_space<vmem>> -> memref<1x128xi32, #tpu.memory_space<vmem>>
            %dma_wait3A_78 = tpu.memref_squeeze %dma_wait3A_77 : memref<1x128xi32, #tpu.memory_space<vmem>> -> memref<128xi32, #tpu.memory_space<vmem>>
            %dma_wait3A_79 = arith.constant 0 : i32
            %dma_wait3A_80 = arith.constant 0 : i32
            %dma_wait3A_81 = tpu.memref_slice %arg14[%dma_wait3A_79, %dma_wait3A_80] : memref<10112x128xf32, #tpu.memory_space<vmem_shared>> -> memref<10112x128xf32, #tpu.memory_space<vmem_shared>>
            tpu.wait_indirect_dma semaphore(%run_scoped3A : memref<!tpu.dma_semaphore, #tpu.memory_space<semaphore_mem>>) src(%arg13 : memref<128x128xf32, #tpu.memory_space<vmem>>) dst(%dma_wait3A_81 : memref<10112x128xf32, #tpu.memory_space<vmem_shared>>)
            tpu.yield
          }) : () -> ()
          %scan3A_69 = arith.constant 0 : i32
          scf.yield %scan3A_69 : i32
        }
        %scan3A_34 = arith.constant 8 : i32
        %scan3A_35 = arith.constant 0 : i32
        scf.yield %scan3A_35 : i32
      }
      %scan3A_13 = arith.constant 10 : i32
      %barrier3A_14 = arith.constant 0 : index
      tpu.barrier barrier_id(%barrier3A_14)
      %add3A = arith.constant 0 : i32
      %add3A_15 = arith.addi %add3A, %mul3A_0 : i32
      "tpu.region"() ({
        %run_scoped3A = tpu.sem_alloc : memref<!tpu.dma_semaphore, #tpu.memory_space<semaphore_mem>>
        %dma_start3A = arith.constant 0 : i32
        %dma_start3A_16 = tpu.memref_slice %arg9[%add3A_15, %dma_start3A] : memref<20224x128xf32, #tpu.memory_space<hbm>> -> memref<632x128xf32, #tpu.memory_space<hbm>>
        %dma_start3A_17 = arith.constant 0 : i32
        %dma_start3A_18 = tpu.memref_slice %arg14[%mul3A_0, %dma_start3A_17] : memref<10112x128xf32, #tpu.memory_space<vmem_shared>> -> memref<632x128xf32, #tpu.memory_space<vmem_shared>>
        tpu.enqueue_dma source(%dma_start3A_18 : memref<632x128xf32, #tpu.memory_space<vmem_shared>>) target(%dma_start3A_16 : memref<632x128xf32, #tpu.memory_space<hbm>>) target_semaphore(%run_scoped3A : memref<!tpu.dma_semaphore, #tpu.memory_space<semaphore_mem>>)
        %dma_wait3A = arith.constant 0 : i32
        %dma_wait3A_19 = tpu.memref_slice %arg9[%add3A_15, %dma_wait3A] : memref<20224x128xf32, #tpu.memory_space<hbm>> -> memref<632x128xf32, #tpu.memory_space<hbm>>
        %dma_wait3A_20 = arith.constant 0 : i32
        %dma_wait3A_21 = tpu.memref_slice %arg14[%mul3A_0, %dma_wait3A_20] : memref<10112x128xf32, #tpu.memory_space<vmem_shared>> -> memref<632x128xf32, #tpu.memory_space<vmem_shared>>
        tpu.wait_dma2 semaphore(%run_scoped3A : memref<!tpu.dma_semaphore, #tpu.memory_space<semaphore_mem>>) src(%dma_wait3A_21 : memref<632x128xf32, #tpu.memory_space<vmem_shared>>) dst(%dma_wait3A_19 : memref<632x128xf32, #tpu.memory_space<hbm>>)
        tpu.yield
      }) : () -> ()
    } else {
    }
    %eq3A_3 = arith.constant 1 : i32
    %eq3A_4 = arith.cmpi eq, %arg0, %eq3A_3 : i32
    %convert_element_type3A_5 = arith.extui %eq3A_4 : i1 to i32
    %cond3A_6 = arith.constant 0 : i32
    %cond3A_7 = arith.cmpi ne, %convert_element_type3A_5, %cond3A_6 : i32
    scf.if %cond3A_7 {
      "tpu.region"() ({
        %run_scoped3A = tpu.sem_alloc : memref<!tpu.dma_semaphore, #tpu.memory_space<semaphore_mem>>
        %dma_start3A = arith.constant 0 : i32
        %dma_start3A_16 = tpu.memref_slice %arg14[%mul3A_0, %dma_start3A] : memref<10112x128xf32, #tpu.memory_space<vmem_shared>> -> memref<632x128xf32, #tpu.memory_space<vmem_shared>>
        %dma_start3A_17 = arith.constant 0 : i32
        %dma_start3A_18 = tpu.memref_slice %arg8[%mul3A_0, %dma_start3A_17] : memref<10112x128xf32, #tpu.memory_space<hbm>> -> memref<632x128xf32, #tpu.memory_space<hbm>>
        tpu.enqueue_dma source(%dma_start3A_18 : memref<632x128xf32, #tpu.memory_space<hbm>>) target(%dma_start3A_16 : memref<632x128xf32, #tpu.memory_space<vmem_shared>>) target_semaphore(%run_scoped3A : memref<!tpu.dma_semaphore, #tpu.memory_space<semaphore_mem>>)
        %dma_wait3A = arith.constant 0 : i32
        %dma_wait3A_19 = tpu.memref_slice %arg14[%mul3A_0, %dma_wait3A] : memref<10112x128xf32, #tpu.memory_space<vmem_shared>> -> memref<632x128xf32, #tpu.memory_space<vmem_shared>>
        %dma_wait3A_20 = arith.constant 0 : i32
        %dma_wait3A_21 = tpu.memref_slice %arg8[%mul3A_0, %dma_wait3A_20] : memref<10112x128xf32, #tpu.memory_space<hbm>> -> memref<632x128xf32, #tpu.memory_space<hbm>>
        tpu.wait_dma2 semaphore(%run_scoped3A : memref<!tpu.dma_semaphore, #tpu.memory_space<semaphore_mem>>) src(%dma_wait3A_21 : memref<632x128xf32, #tpu.memory_space<hbm>>) dst(%dma_wait3A_19 : memref<632x128xf32, #tpu.memory_space<vmem_shared>>)
        tpu.yield
      }) : () -> ()
      %barrier3A = arith.constant 0 : index
      tpu.barrier barrier_id(%barrier3A)
      %scan3A = arith.constant 0 : i32
      %scan3A_8 = arith.constant 0 : i32
      %scan3A_9 = arith.constant 10 : i32
      %scan3A_10 = arith.addi %scan3A_8, %scan3A_9 : i32
      %scan3A_11 = arith.constant 1 : i32
      %scan3A_12 = scf.for %scan3A_16 = %scan3A_8 to %scan3A_10 step %scan3A_11 iter_args(%scan3A_17 = %scan3A) -> (i32)  : i32 {
        %mul3A_18 = arith.constant 16 : i32
        %mul3A_19 = arith.muli %scan3A_16, %mul3A_18 : i32
        "tpu.region"() ({
          %run_scoped3A = tpu.sem_alloc : memref<!tpu.dma_semaphore, #tpu.memory_space<semaphore_mem>>
          %dma_start3A_36 = arith.constant 0 : i32
          %dma_start3A_37 = tpu.memref_slice %arg4[%arg1, %mul3A_19, %dma_start3A_36] : memref<16x160x128xi32, #tpu.memory_space<hbm>> -> memref<1x16x128xi32, #tpu.memory_space<hbm>>
          %dma_start3A_38 = tpu.memref_squeeze %dma_start3A_37 : memref<1x16x128xi32, #tpu.memory_space<hbm>> -> memref<16x128xi32, #tpu.memory_space<hbm>>
          %dma_start3A_39 = arith.constant 0 : i32
          %dma_start3A_40 = tpu.memref_slice %arg4[%arg1, %mul3A_19, %dma_start3A_39] : memref<16x160x128xi32, #tpu.memory_space<hbm>> -> memref<1x16x128xi32, #tpu.memory_space<hbm>>
          %dma_start3A_41 = tpu.memref_squeeze %dma_start3A_40 : memref<1x16x128xi32, #tpu.memory_space<hbm>> -> memref<16x128xi32, #tpu.memory_space<hbm>>
          tpu.enqueue_dma source(%dma_start3A_41 : memref<16x128xi32, #tpu.memory_space<hbm>>) target(%arg10 : memref<16x128xi32, #tpu.memory_space<vmem>>) target_semaphore(%run_scoped3A : memref<!tpu.dma_semaphore, #tpu.memory_space<semaphore_mem>>)
          %dma_wait3A = arith.constant 0 : i32
          %dma_wait3A_42 = tpu.memref_slice %arg4[%arg1, %mul3A_19, %dma_wait3A] : memref<16x160x128xi32, #tpu.memory_space<hbm>> -> memref<1x16x128xi32, #tpu.memory_space<hbm>>
          %dma_wait3A_43 = tpu.memref_squeeze %dma_wait3A_42 : memref<1x16x128xi32, #tpu.memory_space<hbm>> -> memref<16x128xi32, #tpu.memory_space<hbm>>
          %dma_wait3A_44 = arith.constant 0 : i32
          %dma_wait3A_45 = tpu.memref_slice %arg4[%arg1, %mul3A_19, %dma_wait3A_44] : memref<16x160x128xi32, #tpu.memory_space<hbm>> -> memref<1x16x128xi32, #tpu.memory_space<hbm>>
          %dma_wait3A_46 = tpu.memref_squeeze %dma_wait3A_45 : memref<1x16x128xi32, #tpu.memory_space<hbm>> -> memref<16x128xi32, #tpu.memory_space<hbm>>
          tpu.wait_dma2 semaphore(%run_scoped3A : memref<!tpu.dma_semaphore, #tpu.memory_space<semaphore_mem>>) src(%dma_wait3A_46 : memref<16x128xi32, #tpu.memory_space<hbm>>) dst(%arg10 : memref<16x128xi32, #tpu.memory_space<vmem>>)
          tpu.yield
        }) : () -> ()
        %mul3A_20 = arith.constant 16 : i32
        %mul3A_21 = arith.muli %scan3A_16, %mul3A_20 : i32
        "tpu.region"() ({
          %run_scoped3A = tpu.sem_alloc : memref<!tpu.dma_semaphore, #tpu.memory_space<semaphore_mem>>
          %dma_start3A_36 = arith.constant 0 : i32
          %dma_start3A_37 = tpu.memref_slice %arg7[%arg1, %mul3A_21, %dma_start3A_36] : memref<16x160x128xi32, #tpu.memory_space<hbm>> -> memref<1x16x128xi32, #tpu.memory_space<hbm>>
          %dma_start3A_38 = tpu.memref_squeeze %dma_start3A_37 : memref<1x16x128xi32, #tpu.memory_space<hbm>> -> memref<16x128xi32, #tpu.memory_space<hbm>>
          %dma_start3A_39 = arith.constant 0 : i32
          %dma_start3A_40 = tpu.memref_slice %arg7[%arg1, %mul3A_21, %dma_start3A_39] : memref<16x160x128xi32, #tpu.memory_space<hbm>> -> memref<1x16x128xi32, #tpu.memory_space<hbm>>
          %dma_start3A_41 = tpu.memref_squeeze %dma_start3A_40 : memref<1x16x128xi32, #tpu.memory_space<hbm>> -> memref<16x128xi32, #tpu.memory_space<hbm>>
          tpu.enqueue_dma source(%dma_start3A_41 : memref<16x128xi32, #tpu.memory_space<hbm>>) target(%arg11 : memref<16x128xi32, #tpu.memory_space<vmem>>) target_semaphore(%run_scoped3A : memref<!tpu.dma_semaphore, #tpu.memory_space<semaphore_mem>>)
          %dma_wait3A = arith.constant 0 : i32
          %dma_wait3A_42 = tpu.memref_slice %arg7[%arg1, %mul3A_21, %dma_wait3A] : memref<16x160x128xi32, #tpu.memory_space<hbm>> -> memref<1x16x128xi32, #tpu.memory_space<hbm>>
          %dma_wait3A_43 = tpu.memref_squeeze %dma_wait3A_42 : memref<1x16x128xi32, #tpu.memory_space<hbm>> -> memref<16x128xi32, #tpu.memory_space<hbm>>
          %dma_wait3A_44 = arith.constant 0 : i32
          %dma_wait3A_45 = tpu.memref_slice %arg7[%arg1, %mul3A_21, %dma_wait3A_44] : memref<16x160x128xi32, #tpu.memory_space<hbm>> -> memref<1x16x128xi32, #tpu.memory_space<hbm>>
          %dma_wait3A_46 = tpu.memref_squeeze %dma_wait3A_45 : memref<1x16x128xi32, #tpu.memory_space<hbm>> -> memref<16x128xi32, #tpu.memory_space<hbm>>
          tpu.wait_dma2 semaphore(%run_scoped3A : memref<!tpu.dma_semaphore, #tpu.memory_space<semaphore_mem>>) src(%dma_wait3A_46 : memref<16x128xi32, #tpu.memory_space<hbm>>) dst(%arg11 : memref<16x128xi32, #tpu.memory_space<vmem>>)
          tpu.yield
        }) : () -> ()
        %dma_start3A = arith.constant 0 : i32
        %dma_start3A_22 = arith.constant 0 : i32
        %dma_start3A_23 = tpu.memref_slice %arg10[%dma_start3A, %dma_start3A_22] : memref<16x128xi32, #tpu.memory_space<vmem>> -> memref<1x128xi32, #tpu.memory_space<vmem>>
        %dma_start3A_24 = tpu.memref_squeeze %dma_start3A_23 : memref<1x128xi32, #tpu.memory_space<vmem>> -> memref<128xi32, #tpu.memory_space<vmem>>
        %dma_start3A_25 = arith.constant 0 : i32
        %dma_start3A_26 = arith.constant 0 : i32
        %dma_start3A_27 = tpu.memref_slice %arg2[%dma_start3A_25, %dma_start3A_26] : memref<10000x128xf32, #tpu.memory_space<hbm>> -> memref<10000x128xf32, #tpu.memory_space<hbm>>
        tpu.enqueue_indirect_dma source(%dma_start3A_27 : memref<10000x128xf32, #tpu.memory_space<hbm>>) target(%arg12 : memref<128x128xf32, #tpu.memory_space<vmem>>) offsets(%dma_start3A_24 : memref<128xi32, #tpu.memory_space<vmem>>) semaphore(%arg15 : memref<!tpu.dma_semaphore, #tpu.memory_space<semaphore_mem>>)
        %scan3A_28 = arith.constant 0 : i32
        %scan3A_29 = arith.constant 0 : i32
        %scan3A_30 = arith.constant 8 : i32
        %scan3A_31 = arith.addi %scan3A_29, %scan3A_30 : i32
        %scan3A_32 = arith.constant 1 : i32
        %scan3A_33 = scf.for %scan3A_36 = %scan3A_29 to %scan3A_31 step %scan3A_32 iter_args(%scan3A_37 = %scan3A_28) -> (i32)  : i32 {
          %mul3A_38 = arith.constant 2 : i32
          %mul3A_39 = arith.muli %mul3A_38, %scan3A_36 : i32
          %add3A_40 = arith.constant 1 : i32
          %add3A_41 = arith.addi %mul3A_39, %add3A_40 : i32
          %dma_start3A_42 = arith.constant 0 : i32
          %dma_start3A_43 = tpu.memref_slice %arg10[%add3A_41, %dma_start3A_42] : memref<16x128xi32, #tpu.memory_space<vmem>> -> memref<1x128xi32, #tpu.memory_space<vmem>>
          %dma_start3A_44 = tpu.memref_squeeze %dma_start3A_43 : memref<1x128xi32, #tpu.memory_space<vmem>> -> memref<128xi32, #tpu.memory_space<vmem>>
          %dma_start3A_45 = arith.constant 0 : i32
          %dma_start3A_46 = arith.constant 0 : i32
          %dma_start3A_47 = tpu.memref_slice %arg2[%dma_start3A_45, %dma_start3A_46] : memref<10000x128xf32, #tpu.memory_space<hbm>> -> memref<10000x128xf32, #tpu.memory_space<hbm>>
          tpu.enqueue_indirect_dma source(%dma_start3A_47 : memref<10000x128xf32, #tpu.memory_space<hbm>>) target(%arg13 : memref<128x128xf32, #tpu.memory_space<vmem>>) offsets(%dma_start3A_44 : memref<128xi32, #tpu.memory_space<vmem>>) semaphore(%arg16 : memref<!tpu.dma_semaphore, #tpu.memory_space<semaphore_mem>>)
          %dma_wait3A = arith.constant 0 : i32
          %dma_wait3A_48 = tpu.memref_slice %arg10[%mul3A_39, %dma_wait3A] : memref<16x128xi32, #tpu.memory_space<vmem>> -> memref<1x128xi32, #tpu.memory_space<vmem>>
          %dma_wait3A_49 = tpu.memref_squeeze %dma_wait3A_48 : memref<1x128xi32, #tpu.memory_space<vmem>> -> memref<128xi32, #tpu.memory_space<vmem>>
          %dma_wait3A_50 = arith.constant 0 : i32
          %dma_wait3A_51 = arith.constant 0 : i32
          %dma_wait3A_52 = tpu.memref_slice %arg2[%dma_wait3A_50, %dma_wait3A_51] : memref<10000x128xf32, #tpu.memory_space<hbm>> -> memref<10000x128xf32, #tpu.memory_space<hbm>>
          tpu.wait_indirect_dma semaphore(%arg15 : memref<!tpu.dma_semaphore, #tpu.memory_space<semaphore_mem>>) src(%dma_wait3A_52 : memref<10000x128xf32, #tpu.memory_space<hbm>>) dst(%arg12 : memref<128x128xf32, #tpu.memory_space<vmem>>)
          "tpu.region"() ({
            %run_scoped3A = tpu.sem_alloc : memref<!tpu.dma_semaphore, #tpu.memory_space<semaphore_mem>>
            %dma_start3A_70 = arith.constant 0 : i32
            %dma_start3A_71 = tpu.memref_slice %arg11[%mul3A_39, %dma_start3A_70] : memref<16x128xi32, #tpu.memory_space<vmem>> -> memref<1x128xi32, #tpu.memory_space<vmem>>
            %dma_start3A_72 = tpu.memref_squeeze %dma_start3A_71 : memref<1x128xi32, #tpu.memory_space<vmem>> -> memref<128xi32, #tpu.memory_space<vmem>>
            %dma_start3A_73 = arith.constant 0 : i32
            %dma_start3A_74 = arith.constant 0 : i32
            %dma_start3A_75 = tpu.memref_slice %arg14[%dma_start3A_73, %dma_start3A_74] : memref<10112x128xf32, #tpu.memory_space<vmem_shared>> -> memref<10112x128xf32, #tpu.memory_space<vmem_shared>>
            tpu.enqueue_indirect_dma source(%arg12 : memref<128x128xf32, #tpu.memory_space<vmem>>) target(%dma_start3A_75 : memref<10112x128xf32, #tpu.memory_space<vmem_shared>>) offsets(%dma_start3A_72 : memref<128xi32, #tpu.memory_space<vmem>>) semaphore(%run_scoped3A : memref<!tpu.dma_semaphore, #tpu.memory_space<semaphore_mem>>) {add = true}
            %dma_wait3A_76 = arith.constant 0 : i32
            %dma_wait3A_77 = tpu.memref_slice %arg11[%mul3A_39, %dma_wait3A_76] : memref<16x128xi32, #tpu.memory_space<vmem>> -> memref<1x128xi32, #tpu.memory_space<vmem>>
            %dma_wait3A_78 = tpu.memref_squeeze %dma_wait3A_77 : memref<1x128xi32, #tpu.memory_space<vmem>> -> memref<128xi32, #tpu.memory_space<vmem>>
            %dma_wait3A_79 = arith.constant 0 : i32
            %dma_wait3A_80 = arith.constant 0 : i32
            %dma_wait3A_81 = tpu.memref_slice %arg14[%dma_wait3A_79, %dma_wait3A_80] : memref<10112x128xf32, #tpu.memory_space<vmem_shared>> -> memref<10112x128xf32, #tpu.memory_space<vmem_shared>>
            tpu.wait_indirect_dma semaphore(%run_scoped3A : memref<!tpu.dma_semaphore, #tpu.memory_space<semaphore_mem>>) src(%arg12 : memref<128x128xf32, #tpu.memory_space<vmem>>) dst(%dma_wait3A_81 : memref<10112x128xf32, #tpu.memory_space<vmem_shared>>)
            tpu.yield
          }) : () -> ()
          %add3A_53 = arith.constant 1 : i32
          %add3A_54 = arith.addi %scan3A_36, %add3A_53 : i32
          %lt3A = arith.constant 8 : i32
          %lt3A_55 = arith.cmpi slt, %add3A_54, %lt3A : i32
          %convert_element_type3A_56 = arith.extui %lt3A_55 : i1 to i32
          %cond3A_57 = arith.constant 0 : i32
          %cond3A_58 = arith.cmpi ne, %convert_element_type3A_56, %cond3A_57 : i32
          scf.if %cond3A_58 {
            %add3A_70 = arith.constant 2 : i32
            %add3A_71 = arith.addi %mul3A_39, %add3A_70 : i32
            %dma_start3A_72 = arith.constant 0 : i32
            %dma_start3A_73 = tpu.memref_slice %arg10[%add3A_71, %dma_start3A_72] : memref<16x128xi32, #tpu.memory_space<vmem>> -> memref<1x128xi32, #tpu.memory_space<vmem>>
            %dma_start3A_74 = tpu.memref_squeeze %dma_start3A_73 : memref<1x128xi32, #tpu.memory_space<vmem>> -> memref<128xi32, #tpu.memory_space<vmem>>
            %dma_start3A_75 = arith.constant 0 : i32
            %dma_start3A_76 = arith.constant 0 : i32
            %dma_start3A_77 = tpu.memref_slice %arg2[%dma_start3A_75, %dma_start3A_76] : memref<10000x128xf32, #tpu.memory_space<hbm>> -> memref<10000x128xf32, #tpu.memory_space<hbm>>
            tpu.enqueue_indirect_dma source(%dma_start3A_77 : memref<10000x128xf32, #tpu.memory_space<hbm>>) target(%arg12 : memref<128x128xf32, #tpu.memory_space<vmem>>) offsets(%dma_start3A_74 : memref<128xi32, #tpu.memory_space<vmem>>) semaphore(%arg15 : memref<!tpu.dma_semaphore, #tpu.memory_space<semaphore_mem>>)
          } else {
          }
          %add3A_59 = arith.constant 1 : i32
          %add3A_60 = arith.addi %mul3A_39, %add3A_59 : i32
          %dma_wait3A_61 = arith.constant 0 : i32
          %dma_wait3A_62 = tpu.memref_slice %arg10[%add3A_60, %dma_wait3A_61] : memref<16x128xi32, #tpu.memory_space<vmem>> -> memref<1x128xi32, #tpu.memory_space<vmem>>
          %dma_wait3A_63 = tpu.memref_squeeze %dma_wait3A_62 : memref<1x128xi32, #tpu.memory_space<vmem>> -> memref<128xi32, #tpu.memory_space<vmem>>
          %dma_wait3A_64 = arith.constant 0 : i32
          %dma_wait3A_65 = arith.constant 0 : i32
          %dma_wait3A_66 = tpu.memref_slice %arg2[%dma_wait3A_64, %dma_wait3A_65] : memref<10000x128xf32, #tpu.memory_space<hbm>> -> memref<10000x128xf32, #tpu.memory_space<hbm>>
          tpu.wait_indirect_dma semaphore(%arg16 : memref<!tpu.dma_semaphore, #tpu.memory_space<semaphore_mem>>) src(%dma_wait3A_66 : memref<10000x128xf32, #tpu.memory_space<hbm>>) dst(%arg13 : memref<128x128xf32, #tpu.memory_space<vmem>>)
          %add3A_67 = arith.constant 1 : i32
          %add3A_68 = arith.addi %mul3A_39, %add3A_67 : i32
          "tpu.region"() ({
            %run_scoped3A = tpu.sem_alloc : memref<!tpu.dma_semaphore, #tpu.memory_space<semaphore_mem>>
            %dma_start3A_70 = arith.constant 0 : i32
            %dma_start3A_71 = tpu.memref_slice %arg11[%add3A_68, %dma_start3A_70] : memref<16x128xi32, #tpu.memory_space<vmem>> -> memref<1x128xi32, #tpu.memory_space<vmem>>
            %dma_start3A_72 = tpu.memref_squeeze %dma_start3A_71 : memref<1x128xi32, #tpu.memory_space<vmem>> -> memref<128xi32, #tpu.memory_space<vmem>>
            %dma_start3A_73 = arith.constant 0 : i32
            %dma_start3A_74 = arith.constant 0 : i32
            %dma_start3A_75 = tpu.memref_slice %arg14[%dma_start3A_73, %dma_start3A_74] : memref<10112x128xf32, #tpu.memory_space<vmem_shared>> -> memref<10112x128xf32, #tpu.memory_space<vmem_shared>>
            tpu.enqueue_indirect_dma source(%arg13 : memref<128x128xf32, #tpu.memory_space<vmem>>) target(%dma_start3A_75 : memref<10112x128xf32, #tpu.memory_space<vmem_shared>>) offsets(%dma_start3A_72 : memref<128xi32, #tpu.memory_space<vmem>>) semaphore(%run_scoped3A : memref<!tpu.dma_semaphore, #tpu.memory_space<semaphore_mem>>) {add = true}
            %dma_wait3A_76 = arith.constant 0 : i32
            %dma_wait3A_77 = tpu.memref_slice %arg11[%add3A_68, %dma_wait3A_76] : memref<16x128xi32, #tpu.memory_space<vmem>> -> memref<1x128xi32, #tpu.memory_space<vmem>>
            %dma_wait3A_78 = tpu.memref_squeeze %dma_wait3A_77 : memref<1x128xi32, #tpu.memory_space<vmem>> -> memref<128xi32, #tpu.memory_space<vmem>>
            %dma_wait3A_79 = arith.constant 0 : i32
            %dma_wait3A_80 = arith.constant 0 : i32
            %dma_wait3A_81 = tpu.memref_slice %arg14[%dma_wait3A_79, %dma_wait3A_80] : memref<10112x128xf32, #tpu.memory_space<vmem_shared>> -> memref<10112x128xf32, #tpu.memory_space<vmem_shared>>
            tpu.wait_indirect_dma semaphore(%run_scoped3A : memref<!tpu.dma_semaphore, #tpu.memory_space<semaphore_mem>>) src(%arg13 : memref<128x128xf32, #tpu.memory_space<vmem>>) dst(%dma_wait3A_81 : memref<10112x128xf32, #tpu.memory_space<vmem_shared>>)
            tpu.yield
          }) : () -> ()
          %scan3A_69 = arith.constant 0 : i32
          scf.yield %scan3A_69 : i32
        }
        %scan3A_34 = arith.constant 8 : i32
        %scan3A_35 = arith.constant 0 : i32
        scf.yield %scan3A_35 : i32
      }
      %scan3A_13 = arith.constant 10 : i32
      %barrier3A_14 = arith.constant 0 : index
      tpu.barrier barrier_id(%barrier3A_14)
      %add3A = arith.constant 10112 : i32
      %add3A_15 = arith.addi %add3A, %mul3A_0 : i32
      "tpu.region"() ({
        %run_scoped3A = tpu.sem_alloc : memref<!tpu.dma_semaphore, #tpu.memory_space<semaphore_mem>>
        %dma_start3A = arith.constant 0 : i32
        %dma_start3A_16 = tpu.memref_slice %arg9[%add3A_15, %dma_start3A] : memref<20224x128xf32, #tpu.memory_space<hbm>> -> memref<632x128xf32, #tpu.memory_space<hbm>>
        %dma_start3A_17 = arith.constant 0 : i32
        %dma_start3A_18 = tpu.memref_slice %arg14[%mul3A_0, %dma_start3A_17] : memref<10112x128xf32, #tpu.memory_space<vmem_shared>> -> memref<632x128xf32, #tpu.memory_space<vmem_shared>>
        tpu.enqueue_dma source(%dma_start3A_18 : memref<632x128xf32, #tpu.memory_space<vmem_shared>>) target(%dma_start3A_16 : memref<632x128xf32, #tpu.memory_space<hbm>>) target_semaphore(%run_scoped3A : memref<!tpu.dma_semaphore, #tpu.memory_space<semaphore_mem>>)
        %dma_wait3A = arith.constant 0 : i32
        %dma_wait3A_19 = tpu.memref_slice %arg9[%add3A_15, %dma_wait3A] : memref<20224x128xf32, #tpu.memory_space<hbm>> -> memref<632x128xf32, #tpu.memory_space<hbm>>
        %dma_wait3A_20 = arith.constant 0 : i32
        %dma_wait3A_21 = tpu.memref_slice %arg14[%mul3A_0, %dma_wait3A_20] : memref<10112x128xf32, #tpu.memory_space<vmem_shared>> -> memref<632x128xf32, #tpu.memory_space<vmem_shared>>
        tpu.wait_dma2 semaphore(%run_scoped3A : memref<!tpu.dma_semaphore, #tpu.memory_space<semaphore_mem>>) src(%dma_wait3A_21 : memref<632x128xf32, #tpu.memory_space<vmem_shared>>) dst(%dma_wait3A_19 : memref<632x128xf32, #tpu.memory_space<hbm>>)
        tpu.yield
      }) : () -> ()
    } else {
    }
    return
  }
}

#map = affine_map<(d0, d1) -> (0, 0)>
#map1 = affine_map<(d0, d1) -> (0, 0, 0)>
module attributes {stable_mosaic.version = 14 : i64} {
  func.func @body(%arg0: i32, %arg1: i32, %arg2: memref<10000x128xf32, #tpu.memory_space<hbm>>, %arg3: memref<10000x128xf32, #tpu.memory_space<hbm>>, %arg4: memref<16x160x128xi32, #tpu.memory_space<hbm>>, %arg5: memref<16x160x128xi32, #tpu.memory_space<hbm>>, %arg6: memref<16x160x128xi32, #tpu.memory_space<hbm>>, %arg7: memref<16x160x128xi32, #tpu.memory_space<hbm>>, %arg8: memref<10112x128xf32, #tpu.memory_space<hbm>>, %arg9: memref<20224x128xf32, #tpu.memory_space<hbm>>, %arg10: memref<16x128xi32, #tpu.memory_space<vmem>>, %arg11: memref<16x128xi32, #tpu.memory_space<vmem>>, %arg12: memref<128x128xf32, #tpu.memory_space<vmem>>, %arg13: memref<128x128xf32, #tpu.memory_space<vmem>>, %arg14: memref<10112x128xf32, #tpu.memory_space<vmem_shared>>, %arg15: memref<!tpu.dma_semaphore, #tpu.memory_space<semaphore_mem>>, %arg16: memref<!tpu.dma_semaphore, #tpu.memory_space<semaphore_mem>>) attributes {dimension_semantics = [#tpu.dimension_semantics<core_parallel>, #tpu.dimension_semantics<subcore_parallel>], iteration_bounds = array<i64: 2, 16>, scalar_prefetch = 0 : i64, scratch_operands = 7 : i64, tpu.core_type = #tpu.core_type<sc_vector_subcore>, window_params = [{transform_indices = #map}, {transform_indices = #map}, {transform_indices = #map1}, {transform_indices = #map1}, {transform_indices = #map1}, {transform_indices = #map1}, {transform_indices = #map}, {transform_indices = #map}]} {
    %mul3A = arith.constant 632 : i32
    %mul3A_0 = arith.muli %arg1, %mul3A : i32
    %eq3A = arith.constant 0 : i32
    %eq3A_1 = arith.cmpi eq, %arg0, %eq3A : i32
    %convert_element_type3A = arith.extui %eq3A_1 : i1 to i32
    %cond3A = arith.constant 0 : i32
    %cond3A_2 = arith.cmpi ne, %convert_element_type3A, %cond3A : i32
    scf.if %cond3A_2 {
      "tpu.region"() ({
        %run_scoped3A = tpu.sem_alloc : memref<!tpu.dma_semaphore, #tpu.memory_space<semaphore_mem>>
        %dma_start3A = arith.constant 0 : i32
        %dma_start3A_16 = tpu.memref_slice %arg14[%mul3A_0, %dma_start3A] : memref<10112x128xf32, #tpu.memory_space<vmem_shared>> -> memref<632x128xf32, #tpu.memory_space<vmem_shared>>
        %dma_start3A_17 = arith.constant 0 : i32
        %dma_start3A_18 = tpu.memref_slice %arg8[%mul3A_0, %dma_start3A_17] : memref<10112x128xf32, #tpu.memory_space<hbm>> -> memref<632x128xf32, #tpu.memory_space<hbm>>
        tpu.enqueue_dma source(%dma_start3A_18 : memref<632x128xf32, #tpu.memory_space<hbm>>) target(%dma_start3A_16 : memref<632x128xf32, #tpu.memory_space<vmem_shared>>) target_semaphore(%run_scoped3A : memref<!tpu.dma_semaphore, #tpu.memory_space<semaphore_mem>>)
        %dma_wait3A = arith.constant 0 : i32
        %dma_wait3A_19 = tpu.memref_slice %arg14[%mul3A_0, %dma_wait3A] : memref<10112x128xf32, #tpu.memory_space<vmem_shared>> -> memref<632x128xf32, #tpu.memory_space<vmem_shared>>
        %dma_wait3A_20 = arith.constant 0 : i32
        %dma_wait3A_21 = tpu.memref_slice %arg8[%mul3A_0, %dma_wait3A_20] : memref<10112x128xf32, #tpu.memory_space<hbm>> -> memref<632x128xf32, #tpu.memory_space<hbm>>
        tpu.wait_dma2 semaphore(%run_scoped3A : memref<!tpu.dma_semaphore, #tpu.memory_space<semaphore_mem>>) src(%dma_wait3A_21 : memref<632x128xf32, #tpu.memory_space<hbm>>) dst(%dma_wait3A_19 : memref<632x128xf32, #tpu.memory_space<vmem_shared>>)
        tpu.yield
      }) : () -> ()
      %barrier3A = arith.constant 0 : index
      tpu.barrier barrier_id(%barrier3A)
      %scan3A = arith.constant 0 : i32
      %scan3A_8 = arith.constant 0 : i32
      %scan3A_9 = arith.constant 10 : i32
      %scan3A_10 = arith.addi %scan3A_8, %scan3A_9 : i32
      %scan3A_11 = arith.constant 1 : i32
      %scan3A_12 = scf.for %scan3A_16 = %scan3A_8 to %scan3A_10 step %scan3A_11 iter_args(%scan3A_17 = %scan3A) -> (i32)  : i32 {
        %mul3A_18 = arith.constant 16 : i32
        %mul3A_19 = arith.muli %scan3A_16, %mul3A_18 : i32
        "tpu.region"() ({
          %run_scoped3A = tpu.sem_alloc : memref<!tpu.dma_semaphore, #tpu.memory_space<semaphore_mem>>
          %dma_start3A_36 = arith.constant 0 : i32
          %dma_start3A_37 = tpu.memref_slice %arg5[%arg1, %mul3A_19, %dma_start3A_36] : memref<16x160x128xi32, #tpu.memory_space<hbm>> -> memref<1x16x128xi32, #tpu.memory_space<hbm>>
          %dma_start3A_38 = tpu.memref_squeeze %dma_start3A_37 : memref<1x16x128xi32, #tpu.memory_space<hbm>> -> memref<16x128xi32, #tpu.memory_space<hbm>>
          %dma_start3A_39 = arith.constant 0 : i32
          %dma_start3A_40 = tpu.memref_slice %arg5[%arg1, %mul3A_19, %dma_start3A_39] : memref<16x160x128xi32, #tpu.memory_space<hbm>> -> memref<1x16x128xi32, #tpu.memory_space<hbm>>
          %dma_start3A_41 = tpu.memref_squeeze %dma_start3A_40 : memref<1x16x128xi32, #tpu.memory_space<hbm>> -> memref<16x128xi32, #tpu.memory_space<hbm>>
          tpu.enqueue_dma source(%dma_start3A_41 : memref<16x128xi32, #tpu.memory_space<hbm>>) target(%arg10 : memref<16x128xi32, #tpu.memory_space<vmem>>) target_semaphore(%run_scoped3A : memref<!tpu.dma_semaphore, #tpu.memory_space<semaphore_mem>>)
          %dma_wait3A = arith.constant 0 : i32
          %dma_wait3A_42 = tpu.memref_slice %arg5[%arg1, %mul3A_19, %dma_wait3A] : memref<16x160x128xi32, #tpu.memory_space<hbm>> -> memref<1x16x128xi32, #tpu.memory_space<hbm>>
          %dma_wait3A_43 = tpu.memref_squeeze %dma_wait3A_42 : memref<1x16x128xi32, #tpu.memory_space<hbm>> -> memref<16x128xi32, #tpu.memory_space<hbm>>
          %dma_wait3A_44 = arith.constant 0 : i32
          %dma_wait3A_45 = tpu.memref_slice %arg5[%arg1, %mul3A_19, %dma_wait3A_44] : memref<16x160x128xi32, #tpu.memory_space<hbm>> -> memref<1x16x128xi32, #tpu.memory_space<hbm>>
          %dma_wait3A_46 = tpu.memref_squeeze %dma_wait3A_45 : memref<1x16x128xi32, #tpu.memory_space<hbm>> -> memref<16x128xi32, #tpu.memory_space<hbm>>
          tpu.wait_dma2 semaphore(%run_scoped3A : memref<!tpu.dma_semaphore, #tpu.memory_space<semaphore_mem>>) src(%dma_wait3A_46 : memref<16x128xi32, #tpu.memory_space<hbm>>) dst(%arg10 : memref<16x128xi32, #tpu.memory_space<vmem>>)
          tpu.yield
        }) : () -> ()
        %mul3A_20 = arith.constant 16 : i32
        %mul3A_21 = arith.muli %scan3A_16, %mul3A_20 : i32
        "tpu.region"() ({
          %run_scoped3A = tpu.sem_alloc : memref<!tpu.dma_semaphore, #tpu.memory_space<semaphore_mem>>
          %dma_start3A_36 = arith.constant 0 : i32
          %dma_start3A_37 = tpu.memref_slice %arg6[%arg1, %mul3A_21, %dma_start3A_36] : memref<16x160x128xi32, #tpu.memory_space<hbm>> -> memref<1x16x128xi32, #tpu.memory_space<hbm>>
          %dma_start3A_38 = tpu.memref_squeeze %dma_start3A_37 : memref<1x16x128xi32, #tpu.memory_space<hbm>> -> memref<16x128xi32, #tpu.memory_space<hbm>>
          %dma_start3A_39 = arith.constant 0 : i32
          %dma_start3A_40 = tpu.memref_slice %arg6[%arg1, %mul3A_21, %dma_start3A_39] : memref<16x160x128xi32, #tpu.memory_space<hbm>> -> memref<1x16x128xi32, #tpu.memory_space<hbm>>
          %dma_start3A_41 = tpu.memref_squeeze %dma_start3A_40 : memref<1x16x128xi32, #tpu.memory_space<hbm>> -> memref<16x128xi32, #tpu.memory_space<hbm>>
          tpu.enqueue_dma source(%dma_start3A_41 : memref<16x128xi32, #tpu.memory_space<hbm>>) target(%arg11 : memref<16x128xi32, #tpu.memory_space<vmem>>) target_semaphore(%run_scoped3A : memref<!tpu.dma_semaphore, #tpu.memory_space<semaphore_mem>>)
          %dma_wait3A = arith.constant 0 : i32
          %dma_wait3A_42 = tpu.memref_slice %arg6[%arg1, %mul3A_21, %dma_wait3A] : memref<16x160x128xi32, #tpu.memory_space<hbm>> -> memref<1x16x128xi32, #tpu.memory_space<hbm>>
          %dma_wait3A_43 = tpu.memref_squeeze %dma_wait3A_42 : memref<1x16x128xi32, #tpu.memory_space<hbm>> -> memref<16x128xi32, #tpu.memory_space<hbm>>
          %dma_wait3A_44 = arith.constant 0 : i32
          %dma_wait3A_45 = tpu.memref_slice %arg6[%arg1, %mul3A_21, %dma_wait3A_44] : memref<16x160x128xi32, #tpu.memory_space<hbm>> -> memref<1x16x128xi32, #tpu.memory_space<hbm>>
          %dma_wait3A_46 = tpu.memref_squeeze %dma_wait3A_45 : memref<1x16x128xi32, #tpu.memory_space<hbm>> -> memref<16x128xi32, #tpu.memory_space<hbm>>
          tpu.wait_dma2 semaphore(%run_scoped3A : memref<!tpu.dma_semaphore, #tpu.memory_space<semaphore_mem>>) src(%dma_wait3A_46 : memref<16x128xi32, #tpu.memory_space<hbm>>) dst(%arg11 : memref<16x128xi32, #tpu.memory_space<vmem>>)
          tpu.yield
        }) : () -> ()
        %dma_start3A = arith.constant 0 : i32
        %dma_start3A_22 = arith.constant 0 : i32
        %dma_start3A_23 = tpu.memref_slice %arg10[%dma_start3A, %dma_start3A_22] : memref<16x128xi32, #tpu.memory_space<vmem>> -> memref<1x128xi32, #tpu.memory_space<vmem>>
        %dma_start3A_24 = tpu.memref_squeeze %dma_start3A_23 : memref<1x128xi32, #tpu.memory_space<vmem>> -> memref<128xi32, #tpu.memory_space<vmem>>
        %dma_start3A_25 = arith.constant 0 : i32
        %dma_start3A_26 = arith.constant 0 : i32
        %dma_start3A_27 = tpu.memref_slice %arg3[%dma_start3A_25, %dma_start3A_26] : memref<10000x128xf32, #tpu.memory_space<hbm>> -> memref<10000x128xf32, #tpu.memory_space<hbm>>
        tpu.enqueue_indirect_dma source(%dma_start3A_27 : memref<10000x128xf32, #tpu.memory_space<hbm>>) target(%arg12 : memref<128x128xf32, #tpu.memory_space<vmem>>) offsets(%dma_start3A_24 : memref<128xi32, #tpu.memory_space<vmem>>) semaphore(%arg15 : memref<!tpu.dma_semaphore, #tpu.memory_space<semaphore_mem>>)
        %scan3A_28 = arith.constant 0 : i32
        %scan3A_29 = arith.constant 0 : i32
        %scan3A_30 = arith.constant 8 : i32
        %scan3A_31 = arith.addi %scan3A_29, %scan3A_30 : i32
        %scan3A_32 = arith.constant 1 : i32
        %scan3A_33 = scf.for %scan3A_36 = %scan3A_29 to %scan3A_31 step %scan3A_32 iter_args(%scan3A_37 = %scan3A_28) -> (i32)  : i32 {
          %mul3A_38 = arith.constant 2 : i32
          %mul3A_39 = arith.muli %mul3A_38, %scan3A_36 : i32
          %add3A_40 = arith.constant 1 : i32
          %add3A_41 = arith.addi %mul3A_39, %add3A_40 : i32
          %dma_start3A_42 = arith.constant 0 : i32
          %dma_start3A_43 = tpu.memref_slice %arg10[%add3A_41, %dma_start3A_42] : memref<16x128xi32, #tpu.memory_space<vmem>> -> memref<1x128xi32, #tpu.memory_space<vmem>>
          %dma_start3A_44 = tpu.memref_squeeze %dma_start3A_43 : memref<1x128xi32, #tpu.memory_space<vmem>> -> memref<128xi32, #tpu.memory_space<vmem>>
          %dma_start3A_45 = arith.constant 0 : i32
          %dma_start3A_46 = arith.constant 0 : i32
          %dma_start3A_47 = tpu.memref_slice %arg3[%dma_start3A_45, %dma_start3A_46] : memref<10000x128xf32, #tpu.memory_space<hbm>> -> memref<10000x128xf32, #tpu.memory_space<hbm>>
          tpu.enqueue_indirect_dma source(%dma_start3A_47 : memref<10000x128xf32, #tpu.memory_space<hbm>>) target(%arg13 : memref<128x128xf32, #tpu.memory_space<vmem>>) offsets(%dma_start3A_44 : memref<128xi32, #tpu.memory_space<vmem>>) semaphore(%arg16 : memref<!tpu.dma_semaphore, #tpu.memory_space<semaphore_mem>>)
          %dma_wait3A = arith.constant 0 : i32
          %dma_wait3A_48 = tpu.memref_slice %arg10[%mul3A_39, %dma_wait3A] : memref<16x128xi32, #tpu.memory_space<vmem>> -> memref<1x128xi32, #tpu.memory_space<vmem>>
          %dma_wait3A_49 = tpu.memref_squeeze %dma_wait3A_48 : memref<1x128xi32, #tpu.memory_space<vmem>> -> memref<128xi32, #tpu.memory_space<vmem>>
          %dma_wait3A_50 = arith.constant 0 : i32
          %dma_wait3A_51 = arith.constant 0 : i32
          %dma_wait3A_52 = tpu.memref_slice %arg3[%dma_wait3A_50, %dma_wait3A_51] : memref<10000x128xf32, #tpu.memory_space<hbm>> -> memref<10000x128xf32, #tpu.memory_space<hbm>>
          tpu.wait_indirect_dma semaphore(%arg15 : memref<!tpu.dma_semaphore, #tpu.memory_space<semaphore_mem>>) src(%dma_wait3A_52 : memref<10000x128xf32, #tpu.memory_space<hbm>>) dst(%arg12 : memref<128x128xf32, #tpu.memory_space<vmem>>)
          "tpu.region"() ({
            %run_scoped3A = tpu.sem_alloc : memref<!tpu.dma_semaphore, #tpu.memory_space<semaphore_mem>>
            %dma_start3A_70 = arith.constant 0 : i32
            %dma_start3A_71 = tpu.memref_slice %arg11[%mul3A_39, %dma_start3A_70] : memref<16x128xi32, #tpu.memory_space<vmem>> -> memref<1x128xi32, #tpu.memory_space<vmem>>
            %dma_start3A_72 = tpu.memref_squeeze %dma_start3A_71 : memref<1x128xi32, #tpu.memory_space<vmem>> -> memref<128xi32, #tpu.memory_space<vmem>>
            %dma_start3A_73 = arith.constant 0 : i32
            %dma_start3A_74 = arith.constant 0 : i32
            %dma_start3A_75 = tpu.memref_slice %arg14[%dma_start3A_73, %dma_start3A_74] : memref<10112x128xf32, #tpu.memory_space<vmem_shared>> -> memref<10112x128xf32, #tpu.memory_space<vmem_shared>>
            tpu.enqueue_indirect_dma source(%arg12 : memref<128x128xf32, #tpu.memory_space<vmem>>) target(%dma_start3A_75 : memref<10112x128xf32, #tpu.memory_space<vmem_shared>>) offsets(%dma_start3A_72 : memref<128xi32, #tpu.memory_space<vmem>>) semaphore(%run_scoped3A : memref<!tpu.dma_semaphore, #tpu.memory_space<semaphore_mem>>) {add = true}
            %dma_wait3A_76 = arith.constant 0 : i32
            %dma_wait3A_77 = tpu.memref_slice %arg11[%mul3A_39, %dma_wait3A_76] : memref<16x128xi32, #tpu.memory_space<vmem>> -> memref<1x128xi32, #tpu.memory_space<vmem>>
            %dma_wait3A_78 = tpu.memref_squeeze %dma_wait3A_77 : memref<1x128xi32, #tpu.memory_space<vmem>> -> memref<128xi32, #tpu.memory_space<vmem>>
            %dma_wait3A_79 = arith.constant 0 : i32
            %dma_wait3A_80 = arith.constant 0 : i32
            %dma_wait3A_81 = tpu.memref_slice %arg14[%dma_wait3A_79, %dma_wait3A_80] : memref<10112x128xf32, #tpu.memory_space<vmem_shared>> -> memref<10112x128xf32, #tpu.memory_space<vmem_shared>>
            tpu.wait_indirect_dma semaphore(%run_scoped3A : memref<!tpu.dma_semaphore, #tpu.memory_space<semaphore_mem>>) src(%arg12 : memref<128x128xf32, #tpu.memory_space<vmem>>) dst(%dma_wait3A_81 : memref<10112x128xf32, #tpu.memory_space<vmem_shared>>)
            tpu.yield
          }) : () -> ()
          %add3A_53 = arith.constant 1 : i32
          %add3A_54 = arith.addi %scan3A_36, %add3A_53 : i32
          %lt3A = arith.constant 8 : i32
          %lt3A_55 = arith.cmpi slt, %add3A_54, %lt3A : i32
          %convert_element_type3A_56 = arith.extui %lt3A_55 : i1 to i32
          %cond3A_57 = arith.constant 0 : i32
          %cond3A_58 = arith.cmpi ne, %convert_element_type3A_56, %cond3A_57 : i32
          scf.if %cond3A_58 {
            %add3A_70 = arith.constant 2 : i32
            %add3A_71 = arith.addi %mul3A_39, %add3A_70 : i32
            %dma_start3A_72 = arith.constant 0 : i32
            %dma_start3A_73 = tpu.memref_slice %arg10[%add3A_71, %dma_start3A_72] : memref<16x128xi32, #tpu.memory_space<vmem>> -> memref<1x128xi32, #tpu.memory_space<vmem>>
            %dma_start3A_74 = tpu.memref_squeeze %dma_start3A_73 : memref<1x128xi32, #tpu.memory_space<vmem>> -> memref<128xi32, #tpu.memory_space<vmem>>
            %dma_start3A_75 = arith.constant 0 : i32
            %dma_start3A_76 = arith.constant 0 : i32
            %dma_start3A_77 = tpu.memref_slice %arg3[%dma_start3A_75, %dma_start3A_76] : memref<10000x128xf32, #tpu.memory_space<hbm>> -> memref<10000x128xf32, #tpu.memory_space<hbm>>
            tpu.enqueue_indirect_dma source(%dma_start3A_77 : memref<10000x128xf32, #tpu.memory_space<hbm>>) target(%arg12 : memref<128x128xf32, #tpu.memory_space<vmem>>) offsets(%dma_start3A_74 : memref<128xi32, #tpu.memory_space<vmem>>) semaphore(%arg15 : memref<!tpu.dma_semaphore, #tpu.memory_space<semaphore_mem>>)
          } else {
          }
          %add3A_59 = arith.constant 1 : i32
          %add3A_60 = arith.addi %mul3A_39, %add3A_59 : i32
          %dma_wait3A_61 = arith.constant 0 : i32
          %dma_wait3A_62 = tpu.memref_slice %arg10[%add3A_60, %dma_wait3A_61] : memref<16x128xi32, #tpu.memory_space<vmem>> -> memref<1x128xi32, #tpu.memory_space<vmem>>
          %dma_wait3A_63 = tpu.memref_squeeze %dma_wait3A_62 : memref<1x128xi32, #tpu.memory_space<vmem>> -> memref<128xi32, #tpu.memory_space<vmem>>
          %dma_wait3A_64 = arith.constant 0 : i32
          %dma_wait3A_65 = arith.constant 0 : i32
          %dma_wait3A_66 = tpu.memref_slice %arg3[%dma_wait3A_64, %dma_wait3A_65] : memref<10000x128xf32, #tpu.memory_space<hbm>> -> memref<10000x128xf32, #tpu.memory_space<hbm>>
          tpu.wait_indirect_dma semaphore(%arg16 : memref<!tpu.dma_semaphore, #tpu.memory_space<semaphore_mem>>) src(%dma_wait3A_66 : memref<10000x128xf32, #tpu.memory_space<hbm>>) dst(%arg13 : memref<128x128xf32, #tpu.memory_space<vmem>>)
          %add3A_67 = arith.constant 1 : i32
          %add3A_68 = arith.addi %mul3A_39, %add3A_67 : i32
          "tpu.region"() ({
            %run_scoped3A = tpu.sem_alloc : memref<!tpu.dma_semaphore, #tpu.memory_space<semaphore_mem>>
            %dma_start3A_70 = arith.constant 0 : i32
            %dma_start3A_71 = tpu.memref_slice %arg11[%add3A_68, %dma_start3A_70] : memref<16x128xi32, #tpu.memory_space<vmem>> -> memref<1x128xi32, #tpu.memory_space<vmem>>
            %dma_start3A_72 = tpu.memref_squeeze %dma_start3A_71 : memref<1x128xi32, #tpu.memory_space<vmem>> -> memref<128xi32, #tpu.memory_space<vmem>>
            %dma_start3A_73 = arith.constant 0 : i32
            %dma_start3A_74 = arith.constant 0 : i32
            %dma_start3A_75 = tpu.memref_slice %arg14[%dma_start3A_73, %dma_start3A_74] : memref<10112x128xf32, #tpu.memory_space<vmem_shared>> -> memref<10112x128xf32, #tpu.memory_space<vmem_shared>>
            tpu.enqueue_indirect_dma source(%arg13 : memref<128x128xf32, #tpu.memory_space<vmem>>) target(%dma_start3A_75 : memref<10112x128xf32, #tpu.memory_space<vmem_shared>>) offsets(%dma_start3A_72 : memref<128xi32, #tpu.memory_space<vmem>>) semaphore(%run_scoped3A : memref<!tpu.dma_semaphore, #tpu.memory_space<semaphore_mem>>) {add = true}
            %dma_wait3A_76 = arith.constant 0 : i32
            %dma_wait3A_77 = tpu.memref_slice %arg11[%add3A_68, %dma_wait3A_76] : memref<16x128xi32, #tpu.memory_space<vmem>> -> memref<1x128xi32, #tpu.memory_space<vmem>>
            %dma_wait3A_78 = tpu.memref_squeeze %dma_wait3A_77 : memref<1x128xi32, #tpu.memory_space<vmem>> -> memref<128xi32, #tpu.memory_space<vmem>>
            %dma_wait3A_79 = arith.constant 0 : i32
            %dma_wait3A_80 = arith.constant 0 : i32
            %dma_wait3A_81 = tpu.memref_slice %arg14[%dma_wait3A_79, %dma_wait3A_80] : memref<10112x128xf32, #tpu.memory_space<vmem_shared>> -> memref<10112x128xf32, #tpu.memory_space<vmem_shared>>
            tpu.wait_indirect_dma semaphore(%run_scoped3A : memref<!tpu.dma_semaphore, #tpu.memory_space<semaphore_mem>>) src(%arg13 : memref<128x128xf32, #tpu.memory_space<vmem>>) dst(%dma_wait3A_81 : memref<10112x128xf32, #tpu.memory_space<vmem_shared>>)
            tpu.yield
          }) : () -> ()
          %scan3A_69 = arith.constant 0 : i32
          scf.yield %scan3A_69 : i32
        }
        %scan3A_34 = arith.constant 8 : i32
        %scan3A_35 = arith.constant 0 : i32
        scf.yield %scan3A_35 : i32
      }
      %scan3A_13 = arith.constant 10 : i32
      %barrier3A_14 = arith.constant 0 : index
      tpu.barrier barrier_id(%barrier3A_14)
      %add3A = arith.constant 0 : i32
      %add3A_15 = arith.addi %add3A, %mul3A_0 : i32
      "tpu.region"() ({
        %run_scoped3A = tpu.sem_alloc : memref<!tpu.dma_semaphore, #tpu.memory_space<semaphore_mem>>
        %dma_start3A = arith.constant 0 : i32
        %dma_start3A_16 = tpu.memref_slice %arg9[%add3A_15, %dma_start3A] : memref<20224x128xf32, #tpu.memory_space<hbm>> -> memref<632x128xf32, #tpu.memory_space<hbm>>
        %dma_start3A_17 = arith.constant 0 : i32
        %dma_start3A_18 = tpu.memref_slice %arg14[%mul3A_0, %dma_start3A_17] : memref<10112x128xf32, #tpu.memory_space<vmem_shared>> -> memref<632x128xf32, #tpu.memory_space<vmem_shared>>
        tpu.enqueue_dma source(%dma_start3A_18 : memref<632x128xf32, #tpu.memory_space<vmem_shared>>) target(%dma_start3A_16 : memref<632x128xf32, #tpu.memory_space<hbm>>) target_semaphore(%run_scoped3A : memref<!tpu.dma_semaphore, #tpu.memory_space<semaphore_mem>>)
        %dma_wait3A = arith.constant 0 : i32
        %dma_wait3A_19 = tpu.memref_slice %arg9[%add3A_15, %dma_wait3A] : memref<20224x128xf32, #tpu.memory_space<hbm>> -> memref<632x128xf32, #tpu.memory_space<hbm>>
        %dma_wait3A_20 = arith.constant 0 : i32
        %dma_wait3A_21 = tpu.memref_slice %arg14[%mul3A_0, %dma_wait3A_20] : memref<10112x128xf32, #tpu.memory_space<vmem_shared>> -> memref<632x128xf32, #tpu.memory_space<vmem_shared>>
        tpu.wait_dma2 semaphore(%run_scoped3A : memref<!tpu.dma_semaphore, #tpu.memory_space<semaphore_mem>>) src(%dma_wait3A_21 : memref<632x128xf32, #tpu.memory_space<vmem_shared>>) dst(%dma_wait3A_19 : memref<632x128xf32, #tpu.memory_space<hbm>>)
        tpu.yield
      }) : () -> ()
    } else {
    }
    %eq3A_3 = arith.constant 1 : i32
    %eq3A_4 = arith.cmpi eq, %arg0, %eq3A_3 : i32
    %convert_element_type3A_5 = arith.extui %eq3A_4 : i1 to i32
    %cond3A_6 = arith.constant 0 : i32
    %cond3A_7 = arith.cmpi ne, %convert_element_type3A_5, %cond3A_6 : i32
    scf.if %cond3A_7 {
      "tpu.region"() ({
        %run_scoped3A = tpu.sem_alloc : memref<!tpu.dma_semaphore, #tpu.memory_space<semaphore_mem>>
        %dma_start3A = arith.constant 0 : i32
        %dma_start3A_16 = tpu.memref_slice %arg14[%mul3A_0, %dma_start3A] : memref<10112x128xf32, #tpu.memory_space<vmem_shared>> -> memref<632x128xf32, #tpu.memory_space<vmem_shared>>
        %dma_start3A_17 = arith.constant 0 : i32
        %dma_start3A_18 = tpu.memref_slice %arg8[%mul3A_0, %dma_start3A_17] : memref<10112x128xf32, #tpu.memory_space<hbm>> -> memref<632x128xf32, #tpu.memory_space<hbm>>
        tpu.enqueue_dma source(%dma_start3A_18 : memref<632x128xf32, #tpu.memory_space<hbm>>) target(%dma_start3A_16 : memref<632x128xf32, #tpu.memory_space<vmem_shared>>) target_semaphore(%run_scoped3A : memref<!tpu.dma_semaphore, #tpu.memory_space<semaphore_mem>>)
        %dma_wait3A = arith.constant 0 : i32
        %dma_wait3A_19 = tpu.memref_slice %arg14[%mul3A_0, %dma_wait3A] : memref<10112x128xf32, #tpu.memory_space<vmem_shared>> -> memref<632x128xf32, #tpu.memory_space<vmem_shared>>
        %dma_wait3A_20 = arith.constant 0 : i32
        %dma_wait3A_21 = tpu.memref_slice %arg8[%mul3A_0, %dma_wait3A_20] : memref<10112x128xf32, #tpu.memory_space<hbm>> -> memref<632x128xf32, #tpu.memory_space<hbm>>
        tpu.wait_dma2 semaphore(%run_scoped3A : memref<!tpu.dma_semaphore, #tpu.memory_space<semaphore_mem>>) src(%dma_wait3A_21 : memref<632x128xf32, #tpu.memory_space<hbm>>) dst(%dma_wait3A_19 : memref<632x128xf32, #tpu.memory_space<vmem_shared>>)
        tpu.yield
      }) : () -> ()
      %barrier3A = arith.constant 0 : index
      tpu.barrier barrier_id(%barrier3A)
      %scan3A = arith.constant 0 : i32
      %scan3A_8 = arith.constant 0 : i32
      %scan3A_9 = arith.constant 10 : i32
      %scan3A_10 = arith.addi %scan3A_8, %scan3A_9 : i32
      %scan3A_11 = arith.constant 1 : i32
      %scan3A_12 = scf.for %scan3A_16 = %scan3A_8 to %scan3A_10 step %scan3A_11 iter_args(%scan3A_17 = %scan3A) -> (i32)  : i32 {
        %mul3A_18 = arith.constant 16 : i32
        %mul3A_19 = arith.muli %scan3A_16, %mul3A_18 : i32
        "tpu.region"() ({
          %run_scoped3A = tpu.sem_alloc : memref<!tpu.dma_semaphore, #tpu.memory_space<semaphore_mem>>
          %dma_start3A_36 = arith.constant 0 : i32
          %dma_start3A_37 = tpu.memref_slice %arg4[%arg1, %mul3A_19, %dma_start3A_36] : memref<16x160x128xi32, #tpu.memory_space<hbm>> -> memref<1x16x128xi32, #tpu.memory_space<hbm>>
          %dma_start3A_38 = tpu.memref_squeeze %dma_start3A_37 : memref<1x16x128xi32, #tpu.memory_space<hbm>> -> memref<16x128xi32, #tpu.memory_space<hbm>>
          %dma_start3A_39 = arith.constant 0 : i32
          %dma_start3A_40 = tpu.memref_slice %arg4[%arg1, %mul3A_19, %dma_start3A_39] : memref<16x160x128xi32, #tpu.memory_space<hbm>> -> memref<1x16x128xi32, #tpu.memory_space<hbm>>
          %dma_start3A_41 = tpu.memref_squeeze %dma_start3A_40 : memref<1x16x128xi32, #tpu.memory_space<hbm>> -> memref<16x128xi32, #tpu.memory_space<hbm>>
          tpu.enqueue_dma source(%dma_start3A_41 : memref<16x128xi32, #tpu.memory_space<hbm>>) target(%arg10 : memref<16x128xi32, #tpu.memory_space<vmem>>) target_semaphore(%run_scoped3A : memref<!tpu.dma_semaphore, #tpu.memory_space<semaphore_mem>>)
          %dma_wait3A = arith.constant 0 : i32
          %dma_wait3A_42 = tpu.memref_slice %arg4[%arg1, %mul3A_19, %dma_wait3A] : memref<16x160x128xi32, #tpu.memory_space<hbm>> -> memref<1x16x128xi32, #tpu.memory_space<hbm>>
          %dma_wait3A_43 = tpu.memref_squeeze %dma_wait3A_42 : memref<1x16x128xi32, #tpu.memory_space<hbm>> -> memref<16x128xi32, #tpu.memory_space<hbm>>
          %dma_wait3A_44 = arith.constant 0 : i32
          %dma_wait3A_45 = tpu.memref_slice %arg4[%arg1, %mul3A_19, %dma_wait3A_44] : memref<16x160x128xi32, #tpu.memory_space<hbm>> -> memref<1x16x128xi32, #tpu.memory_space<hbm>>
          %dma_wait3A_46 = tpu.memref_squeeze %dma_wait3A_45 : memref<1x16x128xi32, #tpu.memory_space<hbm>> -> memref<16x128xi32, #tpu.memory_space<hbm>>
          tpu.wait_dma2 semaphore(%run_scoped3A : memref<!tpu.dma_semaphore, #tpu.memory_space<semaphore_mem>>) src(%dma_wait3A_46 : memref<16x128xi32, #tpu.memory_space<hbm>>) dst(%arg10 : memref<16x128xi32, #tpu.memory_space<vmem>>)
          tpu.yield
        }) : () -> ()
        %mul3A_20 = arith.constant 16 : i32
        %mul3A_21 = arith.muli %scan3A_16, %mul3A_20 : i32
        "tpu.region"() ({
          %run_scoped3A = tpu.sem_alloc : memref<!tpu.dma_semaphore, #tpu.memory_space<semaphore_mem>>
          %dma_start3A_36 = arith.constant 0 : i32
          %dma_start3A_37 = tpu.memref_slice %arg7[%arg1, %mul3A_21, %dma_start3A_36] : memref<16x160x128xi32, #tpu.memory_space<hbm>> -> memref<1x16x128xi32, #tpu.memory_space<hbm>>
          %dma_start3A_38 = tpu.memref_squeeze %dma_start3A_37 : memref<1x16x128xi32, #tpu.memory_space<hbm>> -> memref<16x128xi32, #tpu.memory_space<hbm>>
          %dma_start3A_39 = arith.constant 0 : i32
          %dma_start3A_40 = tpu.memref_slice %arg7[%arg1, %mul3A_21, %dma_start3A_39] : memref<16x160x128xi32, #tpu.memory_space<hbm>> -> memref<1x16x128xi32, #tpu.memory_space<hbm>>
          %dma_start3A_41 = tpu.memref_squeeze %dma_start3A_40 : memref<1x16x128xi32, #tpu.memory_space<hbm>> -> memref<16x128xi32, #tpu.memory_space<hbm>>
          tpu.enqueue_dma source(%dma_start3A_41 : memref<16x128xi32, #tpu.memory_space<hbm>>) target(%arg11 : memref<16x128xi32, #tpu.memory_space<vmem>>) target_semaphore(%run_scoped3A : memref<!tpu.dma_semaphore, #tpu.memory_space<semaphore_mem>>)
          %dma_wait3A = arith.constant 0 : i32
          %dma_wait3A_42 = tpu.memref_slice %arg7[%arg1, %mul3A_21, %dma_wait3A] : memref<16x160x128xi32, #tpu.memory_space<hbm>> -> memref<1x16x128xi32, #tpu.memory_space<hbm>>
          %dma_wait3A_43 = tpu.memref_squeeze %dma_wait3A_42 : memref<1x16x128xi32, #tpu.memory_space<hbm>> -> memref<16x128xi32, #tpu.memory_space<hbm>>
          %dma_wait3A_44 = arith.constant 0 : i32
          %dma_wait3A_45 = tpu.memref_slice %arg7[%arg1, %mul3A_21, %dma_wait3A_44] : memref<16x160x128xi32, #tpu.memory_space<hbm>> -> memref<1x16x128xi32, #tpu.memory_space<hbm>>
          %dma_wait3A_46 = tpu.memref_squeeze %dma_wait3A_45 : memref<1x16x128xi32, #tpu.memory_space<hbm>> -> memref<16x128xi32, #tpu.memory_space<hbm>>
          tpu.wait_dma2 semaphore(%run_scoped3A : memref<!tpu.dma_semaphore, #tpu.memory_space<semaphore_mem>>) src(%dma_wait3A_46 : memref<16x128xi32, #tpu.memory_space<hbm>>) dst(%arg11 : memref<16x128xi32, #tpu.memory_space<vmem>>)
          tpu.yield
        }) : () -> ()
        %dma_start3A = arith.constant 0 : i32
        %dma_start3A_22 = arith.constant 0 : i32
        %dma_start3A_23 = tpu.memref_slice %arg10[%dma_start3A, %dma_start3A_22] : memref<16x128xi32, #tpu.memory_space<vmem>> -> memref<1x128xi32, #tpu.memory_space<vmem>>
        %dma_start3A_24 = tpu.memref_squeeze %dma_start3A_23 : memref<1x128xi32, #tpu.memory_space<vmem>> -> memref<128xi32, #tpu.memory_space<vmem>>
        %dma_start3A_25 = arith.constant 0 : i32
        %dma_start3A_26 = arith.constant 0 : i32
        %dma_start3A_27 = tpu.memref_slice %arg2[%dma_start3A_25, %dma_start3A_26] : memref<10000x128xf32, #tpu.memory_space<hbm>> -> memref<10000x128xf32, #tpu.memory_space<hbm>>
        tpu.enqueue_indirect_dma source(%dma_start3A_27 : memref<10000x128xf32, #tpu.memory_space<hbm>>) target(%arg12 : memref<128x128xf32, #tpu.memory_space<vmem>>) offsets(%dma_start3A_24 : memref<128xi32, #tpu.memory_space<vmem>>) semaphore(%arg15 : memref<!tpu.dma_semaphore, #tpu.memory_space<semaphore_mem>>)
        %scan3A_28 = arith.constant 0 : i32
        %scan3A_29 = arith.constant 0 : i32
        %scan3A_30 = arith.constant 8 : i32
        %scan3A_31 = arith.addi %scan3A_29, %scan3A_30 : i32
        %scan3A_32 = arith.constant 1 : i32
        %scan3A_33 = scf.for %scan3A_36 = %scan3A_29 to %scan3A_31 step %scan3A_32 iter_args(%scan3A_37 = %scan3A_28) -> (i32)  : i32 {
          %mul3A_38 = arith.constant 2 : i32
          %mul3A_39 = arith.muli %mul3A_38, %scan3A_36 : i32
          %add3A_40 = arith.constant 1 : i32
          %add3A_41 = arith.addi %mul3A_39, %add3A_40 : i32
          %dma_start3A_42 = arith.constant 0 : i32
          %dma_start3A_43 = tpu.memref_slice %arg10[%add3A_41, %dma_start3A_42] : memref<16x128xi32, #tpu.memory_space<vmem>> -> memref<1x128xi32, #tpu.memory_space<vmem>>
          %dma_start3A_44 = tpu.memref_squeeze %dma_start3A_43 : memref<1x128xi32, #tpu.memory_space<vmem>> -> memref<128xi32, #tpu.memory_space<vmem>>
          %dma_start3A_45 = arith.constant 0 : i32
          %dma_start3A_46 = arith.constant 0 : i32
          %dma_start3A_47 = tpu.memref_slice %arg2[%dma_start3A_45, %dma_start3A_46] : memref<10000x128xf32, #tpu.memory_space<hbm>> -> memref<10000x128xf32, #tpu.memory_space<hbm>>
          tpu.enqueue_indirect_dma source(%dma_start3A_47 : memref<10000x128xf32, #tpu.memory_space<hbm>>) target(%arg13 : memref<128x128xf32, #tpu.memory_space<vmem>>) offsets(%dma_start3A_44 : memref<128xi32, #tpu.memory_space<vmem>>) semaphore(%arg16 : memref<!tpu.dma_semaphore, #tpu.memory_space<semaphore_mem>>)
          %dma_wait3A = arith.constant 0 : i32
          %dma_wait3A_48 = tpu.memref_slice %arg10[%mul3A_39, %dma_wait3A] : memref<16x128xi32, #tpu.memory_space<vmem>> -> memref<1x128xi32, #tpu.memory_space<vmem>>
          %dma_wait3A_49 = tpu.memref_squeeze %dma_wait3A_48 : memref<1x128xi32, #tpu.memory_space<vmem>> -> memref<128xi32, #tpu.memory_space<vmem>>
          %dma_wait3A_50 = arith.constant 0 : i32
          %dma_wait3A_51 = arith.constant 0 : i32
          %dma_wait3A_52 = tpu.memref_slice %arg2[%dma_wait3A_50, %dma_wait3A_51] : memref<10000x128xf32, #tpu.memory_space<hbm>> -> memref<10000x128xf32, #tpu.memory_space<hbm>>
          tpu.wait_indirect_dma semaphore(%arg15 : memref<!tpu.dma_semaphore, #tpu.memory_space<semaphore_mem>>) src(%dma_wait3A_52 : memref<10000x128xf32, #tpu.memory_space<hbm>>) dst(%arg12 : memref<128x128xf32, #tpu.memory_space<vmem>>)
          "tpu.region"() ({
            %run_scoped3A = tpu.sem_alloc : memref<!tpu.dma_semaphore, #tpu.memory_space<semaphore_mem>>
            %dma_start3A_70 = arith.constant 0 : i32
            %dma_start3A_71 = tpu.memref_slice %arg11[%mul3A_39, %dma_start3A_70] : memref<16x128xi32, #tpu.memory_space<vmem>> -> memref<1x128xi32, #tpu.memory_space<vmem>>
            %dma_start3A_72 = tpu.memref_squeeze %dma_start3A_71 : memref<1x128xi32, #tpu.memory_space<vmem>> -> memref<128xi32, #tpu.memory_space<vmem>>
            %dma_start3A_73 = arith.constant 0 : i32
            %dma_start3A_74 = arith.constant 0 : i32
            %dma_start3A_75 = tpu.memref_slice %arg14[%dma_start3A_73, %dma_start3A_74] : memref<10112x128xf32, #tpu.memory_space<vmem_shared>> -> memref<10112x128xf32, #tpu.memory_space<vmem_shared>>
            tpu.enqueue_indirect_dma source(%arg12 : memref<128x128xf32, #tpu.memory_space<vmem>>) target(%dma_start3A_75 : memref<10112x128xf32, #tpu.memory_space<vmem_shared>>) offsets(%dma_start3A_72 : memref<128xi32, #tpu.memory_space<vmem>>) semaphore(%run_scoped3A : memref<!tpu.dma_semaphore, #tpu.memory_space<semaphore_mem>>) {add = true}
            %dma_wait3A_76 = arith.constant 0 : i32
            %dma_wait3A_77 = tpu.memref_slice %arg11[%mul3A_39, %dma_wait3A_76] : memref<16x128xi32, #tpu.memory_space<vmem>> -> memref<1x128xi32, #tpu.memory_space<vmem>>
            %dma_wait3A_78 = tpu.memref_squeeze %dma_wait3A_77 : memref<1x128xi32, #tpu.memory_space<vmem>> -> memref<128xi32, #tpu.memory_space<vmem>>
            %dma_wait3A_79 = arith.constant 0 : i32
            %dma_wait3A_80 = arith.constant 0 : i32
            %dma_wait3A_81 = tpu.memref_slice %arg14[%dma_wait3A_79, %dma_wait3A_80] : memref<10112x128xf32, #tpu.memory_space<vmem_shared>> -> memref<10112x128xf32, #tpu.memory_space<vmem_shared>>
            tpu.wait_indirect_dma semaphore(%run_scoped3A : memref<!tpu.dma_semaphore, #tpu.memory_space<semaphore_mem>>) src(%arg12 : memref<128x128xf32, #tpu.memory_space<vmem>>) dst(%dma_wait3A_81 : memref<10112x128xf32, #tpu.memory_space<vmem_shared>>)
            tpu.yield
          }) : () -> ()
          %add3A_53 = arith.constant 1 : i32
          %add3A_54 = arith.addi %scan3A_36, %add3A_53 : i32
          %lt3A = arith.constant 8 : i32
          %lt3A_55 = arith.cmpi slt, %add3A_54, %lt3A : i32
          %convert_element_type3A_56 = arith.extui %lt3A_55 : i1 to i32
          %cond3A_57 = arith.constant 0 : i32
          %cond3A_58 = arith.cmpi ne, %convert_element_type3A_56, %cond3A_57 : i32
          scf.if %cond3A_58 {
            %add3A_70 = arith.constant 2 : i32
            %add3A_71 = arith.addi %mul3A_39, %add3A_70 : i32
            %dma_start3A_72 = arith.constant 0 : i32
            %dma_start3A_73 = tpu.memref_slice %arg10[%add3A_71, %dma_start3A_72] : memref<16x128xi32, #tpu.memory_space<vmem>> -> memref<1x128xi32, #tpu.memory_space<vmem>>
            %dma_start3A_74 = tpu.memref_squeeze %dma_start3A_73 : memref<1x128xi32, #tpu.memory_space<vmem>> -> memref<128xi32, #tpu.memory_space<vmem>>
            %dma_start3A_75 = arith.constant 0 : i32
            %dma_start3A_76 = arith.constant 0 : i32
            %dma_start3A_77 = tpu.memref_slice %arg2[%dma_start3A_75, %dma_start3A_76] : memref<10000x128xf32, #tpu.memory_space<hbm>> -> memref<10000x128xf32, #tpu.memory_space<hbm>>
            tpu.enqueue_indirect_dma source(%dma_start3A_77 : memref<10000x128xf32, #tpu.memory_space<hbm>>) target(%arg12 : memref<128x128xf32, #tpu.memory_space<vmem>>) offsets(%dma_start3A_74 : memref<128xi32, #tpu.memory_space<vmem>>) semaphore(%arg15 : memref<!tpu.dma_semaphore, #tpu.memory_space<semaphore_mem>>)
          } else {
          }
          %add3A_59 = arith.constant 1 : i32
          %add3A_60 = arith.addi %mul3A_39, %add3A_59 : i32
          %dma_wait3A_61 = arith.constant 0 : i32
          %dma_wait3A_62 = tpu.memref_slice %arg10[%add3A_60, %dma_wait3A_61] : memref<16x128xi32, #tpu.memory_space<vmem>> -> memref<1x128xi32, #tpu.memory_space<vmem>>
          %dma_wait3A_63 = tpu.memref_squeeze %dma_wait3A_62 : memref<1x128xi32, #tpu.memory_space<vmem>> -> memref<128xi32, #tpu.memory_space<vmem>>
          %dma_wait3A_64 = arith.constant 0 : i32
          %dma_wait3A_65 = arith.constant 0 : i32
          %dma_wait3A_66 = tpu.memref_slice %arg2[%dma_wait3A_64, %dma_wait3A_65] : memref<10000x128xf32, #tpu.memory_space<hbm>> -> memref<10000x128xf32, #tpu.memory_space<hbm>>
          tpu.wait_indirect_dma semaphore(%arg16 : memref<!tpu.dma_semaphore, #tpu.memory_space<semaphore_mem>>) src(%dma_wait3A_66 : memref<10000x128xf32, #tpu.memory_space<hbm>>) dst(%arg13 : memref<128x128xf32, #tpu.memory_space<vmem>>)
          %add3A_67 = arith.constant 1 : i32
          %add3A_68 = arith.addi %mul3A_39, %add3A_67 : i32
          "tpu.region"() ({
            %run_scoped3A = tpu.sem_alloc : memref<!tpu.dma_semaphore, #tpu.memory_space<semaphore_mem>>
            %dma_start3A_70 = arith.constant 0 : i32
            %dma_start3A_71 = tpu.memref_slice %arg11[%add3A_68, %dma_start3A_70] : memref<16x128xi32, #tpu.memory_space<vmem>> -> memref<1x128xi32, #tpu.memory_space<vmem>>
            %dma_start3A_72 = tpu.memref_squeeze %dma_start3A_71 : memref<1x128xi32, #tpu.memory_space<vmem>> -> memref<128xi32, #tpu.memory_space<vmem>>
            %dma_start3A_73 = arith.constant 0 : i32
            %dma_start3A_74 = arith.constant 0 : i32
            %dma_start3A_75 = tpu.memref_slice %arg14[%dma_start3A_73, %dma_start3A_74] : memref<10112x128xf32, #tpu.memory_space<vmem_shared>> -> memref<10112x128xf32, #tpu.memory_space<vmem_shared>>
            tpu.enqueue_indirect_dma source(%arg13 : memref<128x128xf32, #tpu.memory_space<vmem>>) target(%dma_start3A_75 : memref<10112x128xf32, #tpu.memory_space<vmem_shared>>) offsets(%dma_start3A_72 : memref<128xi32, #tpu.memory_space<vmem>>) semaphore(%run_scoped3A : memref<!tpu.dma_semaphore, #tpu.memory_space<semaphore_mem>>) {add = true}
            %dma_wait3A_76 = arith.constant 0 : i32
            %dma_wait3A_77 = tpu.memref_slice %arg11[%add3A_68, %dma_wait3A_76] : memref<16x128xi32, #tpu.memory_space<vmem>> -> memref<1x128xi32, #tpu.memory_space<vmem>>
            %dma_wait3A_78 = tpu.memref_squeeze %dma_wait3A_77 : memref<1x128xi32, #tpu.memory_space<vmem>> -> memref<128xi32, #tpu.memory_space<vmem>>
            %dma_wait3A_79 = arith.constant 0 : i32
            %dma_wait3A_80 = arith.constant 0 : i32
            %dma_wait3A_81 = tpu.memref_slice %arg14[%dma_wait3A_79, %dma_wait3A_80] : memref<10112x128xf32, #tpu.memory_space<vmem_shared>> -> memref<10112x128xf32, #tpu.memory_space<vmem_shared>>
            tpu.wait_indirect_dma semaphore(%run_scoped3A : memref<!tpu.dma_semaphore, #tpu.memory_space<semaphore_mem>>) src(%arg13 : memref<128x128xf32, #tpu.memory_space<vmem>>) dst(%dma_wait3A_81 : memref<10112x128xf32, #tpu.memory_space<vmem_shared>>)
            tpu.yield
          }) : () -> ()
          %scan3A_69 = arith.constant 0 : i32
          scf.yield %scan3A_69 : i32
        }
        %scan3A_34 = arith.constant 8 : i32
        %scan3A_35 = arith.constant 0 : i32
        scf.yield %scan3A_35 : i32
      }
      %scan3A_13 = arith.constant 10 : i32
      %barrier3A_14 = arith.constant 0 : index
      tpu.barrier barrier_id(%barrier3A_14)
      %add3A = arith.constant 10112 : i32
      %add3A_15 = arith.addi %add3A, %mul3A_0 : i32
      "tpu.region"() ({
        %run_scoped3A = tpu.sem_alloc : memref<!tpu.dma_semaphore, #tpu.memory_space<semaphore_mem>>
        %dma_start3A = arith.constant 0 : i32
        %dma_start3A_16 = tpu.memref_slice %arg9[%add3A_15, %dma_start3A] : memref<20224x128xf32, #tpu.memory_space<hbm>> -> memref<632x128xf32, #tpu.memory_space<hbm>>
        %dma_start3A_17 = arith.constant 0 : i32
        %dma_start3A_18 = tpu.memref_slice %arg14[%mul3A_0, %dma_start3A_17] : memref<10112x128xf32, #tpu.memory_space<vmem_shared>> -> memref<632x128xf32, #tpu.memory_space<vmem_shared>>
        tpu.enqueue_dma source(%dma_start3A_18 : memref<632x128xf32, #tpu.memory_space<vmem_shared>>) target(%dma_start3A_16 : memref<632x128xf32, #tpu.memory_space<hbm>>) target_semaphore(%run_scoped3A : memref<!tpu.dma_semaphore, #tpu.memory_space<semaphore_mem>>)
        %dma_wait3A = arith.constant 0 : i32
        %dma_wait3A_19 = tpu.memref_slice %arg9[%add3A_15, %dma_wait3A] : memref<20224x128xf32, #tpu.memory_space<hbm>> -> memref<632x128xf32, #tpu.memory_space<hbm>>
        %dma_wait3A_20 = arith.constant 0 : i32
        %dma_wait3A_21 = tpu.memref_slice %arg14[%mul3A_0, %dma_wait3A_20] : memref<10112x128xf32, #tpu.memory_space<vmem_shared>> -> memref<632x128xf32, #tpu.memory_space<vmem_shared>>
        tpu.wait_dma2 semaphore(%run_scoped3A : memref<!tpu.dma_semaphore, #tpu.memory_space<semaphore_mem>>) src(%dma_wait3A_21 : memref<632x128xf32, #tpu.memory_space<vmem_shared>>) dst(%dma_wait3A_19 : memref<632x128xf32, #tpu.memory_space<hbm>>)
        tpu.yield
      }) : () -> ()
    } else {
    }
    return
  }
}

#map = affine_map<(d0, d1) -> (0, 0, 0)>
#map1 = affine_map<(d0, d1) -> (0, 0)>
module attributes {stable_mosaic.version = 14 : i64} {
  func.func @body(%arg0: i32, %arg1: i32, %arg2: memref<16x160x128xi32, #tpu.memory_space<hbm>>, %arg3: memref<16x160x128xi32, #tpu.memory_space<hbm>>, %arg4: memref<10112x128xf32, #tpu.memory_space<hbm>>, %arg5: memref<128x128xf32, #tpu.memory_space<hbm>>, %arg6: memref<20224x128xf32, #tpu.memory_space<hbm>>, %arg7: memref<16x128xi32, #tpu.memory_space<vmem>>, %arg8: memref<128x128xf32, #tpu.memory_space<vmem>>, %arg9: memref<10112x128xf32, #tpu.memory_space<vmem_shared>>, %arg10: memref<!tpu.dma_semaphore, #tpu.memory_space<semaphore_mem>>) attributes {dimension_semantics = [#tpu.dimension_semantics<core_parallel>, #tpu.dimension_semantics<subcore_parallel>], iteration_bounds = array<i64: 2, 16>, scalar_prefetch = 0 : i64, scratch_operands = 4 : i64, tpu.core_type = #tpu.core_type<sc_vector_subcore>, window_params = [{transform_indices = #map}, {transform_indices = #map}, {transform_indices = #map1}, {transform_indices = #map1}, {transform_indices = #map1}]} {
    %mul3A = arith.constant 632 : i32
    %mul3A_0 = arith.muli %arg1, %mul3A : i32
    %eq3A = arith.constant 0 : i32
    %eq3A_1 = arith.cmpi eq, %arg0, %eq3A : i32
    %convert_element_type3A = arith.extui %eq3A_1 : i1 to i32
    %cond3A = arith.constant 0 : i32
    %cond3A_2 = arith.cmpi ne, %convert_element_type3A, %cond3A : i32
    scf.if %cond3A_2 {
      "tpu.region"() ({
        %run_scoped3A = tpu.sem_alloc : memref<!tpu.dma_semaphore, #tpu.memory_space<semaphore_mem>>
        %dma_start3A = arith.constant 0 : i32
        %dma_start3A_16 = tpu.memref_slice %arg9[%mul3A_0, %dma_start3A] : memref<10112x128xf32, #tpu.memory_space<vmem_shared>> -> memref<632x128xf32, #tpu.memory_space<vmem_shared>>
        %dma_start3A_17 = arith.constant 0 : i32
        %dma_start3A_18 = tpu.memref_slice %arg4[%mul3A_0, %dma_start3A_17] : memref<10112x128xf32, #tpu.memory_space<hbm>> -> memref<632x128xf32, #tpu.memory_space<hbm>>
        tpu.enqueue_dma source(%dma_start3A_18 : memref<632x128xf32, #tpu.memory_space<hbm>>) target(%dma_start3A_16 : memref<632x128xf32, #tpu.memory_space<vmem_shared>>) target_semaphore(%run_scoped3A : memref<!tpu.dma_semaphore, #tpu.memory_space<semaphore_mem>>)
        %dma_wait3A = arith.constant 0 : i32
        %dma_wait3A_19 = tpu.memref_slice %arg9[%mul3A_0, %dma_wait3A] : memref<10112x128xf32, #tpu.memory_space<vmem_shared>> -> memref<632x128xf32, #tpu.memory_space<vmem_shared>>
        %dma_wait3A_20 = arith.constant 0 : i32
        %dma_wait3A_21 = tpu.memref_slice %arg4[%mul3A_0, %dma_wait3A_20] : memref<10112x128xf32, #tpu.memory_space<hbm>> -> memref<632x128xf32, #tpu.memory_space<hbm>>
        tpu.wait_dma2 semaphore(%run_scoped3A : memref<!tpu.dma_semaphore, #tpu.memory_space<semaphore_mem>>) src(%dma_wait3A_21 : memref<632x128xf32, #tpu.memory_space<hbm>>) dst(%dma_wait3A_19 : memref<632x128xf32, #tpu.memory_space<vmem_shared>>)
        tpu.yield
      }) : () -> ()
      "tpu.region"() ({
        %run_scoped3A = tpu.sem_alloc : memref<!tpu.dma_semaphore, #tpu.memory_space<semaphore_mem>>
        tpu.enqueue_dma source(%arg5 : memref<128x128xf32, #tpu.memory_space<hbm>>) target(%arg8 : memref<128x128xf32, #tpu.memory_space<vmem>>) target_semaphore(%run_scoped3A : memref<!tpu.dma_semaphore, #tpu.memory_space<semaphore_mem>>)
        tpu.wait_dma2 semaphore(%run_scoped3A : memref<!tpu.dma_semaphore, #tpu.memory_space<semaphore_mem>>) src(%arg5 : memref<128x128xf32, #tpu.memory_space<hbm>>) dst(%arg8 : memref<128x128xf32, #tpu.memory_space<vmem>>)
        tpu.yield
      }) : () -> ()
      %barrier3A = arith.constant 0 : index
      tpu.barrier barrier_id(%barrier3A)
      %scan3A = arith.constant 0 : i32
      %scan3A_8 = arith.constant 0 : i32
      %scan3A_9 = arith.constant 10 : i32
      %scan3A_10 = arith.addi %scan3A_8, %scan3A_9 : i32
      %scan3A_11 = arith.constant 1 : i32
      %scan3A_12 = scf.for %scan3A_16 = %scan3A_8 to %scan3A_10 step %scan3A_11 iter_args(%scan3A_17 = %scan3A) -> (i32)  : i32 {
        %mul3A_18 = arith.constant 16 : i32
        %mul3A_19 = arith.muli %scan3A_16, %mul3A_18 : i32
        "tpu.region"() ({
          %run_scoped3A = tpu.sem_alloc : memref<!tpu.dma_semaphore, #tpu.memory_space<semaphore_mem>>
          %dma_start3A = arith.constant 0 : i32
          %dma_start3A_35 = tpu.memref_slice %arg2[%arg1, %mul3A_19, %dma_start3A] : memref<16x160x128xi32, #tpu.memory_space<hbm>> -> memref<1x16x128xi32, #tpu.memory_space<hbm>>
          %dma_start3A_36 = tpu.memref_squeeze %dma_start3A_35 : memref<1x16x128xi32, #tpu.memory_space<hbm>> -> memref<16x128xi32, #tpu.memory_space<hbm>>
          %dma_start3A_37 = arith.constant 0 : i32
          %dma_start3A_38 = tpu.memref_slice %arg2[%arg1, %mul3A_19, %dma_start3A_37] : memref<16x160x128xi32, #tpu.memory_space<hbm>> -> memref<1x16x128xi32, #tpu.memory_space<hbm>>
          %dma_start3A_39 = tpu.memref_squeeze %dma_start3A_38 : memref<1x16x128xi32, #tpu.memory_space<hbm>> -> memref<16x128xi32, #tpu.memory_space<hbm>>
          tpu.enqueue_dma source(%dma_start3A_39 : memref<16x128xi32, #tpu.memory_space<hbm>>) target(%arg7 : memref<16x128xi32, #tpu.memory_space<vmem>>) target_semaphore(%run_scoped3A : memref<!tpu.dma_semaphore, #tpu.memory_space<semaphore_mem>>)
          %dma_wait3A = arith.constant 0 : i32
          %dma_wait3A_40 = tpu.memref_slice %arg2[%arg1, %mul3A_19, %dma_wait3A] : memref<16x160x128xi32, #tpu.memory_space<hbm>> -> memref<1x16x128xi32, #tpu.memory_space<hbm>>
          %dma_wait3A_41 = tpu.memref_squeeze %dma_wait3A_40 : memref<1x16x128xi32, #tpu.memory_space<hbm>> -> memref<16x128xi32, #tpu.memory_space<hbm>>
          %dma_wait3A_42 = arith.constant 0 : i32
          %dma_wait3A_43 = tpu.memref_slice %arg2[%arg1, %mul3A_19, %dma_wait3A_42] : memref<16x160x128xi32, #tpu.memory_space<hbm>> -> memref<1x16x128xi32, #tpu.memory_space<hbm>>
          %dma_wait3A_44 = tpu.memref_squeeze %dma_wait3A_43 : memref<1x16x128xi32, #tpu.memory_space<hbm>> -> memref<16x128xi32, #tpu.memory_space<hbm>>
          tpu.wait_dma2 semaphore(%run_scoped3A : memref<!tpu.dma_semaphore, #tpu.memory_space<semaphore_mem>>) src(%dma_wait3A_44 : memref<16x128xi32, #tpu.memory_space<hbm>>) dst(%arg7 : memref<16x128xi32, #tpu.memory_space<vmem>>)
          tpu.yield
        }) : () -> ()
        %scan3A_20 = arith.constant 0 : i32
        %scan3A_21 = arith.constant 0 : i32
        %scan3A_22 = arith.constant 16 : i32
        %scan3A_23 = arith.addi %scan3A_21, %scan3A_22 : i32
        %scan3A_24 = arith.constant 1 : i32
        %scan3A_25 = scf.for %scan3A_35 = %scan3A_21 to %scan3A_23 step %scan3A_24 iter_args(%scan3A_36 = %scan3A_20) -> (i32)  : i32 {
          %dma_start3A = arith.constant 0 : i32
          %dma_start3A_37 = tpu.memref_slice %arg7[%scan3A_35, %dma_start3A] : memref<16x128xi32, #tpu.memory_space<vmem>> -> memref<1x128xi32, #tpu.memory_space<vmem>>
          %dma_start3A_38 = tpu.memref_squeeze %dma_start3A_37 : memref<1x128xi32, #tpu.memory_space<vmem>> -> memref<128xi32, #tpu.memory_space<vmem>>
          %dma_start3A_39 = arith.constant 0 : i32
          %dma_start3A_40 = arith.constant 0 : i32
          %dma_start3A_41 = tpu.memref_slice %arg9[%dma_start3A_39, %dma_start3A_40] : memref<10112x128xf32, #tpu.memory_space<vmem_shared>> -> memref<10112x128xf32, #tpu.memory_space<vmem_shared>>
          tpu.enqueue_indirect_dma source(%arg8 : memref<128x128xf32, #tpu.memory_space<vmem>>) target(%dma_start3A_41 : memref<10112x128xf32, #tpu.memory_space<vmem_shared>>) offsets(%dma_start3A_38 : memref<128xi32, #tpu.memory_space<vmem>>) semaphore(%arg10 : memref<!tpu.dma_semaphore, #tpu.memory_space<semaphore_mem>>) {add = true}
          %scan3A_42 = arith.constant 0 : i32
          scf.yield %scan3A_42 : i32
        }
        %scan3A_26 = arith.constant 16 : i32
        %scan3A_27 = arith.constant 0 : i32
        %scan3A_28 = arith.constant 0 : i32
        %scan3A_29 = arith.constant 16 : i32
        %scan3A_30 = arith.addi %scan3A_28, %scan3A_29 : i32
        %scan3A_31 = arith.constant 1 : i32
        %scan3A_32 = scf.for %scan3A_35 = %scan3A_28 to %scan3A_30 step %scan3A_31 iter_args(%scan3A_36 = %scan3A_27) -> (i32)  : i32 {
          %dma_wait3A = arith.constant 0 : i32
          %dma_wait3A_37 = tpu.memref_slice %arg7[%scan3A_35, %dma_wait3A] : memref<16x128xi32, #tpu.memory_space<vmem>> -> memref<1x128xi32, #tpu.memory_space<vmem>>
          %dma_wait3A_38 = tpu.memref_squeeze %dma_wait3A_37 : memref<1x128xi32, #tpu.memory_space<vmem>> -> memref<128xi32, #tpu.memory_space<vmem>>
          %dma_wait3A_39 = arith.constant 0 : i32
          %dma_wait3A_40 = arith.constant 0 : i32
          %dma_wait3A_41 = tpu.memref_slice %arg9[%dma_wait3A_39, %dma_wait3A_40] : memref<10112x128xf32, #tpu.memory_space<vmem_shared>> -> memref<10112x128xf32, #tpu.memory_space<vmem_shared>>
          tpu.wait_indirect_dma semaphore(%arg10 : memref<!tpu.dma_semaphore, #tpu.memory_space<semaphore_mem>>) src(%arg8 : memref<128x128xf32, #tpu.memory_space<vmem>>) dst(%dma_wait3A_41 : memref<10112x128xf32, #tpu.memory_space<vmem_shared>>)
          %scan3A_42 = arith.constant 0 : i32
          scf.yield %scan3A_42 : i32
        }
        %scan3A_33 = arith.constant 16 : i32
        %scan3A_34 = arith.constant 0 : i32
        scf.yield %scan3A_34 : i32
      }
      %scan3A_13 = arith.constant 10 : i32
      %barrier3A_14 = arith.constant 0 : index
      tpu.barrier barrier_id(%barrier3A_14)
      %add3A = arith.constant 0 : i32
      %add3A_15 = arith.addi %add3A, %mul3A_0 : i32
      "tpu.region"() ({
        %run_scoped3A = tpu.sem_alloc : memref<!tpu.dma_semaphore, #tpu.memory_space<semaphore_mem>>
        %dma_start3A = arith.constant 0 : i32
        %dma_start3A_16 = tpu.memref_slice %arg6[%add3A_15, %dma_start3A] : memref<20224x128xf32, #tpu.memory_space<hbm>> -> memref<632x128xf32, #tpu.memory_space<hbm>>
        %dma_start3A_17 = arith.constant 0 : i32
        %dma_start3A_18 = tpu.memref_slice %arg9[%mul3A_0, %dma_start3A_17] : memref<10112x128xf32, #tpu.memory_space<vmem_shared>> -> memref<632x128xf32, #tpu.memory_space<vmem_shared>>
        tpu.enqueue_dma source(%dma_start3A_18 : memref<632x128xf32, #tpu.memory_space<vmem_shared>>) target(%dma_start3A_16 : memref<632x128xf32, #tpu.memory_space<hbm>>) target_semaphore(%run_scoped3A : memref<!tpu.dma_semaphore, #tpu.memory_space<semaphore_mem>>)
        %dma_wait3A = arith.constant 0 : i32
        %dma_wait3A_19 = tpu.memref_slice %arg6[%add3A_15, %dma_wait3A] : memref<20224x128xf32, #tpu.memory_space<hbm>> -> memref<632x128xf32, #tpu.memory_space<hbm>>
        %dma_wait3A_20 = arith.constant 0 : i32
        %dma_wait3A_21 = tpu.memref_slice %arg9[%mul3A_0, %dma_wait3A_20] : memref<10112x128xf32, #tpu.memory_space<vmem_shared>> -> memref<632x128xf32, #tpu.memory_space<vmem_shared>>
        tpu.wait_dma2 semaphore(%run_scoped3A : memref<!tpu.dma_semaphore, #tpu.memory_space<semaphore_mem>>) src(%dma_wait3A_21 : memref<632x128xf32, #tpu.memory_space<vmem_shared>>) dst(%dma_wait3A_19 : memref<632x128xf32, #tpu.memory_space<hbm>>)
        tpu.yield
      }) : () -> ()
    } else {
    }
    %eq3A_3 = arith.constant 1 : i32
    %eq3A_4 = arith.cmpi eq, %arg0, %eq3A_3 : i32
    %convert_element_type3A_5 = arith.extui %eq3A_4 : i1 to i32
    %cond3A_6 = arith.constant 0 : i32
    %cond3A_7 = arith.cmpi ne, %convert_element_type3A_5, %cond3A_6 : i32
    scf.if %cond3A_7 {
      "tpu.region"() ({
        %run_scoped3A = tpu.sem_alloc : memref<!tpu.dma_semaphore, #tpu.memory_space<semaphore_mem>>
        %dma_start3A = arith.constant 0 : i32
        %dma_start3A_16 = tpu.memref_slice %arg9[%mul3A_0, %dma_start3A] : memref<10112x128xf32, #tpu.memory_space<vmem_shared>> -> memref<632x128xf32, #tpu.memory_space<vmem_shared>>
        %dma_start3A_17 = arith.constant 0 : i32
        %dma_start3A_18 = tpu.memref_slice %arg4[%mul3A_0, %dma_start3A_17] : memref<10112x128xf32, #tpu.memory_space<hbm>> -> memref<632x128xf32, #tpu.memory_space<hbm>>
        tpu.enqueue_dma source(%dma_start3A_18 : memref<632x128xf32, #tpu.memory_space<hbm>>) target(%dma_start3A_16 : memref<632x128xf32, #tpu.memory_space<vmem_shared>>) target_semaphore(%run_scoped3A : memref<!tpu.dma_semaphore, #tpu.memory_space<semaphore_mem>>)
        %dma_wait3A = arith.constant 0 : i32
        %dma_wait3A_19 = tpu.memref_slice %arg9[%mul3A_0, %dma_wait3A] : memref<10112x128xf32, #tpu.memory_space<vmem_shared>> -> memref<632x128xf32, #tpu.memory_space<vmem_shared>>
        %dma_wait3A_20 = arith.constant 0 : i32
        %dma_wait3A_21 = tpu.memref_slice %arg4[%mul3A_0, %dma_wait3A_20] : memref<10112x128xf32, #tpu.memory_space<hbm>> -> memref<632x128xf32, #tpu.memory_space<hbm>>
        tpu.wait_dma2 semaphore(%run_scoped3A : memref<!tpu.dma_semaphore, #tpu.memory_space<semaphore_mem>>) src(%dma_wait3A_21 : memref<632x128xf32, #tpu.memory_space<hbm>>) dst(%dma_wait3A_19 : memref<632x128xf32, #tpu.memory_space<vmem_shared>>)
        tpu.yield
      }) : () -> ()
      "tpu.region"() ({
        %run_scoped3A = tpu.sem_alloc : memref<!tpu.dma_semaphore, #tpu.memory_space<semaphore_mem>>
        tpu.enqueue_dma source(%arg5 : memref<128x128xf32, #tpu.memory_space<hbm>>) target(%arg8 : memref<128x128xf32, #tpu.memory_space<vmem>>) target_semaphore(%run_scoped3A : memref<!tpu.dma_semaphore, #tpu.memory_space<semaphore_mem>>)
        tpu.wait_dma2 semaphore(%run_scoped3A : memref<!tpu.dma_semaphore, #tpu.memory_space<semaphore_mem>>) src(%arg5 : memref<128x128xf32, #tpu.memory_space<hbm>>) dst(%arg8 : memref<128x128xf32, #tpu.memory_space<vmem>>)
        tpu.yield
      }) : () -> ()
      %barrier3A = arith.constant 0 : index
      tpu.barrier barrier_id(%barrier3A)
      %scan3A = arith.constant 0 : i32
      %scan3A_8 = arith.constant 0 : i32
      %scan3A_9 = arith.constant 10 : i32
      %scan3A_10 = arith.addi %scan3A_8, %scan3A_9 : i32
      %scan3A_11 = arith.constant 1 : i32
      %scan3A_12 = scf.for %scan3A_16 = %scan3A_8 to %scan3A_10 step %scan3A_11 iter_args(%scan3A_17 = %scan3A) -> (i32)  : i32 {
        %mul3A_18 = arith.constant 16 : i32
        %mul3A_19 = arith.muli %scan3A_16, %mul3A_18 : i32
        "tpu.region"() ({
          %run_scoped3A = tpu.sem_alloc : memref<!tpu.dma_semaphore, #tpu.memory_space<semaphore_mem>>
          %dma_start3A = arith.constant 0 : i32
          %dma_start3A_35 = tpu.memref_slice %arg3[%arg1, %mul3A_19, %dma_start3A] : memref<16x160x128xi32, #tpu.memory_space<hbm>> -> memref<1x16x128xi32, #tpu.memory_space<hbm>>
          %dma_start3A_36 = tpu.memref_squeeze %dma_start3A_35 : memref<1x16x128xi32, #tpu.memory_space<hbm>> -> memref<16x128xi32, #tpu.memory_space<hbm>>
          %dma_start3A_37 = arith.constant 0 : i32
          %dma_start3A_38 = tpu.memref_slice %arg3[%arg1, %mul3A_19, %dma_start3A_37] : memref<16x160x128xi32, #tpu.memory_space<hbm>> -> memref<1x16x128xi32, #tpu.memory_space<hbm>>
          %dma_start3A_39 = tpu.memref_squeeze %dma_start3A_38 : memref<1x16x128xi32, #tpu.memory_space<hbm>> -> memref<16x128xi32, #tpu.memory_space<hbm>>
          tpu.enqueue_dma source(%dma_start3A_39 : memref<16x128xi32, #tpu.memory_space<hbm>>) target(%arg7 : memref<16x128xi32, #tpu.memory_space<vmem>>) target_semaphore(%run_scoped3A : memref<!tpu.dma_semaphore, #tpu.memory_space<semaphore_mem>>)
          %dma_wait3A = arith.constant 0 : i32
          %dma_wait3A_40 = tpu.memref_slice %arg3[%arg1, %mul3A_19, %dma_wait3A] : memref<16x160x128xi32, #tpu.memory_space<hbm>> -> memref<1x16x128xi32, #tpu.memory_space<hbm>>
          %dma_wait3A_41 = tpu.memref_squeeze %dma_wait3A_40 : memref<1x16x128xi32, #tpu.memory_space<hbm>> -> memref<16x128xi32, #tpu.memory_space<hbm>>
          %dma_wait3A_42 = arith.constant 0 : i32
          %dma_wait3A_43 = tpu.memref_slice %arg3[%arg1, %mul3A_19, %dma_wait3A_42] : memref<16x160x128xi32, #tpu.memory_space<hbm>> -> memref<1x16x128xi32, #tpu.memory_space<hbm>>
          %dma_wait3A_44 = tpu.memref_squeeze %dma_wait3A_43 : memref<1x16x128xi32, #tpu.memory_space<hbm>> -> memref<16x128xi32, #tpu.memory_space<hbm>>
          tpu.wait_dma2 semaphore(%run_scoped3A : memref<!tpu.dma_semaphore, #tpu.memory_space<semaphore_mem>>) src(%dma_wait3A_44 : memref<16x128xi32, #tpu.memory_space<hbm>>) dst(%arg7 : memref<16x128xi32, #tpu.memory_space<vmem>>)
          tpu.yield
        }) : () -> ()
        %scan3A_20 = arith.constant 0 : i32
        %scan3A_21 = arith.constant 0 : i32
        %scan3A_22 = arith.constant 16 : i32
        %scan3A_23 = arith.addi %scan3A_21, %scan3A_22 : i32
        %scan3A_24 = arith.constant 1 : i32
        %scan3A_25 = scf.for %scan3A_35 = %scan3A_21 to %scan3A_23 step %scan3A_24 iter_args(%scan3A_36 = %scan3A_20) -> (i32)  : i32 {
          %dma_start3A = arith.constant 0 : i32
          %dma_start3A_37 = tpu.memref_slice %arg7[%scan3A_35, %dma_start3A] : memref<16x128xi32, #tpu.memory_space<vmem>> -> memref<1x128xi32, #tpu.memory_space<vmem>>
          %dma_start3A_38 = tpu.memref_squeeze %dma_start3A_37 : memref<1x128xi32, #tpu.memory_space<vmem>> -> memref<128xi32, #tpu.memory_space<vmem>>
          %dma_start3A_39 = arith.constant 0 : i32
          %dma_start3A_40 = arith.constant 0 : i32
          %dma_start3A_41 = tpu.memref_slice %arg9[%dma_start3A_39, %dma_start3A_40] : memref<10112x128xf32, #tpu.memory_space<vmem_shared>> -> memref<10112x128xf32, #tpu.memory_space<vmem_shared>>
          tpu.enqueue_indirect_dma source(%arg8 : memref<128x128xf32, #tpu.memory_space<vmem>>) target(%dma_start3A_41 : memref<10112x128xf32, #tpu.memory_space<vmem_shared>>) offsets(%dma_start3A_38 : memref<128xi32, #tpu.memory_space<vmem>>) semaphore(%arg10 : memref<!tpu.dma_semaphore, #tpu.memory_space<semaphore_mem>>) {add = true}
          %scan3A_42 = arith.constant 0 : i32
          scf.yield %scan3A_42 : i32
        }
        %scan3A_26 = arith.constant 16 : i32
        %scan3A_27 = arith.constant 0 : i32
        %scan3A_28 = arith.constant 0 : i32
        %scan3A_29 = arith.constant 16 : i32
        %scan3A_30 = arith.addi %scan3A_28, %scan3A_29 : i32
        %scan3A_31 = arith.constant 1 : i32
        %scan3A_32 = scf.for %scan3A_35 = %scan3A_28 to %scan3A_30 step %scan3A_31 iter_args(%scan3A_36 = %scan3A_27) -> (i32)  : i32 {
          %dma_wait3A = arith.constant 0 : i32
          %dma_wait3A_37 = tpu.memref_slice %arg7[%scan3A_35, %dma_wait3A] : memref<16x128xi32, #tpu.memory_space<vmem>> -> memref<1x128xi32, #tpu.memory_space<vmem>>
          %dma_wait3A_38 = tpu.memref_squeeze %dma_wait3A_37 : memref<1x128xi32, #tpu.memory_space<vmem>> -> memref<128xi32, #tpu.memory_space<vmem>>
          %dma_wait3A_39 = arith.constant 0 : i32
          %dma_wait3A_40 = arith.constant 0 : i32
          %dma_wait3A_41 = tpu.memref_slice %arg9[%dma_wait3A_39, %dma_wait3A_40] : memref<10112x128xf32, #tpu.memory_space<vmem_shared>> -> memref<10112x128xf32, #tpu.memory_space<vmem_shared>>
          tpu.wait_indirect_dma semaphore(%arg10 : memref<!tpu.dma_semaphore, #tpu.memory_space<semaphore_mem>>) src(%arg8 : memref<128x128xf32, #tpu.memory_space<vmem>>) dst(%dma_wait3A_41 : memref<10112x128xf32, #tpu.memory_space<vmem_shared>>)
          %scan3A_42 = arith.constant 0 : i32
          scf.yield %scan3A_42 : i32
        }
        %scan3A_33 = arith.constant 16 : i32
        %scan3A_34 = arith.constant 0 : i32
        scf.yield %scan3A_34 : i32
      }
      %scan3A_13 = arith.constant 10 : i32
      %barrier3A_14 = arith.constant 0 : index
      tpu.barrier barrier_id(%barrier3A_14)
      %add3A = arith.constant 10112 : i32
      %add3A_15 = arith.addi %add3A, %mul3A_0 : i32
      "tpu.region"() ({
        %run_scoped3A = tpu.sem_alloc : memref<!tpu.dma_semaphore, #tpu.memory_space<semaphore_mem>>
        %dma_start3A = arith.constant 0 : i32
        %dma_start3A_16 = tpu.memref_slice %arg6[%add3A_15, %dma_start3A] : memref<20224x128xf32, #tpu.memory_space<hbm>> -> memref<632x128xf32, #tpu.memory_space<hbm>>
        %dma_start3A_17 = arith.constant 0 : i32
        %dma_start3A_18 = tpu.memref_slice %arg9[%mul3A_0, %dma_start3A_17] : memref<10112x128xf32, #tpu.memory_space<vmem_shared>> -> memref<632x128xf32, #tpu.memory_space<vmem_shared>>
        tpu.enqueue_dma source(%dma_start3A_18 : memref<632x128xf32, #tpu.memory_space<vmem_shared>>) target(%dma_start3A_16 : memref<632x128xf32, #tpu.memory_space<hbm>>) target_semaphore(%run_scoped3A : memref<!tpu.dma_semaphore, #tpu.memory_space<semaphore_mem>>)
        %dma_wait3A = arith.constant 0 : i32
        %dma_wait3A_19 = tpu.memref_slice %arg6[%add3A_15, %dma_wait3A] : memref<20224x128xf32, #tpu.memory_space<hbm>> -> memref<632x128xf32, #tpu.memory_space<hbm>>
        %dma_wait3A_20 = arith.constant 0 : i32
        %dma_wait3A_21 = tpu.memref_slice %arg9[%mul3A_0, %dma_wait3A_20] : memref<10112x128xf32, #tpu.memory_space<vmem_shared>> -> memref<632x128xf32, #tpu.memory_space<vmem_shared>>
        tpu.wait_dma2 semaphore(%run_scoped3A : memref<!tpu.dma_semaphore, #tpu.memory_space<semaphore_mem>>) src(%dma_wait3A_21 : memref<632x128xf32, #tpu.memory_space<vmem_shared>>) dst(%dma_wait3A_19 : memref<632x128xf32, #tpu.memory_space<hbm>>)
        tpu.yield
      }) : () -> ()
    } else {
    }
    return
  }
}

module attributes {stable_mosaic.version = 14 : i64} {
  func.func @_in_body(%arg0: i32, %arg1: i32, %arg2: memref<1x2000x256xf32, #tpu.memory_space<vmem>>, %arg3: memref<1x256x128xf32, #tpu.memory_space<vmem>>, %arg4: memref<1x1x128xf32, #tpu.memory_space<vmem>>, %arg5: memref<1x2000x128xf32, #tpu.memory_space<vmem>>) attributes {dimension_semantics = [#tpu.dimension_semantics<arbitrary>, #tpu.dimension_semantics<arbitrary>], iteration_bounds = array<i64: 2, 5>, scalar_prefetch = 0 : i64, scratch_operands = 0 : i64, tpu.core_type = #tpu.core_type<tc>, window_params = [{transform_indices = @transform_0, window_bounds = array<i64: 1, 2000, 256>}, {transform_indices = @transform_1, window_bounds = array<i64: 1, 256, 128>}, {transform_indices = @transform_2, window_bounds = array<i64: 1, 1, 128>}, {transform_indices = @transform_3, window_bounds = array<i64: 1, 2000, 128>}]} {
    %get3A = arith.constant 0 : index
    %get3A_0 = arith.constant 0 : index
    %get3A_1 = arith.constant 0 : index
    %get3A_2 = vector.load %arg2[%get3A, %get3A_0, %get3A_1] : memref<1x2000x256xf32, #tpu.memory_space<vmem>>, vector<1x2000x256xf32>
    %get3A_3 = vector.shape_cast %get3A_2 : vector<1x2000x256xf32> to vector<2000x256xf32>
    %get3A_4 = arith.constant 0 : index
    %get3A_5 = arith.constant 0 : index
    %get3A_6 = arith.constant 0 : index
    %get3A_7 = vector.load %arg3[%get3A_4, %get3A_5, %get3A_6] : memref<1x256x128xf32, #tpu.memory_space<vmem>>, vector<1x256x128xf32>
    %get3A_8 = vector.shape_cast %get3A_7 : vector<1x256x128xf32> to vector<256x128xf32>
    %dot_general3A = arith.constant dense<0.000000e+00> : vector<2000x128xf32>
    %dot_general3A_9 = tpu.matmul %get3A_3, %get3A_8, %dot_general3A {dimension_numbers = #tpu.dot_dimension_numbers<[1], [0], [0], [1], [0, 0, 1, 1], [], []>, transpose_lhs_hint = false} : vector<2000x256xf32>, vector<256x128xf32>, vector<2000x128xf32> -> vector<2000x128xf32>
    %get3A_10 = arith.constant 0 : index
    %get3A_11 = arith.constant 0 : index
    %get3A_12 = arith.constant 0 : index
    %get3A_13 = vector.load %arg4[%get3A_10, %get3A_11, %get3A_12] : memref<1x1x128xf32, #tpu.memory_space<vmem>>, vector<1x1x128xf32>
    %get3A_14 = vector.shape_cast %get3A_13 : vector<1x1x128xf32> to vector<1x128xf32>
    %add3A = vector.broadcast %get3A_14 : vector<1x128xf32> to vector<2000x128xf32>
    %add3A_15 = arith.addf %dot_general3A_9, %add3A : vector<2000x128xf32>
    %max3A = arith.constant 0.000000e+00 : f32
    %max3A_16 = vector.broadcast %max3A : f32 to vector<2000x128xf32>
    %max3A_17 = arith.maximumf %add3A_15, %max3A_16 : vector<2000x128xf32>
    %swap3A = arith.constant 0 : index
    %swap3A_18 = arith.constant 0 : index
    %swap3A_19 = arith.constant 0 : index
    %swap3A_20 = vector.load %arg5[%swap3A, %swap3A_18, %swap3A_19] : memref<1x2000x128xf32, #tpu.memory_space<vmem>>, vector<1x2000x128xf32>
    %swap3A_21 = vector.shape_cast %swap3A_20 : vector<1x2000x128xf32> to vector<2000x128xf32>
    %swap3A_22 = vector.shape_cast %max3A_17 : vector<2000x128xf32> to vector<1x2000x128xf32>
    tpu.vector_store %arg5[%swap3A, %swap3A_18, %swap3A_19], %swap3A_22 {strides = array<i32>} : memref<1x2000x128xf32, #tpu.memory_space<vmem>>, vector<1x2000x128xf32>,
    return
  }
  func.func @transform_0(%arg0: i32, %arg1: i32) -> (i32, i32, i32) {
    %c0_i32 = arith.constant 0 : i32
    %c0_i32_0 = arith.constant 0 : i32
    return %arg0, %arg1, %c0_i32 : i32, i32, i32
  }
  func.func @transform_1(%arg0: i32, %arg1: i32) -> (i32, i32, i32) {
    %c0_i32 = arith.constant 0 : i32
    %c0_i32_0 = arith.constant 0 : i32
    %c0_i32_1 = arith.constant 0 : i32
    return %arg0, %c0_i32, %c0_i32_0 : i32, i32, i32
  }
  func.func @transform_2(%arg0: i32, %arg1: i32) -> (i32, i32, i32) {
    %c0_i32 = arith.constant 0 : i32
    %c0_i32_0 = arith.constant 0 : i32
    %c0_i32_1 = arith.constant 0 : i32
    return %arg0, %c0_i32, %c0_i32_0 : i32, i32, i32
  }
  func.func @transform_3(%arg0: i32, %arg1: i32) -> (i32, i32, i32) {
    %c0_i32 = arith.constant 0 : i32
    %c0_i32_0 = arith.constant 0 : i32
    return %arg0, %arg1, %c0_i32 : i32, i32, i32
  }
}

module attributes {stable_mosaic.version = 14 : i64} {
  func.func @_final_body(%arg0: i32, %arg1: i32, %arg2: memref<1x2000x128xf32, #tpu.memory_space<vmem>>, %arg3: memref<1x2000x128xf32, #tpu.memory_space<vmem>>, %arg4: memref<1x2000x128xf32, #tpu.memory_space<vmem>>, %arg5: memref<1x128x128xf32, #tpu.memory_space<vmem>>, %arg6: memref<1x128x128xf32, #tpu.memory_space<vmem>>, %arg7: memref<1x1x128xf32, #tpu.memory_space<vmem>>, %arg8: memref<1x128x64xf32, #tpu.memory_space<vmem>>, %arg9: memref<1x1x64xf32, #tpu.memory_space<vmem>>, %arg10: memref<1x2000x64xf32, #tpu.memory_space<vmem>>) attributes {dimension_semantics = [#tpu.dimension_semantics<arbitrary>, #tpu.dimension_semantics<arbitrary>], iteration_bounds = array<i64: 2, 5>, scalar_prefetch = 0 : i64, scratch_operands = 0 : i64, tpu.core_type = #tpu.core_type<tc>, window_params = [{transform_indices = @transform_0, window_bounds = array<i64: 1, 2000, 128>}, {transform_indices = @transform_1, window_bounds = array<i64: 1, 2000, 128>}, {transform_indices = @transform_2, window_bounds = array<i64: 1, 2000, 128>}, {transform_indices = @transform_3, window_bounds = array<i64: 1, 128, 128>}, {transform_indices = @transform_4, window_bounds = array<i64: 1, 128, 128>}, {transform_indices = @transform_5, window_bounds = array<i64: 1, 1, 128>}, {transform_indices = @transform_6, window_bounds = array<i64: 1, 128, 64>}, {transform_indices = @transform_7, window_bounds = array<i64: 1, 1, 64>}, {transform_indices = @transform_8, window_bounds = array<i64: 1, 2000, 64>}]} {
    %get3A = arith.constant 0 : index
    %get3A_0 = arith.constant 0 : index
    %get3A_1 = arith.constant 0 : index
    %get3A_2 = vector.load %arg4[%get3A, %get3A_0, %get3A_1] : memref<1x2000x128xf32, #tpu.memory_space<vmem>>, vector<1x2000x128xf32>
    %get3A_3 = vector.shape_cast %get3A_2 : vector<1x2000x128xf32> to vector<2000x128xf32>
    %slice3A = vector.extract_strided_slice %get3A_3 {offsets = [0, 0], sizes = [2000, 1], strides = [1, 1]} : vector<2000x128xf32> to vector<2000x1xf32>
    %max3A = arith.constant 1.000000e+00 : f32
    %max3A_4 = vector.broadcast %max3A : f32 to vector<2000x1xf32>
    %max3A_5 = arith.maximumf %slice3A, %max3A_4 : vector<2000x1xf32>
    %div3A = arith.constant 1.000000e+00 : f32
    %div3A_6 = vector.broadcast %div3A : f32 to vector<2000x1xf32>
    %div3A_7 = arith.divf %div3A_6, %max3A_5 : vector<2000x1xf32>
    %get3A_8 = arith.constant 0 : index
    %get3A_9 = arith.constant 0 : index
    %get3A_10 = arith.constant 0 : index
    %get3A_11 = vector.load %arg2[%get3A_8, %get3A_9, %get3A_10] : memref<1x2000x128xf32, #tpu.memory_space<vmem>>, vector<1x2000x128xf32>
    %get3A_12 = vector.shape_cast %get3A_11 : vector<1x2000x128xf32> to vector<2000x128xf32>
    %get3A_13 = arith.constant 0 : index
    %get3A_14 = arith.constant 0 : index
    %get3A_15 = arith.constant 0 : index
    %get3A_16 = vector.load %arg5[%get3A_13, %get3A_14, %get3A_15] : memref<1x128x128xf32, #tpu.memory_space<vmem>>, vector<1x128x128xf32>
    %get3A_17 = vector.shape_cast %get3A_16 : vector<1x128x128xf32> to vector<128x128xf32>
    %dot_general3A = arith.constant dense<0.000000e+00> : vector<2000x128xf32>
    %dot_general3A_18 = tpu.matmul %get3A_12, %get3A_17, %dot_general3A {dimension_numbers = #tpu.dot_dimension_numbers<[1], [0], [0], [1], [0, 0, 1, 1], [], []>, transpose_lhs_hint = false} : vector<2000x128xf32>, vector<128x128xf32>, vector<2000x128xf32> -> vector<2000x128xf32>
    %get3A_19 = arith.constant 0 : index
    %get3A_20 = arith.constant 0 : index
    %get3A_21 = arith.constant 0 : index
    %get3A_22 = vector.load %arg3[%get3A_19, %get3A_20, %get3A_21] : memref<1x2000x128xf32, #tpu.memory_space<vmem>>, vector<1x2000x128xf32>
    %get3A_23 = vector.shape_cast %get3A_22 : vector<1x2000x128xf32> to vector<2000x128xf32>
    %mul3A = vector.broadcast %div3A_7 : vector<2000x1xf32> to vector<2000x128xf32>
    %mul3A_24 = arith.mulf %get3A_23, %mul3A : vector<2000x128xf32>
    %get3A_25 = arith.constant 0 : index
    %get3A_26 = arith.constant 0 : index
    %get3A_27 = arith.constant 0 : index
    %get3A_28 = vector.load %arg6[%get3A_25, %get3A_26, %get3A_27] : memref<1x128x128xf32, #tpu.memory_space<vmem>>, vector<1x128x128xf32>
    %get3A_29 = vector.shape_cast %get3A_28 : vector<1x128x128xf32> to vector<128x128xf32>
    %dot_general3A_30 = arith.constant dense<0.000000e+00> : vector<2000x128xf32>
    %dot_general3A_31 = tpu.matmul %mul3A_24, %get3A_29, %dot_general3A_30 {dimension_numbers = #tpu.dot_dimension_numbers<[1], [0], [0], [1], [0, 0, 1, 1], [], []>, transpose_lhs_hint = false} : vector<2000x128xf32>, vector<128x128xf32>, vector<2000x128xf32> -> vector<2000x128xf32>
    %add3A = arith.addf %dot_general3A_18, %dot_general3A_31 : vector<2000x128xf32>
    %get3A_32 = arith.constant 0 : index
    %get3A_33 = arith.constant 0 : index
    %get3A_34 = arith.constant 0 : index
    %get3A_35 = vector.load %arg7[%get3A_32, %get3A_33, %get3A_34] : memref<1x1x128xf32, #tpu.memory_space<vmem>>, vector<1x1x128xf32>
    %get3A_36 = vector.shape_cast %get3A_35 : vector<1x1x128xf32> to vector<1x128xf32>
    %add3A_37 = vector.broadcast %get3A_36 : vector<1x128xf32> to vector<2000x128xf32>
    %add3A_38 = arith.addf %add3A, %add3A_37 : vector<2000x128xf32>
    %max3A_39 = arith.constant 0.000000e+00 : f32
    %max3A_40 = vector.broadcast %max3A_39 : f32 to vector<2000x128xf32>
    %max3A_41 = arith.maximumf %add3A_38, %max3A_40 : vector<2000x128xf32>
    %get3A_42 = arith.constant 0 : index
    %get3A_43 = arith.constant 0 : index
    %get3A_44 = arith.constant 0 : index
    %get3A_45 = vector.load %arg8[%get3A_42, %get3A_43, %get3A_44] : memref<1x128x64xf32, #tpu.memory_space<vmem>>, vector<1x128x64xf32>
    %get3A_46 = vector.shape_cast %get3A_45 : vector<1x128x64xf32> to vector<128x64xf32>
    %dot_general3A_47 = arith.constant dense<0.000000e+00> : vector<2000x64xf32>
    %dot_general3A_48 = tpu.matmul %max3A_41, %get3A_46, %dot_general3A_47 {dimension_numbers = #tpu.dot_dimension_numbers<[1], [0], [0], [1], [0, 0, 1, 1], [], []>, transpose_lhs_hint = false} : vector<2000x128xf32>, vector<128x64xf32>, vector<2000x64xf32> -> vector<2000x64xf32>
    %get3A_49 = arith.constant 0 : index
    %get3A_50 = arith.constant 0 : index
    %get3A_51 = arith.constant 0 : index
    %get3A_52 = vector.load %arg9[%get3A_49, %get3A_50, %get3A_51] : memref<1x1x64xf32, #tpu.memory_space<vmem>>, vector<1x1x64xf32>
    %get3A_53 = vector.shape_cast %get3A_52 : vector<1x1x64xf32> to vector<1x64xf32>
    %add3A_54 = vector.broadcast %get3A_53 : vector<1x64xf32> to vector<2000x64xf32>
    %add3A_55 = arith.addf %dot_general3A_48, %add3A_54 : vector<2000x64xf32>
    %mul3A_56 = arith.mulf %add3A_55, %add3A_55 : vector<2000x64xf32>
    %reduce_sum3A = arith.constant dense<0.000000e+00> : vector<2000xf32>
    %reduce_sum3A_57 = vector.multi_reduction <add>, %mul3A_56, %reduce_sum3A [1] : vector<2000x64xf32> to vector<2000xf32>
    %broadcast_in_dim3A = vector.shape_cast %reduce_sum3A_57 : vector<2000xf32> to vector<2000x1xf32>
    %sqrt3A = math.sqrt %broadcast_in_dim3A : vector<2000x1xf32>
    %max3A_58 = arith.constant 9.99999996E-13 : f32
    %max3A_59 = vector.broadcast %max3A_58 : f32 to vector<2000x1xf32>
    %max3A_60 = arith.maximumf %sqrt3A, %max3A_59 : vector<2000x1xf32>
    %div3A_61 = vector.broadcast %max3A_60 : vector<2000x1xf32> to vector<2000x64xf32>
    %div3A_62 = arith.divf %add3A_55, %div3A_61 : vector<2000x64xf32>
    %swap3A = arith.constant 0 : index
    %swap3A_63 = arith.constant 0 : index
    %swap3A_64 = arith.constant 0 : index
    %swap3A_65 = vector.load %arg10[%swap3A, %swap3A_63, %swap3A_64] : memref<1x2000x64xf32, #tpu.memory_space<vmem>>, vector<1x2000x64xf32>
    %swap3A_66 = vector.shape_cast %swap3A_65 : vector<1x2000x64xf32> to vector<2000x64xf32>
    %swap3A_67 = vector.shape_cast %div3A_62 : vector<2000x64xf32> to vector<1x2000x64xf32>
    tpu.vector_store %arg10[%swap3A, %swap3A_63, %swap3A_64], %swap3A_67 {strides = array<i32>} : memref<1x2000x64xf32, #tpu.memory_space<vmem>>, vector<1x2000x64xf32>,
    return
  }
  func.func @transform_0(%arg0: i32, %arg1: i32) -> (i32, i32, i32) {
    %c0_i32 = arith.constant 0 : i32
    %c0_i32_0 = arith.constant 0 : i32
    return %arg0, %arg1, %c0_i32 : i32, i32, i32
  }
  func.func @transform_1(%arg0: i32, %arg1: i32) -> (i32, i32, i32) {
    %c0_i32 = arith.constant 0 : i32
    %c0_i32_0 = arith.constant 0 : i32
    return %arg0, %arg1, %c0_i32 : i32, i32, i32
  }
  func.func @transform_2(%arg0: i32, %arg1: i32) -> (i32, i32, i32) {
    %c0_i32 = arith.constant 0 : i32
    %c0_i32_0 = arith.constant 0 : i32
    return %arg0, %arg1, %c0_i32 : i32, i32, i32
  }
  func.func @transform_3(%arg0: i32, %arg1: i32) -> (i32, i32, i32) {
    %c0_i32 = arith.constant 0 : i32
    %c0_i32_0 = arith.constant 0 : i32
    %c0_i32_1 = arith.constant 0 : i32
    return %arg0, %c0_i32, %c0_i32_0 : i32, i32, i32
  }
  func.func @transform_4(%arg0: i32, %arg1: i32) -> (i32, i32, i32) {
    %c0_i32 = arith.constant 0 : i32
    %c0_i32_0 = arith.constant 0 : i32
    %c0_i32_1 = arith.constant 0 : i32
    return %arg0, %c0_i32, %c0_i32_0 : i32, i32, i32
  }
  func.func @transform_5(%arg0: i32, %arg1: i32) -> (i32, i32, i32) {
    %c0_i32 = arith.constant 0 : i32
    %c0_i32_0 = arith.constant 0 : i32
    %c0_i32_1 = arith.constant 0 : i32
    return %arg0, %c0_i32, %c0_i32_0 : i32, i32, i32
  }
  func.func @transform_6(%arg0: i32, %arg1: i32) -> (i32, i32, i32) {
    %c0_i32 = arith.constant 0 : i32
    %c0_i32_0 = arith.constant 0 : i32
    %c0_i32_1 = arith.constant 0 : i32
    return %arg0, %c0_i32, %c0_i32_0 : i32, i32, i32
  }
  func.func @transform_7(%arg0: i32, %arg1: i32) -> (i32, i32, i32) {
    %c0_i32 = arith.constant 0 : i32
    %c0_i32_0 = arith.constant 0 : i32
    %c0_i32_1 = arith.constant 0 : i32
    return %arg0, %c0_i32, %c0_i32_0 : i32, i32, i32
  }
  func.func @transform_8(%arg0: i32, %arg1: i32) -> (i32, i32, i32) {
    %c0_i32 = arith.constant 0 : i32
    %c0_i32_0 = arith.constant 0 : i32
    return %arg0, %arg1, %c0_i32 : i32, i32, i32
  }
}

module attributes {stable_mosaic.version = 14 : i64} {
  func.func @_sage_body(%arg0: i32, %arg1: i32, %arg2: memref<1x2000x128xf32, #tpu.memory_space<vmem>>, %arg3: memref<1x2000x128xf32, #tpu.memory_space<vmem>>, %arg4: memref<1x2000x128xf32, #tpu.memory_space<vmem>>, %arg5: memref<1x128x128xf32, #tpu.memory_space<vmem>>, %arg6: memref<1x128x128xf32, #tpu.memory_space<vmem>>, %arg7: memref<1x1x128xf32, #tpu.memory_space<vmem>>, %arg8: memref<1x2000x128xf32, #tpu.memory_space<vmem>>) attributes {dimension_semantics = [#tpu.dimension_semantics<arbitrary>, #tpu.dimension_semantics<arbitrary>], iteration_bounds = array<i64: 2, 5>, scalar_prefetch = 0 : i64, scratch_operands = 0 : i64, tpu.core_type = #tpu.core_type<tc>, window_params = [{transform_indices = @transform_0, window_bounds = array<i64: 1, 2000, 128>}, {transform_indices = @transform_1, window_bounds = array<i64: 1, 2000, 128>}, {transform_indices = @transform_2, window_bounds = array<i64: 1, 2000, 128>}, {transform_indices = @transform_3, window_bounds = array<i64: 1, 128, 128>}, {transform_indices = @transform_4, window_bounds = array<i64: 1, 128, 128>}, {transform_indices = @transform_5, window_bounds = array<i64: 1, 1, 128>}, {transform_indices = @transform_6, window_bounds = array<i64: 1, 2000, 128>}]} {
    %get3A = arith.constant 0 : index
    %get3A_0 = arith.constant 0 : index
    %get3A_1 = arith.constant 0 : index
    %get3A_2 = vector.load %arg4[%get3A, %get3A_0, %get3A_1] : memref<1x2000x128xf32, #tpu.memory_space<vmem>>, vector<1x2000x128xf32>
    %get3A_3 = vector.shape_cast %get3A_2 : vector<1x2000x128xf32> to vector<2000x128xf32>
    %slice3A = vector.extract_strided_slice %get3A_3 {offsets = [0, 0], sizes = [2000, 1], strides = [1, 1]} : vector<2000x128xf32> to vector<2000x1xf32>
    %max3A = arith.constant 1.000000e+00 : f32
    %max3A_4 = vector.broadcast %max3A : f32 to vector<2000x1xf32>
    %max3A_5 = arith.maximumf %slice3A, %max3A_4 : vector<2000x1xf32>
    %div3A = arith.constant 1.000000e+00 : f32
    %div3A_6 = vector.broadcast %div3A : f32 to vector<2000x1xf32>
    %div3A_7 = arith.divf %div3A_6, %max3A_5 : vector<2000x1xf32>
    %get3A_8 = arith.constant 0 : index
    %get3A_9 = arith.constant 0 : index
    %get3A_10 = arith.constant 0 : index
    %get3A_11 = vector.load %arg2[%get3A_8, %get3A_9, %get3A_10] : memref<1x2000x128xf32, #tpu.memory_space<vmem>>, vector<1x2000x128xf32>
    %get3A_12 = vector.shape_cast %get3A_11 : vector<1x2000x128xf32> to vector<2000x128xf32>
    %get3A_13 = arith.constant 0 : index
    %get3A_14 = arith.constant 0 : index
    %get3A_15 = arith.constant 0 : index
    %get3A_16 = vector.load %arg5[%get3A_13, %get3A_14, %get3A_15] : memref<1x128x128xf32, #tpu.memory_space<vmem>>, vector<1x128x128xf32>
    %get3A_17 = vector.shape_cast %get3A_16 : vector<1x128x128xf32> to vector<128x128xf32>
    %dot_general3A = arith.constant dense<0.000000e+00> : vector<2000x128xf32>
    %dot_general3A_18 = tpu.matmul %get3A_12, %get3A_17, %dot_general3A {dimension_numbers = #tpu.dot_dimension_numbers<[1], [0], [0], [1], [0, 0, 1, 1], [], []>, transpose_lhs_hint = false} : vector<2000x128xf32>, vector<128x128xf32>, vector<2000x128xf32> -> vector<2000x128xf32>
    %get3A_19 = arith.constant 0 : index
    %get3A_20 = arith.constant 0 : index
    %get3A_21 = arith.constant 0 : index
    %get3A_22 = vector.load %arg3[%get3A_19, %get3A_20, %get3A_21] : memref<1x2000x128xf32, #tpu.memory_space<vmem>>, vector<1x2000x128xf32>
    %get3A_23 = vector.shape_cast %get3A_22 : vector<1x2000x128xf32> to vector<2000x128xf32>
    %mul3A = vector.broadcast %div3A_7 : vector<2000x1xf32> to vector<2000x128xf32>
    %mul3A_24 = arith.mulf %get3A_23, %mul3A : vector<2000x128xf32>
    %get3A_25 = arith.constant 0 : index
    %get3A_26 = arith.constant 0 : index
    %get3A_27 = arith.constant 0 : index
    %get3A_28 = vector.load %arg6[%get3A_25, %get3A_26, %get3A_27] : memref<1x128x128xf32, #tpu.memory_space<vmem>>, vector<1x128x128xf32>
    %get3A_29 = vector.shape_cast %get3A_28 : vector<1x128x128xf32> to vector<128x128xf32>
    %dot_general3A_30 = arith.constant dense<0.000000e+00> : vector<2000x128xf32>
    %dot_general3A_31 = tpu.matmul %mul3A_24, %get3A_29, %dot_general3A_30 {dimension_numbers = #tpu.dot_dimension_numbers<[1], [0], [0], [1], [0, 0, 1, 1], [], []>, transpose_lhs_hint = false} : vector<2000x128xf32>, vector<128x128xf32>, vector<2000x128xf32> -> vector<2000x128xf32>
    %add3A = arith.addf %dot_general3A_18, %dot_general3A_31 : vector<2000x128xf32>
    %get3A_32 = arith.constant 0 : index
    %get3A_33 = arith.constant 0 : index
    %get3A_34 = arith.constant 0 : index
    %get3A_35 = vector.load %arg7[%get3A_32, %get3A_33, %get3A_34] : memref<1x1x128xf32, #tpu.memory_space<vmem>>, vector<1x1x128xf32>
    %get3A_36 = vector.shape_cast %get3A_35 : vector<1x1x128xf32> to vector<1x128xf32>
    %add3A_37 = vector.broadcast %get3A_36 : vector<1x128xf32> to vector<2000x128xf32>
    %add3A_38 = arith.addf %add3A, %add3A_37 : vector<2000x128xf32>
    %max3A_39 = arith.constant 0.000000e+00 : f32
    %max3A_40 = vector.broadcast %max3A_39 : f32 to vector<2000x128xf32>
    %max3A_41 = arith.maximumf %add3A_38, %max3A_40 : vector<2000x128xf32>
    %swap3A = arith.constant 0 : index
    %swap3A_42 = arith.constant 0 : index
    %swap3A_43 = arith.constant 0 : index
    %swap3A_44 = vector.load %arg8[%swap3A, %swap3A_42, %swap3A_43] : memref<1x2000x128xf32, #tpu.memory_space<vmem>>, vector<1x2000x128xf32>
    %swap3A_45 = vector.shape_cast %swap3A_44 : vector<1x2000x128xf32> to vector<2000x128xf32>
    %swap3A_46 = vector.shape_cast %max3A_41 : vector<2000x128xf32> to vector<1x2000x128xf32>
    tpu.vector_store %arg8[%swap3A, %swap3A_42, %swap3A_43], %swap3A_46 {strides = array<i32>} : memref<1x2000x128xf32, #tpu.memory_space<vmem>>, vector<1x2000x128xf32>,
    return
  }
  func.func @transform_0(%arg0: i32, %arg1: i32) -> (i32, i32, i32) {
    %c0_i32 = arith.constant 0 : i32
    %c0_i32_0 = arith.constant 0 : i32
    return %arg0, %arg1, %c0_i32 : i32, i32, i32
  }
  func.func @transform_1(%arg0: i32, %arg1: i32) -> (i32, i32, i32) {
    %c0_i32 = arith.constant 0 : i32
    %c0_i32_0 = arith.constant 0 : i32
    return %arg0, %arg1, %c0_i32 : i32, i32, i32
  }
  func.func @transform_2(%arg0: i32, %arg1: i32) -> (i32, i32, i32) {
    %c0_i32 = arith.constant 0 : i32
    %c0_i32_0 = arith.constant 0 : i32
    return %arg0, %arg1, %c0_i32 : i32, i32, i32
  }
  func.func @transform_3(%arg0: i32, %arg1: i32) -> (i32, i32, i32) {
    %c0_i32 = arith.constant 0 : i32
    %c0_i32_0 = arith.constant 0 : i32
    %c0_i32_1 = arith.constant 0 : i32
    return %arg0, %c0_i32, %c0_i32_0 : i32, i32, i32
  }
  func.func @transform_4(%arg0: i32, %arg1: i32) -> (i32, i32, i32) {
    %c0_i32 = arith.constant 0 : i32
    %c0_i32_0 = arith.constant 0 : i32
    %c0_i32_1 = arith.constant 0 : i32
    return %arg0, %c0_i32, %c0_i32_0 : i32, i32, i32
  }
  func.func @transform_5(%arg0: i32, %arg1: i32) -> (i32, i32, i32) {
    %c0_i32 = arith.constant 0 : i32
    %c0_i32_0 = arith.constant 0 : i32
    %c0_i32_1 = arith.constant 0 : i32
    return %arg0, %c0_i32, %c0_i32_0 : i32, i32, i32
  }
  func.func @transform_6(%arg0: i32, %arg1: i32) -> (i32, i32, i32) {
    %c0_i32 = arith.constant 0 : i32
    %c0_i32_0 = arith.constant 0 : i32
    return %arg0, %arg1, %c0_i32 : i32, i32, i32
  }
}

</mosaic_0001>

<sc_bundles>
// kernel: kernel.11.cloned.1.call-start
scs
__scs_entry_jumppad:
0x0: {  	(pc) =	sbr.rel $0x88, $3  }
0x1: {  	(tag) =	ssettag $0x0;
	lr =	simm.s32 $0x1  }
0x2: {  	[smem:$0x3F85] =	sst lr;
	_ =	strace $0xD0000000  }
0x3: {  	_ = 	snop  }
0x4: {  	_ = 	snop  }
0x5: {  	_ = 	snop  }
0x6: {  	_ = 	snop  }
0x7: {  	_ = 	snop  }
__scs_overlays_trampoline_lowered:
0x8: {  	[smem:$0x3F94] =	sst s0  }
0x9: {  	[smem:$0x3F95] =	sst s1  }
0xa: {  	[smem:$0x3F96] =	sst s2  }
0xb: {  	[smem:$0x3F97] =	sst s3  }
0xc: {  	[smem:$0x3F98] =	sst s4  }
0xd: {  	[smem:$0x3F99] =	sst s5  }
0xe: {  	[smem:$0x3F9A] =	sst s6  }
0xf: {  	[smem:$0x3F9B] =	sst s7  }
0x10: {  	[smem:$0x3F9C] =	sst s8  }
0x11: {  	[smem:$0x3F9D] =	sst s9;
	s0 =	simm.s32 @!p0 $0x0  }
0x12: {  	s1 =	sld [smem:$0x3F83];
	s0 =	simm.s32 @p0 $0x1  }
0x13: {  	[smem:$0x3F9E] =	sst s0;
	s0 =	simm.s32 @!p1 $0x0  }
0x14: {  	s2 =	sld [smem:$0x3F82];
	s0 =	simm.s32 @p1 $0x1  }
0x15: {  	[smem:$0x3F9F] =	sst s0;
	s0 =	simm.s32 @!p2 $0x0  }
0x16: {  	s3 =	sld [smem:$0x3FDB];
	s0 =	simm.s32 @p2 $0x1  }
0x17: {  	s4 =	simm.s32 $0x1BF5;
	[smem:$0x3FA1] =	sst s0  }
0x18: {  	s0 =	sld [smem:$0x3F84];
	_ =	swait.ge [sflag:s4], $0x0  }
0x19: {  	s7 =	sld [smem:$0x3F85]  }
0x1a: {  	s8 =	sadd.s32 $0xFFFFE003, lr  }
0x1b: {  	s9 =	sadd.s32 $0xFFFFFEF7, lr;
	s5 =	simm.s32 $0xFFFFFFFF;
	p2 =	slt.u32 s8, $0xFFFFF086  }
0x1c: {  	p1 =	slt.u32 s9, $0xF7A;
	s5 =	simm.s32 @!p2 $0x0  }
0x1d: {  	s5 =	simm.s32 @p1 $0x1;
	p0 =	seq.s32 s7, s2  }
0x1e: {  	s7 =	smul.u32 @!p0 $0xF7A, s2;
	p2 =	seq.s32 @!p0 s5, $0x0  }
0x1f: {  	s9 =	smul.u32 $0xF7A, s1;
	s8 =	simm.s32 @!p0 $0x1BF5;
	p2 =	por !p2, p0  }
0x20: {  	[sflag:s8] =	ssyncset.s32 @!p0 $0xFFFFF086;
	s6 =	sadd.s32 @!p0 s3, s7;
	s7 =	simm.s32 @!p0 $0x108  }
0x21: {  	s3 =	sadd.s32 s3, s9;
	s6 =	sadd.s32 @!p0 $0x88, s6;
	s7 =	simm.s32 @p2 $0x1082  }
0x22: {  	[simem:s7], [sflag:s8] =	dma.local @!p0 [hbm:s6], $0xF7A  }
0x23: {  	s9 =	sor.u32 $0xD0000000, s2;
	s6 =	simm.s32 $0x108;
	_ =	swait.ge @!p0 [sflag:s8], $0x0  }
0x24: {  	s3 =	sadd.s32 $0x88, s3;
	s6 =	simm.s32 @!p1 $0x1082;
	[sflag:s4] =	ssyncset.s32 $0xFFFFF086  }
0x25: {  	[simem:s6], [sflag:s4] =	dma.local [hbm:s3], $0xF7A  }
0x26: {  	[smem:$0x3F85] =	sst s1;
	(tag) =	ssettag s2;
	_ =	strace s9  }
0x27: {  	s1 =	sld [smem:$0x3F95]  }
0x28: {  	s2 =	sld [smem:$0x3F96]  }
0x29: {  	s4 =	sld [smem:$0x3F98]  }
0x2a: {  	p0 =	seq.s32 s5, $0x0;
	s5 =	sld [smem:$0x3F99]  }
0x2b: {  	s6 =	sld [smem:$0x3F9A]  }
0x2c: {  	s7 =	sld [smem:$0x3F9B]  }
0x2d: {  	s3 =	simm.s32 $0x108;
	s8 =	sld [smem:$0x3F9C]  }
0x2e: {  	s3 =	simm.s32 @!p0 $0x1082;
	s9 =	sld [smem:$0x3F9D]  }
0x2f: {  	lr =	sadd.s32 s0, s3;
	s0 =	sld [smem:$0x3F94]  }
0x30: {  	s3 =	sld [smem:$0x3F97]  }
0x31: {  	[smem:$0x3FA0] =	sst s10  }
0x32: {  	s10 =	sld [smem:$0x3F9E];
	_ =	sdelay $0x3  }
0x33: {  	p0 =	seq.s32 s10, $0x1;
	s10 =	sld [smem:$0x3FA0];
	_ =	sdelay $0x3  }
0x34: {  	[smem:$0x3FA0] =	sst s10  }
0x35: {  	s10 =	sld [smem:$0x3F9F];
	_ =	sdelay $0x3  }
0x36: {  	p1 =	seq.s32 s10, $0x1;
	s10 =	sld [smem:$0x3FA0];
	_ =	sdelay $0x3  }
0x37: {  	[smem:$0x3FA0] =	sst s10  }
0x38: {  	s10 =	sld [smem:$0x3FA1]  }
0x39: {  	_ = 	snop;
	(pc) =	sbr.ind lr, $3  }
0x3a: {  	_ = 	snop  }
0x3b: {  	_ = 	snop  }
0x3c: {  	p2 =	seq.s32 s10, $0x1;
	s10 =	sld [smem:$0x3FA0]  }
0x3d: {  	_ =	shalt  }
0x3e: {  	_ =	shalt  }
0x3f: {  	_ =	shalt  }
0x40: {  	_ =	shalt  }
0x41: {  	_ =	shalt  }
0x42: {  	_ =	shalt  }
0x43: {  	_ =	shalt  }
0x44: {  	_ =	shalt  }
0x45: {  	_ =	shalt  }
0x46: {  	_ =	shalt  }
0x47: {  	_ =	shalt  }
0x48: {  	_ =	shalt  }
0x49: {  	_ =	shalt  }
0x4a: {  	_ =	shalt  }
0x4b: {  	_ =	shalt  }
0x4c: {  	_ =	shalt  }
0x4d: {  	_ =	shalt  }
0x4e: {  	_ =	shalt  }
0x4f: {  	_ =	shalt  }
0x50: {  	_ =	shalt  }
0x51: {  	_ =	shalt  }
0x52: {  	_ =	shalt  }
0x53: {  	_ =	shalt  }
0x54: {  	_ =	shalt  }
0x55: {  	_ =	shalt  }
0x56: {  	_ =	shalt  }
0x57: {  	_ =	shalt  }
0x58: {  	_ =	shalt  }
0x59: {  	_ =	shalt  }
0x5a: {  	_ =	shalt  }
0x5b: {  	_ =	shalt  }
0x5c: {  	_ =	shalt  }
0x5d: {  	_ =	shalt  }
0x5e: {  	_ =	shalt  }
0x5f: {  	_ =	shalt  }
0x60: {  	_ =	shalt  }
0x61: {  	_ =	shalt  }
0x62: {  	_ =	shalt  }
0x63: {  	_ =	shalt  }
0x64: {  	_ =	shalt  }
0x65: {  	_ =	shalt  }
0x66: {  	_ =	shalt  }
0x67: {  	_ =	shalt  }
0x68: {  	_ =	shalt  }
0x69: {  	_ =	shalt  }
0x6a: {  	_ =	shalt  }
0x6b: {  	_ =	shalt  }
0x6c: {  	_ =	shalt  }
0x6d: {  	_ =	shalt  }
0x6e: {  	_ =	shalt  }
0x6f: {  	_ =	shalt  }
0x70: {  	_ =	shalt  }
0x71: {  	_ =	shalt  }
0x72: {  	_ =	shalt  }
0x73: {  	_ =	shalt  }
0x74: {  	_ =	shalt  }
0x75: {  	_ =	shalt  }
0x76: {  	_ =	shalt  }
0x77: {  	_ =	shalt  }
0x78: {  	_ =	shalt  }
0x79: {  	_ =	shalt  }
0x7a: {  	_ =	shalt  }
0x7b: {  	_ =	shalt  }
0x7c: {  	_ =	shalt  }
0x7d: {  	_ =	shalt  }
0x7e: {  	_ =	shalt  }
0x7f: {  	_ =	shalt  }
0x80: {  	_ =	shalt  }
0x81: {  	_ =	shalt  }
0x82: {  	_ =	shalt  }
0x83: {  	_ =	shalt  }
0x84: {  	_ =	shalt  }
0x85: {  	_ =	shalt  }
0x86: {  	_ =	shalt  }
0x87: {  	_ =	shalt  }
.Lfunc_end0:
.L_simem_size_0:
called_computation.1_lowered:
.L_overlay_start_0:
0x88: {  	s2 =	sld [smem:$0x3FD9]  }
0x89: {  	s3 =	sld [smem:$0x3FFE];
	_ =	sdelay $0x1  }
0x8a: {  	s1 =	srdreg.scid  }
0x8b: {  	s0 =	sand.u32 $0x1, s1  }
0x8c: {  	s15 =	sshll.u32 s0, $0xA;
	s2 =	sadd.s32 s3, s2  }
0x8d: {  	s2 =	sadd.s32 s2, s15  }
0x8e: {  	[smem:$0x3FAC] =	sst s2  }
0x8f: {  	_ = 	snop  }
0x90: {  	s2 =	sld [smem:$0x3FD0];
	_ =	sdelay $0x2  }
0x91: {  	s16 =	simm.s32 $0xB;
	s4 =	simm.s32 $0x10  }
0x92: {  	[smem:s4], [sflag:s16] =	dma.local [hbm:s2], $0x1  }
0x93: {  	_ =	swait.eq [sflag:s16], $0x1  }
0x94: {  	[sflag:s16] =	ssyncset.done $0x0  }
0x95: {  	[sflag:s16] =	ssyncadd.s32 $0xFFFFFFFF  }
0x96: {  	s17 =	sld [smem:$0x11];
	(tm) =	ssettm $0x1  }
0x97: {  	s18 =	sld [smem:$0x3FFB];
	_ =	sdelay $0x3  }
0x98: {  	_ =	strace s18  }
0x99: {  	s2 =	sld [smem:$0x3FFC];
	_ =	sdelay $0x3  }
0x9a: {  	_ =	strace s2  }
0x9b: {  	s2 =	sld [smem:$0x3FFD];
	_ =	sdelay $0x3  }
0x9c: {  	_ =	strace s2  }
0x9d: {  	_ =	strace $0x8FFFFFFF  }
0x9e: {  	s19 =	sld [smem:$0x3FDB];
	_ =	sdelay $0x1  }
0x9f: {  	s20 =	simm.s32 $_scs_section_size  }
0xa0: {  	s5 =	simm.s32 $_size__tile_overlayer_lowered;
	s6 =	simm.s32 $_tile_overlayer_lowered  }
0xa1: {  	s7 =	simm.s32 $0x1BFF;
	s21 =	sshll.u32 s6, $0x1;
	s4 =	sadd.s32 s20, s19  }
0xa2: {  	s22 =	simm.s32 $0x0;
	s5 =	sshll.u32 s5, $0x1;
	s6 =	sadd.s32 s21, s4  }
0xa3: {  	[timem:s22], [sflag:s7] =	dma.local [hbm:s6], s5  }
0xa4: {  	_ =	swait.ge [sflag:s7], s5  }
0xa5: {  	s5 =	ssub.s32 $0x0, s5;
	[sflag:s7] =	ssyncset.done $0x0  }
0xa6: {  	[sflag:s7] =	ssyncadd.s32 s5;
	_ =	sdelay $0x1  }
0xa7: {  	s23 =	simm.s32 $0x1B8B  }
0xa8: {  	_ =	swait.ge [sflag:s23], $0x1  }
0xa9: {  	[sflag:s23] =	ssyncset.done $0x0  }
0xaa: {  	[sflag:s23] =	ssyncadd.s32 $0xFFFFFFFF  }
0xab: {  	s5 =	sld [smem:$0x0]  }
0xac: {  	s6 =	sand.u32 $0xFFFFFFFE, s1  }
0xad: {  	p0 =	sne.s32 s1, s6  }
0xae: {  	s6 =	sshll.u32 @p0 s6, $0xE  }
0xaf: {  	s6 =	sadd.s32 @p0 $0x11B8D, s6;
	s7 =	sshll.u32 @p0 s5, $0x11  }
0xb0: {  	s6 =	sor.u32 @p0 s7, s6  }
0xb1: {  	[sflag:s6] =	ssyncadd.remote.s32 @p0 $0x1;
	_ =	sdelay $0x1  }
0xb2: {  	s6 =	simm.s32 @p0 $0x1B8D  }
0xb3: {  	_ =	swait.eq @p0 [sflag:s6], $0x1  }
0xb4: {  	[sflag:s6] =	ssyncadd.s32 @p0 $0xFFFFFFFF  }
0xb5: {  	s7 =	sshll.u32 @!p0 s1, $0xE  }
0xb6: {  	s7 =	sor.u32 @!p0 $0x4000, s7;
	s6 =	simm.s32 @!p0 $0x1B8D  }
0xb7: {  	s5 =	sshll.u32 @!p0 s5, $0x11;
	s7 =	sadd.s32 @!p0 $0x11B8D, s7;
	_ =	swait.eq @!p0 [sflag:s6], $0x1  }
0xb8: {  	s5 =	sor.u32 @!p0 s5, s7;
	[sflag:s6] =	ssyncadd.s32 @!p0 $0xFFFFFFFF  }
0xb9: {  	s25 =	simm.s32 $0x1B8E;
	s24 =	sld [smem:$0x3FFE];
	[sflag:s5] =	ssyncadd.remote.s32 @!p0 $0x1  }
0xba: {  	s26 =	simm.s32 $execute0_lowered;
	[smem:$0x3FD2] =	sst s25  }
0xbb: {  	s6 =	sshll.u32 s26, $0x1;
	_ =	strace $0x80000049;
	[dreg:$0x1] =	wrdreg $0xFFFFFFFF  }
0xbc: {  	s28 =	simm.s32 $_size_execute0_lowered;
	s4 =	sadd.s32 s4, s6;
	[dreg:$0x0] =	wrdreg $0x0  }
0xbd: {  	s6 =	sshll.u32 s28, $0x1;
	[dreg:$0x2] =	wrdreg s4  }
0xbe: {  	[dreg:$0x3] =	wrdreg s6  }
0xbf: {  	[dreg:$0x4] =	wrdreg $0xC0  }
0xc0: {  	_ =	task [dreg:s22], $0x5FFFF  }
0xc1: {  	[dreg:$0x1] =	wrdreg $0xFFFFFFFF  }
0xc2: {  	[dreg:$0x0] =	wrdreg $0x60  }
0xc3: {  	[dreg:$0x2] =	wrdreg s24  }
0xc4: {  	[dreg:$0x3] =	wrdreg s17  }
0xc5: {  	[dreg:$0x4] =	wrdreg $0x48000  }
0xc6: {  	[dreg:$0x5] =	wrdreg $0xA  }
0xc7: {  	_ =	task.clear_ibuf [dreg:s22], $0x6FFFF;
	_ =	strace $0x90000049  }
0xc8: {  	s29 =	simm.s32 $0xA;
	_ =	strace $0x8000004B  }
0xc9: {  	_ =	swait.ge [sflag:s29], $0x1  }
0xca: {  	[sflag:s29] =	ssyncadd.s32 $0xFFFFFFFF  }
0xcb: {  	_ =	strace $0x9000004B  }
0xcc: {  	_ =	sfence  }
0xcd: {  	s30 =	sld [smem:$0x0];
	_ =	sdelay $0x2  }
0xce: {  	s31 =	sshll.u32 s1, $0xD;
	s1 =	sshrl.u32 s1, $0x2  }
0xcf: {  	s4 =	sand.u32 $0x4000, s31;
	s1 =	sadd.s32 s1, s30  }
0xd0: {  	s0 =	sor.u32 s4, s0;
	s1 =	sshll.u32 s1, $0x11  }
0xd1: {  	s0 =	sor.u32 s1, s0  }
0xd2: {  	s0 =	sadd.s32 $0x8F2B, s0  }
0xd3: {  	[sflag:s0] =	ssyncadd.remote.s32 $0x1  }
0xd4: {  	_ =	sfence.sel $0xFFFF  }
0xd5: {  	[dreg:$0x0] =	wrdreg $0xFFFFFFFF;
	(pc) =	sbr.abs _section_cstart, $3  }
0xd6: {  	[dreg:$0x1] =	wrdreg $0xFFFFFFFF  }
0xd7: {  	_ =	task.clear_ibuf [dreg:s22], $0x2FFFF;
	_ =	strace $0x9FFFFFFF  }
0xd8: {  	(tm) =	ssettm $0x7FFFFFFF  }
0xd9: {  	_ =	shalt  }
tec
execute0_lowered:
.L_overlay_start_1:
0x0: {  	(tag) =	ssettag $0x1  }
0x1: {  	s0 =	rddreg [dreg:$0x0]  }
0x2: {  	s1 =	rddreg [dreg:$0x1]  }
0x3: {  	s2 =	rddreg [dreg:$0x2];
	s3 =	simm.s32 $0x0;
	s6 =	stileid.u32  }
0x4: {  	s5 =	srdreg.scid;
	s14 =	simm.s32 $0x2;
	s15 =	simm.s32 $0x800  }
0x5: {  	s16 =	simm.s32 $0x80;
	s17 =	simm.s32 $0x100;
	s18 =	simm.s32 $0x180  }
0x6: {  	s19 =	simm.s32 $0x200;
	s20 =	simm.s32 $0x280;
	s28 =	simm.s32 $0x600  }
0x7: {  	s29 =	simm.s32 $0x680;
	s30 =	simm.s32 $0x700;
	s4 =	smul.u32 $0xA00, s6  }
0x8: {  	s31 =	simm.s32 $0x780;
	[smem:$0x7FF] =	sst s3;
	s7 =	smul.u32 $0x2780, s6  }
0x9: {  	s5 =	sand.u32 $0x1, s5;
	s10 =	smul.u32 $0x4F000, s6;
	s11 =	sadd.s32 $0xDDC00, s0  }
0xa: {  	s12 =	smul.u32 $0x13C00, s6;
	s26 =	sshll.u32 s6, $0x6;
	_ =	strace $0x8000004A  }
0xb: {  	s9 =	ssub.s32 $0x2, s5;
	[dreg:$0x5] =	wrdreg s11;
	p0 =	seq.s32 s5, $0x1  }
0xc: {  	s8 =	sadd.s32 s4, s0;
	[dreg:$0x4] =	wrdreg s7;
	s7 =	sadd.s32 s7, s0  }
0xd: {  	s21 =	sshrl.u32 s9, $0x1;
	s0 =	sadd.s32 $0xDE400, s0;
	s23 =	sshrl.u32 s10, $0x2  }
0xe: {  	s25 =	sshrl.u32 s12, $0x3;
	s10 =	sor.u32 $0x1C02, s26;
	s12 =	sadd.s32 s4, s1  }
0xf: {  	s26 =	simm.s32 $0x580;
	s1 =	simm.s32 $0x0;
	[dreg:$0x6] =	wrdreg s0  }
.Ltmp0:
0x10: {  	s22 =	ssub.s32 s9, s21;
	s24 =	sadd.s32 s23, s2;
	(pc) =	sbr.rel .LBB2_1-.Ltmp0, $4  }
0x11: {  	s7 =	sadd.s32 $0x67400, s7;
	s9 =	sadd.s32 $0x27800, s25;
	s11 =	sadd.s32 $0x5D400, s8  }
0x12: {  	s21 =	simm.s32 $0x300;
	s23 =	simm.s32 $0x400;
	s25 =	simm.s32 $0x500  }
0x13: {  	s0 =	simm.s32 $0x1;
	[dreg:$0x7] =	wrdreg s9;
	s9 =	smax.u32 s22, $0x1  }
0x14: {  	s13 =	sshrl.u32 s24, $0x3;
	s22 =	simm.s32 $0x380;
	s24 =	simm.s32 $0x480  }
.LBB2_7:
0x15: {  	s4 =	sadd.s32 s8, s12;
	[sflag:s0] =	ssyncadd.s32 $0xFFFFC000  }
0x16: {  	[tilespmem:s3], [sflag:$0x2] =	stream.linear.gather [hbm4b:s4+s3], $0x800, $0x38;
	[tilespmem:$0x18400] =	vst v63  }
0x17: {  	_ =	swait.ge [sflag:s14], $0x800  }
0x18: {  	[sflag:s14] =	ssyncset.done $0x0  }
0x19: {  	[sflag:s14] =	ssyncadd.s32 $0xFFFFF800  }
0x1a: {  	[spmem:s2] =	stream.indirect.scatter.add.f32 [tilespmem:s15], [sflag:$0x1], $0x80, s3, s16, $0xb8;
	[tilespmem:$0x18400] =	vst v63  }
0x1b: {  	_ = 	snop  }
0x1c: {  	[spmem:s2] =	stream.indirect.scatter.add.f32 [tilespmem:s15], [sflag:$0x1], $0x80, s16, s16, $0xb8;
	[tilespmem:$0x18400] =	vst v63  }
0x1d: {  	_ = 	snop  }
0x1e: {  	[spmem:s2] =	stream.indirect.scatter.add.f32 [tilespmem:s15], [sflag:$0x1], $0x80, s17, s16, $0xb8;
	[tilespmem:$0x18400] =	vst v63  }
0x1f: {  	_ = 	snop  }
0x20: {  	[spmem:s2] =	stream.indirect.scatter.add.f32 [tilespmem:s15], [sflag:$0x1], $0x80, s18, s16, $0xb8;
	[tilespmem:$0x18400] =	vst v63  }
0x21: {  	_ = 	snop  }
0x22: {  	[spmem:s2] =	stream.indirect.scatter.add.f32 [tilespmem:s15], [sflag:$0x1], $0x80, s19, s16, $0xb8;
	[tilespmem:$0x18400] =	vst v63  }
0x23: {  	_ = 	snop  }
0x24: {  	[spmem:s2] =	stream.indirect.scatter.add.f32 [tilespmem:s15], [sflag:$0x1], $0x80, s20, s16, $0xb8;
	[tilespmem:$0x18400] =	vst v63  }
0x25: {  	_ = 	snop  }
0x26: {  	[spmem:s2] =	stream.indirect.scatter.add.f32 [tilespmem:s15], [sflag:$0x1], $0x80, s21, s16, $0xb8;
	[tilespmem:$0x18400] =	vst v63  }
0x27: {  	_ = 	snop  }
0x28: {  	[spmem:s2] =	stream.indirect.scatter.add.f32 [tilespmem:s15], [sflag:$0x1], $0x80, s22, s16, $0xb8;
	[tilespmem:$0x18400] =	vst v63  }
0x29: {  	_ = 	snop  }
0x2a: {  	[spmem:s2] =	stream.indirect.scatter.add.f32 [tilespmem:s15], [sflag:$0x1], $0x80, s23, s16, $0xb8;
	[tilespmem:$0x18400] =	vst v63  }
0x2b: {  	_ = 	snop  }
0x2c: {  	[spmem:s2] =	stream.indirect.scatter.add.f32 [tilespmem:s15], [sflag:$0x1], $0x80, s24, s16, $0xb8;
	[tilespmem:$0x18400] =	vst v63  }
0x2d: {  	_ = 	snop  }
0x2e: {  	[spmem:s2] =	stream.indirect.scatter.add.f32 [tilespmem:s15], [sflag:$0x1], $0x80, s25, s16, $0xb8;
	[tilespmem:$0x18400] =	vst v63  }
0x2f: {  	_ = 	snop  }
0x30: {  	[spmem:s2] =	stream.indirect.scatter.add.f32 [tilespmem:s15], [sflag:$0x1], $0x80, s26, s16, $0xb8;
	[tilespmem:$0x18400] =	vst v63  }
0x31: {  	_ = 	snop  }
0x32: {  	[spmem:s2] =	stream.indirect.scatter.add.f32 [tilespmem:s15], [sflag:$0x1], $0x80, s28, s16, $0xb8;
	[tilespmem:$0x18400] =	vst v63  }
0x33: {  	_ = 	snop  }
0x34: {  	[spmem:s2] =	stream.indirect.scatter.add.f32 [tilespmem:s15], [sflag:$0x1], $0x80, s29, s16, $0xb8;
	[tilespmem:$0x18400] =	vst v63  }
0x35: {  	_ = 	snop  }
0x36: {  	[spmem:s2] =	stream.indirect.scatter.add.f32 [tilespmem:s15], [sflag:$0x1], $0x80, s30, s16, $0xb8;
	[tilespmem:$0x18400] =	vst v63  }
0x37: {  	_ = 	snop  }
0x38: {  	[spmem:s2] =	stream.indirect.scatter.add.f32 [tilespmem:s15], [sflag:$0x1], $0x80, s31, s16, $0xb8;
	[tilespmem:$0x18400] =	vst v63  }
0x39: {  	_ =	swait.ge [sflag:s0], $0x4000  }
0x3a: {  	[sflag:s0] =	ssyncset.done $0x0  }
0x3b: {  	[sflag:s0] =	ssyncadd.s32 $0xFFFFC000  }
0x3c: {  	_ =	swait.ge [sflag:s0], $0x4000  }
0x3d: {  	[sflag:s0] =	ssyncset.done $0x0  }
0x3e: {  	[sflag:s0] =	ssyncadd.s32 $0xFFFFC000  }
0x3f: {  	_ =	swait.ge [sflag:s0], $0x4000  }
0x40: {  	[sflag:s0] =	ssyncset.done $0x0  }
0x41: {  	[sflag:s0] =	ssyncadd.s32 $0xFFFFC000  }
0x42: {  	_ =	swait.ge [sflag:s0], $0x4000  }
0x43: {  	[sflag:s0] =	ssyncset.done $0x0  }
0x44: {  	[sflag:s0] =	ssyncadd.s32 $0xFFFFC000  }
0x45: {  	_ =	swait.ge [sflag:s0], $0x4000  }
0x46: {  	[sflag:s0] =	ssyncset.done $0x0  }
0x47: {  	[sflag:s0] =	ssyncadd.s32 $0xFFFFC000  }
0x48: {  	_ =	swait.ge [sflag:s0], $0x4000  }
0x49: {  	[sflag:s0] =	ssyncset.done $0x0  }
0x4a: {  	[sflag:s0] =	ssyncadd.s32 $0xFFFFC000  }
0x4b: {  	_ =	swait.ge [sflag:s0], $0x4000  }
0x4c: {  	[sflag:s0] =	ssyncset.done $0x0  }
0x4d: {  	[sflag:s0] =	ssyncadd.s32 $0xFFFFC000  }
0x4e: {  	_ =	swait.ge [sflag:s0], $0x4000  }
0x4f: {  	[sflag:s0] =	ssyncset.done $0x0  }
0x50: {  	[sflag:s0] =	ssyncadd.s32 $0xFFFFC000  }
0x51: {  	_ =	swait.ge [sflag:s0], $0x4000  }
0x52: {  	[sflag:s0] =	ssyncset.done $0x0  }
0x53: {  	[sflag:s0] =	ssyncadd.s32 $0xFFFFC000  }
0x54: {  	_ =	swait.ge [sflag:s0], $0x4000  }
0x55: {  	[sflag:s0] =	ssyncset.done $0x0  }
0x56: {  	[sflag:s0] =	ssyncadd.s32 $0xFFFFC000  }
0x57: {  	_ =	swait.ge [sflag:s0], $0x4000  }
0x58: {  	[sflag:s0] =	ssyncset.done $0x0  }
0x59: {  	[sflag:s0] =	ssyncadd.s32 $0xFFFFC000  }
0x5a: {  	_ =	swait.ge [sflag:s0], $0x4000  }
0x5b: {  	[sflag:s0] =	ssyncset.done $0x0  }
0x5c: {  	[sflag:s0] =	ssyncadd.s32 $0xFFFFC000  }
0x5d: {  	_ =	swait.ge [sflag:s0], $0x4000  }
0x5e: {  	[sflag:s0] =	ssyncset.done $0x0  }
0x5f: {  	[sflag:s0] =	ssyncadd.s32 $0xFFFFC000  }
0x60: {  	_ =	swait.ge [sflag:s0], $0x4000  }
0x61: {  	[sflag:s0] =	ssyncset.done $0x0  }
0x62: {  	[sflag:s0] =	ssyncadd.s32 $0xFFFFC000  }
0x63: {  	_ =	swait.ge [sflag:s0], $0x4000  }
0x64: {  	[sflag:s0] =	ssyncset.done $0x0  }
0x65: {  	[sflag:s0] =	ssyncadd.s32 $0xFFFFC000  }
0x66: {  	_ =	swait.ge [sflag:s0], $0x4000  }
0x67: {  	[sflag:s0] =	ssyncset.done $0x0  }
0x68: {  	s4 =	rddreg [dreg:$0x7];
	[sflag:s0] =	ssyncadd.s32 $0xFFFFC000  }
.LBB2_8:
0x69: {  	s1 =	sadd.s32 $0x1, s1  }
0x6a: {  	s5 =	rddreg [dreg:$0x6];
	p1 =	sne.s32 s1, s9  }
.Ltmp1:
0x6b: {  	[bflag:$0x0] =	sbarrier.arrive $0xFFFF;
	s4 =	sadd.s32 s5, s4;
	(pc) =	sbr.rel @!p1 .LBB2_9-.Ltmp1, $4  }
0x6c: {  	[hbm:s4], [sflag:s10] =	dma.local [spmem:s13], $0x2780  }
0x6d: {  	_ =	swait.ge [sflag:s14], $0x2780  }
0x6e: {  	[sflag:s14] =	ssyncset.done $0x0  }
0x6f: {  	[sflag:s14] =	ssyncadd.s32 $0xFFFFD880  }
.LBB2_1:
0x70: {  	[spmem:s13], [sflag:s10] =	dma.local [hbm:s7], $0x2780  }
0x71: {  	_ =	swait.ge [sflag:s14], $0x2780  }
0x72: {  	[sflag:s14] =	ssyncset.done $0x0  }
0x73: {  	s4 =	rddreg [dreg:$0x5];
	[sflag:s14] =	ssyncadd.s32 $0xFFFFD880  }
0x74: {  	[tilespmem:s15], [sflag:$0x2] =	stream.linear.gather [hbm4b:s4+s3], $0x4000, $0x38;
	[tilespmem:$0x18400] =	vst v63  }
.Ltmp2:
0x75: {  	_ =	swait.ge [sflag:s14], $0x4000;
	(pc) =	sbr.rel @!p0 .LBB2_2-.Ltmp2, $3  }
0x76: {  	[sflag:s14] =	ssyncset.done $0x0  }
0x77: {  	[sflag:s14] =	ssyncadd.s32 $0xFFFFC000  }
0x78: {  	[bflag:$0x0] =	sbarrier.arrive $0xFFFF;
	_ =	sdelay $0x1  }
0x79: {  	s4 =	sadd.s32 $0x0, s12  }
0x7a: {  	[tilespmem:s3], [sflag:$0x2] =	stream.linear.gather [hbm4b:s4+s3], $0x800, $0x38;
	[tilespmem:$0x18400] =	vst v63  }
0x7b: {  	_ =	swait.ge [sflag:s14], $0x800  }
0x7c: {  	[sflag:s14] =	ssyncset.done $0x0  }
0x7d: {  	[sflag:s14] =	ssyncadd.s32 $0xFFFFF800  }
0x7e: {  	[spmem:s2] =	stream.indirect.scatter.add.f32 [tilespmem:s15], [sflag:$0x1], $0x80, s3, s16, $0xb8;
	[tilespmem:$0x18400] =	vst v63  }
0x7f: {  	_ = 	snop  }
0x80: {  	[spmem:s2] =	stream.indirect.scatter.add.f32 [tilespmem:s15], [sflag:$0x1], $0x80, s16, s16, $0xb8;
	[tilespmem:$0x18400] =	vst v63  }
0x81: {  	_ = 	snop  }
0x82: {  	[spmem:s2] =	stream.indirect.scatter.add.f32 [tilespmem:s15], [sflag:$0x1], $0x80, s17, s16, $0xb8;
	[tilespmem:$0x18400] =	vst v63  }
0x83: {  	_ = 	snop  }
0x84: {  	[spmem:s2] =	stream.indirect.scatter.add.f32 [tilespmem:s15], [sflag:$0x1], $0x80, s18, s16, $0xb8;
	[tilespmem:$0x18400] =	vst v63  }
0x85: {  	_ = 	snop  }
0x86: {  	[spmem:s2] =	stream.indirect.scatter.add.f32 [tilespmem:s15], [sflag:$0x1], $0x80, s19, s16, $0xb8;
	[tilespmem:$0x18400] =	vst v63  }
0x87: {  	_ = 	snop  }
0x88: {  	[spmem:s2] =	stream.indirect.scatter.add.f32 [tilespmem:s15], [sflag:$0x1], $0x80, s20, s16, $0xb8;
	[tilespmem:$0x18400] =	vst v63  }
0x89: {  	_ = 	snop  }
0x8a: {  	[spmem:s2] =	stream.indirect.scatter.add.f32 [tilespmem:s15], [sflag:$0x1], $0x80, s21, s16, $0xb8;
	[tilespmem:$0x18400] =	vst v63  }
0x8b: {  	_ = 	snop  }
0x8c: {  	[spmem:s2] =	stream.indirect.scatter.add.f32 [tilespmem:s15], [sflag:$0x1], $0x80, s22, s16, $0xb8;
	[tilespmem:$0x18400] =	vst v63  }
0x8d: {  	_ = 	snop  }
0x8e: {  	[spmem:s2] =	stream.indirect.scatter.add.f32 [tilespmem:s15], [sflag:$0x1], $0x80, s23, s16, $0xb8;
	[tilespmem:$0x18400] =	vst v63  }
0x8f: {  	_ = 	snop  }
0x90: {  	[spmem:s2] =	stream.indirect.scatter.add.f32 [tilespmem:s15], [sflag:$0x1], $0x80, s24, s16, $0xb8;
	[tilespmem:$0x18400] =	vst v63  }
0x91: {  	_ = 	snop  }
0x92: {  	[spmem:s2] =	stream.indirect.scatter.add.f32 [tilespmem:s15], [sflag:$0x1], $0x80, s25, s16, $0xb8;
	[tilespmem:$0x18400] =	vst v63  }
0x93: {  	_ = 	snop  }
0x94: {  	[spmem:s2] =	stream.indirect.scatter.add.f32 [tilespmem:s15], [sflag:$0x1], $0x80, s26, s16, $0xb8;
	[tilespmem:$0x18400] =	vst v63  }
0x95: {  	_ = 	snop  }
0x96: {  	[spmem:s2] =	stream.indirect.scatter.add.f32 [tilespmem:s15], [sflag:$0x1], $0x80, s28, s16, $0xb8;
	[tilespmem:$0x18400] =	vst v63  }
0x97: {  	_ = 	snop  }
0x98: {  	[spmem:s2] =	stream.indirect.scatter.add.f32 [tilespmem:s15], [sflag:$0x1], $0x80, s29, s16, $0xb8;
	[tilespmem:$0x18400] =	vst v63  }
0x99: {  	_ = 	snop  }
0x9a: {  	[spmem:s2] =	stream.indirect.scatter.add.f32 [tilespmem:s15], [sflag:$0x1], $0x80, s30, s16, $0xb8;
	[tilespmem:$0x18400] =	vst v63  }
0x9b: {  	_ = 	snop  }
0x9c: {  	[spmem:s2] =	stream.indirect.scatter.add.f32 [tilespmem:s15], [sflag:$0x1], $0x80, s31, s16, $0xb8;
	[tilespmem:$0x18400] =	vst v63  }
0x9d: {  	_ =	swait.ge [sflag:s0], $0x4000  }
0x9e: {  	[sflag:s0] =	ssyncset.done $0x0  }
0x9f: {  	[sflag:s0] =	ssyncadd.s32 $0xFFFFC000  }
0xa0: {  	_ =	swait.ge [sflag:s0], $0x4000  }
0xa1: {  	[sflag:s0] =	ssyncset.done $0x0  }
0xa2: {  	[sflag:s0] =	ssyncadd.s32 $0xFFFFC000  }
0xa3: {  	_ =	swait.ge [sflag:s0], $0x4000  }
0xa4: {  	[sflag:s0] =	ssyncset.done $0x0  }
0xa5: {  	[sflag:s0] =	ssyncadd.s32 $0xFFFFC000  }
0xa6: {  	_ =	swait.ge [sflag:s0], $0x4000  }
0xa7: {  	[sflag:s0] =	ssyncset.done $0x0  }
0xa8: {  	[sflag:s0] =	ssyncadd.s32 $0xFFFFC000  }
0xa9: {  	_ =	swait.ge [sflag:s0], $0x4000  }
0xaa: {  	[sflag:s0] =	ssyncset.done $0x0  }
0xab: {  	[sflag:s0] =	ssyncadd.s32 $0xFFFFC000  }
0xac: {  	_ =	swait.ge [sflag:s0], $0x4000  }
0xad: {  	[sflag:s0] =	ssyncset.done $0x0  }
0xae: {  	[sflag:s0] =	ssyncadd.s32 $0xFFFFC000  }
0xaf: {  	_ =	swait.ge [sflag:s0], $0x4000  }
0xb0: {  	[sflag:s0] =	ssyncset.done $0x0  }
0xb1: {  	[sflag:s0] =	ssyncadd.s32 $0xFFFFC000  }
0xb2: {  	_ =	swait.ge [sflag:s0], $0x4000  }
0xb3: {  	[sflag:s0] =	ssyncset.done $0x0  }
0xb4: {  	[sflag:s0] =	ssyncadd.s32 $0xFFFFC000  }
0xb5: {  	_ =	swait.ge [sflag:s0], $0x4000  }
0xb6: {  	[sflag:s0] =	ssyncset.done $0x0  }
0xb7: {  	[sflag:s0] =	ssyncadd.s32 $0xFFFFC000  }
0xb8: {  	_ =	swait.ge [sflag:s0], $0x4000  }
0xb9: {  	[sflag:s0] =	ssyncset.done $0x0  }
0xba: {  	[sflag:s0] =	ssyncadd.s32 $0xFFFFC000  }
0xbb: {  	_ =	swait.ge [sflag:s0], $0x4000  }
0xbc: {  	[sflag:s0] =	ssyncset.done $0x0  }
0xbd: {  	[sflag:s0] =	ssyncadd.s32 $0xFFFFC000  }
0xbe: {  	_ =	swait.ge [sflag:s0], $0x4000  }
0xbf: {  	[sflag:s0] =	ssyncset.done $0x0  }
0xc0: {  	[sflag:s0] =	ssyncadd.s32 $0xFFFFC000  }
0xc1: {  	_ =	swait.ge [sflag:s0], $0x4000  }
0xc2: {  	[sflag:s0] =	ssyncset.done $0x0  }
0xc3: {  	[sflag:s0] =	ssyncadd.s32 $0xFFFFC000  }
0xc4: {  	_ =	swait.ge [sflag:s0], $0x4000  }
0xc5: {  	[sflag:s0] =	ssyncset.done $0x0  }
0xc6: {  	[sflag:s0] =	ssyncadd.s32 $0xFFFFC000  }
0xc7: {  	_ =	swait.ge [sflag:s0], $0x4000  }
0xc8: {  	[sflag:s0] =	ssyncset.done $0x0  }
0xc9: {  	[sflag:s0] =	ssyncadd.s32 $0xFFFFC000  }
0xca: {  	_ =	swait.ge [sflag:s0], $0x4000  }
0xcb: {  	s8 =	simm.s32 $0x100;
	s5 =	simm.s32 $0x200;
	[sflag:s0] =	ssyncset.done $0x0  }
.LBB2_6:
0xcc: {  	s6 =	sadd.s32 s8, s12  }
0xcd: {  	[sflag:s0] =	ssyncadd.s32 $0xFFFFC000;
	s8 =	smov.u32 s5;
	s4 =	sadd.s32 $0x100, s5  }
0xce: {  	[tilespmem:s3], [sflag:$0x2] =	stream.linear.gather [hbm4b:s6+s3], $0x800, $0x38;
	[tilespmem:$0x18400] =	vst v63  }
0xcf: {  	p1 =	sne.s32 s5, $0x900;
	_ =	swait.ge [sflag:s14], $0x800  }
0xd0: {  	[sflag:s14] =	ssyncset.done $0x0  }
0xd1: {  	[sflag:s14] =	ssyncadd.s32 $0xFFFFF800  }
0xd2: {  	[spmem:s2] =	stream.indirect.scatter.add.f32 [tilespmem:s15], [sflag:$0x1], $0x80, s3, s16, $0xb8;
	[tilespmem:$0x18400] =	vst v63  }
0xd3: {  	_ = 	snop  }
0xd4: {  	[spmem:s2] =	stream.indirect.scatter.add.f32 [tilespmem:s15], [sflag:$0x1], $0x80, s16, s16, $0xb8;
	[tilespmem:$0x18400] =	vst v63  }
0xd5: {  	_ = 	snop  }
0xd6: {  	[spmem:s2] =	stream.indirect.scatter.add.f32 [tilespmem:s15], [sflag:$0x1], $0x80, s17, s16, $0xb8;
	[tilespmem:$0x18400] =	vst v63  }
0xd7: {  	_ = 	snop  }
0xd8: {  	[spmem:s2] =	stream.indirect.scatter.add.f32 [tilespmem:s15], [sflag:$0x1], $0x80, s18, s16, $0xb8;
	[tilespmem:$0x18400] =	vst v63  }
0xd9: {  	_ = 	snop  }
0xda: {  	[spmem:s2] =	stream.indirect.scatter.add.f32 [tilespmem:s15], [sflag:$0x1], $0x80, s19, s16, $0xb8;
	[tilespmem:$0x18400] =	vst v63  }
0xdb: {  	_ = 	snop  }
0xdc: {  	[spmem:s2] =	stream.indirect.scatter.add.f32 [tilespmem:s15], [sflag:$0x1], $0x80, s20, s16, $0xb8;
	[tilespmem:$0x18400] =	vst v63  }
0xdd: {  	_ = 	snop  }
0xde: {  	[spmem:s2] =	stream.indirect.scatter.add.f32 [tilespmem:s15], [sflag:$0x1], $0x80, s21, s16, $0xb8;
	[tilespmem:$0x18400] =	vst v63  }
0xdf: {  	_ = 	snop  }
0xe0: {  	[spmem:s2] =	stream.indirect.scatter.add.f32 [tilespmem:s15], [sflag:$0x1], $0x80, s22, s16, $0xb8;
	[tilespmem:$0x18400] =	vst v63  }
0xe1: {  	_ = 	snop  }
0xe2: {  	[spmem:s2] =	stream.indirect.scatter.add.f32 [tilespmem:s15], [sflag:$0x1], $0x80, s23, s16, $0xb8;
	[tilespmem:$0x18400] =	vst v63  }
0xe3: {  	_ = 	snop  }
0xe4: {  	[spmem:s2] =	stream.indirect.scatter.add.f32 [tilespmem:s15], [sflag:$0x1], $0x80, s24, s16, $0xb8;
	[tilespmem:$0x18400] =	vst v63  }
0xe5: {  	_ = 	snop  }
0xe6: {  	[spmem:s2] =	stream.indirect.scatter.add.f32 [tilespmem:s15], [sflag:$0x1], $0x80, s25, s16, $0xb8;
	[tilespmem:$0x18400] =	vst v63  }
0xe7: {  	_ = 	snop  }
0xe8: {  	[spmem:s2] =	stream.indirect.scatter.add.f32 [tilespmem:s15], [sflag:$0x1], $0x80, s26, s16, $0xb8;
	[tilespmem:$0x18400] =	vst v63  }
0xe9: {  	_ = 	snop  }
0xea: {  	[spmem:s2] =	stream.indirect.scatter.add.f32 [tilespmem:s15], [sflag:$0x1], $0x80, s28, s16, $0xb8;
	[tilespmem:$0x18400] =	vst v63  }
0xeb: {  	_ = 	snop  }
0xec: {  	[spmem:s2] =	stream.indirect.scatter.add.f32 [tilespmem:s15], [sflag:$0x1], $0x80, s29, s16, $0xb8;
	[tilespmem:$0x18400] =	vst v63  }
0xed: {  	_ = 	snop  }
0xee: {  	[spmem:s2] =	stream.indirect.scatter.add.f32 [tilespmem:s15], [sflag:$0x1], $0x80, s30, s16, $0xb8;
	[tilespmem:$0x18400] =	vst v63  }
0xef: {  	_ = 	snop  }
0xf0: {  	[spmem:s2] =	stream.indirect.scatter.add.f32 [tilespmem:s15], [sflag:$0x1], $0x80, s31, s16, $0xb8;
	[tilespmem:$0x18400] =	vst v63  }
0xf1: {  	_ =	swait.ge [sflag:s0], $0x4000  }
0xf2: {  	[sflag:s0] =	ssyncset.done $0x0  }
0xf3: {  	[sflag:s0] =	ssyncadd.s32 $0xFFFFC000  }
0xf4: {  	_ =	swait.ge [sflag:s0], $0x4000  }
0xf5: {  	[sflag:s0] =	ssyncset.done $0x0  }
0xf6: {  	[sflag:s0] =	ssyncadd.s32 $0xFFFFC000  }
0xf7: {  	_ =	swait.ge [sflag:s0], $0x4000  }
0xf8: {  	[sflag:s0] =	ssyncset.done $0x0  }
0xf9: {  	[sflag:s0] =	ssyncadd.s32 $0xFFFFC000  }
0xfa: {  	_ =	swait.ge [sflag:s0], $0x4000  }
0xfb: {  	[sflag:s0] =	ssyncset.done $0x0  }
0xfc: {  	[sflag:s0] =	ssyncadd.s32 $0xFFFFC000  }
0xfd: {  	_ =	swait.ge [sflag:s0], $0x4000  }
0xfe: {  	[sflag:s0] =	ssyncset.done $0x0  }
0xff: {  	[sflag:s0] =	ssyncadd.s32 $0xFFFFC000  }
0x100: {  	_ =	swait.ge [sflag:s0], $0x4000  }
0x101: {  	[sflag:s0] =	ssyncset.done $0x0  }
0x102: {  	[sflag:s0] =	ssyncadd.s32 $0xFFFFC000  }
0x103: {  	_ =	swait.ge [sflag:s0], $0x4000  }
0x104: {  	[sflag:s0] =	ssyncset.done $0x0  }
0x105: {  	[sflag:s0] =	ssyncadd.s32 $0xFFFFC000  }
0x106: {  	_ =	swait.ge [sflag:s0], $0x4000  }
0x107: {  	[sflag:s0] =	ssyncset.done $0x0  }
0x108: {  	[sflag:s0] =	ssyncadd.s32 $0xFFFFC000  }
0x109: {  	_ =	swait.ge [sflag:s0], $0x4000  }
0x10a: {  	[sflag:s0] =	ssyncset.done $0x0  }
0x10b: {  	[sflag:s0] =	ssyncadd.s32 $0xFFFFC000  }
0x10c: {  	_ =	swait.ge [sflag:s0], $0x4000  }
0x10d: {  	[sflag:s0] =	ssyncset.done $0x0  }
0x10e: {  	[sflag:s0] =	ssyncadd.s32 $0xFFFFC000  }
0x10f: {  	_ =	swait.ge [sflag:s0], $0x4000  }
0x110: {  	[sflag:s0] =	ssyncset.done $0x0  }
0x111: {  	[sflag:s0] =	ssyncadd.s32 $0xFFFFC000  }
0x112: {  	_ =	swait.ge [sflag:s0], $0x4000  }
0x113: {  	[sflag:s0] =	ssyncset.done $0x0  }
0x114: {  	[sflag:s0] =	ssyncadd.s32 $0xFFFFC000  }
0x115: {  	_ =	swait.ge [sflag:s0], $0x4000  }
0x116: {  	[sflag:s0] =	ssyncset.done $0x0  }
0x117: {  	[sflag:s0] =	ssyncadd.s32 $0xFFFFC000  }
0x118: {  	_ =	swait.ge [sflag:s0], $0x4000  }
0x119: {  	[sflag:s0] =	ssyncset.done $0x0  }
0x11a: {  	[sflag:s0] =	ssyncadd.s32 $0xFFFFC000  }
.Ltmp3:
0x11b: {  	_ =	swait.ge [sflag:s0], $0x4000;
	(pc) =	sbr.rel @p1 .LBB2_6-.Ltmp3, $4  }
0x11c: {  	[sflag:s0] =	ssyncset.done $0x0  }
0x11d: {  	[sflag:s0] =	ssyncadd.s32 $0xFFFFC000  }
0x11e: {  	_ =	swait.ge [sflag:s0], $0x4000  }
0x11f: {  	s5 =	smov.u32 s4;
	[sflag:s0] =	ssyncset.done $0x0  }
.Ltmp4:
0x120: {  	_ = 	snop;
	(pc) =	sbr.rel .LBB2_7-.Ltmp4, $1  }
0x121: {  	_ =	sdelay $0x3  }
.LBB2_2:
0x122: {  	s4 =	sadd.s32 $0x0, s11  }
0x123: {  	[tilespmem:s3], [sflag:$0x2] =	stream.linear.gather [hbm4b:s4+s3], $0x800, $0x38;
	[tilespmem:$0x18400] =	vst v63  }
0x124: {  	_ =	swait.ge [sflag:s14], $0x800  }
0x125: {  	[sflag:s14] =	ssyncset.done $0x0  }
0x126: {  	[sflag:s14] =	ssyncadd.s32 $0xFFFFF800  }
0x127: {  	[spmem:s2] =	stream.indirect.scatter.add.f32 [tilespmem:s15], [sflag:$0x1], $0x80, s3, s16, $0xb8;
	[tilespmem:$0x18400] =	vst v63  }
0x128: {  	_ = 	snop  }
0x129: {  	[spmem:s2] =	stream.indirect.scatter.add.f32 [tilespmem:s15], [sflag:$0x1], $0x80, s16, s16, $0xb8;
	[tilespmem:$0x18400] =	vst v63  }
0x12a: {  	_ = 	snop  }
0x12b: {  	[spmem:s2] =	stream.indirect.scatter.add.f32 [tilespmem:s15], [sflag:$0x1], $0x80, s17, s16, $0xb8;
	[tilespmem:$0x18400] =	vst v63  }
0x12c: {  	_ = 	snop  }
0x12d: {  	[spmem:s2] =	stream.indirect.scatter.add.f32 [tilespmem:s15], [sflag:$0x1], $0x80, s18, s16, $0xb8;
	[tilespmem:$0x18400] =	vst v63  }
0x12e: {  	_ = 	snop  }
0x12f: {  	[spmem:s2] =	stream.indirect.scatter.add.f32 [tilespmem:s15], [sflag:$0x1], $0x80, s19, s16, $0xb8;
	[tilespmem:$0x18400] =	vst v63  }
0x130: {  	_ = 	snop  }
0x131: {  	[spmem:s2] =	stream.indirect.scatter.add.f32 [tilespmem:s15], [sflag:$0x1], $0x80, s20, s16, $0xb8;
	[tilespmem:$0x18400] =	vst v63  }
0x132: {  	_ = 	snop  }
0x133: {  	[spmem:s2] =	stream.indirect.scatter.add.f32 [tilespmem:s15], [sflag:$0x1], $0x80, s21, s16, $0xb8;
	[tilespmem:$0x18400] =	vst v63  }
0x134: {  	_ = 	snop  }
0x135: {  	[spmem:s2] =	stream.indirect.scatter.add.f32 [tilespmem:s15], [sflag:$0x1], $0x80, s22, s16, $0xb8;
	[tilespmem:$0x18400] =	vst v63  }
0x136: {  	_ = 	snop  }
0x137: {  	[spmem:s2] =	stream.indirect.scatter.add.f32 [tilespmem:s15], [sflag:$0x1], $0x80, s23, s16, $0xb8;
	[tilespmem:$0x18400] =	vst v63  }
0x138: {  	_ = 	snop  }
0x139: {  	[spmem:s2] =	stream.indirect.scatter.add.f32 [tilespmem:s15], [sflag:$0x1], $0x80, s24, s16, $0xb8;
	[tilespmem:$0x18400] =	vst v63  }
0x13a: {  	_ = 	snop  }
0x13b: {  	[spmem:s2] =	stream.indirect.scatter.add.f32 [tilespmem:s15], [sflag:$0x1], $0x80, s25, s16, $0xb8;
	[tilespmem:$0x18400] =	vst v63  }
0x13c: {  	_ = 	snop  }
0x13d: {  	[spmem:s2] =	stream.indirect.scatter.add.f32 [tilespmem:s15], [sflag:$0x1], $0x80, s26, s16, $0xb8;
	[tilespmem:$0x18400] =	vst v63  }
0x13e: {  	_ = 	snop  }
0x13f: {  	[spmem:s2] =	stream.indirect.scatter.add.f32 [tilespmem:s15], [sflag:$0x1], $0x80, s28, s16, $0xb8;
	[tilespmem:$0x18400] =	vst v63  }
0x140: {  	_ = 	snop  }
0x141: {  	[spmem:s2] =	stream.indirect.scatter.add.f32 [tilespmem:s15], [sflag:$0x1], $0x80, s29, s16, $0xb8;
	[tilespmem:$0x18400] =	vst v63  }
0x142: {  	_ = 	snop  }
0x143: {  	[spmem:s2] =	stream.indirect.scatter.add.f32 [tilespmem:s15], [sflag:$0x1], $0x80, s30, s16, $0xb8;
	[tilespmem:$0x18400] =	vst v63  }
0x144: {  	_ = 	snop  }
0x145: {  	[spmem:s2] =	stream.indirect.scatter.add.f32 [tilespmem:s15], [sflag:$0x1], $0x80, s31, s16, $0xb8;
	[tilespmem:$0x18400] =	vst v63  }
0x146: {  	_ =	swait.ge [sflag:s0], $0x4000  }
0x147: {  	[sflag:s0] =	ssyncset.done $0x0  }
0x148: {  	[sflag:s0] =	ssyncadd.s32 $0xFFFFC000  }
0x149: {  	_ =	swait.ge [sflag:s0], $0x4000  }
0x14a: {  	[sflag:s0] =	ssyncset.done $0x0  }
0x14b: {  	[sflag:s0] =	ssyncadd.s32 $0xFFFFC000  }
0x14c: {  	_ =	swait.ge [sflag:s0], $0x4000  }
0x14d: {  	[sflag:s0] =	ssyncset.done $0x0  }
0x14e: {  	[sflag:s0] =	ssyncadd.s32 $0xFFFFC000  }
0x14f: {  	_ =	swait.ge [sflag:s0], $0x4000  }
0x150: {  	[sflag:s0] =	ssyncset.done $0x0  }
0x151: {  	[sflag:s0] =	ssyncadd.s32 $0xFFFFC000  }
0x152: {  	_ =	swait.ge [sflag:s0], $0x4000  }
0x153: {  	[sflag:s0] =	ssyncset.done $0x0  }
0x154: {  	[sflag:s0] =	ssyncadd.s32 $0xFFFFC000  }
0x155: {  	_ =	swait.ge [sflag:s0], $0x4000  }
0x156: {  	[sflag:s0] =	ssyncset.done $0x0  }
0x157: {  	[sflag:s0] =	ssyncadd.s32 $0xFFFFC000  }
0x158: {  	_ =	swait.ge [sflag:s0], $0x4000  }
0x159: {  	[sflag:s0] =	ssyncset.done $0x0  }
0x15a: {  	[sflag:s0] =	ssyncadd.s32 $0xFFFFC000  }
0x15b: {  	_ =	swait.ge [sflag:s0], $0x4000  }
0x15c: {  	[sflag:s0] =	ssyncset.done $0x0  }
0x15d: {  	[sflag:s0] =	ssyncadd.s32 $0xFFFFC000  }
0x15e: {  	_ =	swait.ge [sflag:s0], $0x4000  }
0x15f: {  	[sflag:s0] =	ssyncset.done $0x0  }
0x160: {  	[sflag:s0] =	ssyncadd.s32 $0xFFFFC000  }
0x161: {  	_ =	swait.ge [sflag:s0], $0x4000  }
0x162: {  	[sflag:s0] =	ssyncset.done $0x0  }
0x163: {  	[sflag:s0] =	ssyncadd.s32 $0xFFFFC000  }
0x164: {  	_ =	swait.ge [sflag:s0], $0x4000  }
0x165: {  	[sflag:s0] =	ssyncset.done $0x0  }
0x166: {  	[sflag:s0] =	ssyncadd.s32 $0xFFFFC000  }
0x167: {  	_ =	swait.ge [sflag:s0], $0x4000  }
0x168: {  	[sflag:s0] =	ssyncset.done $0x0  }
0x169: {  	[sflag:s0] =	ssyncadd.s32 $0xFFFFC000  }
0x16a: {  	_ =	swait.ge [sflag:s0], $0x4000  }
0x16b: {  	[sflag:s0] =	ssyncset.done $0x0  }
0x16c: {  	[sflag:s0] =	ssyncadd.s32 $0xFFFFC000  }
0x16d: {  	_ =	swait.ge [sflag:s0], $0x4000  }
0x16e: {  	[sflag:s0] =	ssyncset.done $0x0  }
0x16f: {  	[sflag:s0] =	ssyncadd.s32 $0xFFFFC000  }
0x170: {  	_ =	swait.ge [sflag:s0], $0x4000  }
0x171: {  	[sflag:s0] =	ssyncset.done $0x0  }
0x172: {  	[sflag:s0] =	ssyncadd.s32 $0xFFFFC000  }
0x173: {  	_ =	swait.ge [sflag:s0], $0x4000  }
0x174: {  	s8 =	simm.s32 $0x100;
	s4 =	simm.s32 $0x200;
	[sflag:s0] =	ssyncset.done $0x0  }
.LBB2_3:
0x175: {  	s6 =	sadd.s32 s8, s11  }
0x176: {  	[sflag:s0] =	ssyncadd.s32 $0xFFFFC000;
	s8 =	smov.u32 s4;
	s5 =	sadd.s32 $0x100, s4  }
0x177: {  	[tilespmem:s3], [sflag:$0x2] =	stream.linear.gather [hbm4b:s6+s3], $0x800, $0x38;
	[tilespmem:$0x18400] =	vst v63  }
0x178: {  	p1 =	seq.s32 s4, $0x900;
	_ =	swait.ge [sflag:s14], $0x800  }
0x179: {  	[sflag:s14] =	ssyncset.done $0x0  }
0x17a: {  	[sflag:s14] =	ssyncadd.s32 $0xFFFFF800  }
0x17b: {  	[spmem:s2] =	stream.indirect.scatter.add.f32 [tilespmem:s15], [sflag:$0x1], $0x80, s3, s16, $0xb8;
	[tilespmem:$0x18400] =	vst v63  }
0x17c: {  	_ = 	snop  }
0x17d: {  	[spmem:s2] =	stream.indirect.scatter.add.f32 [tilespmem:s15], [sflag:$0x1], $0x80, s16, s16, $0xb8;
	[tilespmem:$0x18400] =	vst v63  }
0x17e: {  	_ = 	snop  }
0x17f: {  	[spmem:s2] =	stream.indirect.scatter.add.f32 [tilespmem:s15], [sflag:$0x1], $0x80, s17, s16, $0xb8;
	[tilespmem:$0x18400] =	vst v63  }
0x180: {  	_ = 	snop  }
0x181: {  	[spmem:s2] =	stream.indirect.scatter.add.f32 [tilespmem:s15], [sflag:$0x1], $0x80, s18, s16, $0xb8;
	[tilespmem:$0x18400] =	vst v63  }
0x182: {  	_ = 	snop  }
0x183: {  	[spmem:s2] =	stream.indirect.scatter.add.f32 [tilespmem:s15], [sflag:$0x1], $0x80, s19, s16, $0xb8;
	[tilespmem:$0x18400] =	vst v63  }
0x184: {  	_ = 	snop  }
0x185: {  	[spmem:s2] =	stream.indirect.scatter.add.f32 [tilespmem:s15], [sflag:$0x1], $0x80, s20, s16, $0xb8;
	[tilespmem:$0x18400] =	vst v63  }
0x186: {  	_ = 	snop  }
0x187: {  	[spmem:s2] =	stream.indirect.scatter.add.f32 [tilespmem:s15], [sflag:$0x1], $0x80, s21, s16, $0xb8;
	[tilespmem:$0x18400] =	vst v63  }
0x188: {  	_ = 	snop  }
0x189: {  	[spmem:s2] =	stream.indirect.scatter.add.f32 [tilespmem:s15], [sflag:$0x1], $0x80, s22, s16, $0xb8;
	[tilespmem:$0x18400] =	vst v63  }
0x18a: {  	_ = 	snop  }
0x18b: {  	[spmem:s2] =	stream.indirect.scatter.add.f32 [tilespmem:s15], [sflag:$0x1], $0x80, s23, s16, $0xb8;
	[tilespmem:$0x18400] =	vst v63  }
0x18c: {  	_ = 	snop  }
0x18d: {  	[spmem:s2] =	stream.indirect.scatter.add.f32 [tilespmem:s15], [sflag:$0x1], $0x80, s24, s16, $0xb8;
	[tilespmem:$0x18400] =	vst v63  }
0x18e: {  	_ = 	snop  }
0x18f: {  	[spmem:s2] =	stream.indirect.scatter.add.f32 [tilespmem:s15], [sflag:$0x1], $0x80, s25, s16, $0xb8;
	[tilespmem:$0x18400] =	vst v63  }
0x190: {  	_ = 	snop  }
0x191: {  	[spmem:s2] =	stream.indirect.scatter.add.f32 [tilespmem:s15], [sflag:$0x1], $0x80, s26, s16, $0xb8;
	[tilespmem:$0x18400] =	vst v63  }
0x192: {  	_ = 	snop  }
0x193: {  	[spmem:s2] =	stream.indirect.scatter.add.f32 [tilespmem:s15], [sflag:$0x1], $0x80, s28, s16, $0xb8;
	[tilespmem:$0x18400] =	vst v63  }
0x194: {  	_ = 	snop  }
0x195: {  	[spmem:s2] =	stream.indirect.scatter.add.f32 [tilespmem:s15], [sflag:$0x1], $0x80, s29, s16, $0xb8;
	[tilespmem:$0x18400] =	vst v63  }
0x196: {  	_ = 	snop  }
0x197: {  	[spmem:s2] =	stream.indirect.scatter.add.f32 [tilespmem:s15], [sflag:$0x1], $0x80, s30, s16, $0xb8;
	[tilespmem:$0x18400] =	vst v63  }
0x198: {  	_ = 	snop  }
0x199: {  	[spmem:s2] =	stream.indirect.scatter.add.f32 [tilespmem:s15], [sflag:$0x1], $0x80, s31, s16, $0xb8;
	[tilespmem:$0x18400] =	vst v63  }
0x19a: {  	_ =	swait.ge [sflag:s0], $0x4000  }
0x19b: {  	[sflag:s0] =	ssyncset.done $0x0  }
0x19c: {  	[sflag:s0] =	ssyncadd.s32 $0xFFFFC000  }
0x19d: {  	_ =	swait.ge [sflag:s0], $0x4000  }
0x19e: {  	[sflag:s0] =	ssyncset.done $0x0  }
0x19f: {  	[sflag:s0] =	ssyncadd.s32 $0xFFFFC000  }
0x1a0: {  	_ =	swait.ge [sflag:s0], $0x4000  }
0x1a1: {  	[sflag:s0] =	ssyncset.done $0x0  }
0x1a2: {  	[sflag:s0] =	ssyncadd.s32 $0xFFFFC000  }
0x1a3: {  	_ =	swait.ge [sflag:s0], $0x4000  }
0x1a4: {  	[sflag:s0] =	ssyncset.done $0x0  }
0x1a5: {  	[sflag:s0] =	ssyncadd.s32 $0xFFFFC000  }
0x1a6: {  	_ =	swait.ge [sflag:s0], $0x4000  }
0x1a7: {  	[sflag:s0] =	ssyncset.done $0x0  }
0x1a8: {  	[sflag:s0] =	ssyncadd.s32 $0xFFFFC000  }
0x1a9: {  	_ =	swait.ge [sflag:s0], $0x4000  }
0x1aa: {  	[sflag:s0] =	ssyncset.done $0x0  }
0x1ab: {  	[sflag:s0] =	ssyncadd.s32 $0xFFFFC000  }
0x1ac: {  	_ =	swait.ge [sflag:s0], $0x4000  }
0x1ad: {  	[sflag:s0] =	ssyncset.done $0x0  }
0x1ae: {  	[sflag:s0] =	ssyncadd.s32 $0xFFFFC000  }
0x1af: {  	_ =	swait.ge [sflag:s0], $0x4000  }
0x1b0: {  	[sflag:s0] =	ssyncset.done $0x0  }
0x1b1: {  	[sflag:s0] =	ssyncadd.s32 $0xFFFFC000  }
0x1b2: {  	_ =	swait.ge [sflag:s0], $0x4000  }
0x1b3: {  	[sflag:s0] =	ssyncset.done $0x0  }
0x1b4: {  	[sflag:s0] =	ssyncadd.s32 $0xFFFFC000  }
0x1b5: {  	_ =	swait.ge [sflag:s0], $0x4000  }
0x1b6: {  	[sflag:s0] =	ssyncset.done $0x0  }
0x1b7: {  	[sflag:s0] =	ssyncadd.s32 $0xFFFFC000  }
0x1b8: {  	_ =	swait.ge [sflag:s0], $0x4000  }
0x1b9: {  	[sflag:s0] =	ssyncset.done $0x0  }
0x1ba: {  	[sflag:s0] =	ssyncadd.s32 $0xFFFFC000  }
0x1bb: {  	_ =	swait.ge [sflag:s0], $0x4000  }
0x1bc: {  	[sflag:s0] =	ssyncset.done $0x0  }
0x1bd: {  	[sflag:s0] =	ssyncadd.s32 $0xFFFFC000  }
0x1be: {  	_ =	swait.ge [sflag:s0], $0x4000  }
0x1bf: {  	[sflag:s0] =	ssyncset.done $0x0  }
0x1c0: {  	[sflag:s0] =	ssyncadd.s32 $0xFFFFC000  }
0x1c1: {  	_ =	swait.ge [sflag:s0], $0x4000  }
0x1c2: {  	[sflag:s0] =	ssyncset.done $0x0  }
0x1c3: {  	[sflag:s0] =	ssyncadd.s32 $0xFFFFC000  }
.Ltmp5:
0x1c4: {  	_ =	swait.ge [sflag:s0], $0x4000;
	(pc) =	sbr.rel @!p1 .LBB2_3-.Ltmp5, $4  }
0x1c5: {  	[sflag:s0] =	ssyncset.done $0x0  }
0x1c6: {  	[sflag:s0] =	ssyncadd.s32 $0xFFFFC000  }
0x1c7: {  	_ =	swait.ge [sflag:s0], $0x4000  }
0x1c8: {  	s4 =	smov.u32 s5;
	[sflag:s0] =	ssyncset.done $0x0  }
0x1c9: {  	s4 =	sadd.s32 s8, s11;
	[sflag:s0] =	ssyncadd.s32 $0xFFFFC000  }
0x1ca: {  	[tilespmem:s3], [sflag:$0x2] =	stream.linear.gather [hbm4b:s4+s3], $0x800, $0x38;
	[tilespmem:$0x18400] =	vst v63  }
0x1cb: {  	_ =	swait.ge [sflag:s14], $0x800  }
0x1cc: {  	[sflag:s14] =	ssyncset.done $0x0  }
0x1cd: {  	[sflag:s14] =	ssyncadd.s32 $0xFFFFF800  }
0x1ce: {  	[spmem:s2] =	stream.indirect.scatter.add.f32 [tilespmem:s15], [sflag:$0x1], $0x80, s3, s16, $0xb8;
	[tilespmem:$0x18400] =	vst v63  }
0x1cf: {  	_ = 	snop  }
0x1d0: {  	[spmem:s2] =	stream.indirect.scatter.add.f32 [tilespmem:s15], [sflag:$0x1], $0x80, s16, s16, $0xb8;
	[tilespmem:$0x18400] =	vst v63  }
0x1d1: {  	_ = 	snop  }
0x1d2: {  	[spmem:s2] =	stream.indirect.scatter.add.f32 [tilespmem:s15], [sflag:$0x1], $0x80, s17, s16, $0xb8;
	[tilespmem:$0x18400] =	vst v63  }
0x1d3: {  	_ = 	snop  }
0x1d4: {  	[spmem:s2] =	stream.indirect.scatter.add.f32 [tilespmem:s15], [sflag:$0x1], $0x80, s18, s16, $0xb8;
	[tilespmem:$0x18400] =	vst v63  }
0x1d5: {  	_ = 	snop  }
0x1d6: {  	[spmem:s2] =	stream.indirect.scatter.add.f32 [tilespmem:s15], [sflag:$0x1], $0x80, s19, s16, $0xb8;
	[tilespmem:$0x18400] =	vst v63  }
0x1d7: {  	_ = 	snop  }
0x1d8: {  	[spmem:s2] =	stream.indirect.scatter.add.f32 [tilespmem:s15], [sflag:$0x1], $0x80, s20, s16, $0xb8;
	[tilespmem:$0x18400] =	vst v63  }
0x1d9: {  	_ = 	snop  }
0x1da: {  	[spmem:s2] =	stream.indirect.scatter.add.f32 [tilespmem:s15], [sflag:$0x1], $0x80, s21, s16, $0xb8;
	[tilespmem:$0x18400] =	vst v63  }
0x1db: {  	_ = 	snop  }
0x1dc: {  	[spmem:s2] =	stream.indirect.scatter.add.f32 [tilespmem:s15], [sflag:$0x1], $0x80, s22, s16, $0xb8;
	[tilespmem:$0x18400] =	vst v63  }
0x1dd: {  	_ = 	snop  }
0x1de: {  	[spmem:s2] =	stream.indirect.scatter.add.f32 [tilespmem:s15], [sflag:$0x1], $0x80, s23, s16, $0xb8;
	[tilespmem:$0x18400] =	vst v63  }
0x1df: {  	_ = 	snop  }
0x1e0: {  	[spmem:s2] =	stream.indirect.scatter.add.f32 [tilespmem:s15], [sflag:$0x1], $0x80, s24, s16, $0xb8;
	[tilespmem:$0x18400] =	vst v63  }
0x1e1: {  	_ = 	snop  }
0x1e2: {  	[spmem:s2] =	stream.indirect.scatter.add.f32 [tilespmem:s15], [sflag:$0x1], $0x80, s25, s16, $0xb8;
	[tilespmem:$0x18400] =	vst v63  }
0x1e3: {  	_ = 	snop  }
0x1e4: {  	[spmem:s2] =	stream.indirect.scatter.add.f32 [tilespmem:s15], [sflag:$0x1], $0x80, s26, s16, $0xb8;
	[tilespmem:$0x18400] =	vst v63  }
0x1e5: {  	_ = 	snop  }
0x1e6: {  	[spmem:s2] =	stream.indirect.scatter.add.f32 [tilespmem:s15], [sflag:$0x1], $0x80, s28, s16, $0xb8;
	[tilespmem:$0x18400] =	vst v63  }
0x1e7: {  	_ = 	snop  }
0x1e8: {  	[spmem:s2] =	stream.indirect.scatter.add.f32 [tilespmem:s15], [sflag:$0x1], $0x80, s29, s16, $0xb8;
	[tilespmem:$0x18400] =	vst v63  }
0x1e9: {  	_ = 	snop  }
0x1ea: {  	[spmem:s2] =	stream.indirect.scatter.add.f32 [tilespmem:s15], [sflag:$0x1], $0x80, s30, s16, $0xb8;
	[tilespmem:$0x18400] =	vst v63  }
0x1eb: {  	_ = 	snop  }
0x1ec: {  	[spmem:s2] =	stream.indirect.scatter.add.f32 [tilespmem:s15], [sflag:$0x1], $0x80, s31, s16, $0xb8;
	[tilespmem:$0x18400] =	vst v63  }
0x1ed: {  	_ =	swait.ge [sflag:s0], $0x4000  }
0x1ee: {  	[sflag:s0] =	ssyncset.done $0x0  }
0x1ef: {  	[sflag:s0] =	ssyncadd.s32 $0xFFFFC000  }
0x1f0: {  	_ =	swait.ge [sflag:s0], $0x4000  }
0x1f1: {  	[sflag:s0] =	ssyncset.done $0x0  }
0x1f2: {  	[sflag:s0] =	ssyncadd.s32 $0xFFFFC000  }
0x1f3: {  	_ =	swait.ge [sflag:s0], $0x4000  }
0x1f4: {  	[sflag:s0] =	ssyncset.done $0x0  }
0x1f5: {  	[sflag:s0] =	ssyncadd.s32 $0xFFFFC000  }
0x1f6: {  	_ =	swait.ge [sflag:s0], $0x4000  }
0x1f7: {  	[sflag:s0] =	ssyncset.done $0x0  }
0x1f8: {  	[sflag:s0] =	ssyncadd.s32 $0xFFFFC000  }
0x1f9: {  	_ =	swait.ge [sflag:s0], $0x4000  }
0x1fa: {  	[sflag:s0] =	ssyncset.done $0x0  }
0x1fb: {  	[sflag:s0] =	ssyncadd.s32 $0xFFFFC000  }
0x1fc: {  	_ =	swait.ge [sflag:s0], $0x4000  }
0x1fd: {  	[sflag:s0] =	ssyncset.done $0x0  }
0x1fe: {  	[sflag:s0] =	ssyncadd.s32 $0xFFFFC000  }
0x1ff: {  	_ =	swait.ge [sflag:s0], $0x4000  }
0x200: {  	[sflag:s0] =	ssyncset.done $0x0  }
0x201: {  	[sflag:s0] =	ssyncadd.s32 $0xFFFFC000  }
0x202: {  	_ =	swait.ge [sflag:s0], $0x4000  }
0x203: {  	[sflag:s0] =	ssyncset.done $0x0  }
0x204: {  	[sflag:s0] =	ssyncadd.s32 $0xFFFFC000  }
0x205: {  	_ =	swait.ge [sflag:s0], $0x4000  }
0x206: {  	[sflag:s0] =	ssyncset.done $0x0  }
0x207: {  	[sflag:s0] =	ssyncadd.s32 $0xFFFFC000  }
0x208: {  	_ =	swait.ge [sflag:s0], $0x4000  }
0x209: {  	[sflag:s0] =	ssyncset.done $0x0  }
0x20a: {  	[sflag:s0] =	ssyncadd.s32 $0xFFFFC000  }
0x20b: {  	_ =	swait.ge [sflag:s0], $0x4000  }
0x20c: {  	[sflag:s0] =	ssyncset.done $0x0  }
0x20d: {  	[sflag:s0] =	ssyncadd.s32 $0xFFFFC000  }
0x20e: {  	_ =	swait.ge [sflag:s0], $0x4000  }
0x20f: {  	[sflag:s0] =	ssyncset.done $0x0  }
0x210: {  	[sflag:s0] =	ssyncadd.s32 $0xFFFFC000  }
0x211: {  	_ =	swait.ge [sflag:s0], $0x4000  }
0x212: {  	[sflag:s0] =	ssyncset.done $0x0  }
0x213: {  	[sflag:s0] =	ssyncadd.s32 $0xFFFFC000  }
0x214: {  	_ =	swait.ge [sflag:s0], $0x4000  }
0x215: {  	[sflag:s0] =	ssyncset.done $0x0  }
0x216: {  	[sflag:s0] =	ssyncadd.s32 $0xFFFFC000  }
0x217: {  	_ =	swait.ge [sflag:s0], $0x4000  }
.Ltmp6:
0x218: {  	[sflag:s0] =	ssyncset.done $0x0;
	(pc) =	sbr.rel .LBB2_8-.Ltmp6, $4  }
0x219: {  	[sflag:s0] =	ssyncadd.s32 $0xFFFFC000  }
0x21a: {  	_ =	swait.ge [sflag:s0], $0x4000  }
0x21b: {  	[sflag:s0] =	ssyncset.done $0x0  }
0x21c: {  	s4 =	rddreg [dreg:$0x4];
	[sflag:s0] =	ssyncadd.s32 $0xFFFFC000  }
.LBB2_9:
0x21d: {  	_ =	sfence.sel $0x180000  }
0x21e: {  	[bflag:$0x0] =	sbarrier.arrive $0xFFFF  }
0x21f: {  	_ =	strace $0x9000004A  }
0x220: {  	s0 =	stileid.u32;
	[bflag:$0x2] =	sbarrier.arrive $0xFFFF  }
0x221: {  	p0 =	sne.s32 s0, $0x0;
	s0 =	rddreg [dreg:$0x3]  }
0x222: {  	s0 =	sadd.s32 @!p0 $0x100000, s0  }
0x223: {  	[sflag:s0] =	ssyncadd.tile.s32 @!p0 $0x1;
	_ =	shalt  }
.Lfunc_end2:
_tile_overlayer_lowered:
.L_overlay_start_2:
0x224: {  	(tag) =	ssettag $0x2  }
0x225: {  	s0 =	rddreg [dreg:$0x0];
	s2 =	stileid.u32  }
0x226: {  	s1 =	rddreg [dreg:$0x1];
	p0 =	sne.s32 s2, $0x0  }
0x227: {  	s3 =	rddreg [dreg:$0x2];
	[bflag:$0x3] =	sbarrier.arrive $0xFFFF;
	s2 =	simm.s32 @!p0 $0x1C02  }
0x228: {  	[timem:s3], [sflag:s2] =	dma.local @!p0 [hbm:s0], s1  }
0x229: {  	s0 =	simm.s32 @!p0 $0x2  }
0x22a: {  	_ =	swait.ge @!p0 [sflag:s0], s1  }
0x22b: {  	s1 =	ssub.s32 @!p0 $0x0, s1;
	[sflag:s0] =	ssyncset.done @!p0 $0x0  }
0x22c: {  	[sflag:s0] =	ssyncadd.s32 @!p0 s1  }
0x22d: {  	[bflag:$0x3] =	sbarrier.arrive $0xFFFF  }
0x22e: {  	_ =	shalt  }

// kernel: kernel.14.cloned.1.call-start
scs
__scs_entry_jumppad:
0x0: {  	(pc) =	sbr.rel $0x88, $3  }
0x1: {  	(tag) =	ssettag $0x0;
	lr =	simm.s32 $0x1  }
0x2: {  	[smem:$0x3F85] =	sst lr;
	_ =	strace $0xD0000000  }
0x3: {  	_ = 	snop  }
0x4: {  	_ = 	snop  }
0x5: {  	_ = 	snop  }
0x6: {  	_ = 	snop  }
0x7: {  	_ = 	snop  }
__scs_overlays_trampoline_lowered:
0x8: {  	[smem:$0x3F94] =	sst s0  }
0x9: {  	[smem:$0x3F95] =	sst s1  }
0xa: {  	[smem:$0x3F96] =	sst s2  }
0xb: {  	[smem:$0x3F97] =	sst s3  }
0xc: {  	[smem:$0x3F98] =	sst s4  }
0xd: {  	[smem:$0x3F99] =	sst s5  }
0xe: {  	[smem:$0x3F9A] =	sst s6  }
0xf: {  	[smem:$0x3F9B] =	sst s7  }
0x10: {  	[smem:$0x3F9C] =	sst s8  }
0x11: {  	[smem:$0x3F9D] =	sst s9;
	s0 =	simm.s32 @!p0 $0x0  }
0x12: {  	s1 =	sld [smem:$0x3F83];
	s0 =	simm.s32 @p0 $0x1  }
0x13: {  	[smem:$0x3F9E] =	sst s0;
	s0 =	simm.s32 @!p1 $0x0  }
0x14: {  	s2 =	sld [smem:$0x3F82];
	s0 =	simm.s32 @p1 $0x1  }
0x15: {  	[smem:$0x3F9F] =	sst s0;
	s0 =	simm.s32 @!p2 $0x0  }
0x16: {  	s3 =	sld [smem:$0x3FDB];
	s0 =	simm.s32 @p2 $0x1  }
0x17: {  	s4 =	simm.s32 $0x1BF5;
	[smem:$0x3FA1] =	sst s0  }
0x18: {  	s0 =	sld [smem:$0x3F84];
	_ =	swait.ge [sflag:s4], $0x0  }
0x19: {  	s7 =	sld [smem:$0x3F85]  }
0x1a: {  	s8 =	sadd.s32 $0xFFFFE003, lr  }
0x1b: {  	s9 =	sadd.s32 $0xFFFFFEF7, lr;
	s5 =	simm.s32 $0xFFFFFFFF;
	p2 =	slt.u32 s8, $0xFFFFF086  }
0x1c: {  	p1 =	slt.u32 s9, $0xF7A;
	s5 =	simm.s32 @!p2 $0x0  }
0x1d: {  	s5 =	simm.s32 @p1 $0x1;
	p0 =	seq.s32 s7, s2  }
0x1e: {  	s7 =	smul.u32 @!p0 $0xF7A, s2;
	p2 =	seq.s32 @!p0 s5, $0x0  }
0x1f: {  	s9 =	smul.u32 $0xF7A, s1;
	s8 =	simm.s32 @!p0 $0x1BF5;
	p2 =	por !p2, p0  }
0x20: {  	[sflag:s8] =	ssyncset.s32 @!p0 $0xFFFFF086;
	s6 =	sadd.s32 @!p0 s3, s7;
	s7 =	simm.s32 @!p0 $0x108  }
0x21: {  	s3 =	sadd.s32 s3, s9;
	s6 =	sadd.s32 @!p0 $0x88, s6;
	s7 =	simm.s32 @p2 $0x1082  }
0x22: {  	[simem:s7], [sflag:s8] =	dma.local @!p0 [hbm:s6], $0xF7A  }
0x23: {  	s9 =	sor.u32 $0xD0000000, s2;
	s6 =	simm.s32 $0x108;
	_ =	swait.ge @!p0 [sflag:s8], $0x0  }
0x24: {  	s3 =	sadd.s32 $0x88, s3;
	s6 =	simm.s32 @!p1 $0x1082;
	[sflag:s4] =	ssyncset.s32 $0xFFFFF086  }
0x25: {  	[simem:s6], [sflag:s4] =	dma.local [hbm:s3], $0xF7A  }
0x26: {  	[smem:$0x3F85] =	sst s1;
	(tag) =	ssettag s2;
	_ =	strace s9  }
0x27: {  	s1 =	sld [smem:$0x3F95]  }
0x28: {  	s2 =	sld [smem:$0x3F96]  }
0x29: {  	s4 =	sld [smem:$0x3F98]  }
0x2a: {  	p0 =	seq.s32 s5, $0x0;
	s5 =	sld [smem:$0x3F99]  }
0x2b: {  	s6 =	sld [smem:$0x3F9A]  }
0x2c: {  	s7 =	sld [smem:$0x3F9B]  }
0x2d: {  	s3 =	simm.s32 $0x108;
	s8 =	sld [smem:$0x3F9C]  }
0x2e: {  	s3 =	simm.s32 @!p0 $0x1082;
	s9 =	sld [smem:$0x3F9D]  }
0x2f: {  	lr =	sadd.s32 s0, s3;
	s0 =	sld [smem:$0x3F94]  }
0x30: {  	s3 =	sld [smem:$0x3F97]  }
0x31: {  	[smem:$0x3FA0] =	sst s10  }
0x32: {  	s10 =	sld [smem:$0x3F9E];
	_ =	sdelay $0x3  }
0x33: {  	p0 =	seq.s32 s10, $0x1;
	s10 =	sld [smem:$0x3FA0];
	_ =	sdelay $0x3  }
0x34: {  	[smem:$0x3FA0] =	sst s10  }
0x35: {  	s10 =	sld [smem:$0x3F9F];
	_ =	sdelay $0x3  }
0x36: {  	p1 =	seq.s32 s10, $0x1;
	s10 =	sld [smem:$0x3FA0];
	_ =	sdelay $0x3  }
0x37: {  	[smem:$0x3FA0] =	sst s10  }
0x38: {  	s10 =	sld [smem:$0x3FA1]  }
0x39: {  	_ = 	snop;
	(pc) =	sbr.ind lr, $3  }
0x3a: {  	_ = 	snop  }
0x3b: {  	_ = 	snop  }
0x3c: {  	p2 =	seq.s32 s10, $0x1;
	s10 =	sld [smem:$0x3FA0]  }
0x3d: {  	_ =	shalt  }
0x3e: {  	_ =	shalt  }
0x3f: {  	_ =	shalt  }
0x40: {  	_ =	shalt  }
0x41: {  	_ =	shalt  }
0x42: {  	_ =	shalt  }
0x43: {  	_ =	shalt  }
0x44: {  	_ =	shalt  }
0x45: {  	_ =	shalt  }
0x46: {  	_ =	shalt  }
0x47: {  	_ =	shalt  }
0x48: {  	_ =	shalt  }
0x49: {  	_ =	shalt  }
0x4a: {  	_ =	shalt  }
0x4b: {  	_ =	shalt  }
0x4c: {  	_ =	shalt  }
0x4d: {  	_ =	shalt  }
0x4e: {  	_ =	shalt  }
0x4f: {  	_ =	shalt  }
0x50: {  	_ =	shalt  }
0x51: {  	_ =	shalt  }
0x52: {  	_ =	shalt  }
0x53: {  	_ =	shalt  }
0x54: {  	_ =	shalt  }
0x55: {  	_ =	shalt  }
0x56: {  	_ =	shalt  }
0x57: {  	_ =	shalt  }
0x58: {  	_ =	shalt  }
0x59: {  	_ =	shalt  }
0x5a: {  	_ =	shalt  }
0x5b: {  	_ =	shalt  }
0x5c: {  	_ =	shalt  }
0x5d: {  	_ =	shalt  }
0x5e: {  	_ =	shalt  }
0x5f: {  	_ =	shalt  }
0x60: {  	_ =	shalt  }
0x61: {  	_ =	shalt  }
0x62: {  	_ =	shalt  }
0x63: {  	_ =	shalt  }
0x64: {  	_ =	shalt  }
0x65: {  	_ =	shalt  }
0x66: {  	_ =	shalt  }
0x67: {  	_ =	shalt  }
0x68: {  	_ =	shalt  }
0x69: {  	_ =	shalt  }
0x6a: {  	_ =	shalt  }
0x6b: {  	_ =	shalt  }
0x6c: {  	_ =	shalt  }
0x6d: {  	_ =	shalt  }
0x6e: {  	_ =	shalt  }
0x6f: {  	_ =	shalt  }
0x70: {  	_ =	shalt  }
0x71: {  	_ =	shalt  }
0x72: {  	_ =	shalt  }
0x73: {  	_ =	shalt  }
0x74: {  	_ =	shalt  }
0x75: {  	_ =	shalt  }
0x76: {  	_ =	shalt  }
0x77: {  	_ =	shalt  }
0x78: {  	_ =	shalt  }
0x79: {  	_ =	shalt  }
0x7a: {  	_ =	shalt  }
0x7b: {  	_ =	shalt  }
0x7c: {  	_ =	shalt  }
0x7d: {  	_ =	shalt  }
0x7e: {  	_ =	shalt  }
0x7f: {  	_ =	shalt  }
0x80: {  	_ =	shalt  }
0x81: {  	_ =	shalt  }
0x82: {  	_ =	shalt  }
0x83: {  	_ =	shalt  }
0x84: {  	_ =	shalt  }
0x85: {  	_ =	shalt  }
0x86: {  	_ =	shalt  }
0x87: {  	_ =	shalt  }
.Lfunc_end0:
.L_simem_size_0:
called_computation.2_lowered:
.L_overlay_start_0:
0x88: {  	s2 =	sld [smem:$0x3FD9]  }
0x89: {  	s3 =	sld [smem:$0x3FFE];
	_ =	sdelay $0x1  }
0x8a: {  	s1 =	srdreg.scid  }
0x8b: {  	s0 =	sand.u32 $0x1, s1  }
0x8c: {  	s14 =	sshll.u32 s0, $0xA;
	s2 =	sadd.s32 s3, s2  }
0x8d: {  	s2 =	sadd.s32 s2, s14  }
0x8e: {  	[smem:$0x3FAC] =	sst s2  }
0x8f: {  	_ = 	snop  }
0x90: {  	s2 =	sld [smem:$0x3FD0];
	_ =	sdelay $0x2  }
0x91: {  	s15 =	simm.s32 $0xB;
	s4 =	simm.s32 $0x10  }
0x92: {  	[smem:s4], [sflag:s15] =	dma.local [hbm:s2], $0x1  }
0x93: {  	_ =	swait.eq [sflag:s15], $0x1  }
0x94: {  	[sflag:s15] =	ssyncset.done $0x0  }
0x95: {  	s16 =	sld [smem:$0x10];
	[sflag:s15] =	ssyncadd.s32 $0xFFFFFFFF  }
0x96: {  	s17 =	sld [smem:$0x11];
	(tm) =	ssettm $0x1  }
0x97: {  	s18 =	sld [smem:$0x3FFB];
	_ =	sdelay $0x3  }
0x98: {  	_ =	strace s18  }
0x99: {  	s4 =	sld [smem:$0x3FFC];
	_ =	sdelay $0x3  }
0x9a: {  	_ =	strace s4  }
0x9b: {  	s4 =	sld [smem:$0x3FFD];
	_ =	sdelay $0x3  }
0x9c: {  	_ =	strace s4  }
0x9d: {  	_ =	strace $0x8FFFFFFF  }
0x9e: {  	s19 =	sld [smem:$0x3FDB];
	_ =	sdelay $0x1  }
0x9f: {  	s5 =	simm.s32 $_scs_section_size  }
0xa0: {  	s6 =	simm.s32 $_size__tile_overlayer_lowered;
	s7 =	simm.s32 $_tile_overlayer_lowered  }
0xa1: {  	s22 =	simm.s32 $0x1BFF;
	s21 =	sshll.u32 s7, $0x1;
	s4 =	sadd.s32 s5, s19  }
0xa2: {  	s8 =	simm.s32 $0x0;
	s20 =	sshll.u32 s6, $0x1;
	s6 =	sadd.s32 s21, s4  }
0xa3: {  	[timem:s8], [sflag:s22] =	dma.local [hbm:s6], s20  }
0xa4: {  	_ =	swait.ge [sflag:s22], s20  }
0xa5: {  	s5 =	ssub.s32 $0x0, s20;
	[sflag:s22] =	ssyncset.done $0x0  }
0xa6: {  	[sflag:s22] =	ssyncadd.s32 s5;
	_ =	sdelay $0x1  }
0xa7: {  	s23 =	simm.s32 $0x1B8B  }
0xa8: {  	_ =	swait.ge [sflag:s23], $0x1  }
0xa9: {  	[sflag:s23] =	ssyncset.done $0x0  }
0xaa: {  	s25 =	simm.s32 $0x1B8E;
	s24 =	sld [smem:$0x3FFE];
	[sflag:s23] =	ssyncadd.s32 $0xFFFFFFFF  }
0xab: {  	s26 =	simm.s32 $execute0_lowered;
	[smem:$0x3FD2] =	sst s25  }
0xac: {  	s6 =	sshll.u32 s26, $0x1;
	_ =	strace $0x8000004C;
	[dreg:$0x1] =	wrdreg $0xFFFFFFFF  }
0xad: {  	s28 =	simm.s32 $_size_execute0_lowered;
	s4 =	sadd.s32 s4, s6;
	[dreg:$0x0] =	wrdreg $0x0  }
0xae: {  	s6 =	sshll.u32 s28, $0x1;
	[dreg:$0x2] =	wrdreg s4  }
0xaf: {  	[dreg:$0x3] =	wrdreg s6  }
0xb0: {  	[dreg:$0x4] =	wrdreg $0xC0  }
0xb1: {  	_ =	task [dreg:s8], $0x5FFFF  }
0xb2: {  	[dreg:$0x1] =	wrdreg $0xFFFFFFFF  }
0xb3: {  	[dreg:$0x0] =	wrdreg $0x60  }
0xb4: {  	[dreg:$0x2] =	wrdreg s24  }
0xb5: {  	[dreg:$0x3] =	wrdreg s16  }
0xb6: {  	[dreg:$0x4] =	wrdreg s17  }
0xb7: {  	[dreg:$0x5] =	wrdreg $0x90000  }
0xb8: {  	[dreg:$0x6] =	wrdreg $0x9  }
0xb9: {  	_ =	task.clear_ibuf [dreg:s8], $0x7FFFF;
	_ =	strace $0x9000004C  }
0xba: {  	s29 =	simm.s32 $0x9;
	_ =	strace $0x8000004E  }
0xbb: {  	_ =	swait.ge [sflag:s29], $0x1  }
0xbc: {  	[sflag:s29] =	ssyncadd.s32 $0xFFFFFFFF  }
0xbd: {  	_ =	strace $0x9000004E  }
0xbe: {  	_ =	sfence  }
0xbf: {  	s30 =	sld [smem:$0x0];
	_ =	sdelay $0x2  }
0xc0: {  	s31 =	sshll.u32 s1, $0xD;
	s1 =	sshrl.u32 s1, $0x2  }
0xc1: {  	s3 =	sand.u32 $0x4000, s31;
	s1 =	sadd.s32 s1, s30  }
0xc2: {  	s0 =	sor.u32 s3, s0;
	s1 =	sshll.u32 s1, $0x11  }
0xc3: {  	s0 =	sor.u32 s1, s0  }
0xc4: {  	s0 =	sadd.s32 $0x8F2B, s0  }
0xc5: {  	[sflag:s0] =	ssyncadd.remote.s32 $0x1  }
0xc6: {  	_ =	sfence.sel $0xFFFF  }
0xc7: {  	[dreg:$0x0] =	wrdreg $0xFFFFFFFF;
	(pc) =	sbr.abs _section_cstart, $3  }
0xc8: {  	[dreg:$0x1] =	wrdreg $0xFFFFFFFF  }
0xc9: {  	_ =	task.clear_ibuf [dreg:s8], $0x2FFFF;
	_ =	strace $0x9FFFFFFF  }
0xca: {  	(tm) =	ssettm $0x7FFFFFFF  }
0xcb: {  	_ =	shalt  }
tec
execute0_lowered:
.L_overlay_start_1:
0x0: {  	(tag) =	ssettag $0x1  }
0x1: {  	s0 =	rddreg [dreg:$0x0]  }
0x2: {  	s2 =	rddreg [dreg:$0x1]  }
0x3: {  	s6 =	rddreg [dreg:$0x2]  }
0x4: {  	s1 =	rddreg [dreg:$0x3]  }
0x5: {  	s3 =	simm.s32 $0x0;
	s15 =	stileid.u32;
	s8 =	srdreg.scid  }
0x6: {  	s16 =	simm.s32 $0x1000;
	s28 =	simm.s32 $0xF00;
	s7 =	smul.u32 $0xA00, s15  }
0x7: {  	s29 =	simm.s32 $0xF80;
	s30 =	simm.s32 $0x0;
	s12 =	smul.u32 $0x2780, s15  }
0x8: {  	[smem:$0x7FF] =	sst s3;
	s4 =	sadd.s32 $0x2C200, s0;
	s11 =	smul.u32 $0x4F000, s15  }
0x9: {  	s5 =	sadd.s32 $0x5000, s0;
	s8 =	sand.u32 $0x1, s8;
	s14 =	smul.u32 $0x13C00, s15  }
0xa: {  	s24 =	sshll.u32 s15, $0x6;
	s15 =	simm.s32 $0x80;
	_ =	strace $0x8000004D  }
0xb: {  	s10 =	ssub.s32 $0x2, s8;
	p0 =	seq.s32 s8, $0x1;
	s8 =	simm.s32 $0x500  }
0xc: {  	s9 =	sadd.s32 s7, s0;
	[dreg:$0x9] =	wrdreg s12;
	s12 =	sadd.s32 s12, s0  }
0xd: {  	s13 =	sshrl.u32 s10, $0x1;
	s0 =	sadd.s32 $0xDCE00, s0;
	s18 =	sshrl.u32 s11, $0x2  }
0xe: {  	s20 =	sshrl.u32 s14, $0x3;
	s23 =	sadd.s32 s7, s2;
	s25 =	sadd.s32 s7, s6  }
0xf: {  	s2 =	sor.u32 $0x1C03, s24;
	s14 =	simm.s32 $0x800;
	s6 =	simm.s32 $0x480  }
0x10: {  	s7 =	simm.s32 $0xC00;
	s11 =	simm.s32 $0x580;
	[dreg:$0xa] =	wrdreg s0  }
0x11: {  	s24 =	simm.s32 $0x700;
	s17 =	ssub.s32 s10, s13;
	[dreg:$0x6] =	wrdreg s23  }
0x12: {  	s19 =	sadd.s32 s18, s1;
	s21 =	sadd.s32 $0x67400, s12;
	[dreg:$0xe] =	wrdreg s2  }
0x13: {  	s10 =	sadd.s32 $0x27800, s20;
	s22 =	sadd.s32 $0x5D400, s9;
	[dreg:$0x7] =	wrdreg s25  }
0x14: {  	s26 =	sadd.s32 $0x53400, s9;
	s13 =	simm.s32 $0x3;
	s18 =	simm.s32 $0x1  }
0x15: {  	s20 =	simm.s32 $0x2;
	s2 =	simm.s32 $0x400;
	[dreg:$0xb] =	wrdreg s21  }
0x16: {  	s9 =	simm.s32 $0xB80;
	s12 =	simm.s32 $0xD00;
	[dreg:$0xc] =	wrdreg s10  }
.Ltmp0:
0x17: {  	s23 =	simm.s32 $0xE00;
	[dreg:$0x5] =	wrdreg s22;
	(pc) =	sbr.rel .LBB2_1-.Ltmp0, $4  }
0x18: {  	s25 =	simm.s32 $0xE80;
	s0 =	smax.u32 s17, $0x1;
	[dreg:$0x8] =	wrdreg s26  }
0x19: {  	s31 =	sshrl.u32 s19, $0x3;
	s17 =	simm.s32 $0x5000;
	s10 =	simm.s32 $0xC80  }
0x1a: {  	s19 =	simm.s32 $0x600;
	s21 =	simm.s32 $0xD80;
	[dreg:$0xd] =	wrdreg s0  }
0x1b: {  	s22 =	simm.s32 $0x680;
	s26 =	simm.s32 $0x780;
	[dreg:$0xf] =	wrdreg s31  }
.LBB2_7:
0x1c: {  	[sflag:s13] =	ssyncset.done $0x0  }
0x1d: {  	s31 =	rddreg [dreg:$0xc];
	[sflag:s13] =	ssyncadd.s32 $0xFFFFC000  }
.LBB2_8:
0x1e: {  	s0 =	rddreg [dreg:$0xa]  }
0x1f: {  	s0 =	sadd.s32 s0, s31  }
0x20: {  	[dreg:$0x11] =	wrdreg s0  }
0x21: {  	[bflag:$0x0] =	sbarrier.arrive $0xFFFF  }
0x22: {  	s31 =	rddreg [dreg:$0x11]  }
0x23: {  	s0 =	rddreg [dreg:$0xf]  }
0x24: {  	s30 =	rddreg [dreg:$0xe]  }
0x25: {  	[hbm:s31], [sflag:s30] =	dma.local [spmem:s0], $0x2780  }
0x26: {  	s31 =	rddreg [dreg:$0xf];
	_ =	swait.ge [sflag:s13], $0x2780  }
0x27: {  	s30 =	rddreg [dreg:$0x10]  }
0x28: {  	s0 =	rddreg [dreg:$0xd];
	s30 =	sadd.s32 $0x1, s30  }
0x29: {  	p1 =	sne.s32 s30, s0  }
.Ltmp1:
0x2a: {  	_ = 	snop;
	(pc) =	sbr.rel @!p1 .LBB2_9-.Ltmp1, $3  }
0x2b: {  	_ =	sdelay $0x1  }
0x2c: {  	[sflag:s13] =	ssyncset.done $0x0  }
0x2d: {  	[sflag:s13] =	ssyncadd.s32 $0xFFFFD880  }
.LBB2_1:
0x2e: {  	[dreg:$0x10] =	wrdreg s30  }
0x2f: {  	s0 =	rddreg [dreg:$0xb]  }
0x30: {  	s30 =	rddreg [dreg:$0xe]  }
0x31: {  	[spmem:s31], [sflag:s30] =	dma.local [hbm:s0], $0x2780  }
.Ltmp2:
0x32: {  	_ =	swait.ge [sflag:s13], $0x2780;
	(pc) =	sbr.rel @!p0 .LBB2_2-.Ltmp2, $3  }
0x33: {  	[sflag:s13] =	ssyncset.done $0x0  }
0x34: {  	[sflag:s13] =	ssyncadd.s32 $0xFFFFD880  }
0x35: {  	[bflag:$0x0] =	sbarrier.arrive $0xFFFF;
	_ =	sdelay $0x1  }
0x36: {  	s0 =	rddreg [dreg:$0x8]  }
0x37: {  	s0 =	sadd.s32 $0x0, s0  }
0x38: {  	[tilespmem:s3], [sflag:$0x3] =	stream.linear.gather [hbm4b:s0+s3], $0x800, $0x38;
	[tilespmem:$0x1CC00] =	vst v63  }
0x39: {  	_ =	swait.ge [sflag:s13], $0x800  }
0x3a: {  	s31 =	rddreg [dreg:$0x7];
	[sflag:s13] =	ssyncset.done $0x0  }
0x3b: {  	[sflag:s13] =	ssyncadd.s32 $0xFFFFF800;
	s0 =	sadd.s32 $0x0, s31  }
0x3c: {  	[tilespmem:s14], [sflag:$0x3] =	stream.linear.gather [hbm4b:s0+s3], $0x800, $0x38;
	[tilespmem:$0x1CC00] =	vst v63  }
0x3d: {  	_ =	swait.ge [sflag:s13], $0x800  }
0x3e: {  	[sflag:s13] =	ssyncset.done $0x0  }
0x3f: {  	[sflag:s13] =	ssyncadd.s32 $0xFFFFF800  }
0x40: {  	[tilespmem:s16], [sflag:$0x1] =	stream.indirect.gather [hbm4b:s4+s15], $0x80, s3, s15, $0xb8;
	[tilespmem:$0x1CC00] =	vst v63  }
0x41: {  	_ = 	snop  }
0x42: {  	[tilespmem:s17], [sflag:$0x2] =	stream.indirect.gather [hbm4b:s4+s15], $0x80, s15, s15, $0xb8;
	[tilespmem:$0x1CC00] =	vst v63  }
0x43: {  	_ =	swait.ge [sflag:s18], $0x4000  }
0x44: {  	[sflag:s18] =	ssyncset.done $0x0  }
0x45: {  	[sflag:s18] =	ssyncadd.s32 $0xFFFFC000  }
0x46: {  	[spmem:s1] =	stream.indirect.scatter.add.f32 [tilespmem:s16], [sflag:$0x3], $0x80, s14, s15, $0xb8;
	[tilespmem:$0x1CC00] =	vst v63  }
0x47: {  	_ =	swait.ge [sflag:s13], $0x4000  }
0x48: {  	[sflag:s13] =	ssyncset.done $0x0  }
0x49: {  	s31 =	simm.s32 $0x100;
	[sflag:s13] =	ssyncadd.s32 $0xFFFFC000  }
0x4a: {  	[tilespmem:s16], [sflag:$0x1] =	stream.indirect.gather [hbm4b:s4+s15], $0x80, s31, s15, $0xb8;
	[tilespmem:$0x1CC00] =	vst v63  }
0x4b: {  	_ =	swait.ge [sflag:s20], $0x4000  }
0x4c: {  	[sflag:s20] =	ssyncset.done $0x0  }
0x4d: {  	s31 =	simm.s32 $0x880;
	[sflag:s20] =	ssyncadd.s32 $0xFFFFC000  }
0x4e: {  	[spmem:s1] =	stream.indirect.scatter.add.f32 [tilespmem:s17], [sflag:$0x3], $0x80, s31, s15, $0xb8;
	[tilespmem:$0x1CC00] =	vst v63  }
0x4f: {  	_ =	swait.ge [sflag:s13], $0x4000  }
0x50: {  	[sflag:s13] =	ssyncset.done $0x0  }
0x51: {  	s31 =	simm.s32 $0x180;
	[sflag:s13] =	ssyncadd.s32 $0xFFFFC000  }
0x52: {  	[tilespmem:s17], [sflag:$0x2] =	stream.indirect.gather [hbm4b:s4+s15], $0x80, s31, s15, $0xb8;
	[tilespmem:$0x1CC00] =	vst v63  }
0x53: {  	_ =	swait.ge [sflag:s18], $0x4000  }
0x54: {  	[sflag:s18] =	ssyncset.done $0x0  }
0x55: {  	s31 =	simm.s32 $0x900;
	[sflag:s18] =	ssyncadd.s32 $0xFFFFC000  }
0x56: {  	[spmem:s1] =	stream.indirect.scatter.add.f32 [tilespmem:s16], [sflag:$0x3], $0x80, s31, s15, $0xb8;
	[tilespmem:$0x1CC00] =	vst v63  }
0x57: {  	_ =	swait.ge [sflag:s13], $0x4000  }
0x58: {  	[sflag:s13] =	ssyncset.done $0x0  }
0x59: {  	s31 =	simm.s32 $0x200;
	[sflag:s13] =	ssyncadd.s32 $0xFFFFC000  }
0x5a: {  	[tilespmem:s16], [sflag:$0x1] =	stream.indirect.gather [hbm4b:s4+s15], $0x80, s31, s15, $0xb8;
	[tilespmem:$0x1CC00] =	vst v63  }
0x5b: {  	_ =	swait.ge [sflag:s20], $0x4000  }
0x5c: {  	[sflag:s20] =	ssyncset.done $0x0  }
0x5d: {  	s31 =	simm.s32 $0x980;
	[sflag:s20] =	ssyncadd.s32 $0xFFFFC000  }
0x5e: {  	[spmem:s1] =	stream.indirect.scatter.add.f32 [tilespmem:s17], [sflag:$0x3], $0x80, s31, s15, $0xb8;
	[tilespmem:$0x1CC00] =	vst v63  }
0x5f: {  	_ =	swait.ge [sflag:s13], $0x4000  }
0x60: {  	[sflag:s13] =	ssyncset.done $0x0  }
0x61: {  	s31 =	simm.s32 $0x280;
	[sflag:s13] =	ssyncadd.s32 $0xFFFFC000  }
0x62: {  	[tilespmem:s17], [sflag:$0x2] =	stream.indirect.gather [hbm4b:s4+s15], $0x80, s31, s15, $0xb8;
	[tilespmem:$0x1CC00] =	vst v63  }
0x63: {  	_ =	swait.ge [sflag:s18], $0x4000  }
0x64: {  	[sflag:s18] =	ssyncset.done $0x0  }
0x65: {  	s31 =	simm.s32 $0xA00;
	[sflag:s18] =	ssyncadd.s32 $0xFFFFC000  }
0x66: {  	[spmem:s1] =	stream.indirect.scatter.add.f32 [tilespmem:s16], [sflag:$0x3], $0x80, s31, s15, $0xb8;
	[tilespmem:$0x1CC00] =	vst v63  }
0x67: {  	_ =	swait.ge [sflag:s13], $0x4000  }
0x68: {  	[sflag:s13] =	ssyncset.done $0x0  }
0x69: {  	s31 =	simm.s32 $0x300;
	[sflag:s13] =	ssyncadd.s32 $0xFFFFC000  }
0x6a: {  	[tilespmem:s16], [sflag:$0x1] =	stream.indirect.gather [hbm4b:s4+s15], $0x80, s31, s15, $0xb8;
	[tilespmem:$0x1CC00] =	vst v63  }
0x6b: {  	_ =	swait.ge [sflag:s20], $0x4000  }
0x6c: {  	[sflag:s20] =	ssyncset.done $0x0  }
0x6d: {  	s31 =	simm.s32 $0xA80;
	[sflag:s20] =	ssyncadd.s32 $0xFFFFC000  }
0x6e: {  	[spmem:s1] =	stream.indirect.scatter.add.f32 [tilespmem:s17], [sflag:$0x3], $0x80, s31, s15, $0xb8;
	[tilespmem:$0x1CC00] =	vst v63  }
0x6f: {  	_ =	swait.ge [sflag:s13], $0x4000  }
0x70: {  	[sflag:s13] =	ssyncset.done $0x0  }
0x71: {  	s31 =	simm.s32 $0x380;
	[sflag:s13] =	ssyncadd.s32 $0xFFFFC000  }
0x72: {  	[tilespmem:s17], [sflag:$0x2] =	stream.indirect.gather [hbm4b:s4+s15], $0x80, s31, s15, $0xb8;
	[tilespmem:$0x1CC00] =	vst v63  }
0x73: {  	_ =	swait.ge [sflag:s18], $0x4000  }
0x74: {  	[sflag:s18] =	ssyncset.done $0x0  }
0x75: {  	s31 =	simm.s32 $0xB00;
	[sflag:s18] =	ssyncadd.s32 $0xFFFFC000  }
0x76: {  	[spmem:s1] =	stream.indirect.scatter.add.f32 [tilespmem:s16], [sflag:$0x3], $0x80, s31, s15, $0xb8;
	[tilespmem:$0x1CC00] =	vst v63  }
0x77: {  	_ =	swait.ge [sflag:s13], $0x4000  }
0x78: {  	[sflag:s13] =	ssyncset.done $0x0  }
0x79: {  	[sflag:s13] =	ssyncadd.s32 $0xFFFFC000  }
0x7a: {  	[tilespmem:s16], [sflag:$0x1] =	stream.indirect.gather [hbm4b:s4+s15], $0x80, s2, s15, $0xb8;
	[tilespmem:$0x1CC00] =	vst v63  }
0x7b: {  	_ =	swait.ge [sflag:s20], $0x4000  }
0x7c: {  	[sflag:s20] =	ssyncset.done $0x0  }
0x7d: {  	[sflag:s20] =	ssyncadd.s32 $0xFFFFC000  }
0x7e: {  	[spmem:s1] =	stream.indirect.scatter.add.f32 [tilespmem:s17], [sflag:$0x3], $0x80, s9, s15, $0xb8;
	[tilespmem:$0x1CC00] =	vst v63  }
0x7f: {  	_ =	swait.ge [sflag:s13], $0x4000  }
0x80: {  	[sflag:s13] =	ssyncset.done $0x0  }
0x81: {  	[sflag:s13] =	ssyncadd.s32 $0xFFFFC000  }
0x82: {  	[tilespmem:s17], [sflag:$0x2] =	stream.indirect.gather [hbm4b:s4+s15], $0x80, s6, s15, $0xb8;
	[tilespmem:$0x1CC00] =	vst v63  }
0x83: {  	_ =	swait.ge [sflag:s18], $0x4000  }
0x84: {  	[sflag:s18] =	ssyncset.done $0x0  }
0x85: {  	[sflag:s18] =	ssyncadd.s32 $0xFFFFC000  }
0x86: {  	[spmem:s1] =	stream.indirect.scatter.add.f32 [tilespmem:s16], [sflag:$0x3], $0x80, s7, s15, $0xb8;
	[tilespmem:$0x1CC00] =	vst v63  }
0x87: {  	_ =	swait.ge [sflag:s13], $0x4000  }
0x88: {  	[sflag:s13] =	ssyncset.done $0x0  }
0x89: {  	[sflag:s13] =	ssyncadd.s32 $0xFFFFC000  }
0x8a: {  	[tilespmem:s16], [sflag:$0x1] =	stream.indirect.gather [hbm4b:s4+s15], $0x80, s8, s15, $0xb8;
	[tilespmem:$0x1CC00] =	vst v63  }
0x8b: {  	_ =	swait.ge [sflag:s20], $0x4000  }
0x8c: {  	[sflag:s20] =	ssyncset.done $0x0  }
0x8d: {  	[sflag:s20] =	ssyncadd.s32 $0xFFFFC000  }
0x8e: {  	[spmem:s1] =	stream.indirect.scatter.add.f32 [tilespmem:s17], [sflag:$0x3], $0x80, s10, s15, $0xb8;
	[tilespmem:$0x1CC00] =	vst v63  }
0x8f: {  	_ =	swait.ge [sflag:s13], $0x4000  }
0x90: {  	[sflag:s13] =	ssyncset.done $0x0  }
0x91: {  	[sflag:s13] =	ssyncadd.s32 $0xFFFFC000  }
0x92: {  	[tilespmem:s17], [sflag:$0x2] =	stream.indirect.gather [hbm4b:s4+s15], $0x80, s11, s15, $0xb8;
	[tilespmem:$0x1CC00] =	vst v63  }
0x93: {  	_ =	swait.ge [sflag:s18], $0x4000  }
0x94: {  	[sflag:s18] =	ssyncset.done $0x0  }
0x95: {  	[sflag:s18] =	ssyncadd.s32 $0xFFFFC000  }
0x96: {  	[spmem:s1] =	stream.indirect.scatter.add.f32 [tilespmem:s16], [sflag:$0x3], $0x80, s12, s15, $0xb8;
	[tilespmem:$0x1CC00] =	vst v63  }
0x97: {  	_ =	swait.ge [sflag:s13], $0x4000  }
0x98: {  	[sflag:s13] =	ssyncset.done $0x0  }
0x99: {  	[sflag:s13] =	ssyncadd.s32 $0xFFFFC000  }
0x9a: {  	[tilespmem:s16], [sflag:$0x1] =	stream.indirect.gather [hbm4b:s4+s15], $0x80, s19, s15, $0xb8;
	[tilespmem:$0x1CC00] =	vst v63  }
0x9b: {  	_ =	swait.ge [sflag:s20], $0x4000  }
0x9c: {  	[sflag:s20] =	ssyncset.done $0x0  }
0x9d: {  	[sflag:s20] =	ssyncadd.s32 $0xFFFFC000  }
0x9e: {  	[spmem:s1] =	stream.indirect.scatter.add.f32 [tilespmem:s17], [sflag:$0x3], $0x80, s21, s15, $0xb8;
	[tilespmem:$0x1CC00] =	vst v63  }
0x9f: {  	_ =	swait.ge [sflag:s13], $0x4000  }
0xa0: {  	[sflag:s13] =	ssyncset.done $0x0  }
0xa1: {  	[sflag:s13] =	ssyncadd.s32 $0xFFFFC000  }
0xa2: {  	[tilespmem:s17], [sflag:$0x2] =	stream.indirect.gather [hbm4b:s4+s15], $0x80, s22, s15, $0xb8;
	[tilespmem:$0x1CC00] =	vst v63  }
0xa3: {  	_ =	swait.ge [sflag:s18], $0x4000  }
0xa4: {  	[sflag:s18] =	ssyncset.done $0x0  }
0xa5: {  	[sflag:s18] =	ssyncadd.s32 $0xFFFFC000  }
0xa6: {  	[spmem:s1] =	stream.indirect.scatter.add.f32 [tilespmem:s16], [sflag:$0x3], $0x80, s23, s15, $0xb8;
	[tilespmem:$0x1CC00] =	vst v63  }
0xa7: {  	_ =	swait.ge [sflag:s13], $0x4000  }
0xa8: {  	[sflag:s13] =	ssyncset.done $0x0  }
0xa9: {  	[sflag:s13] =	ssyncadd.s32 $0xFFFFC000  }
0xaa: {  	[tilespmem:s16], [sflag:$0x1] =	stream.indirect.gather [hbm4b:s4+s15], $0x80, s24, s15, $0xb8;
	[tilespmem:$0x1CC00] =	vst v63  }
0xab: {  	_ =	swait.ge [sflag:s20], $0x4000  }
0xac: {  	[sflag:s20] =	ssyncset.done $0x0  }
0xad: {  	[sflag:s20] =	ssyncadd.s32 $0xFFFFC000  }
0xae: {  	[spmem:s1] =	stream.indirect.scatter.add.f32 [tilespmem:s17], [sflag:$0x3], $0x80, s25, s15, $0xb8;
	[tilespmem:$0x1CC00] =	vst v63  }
0xaf: {  	_ =	swait.ge [sflag:s13], $0x4000  }
0xb0: {  	[sflag:s13] =	ssyncset.done $0x0  }
0xb1: {  	[sflag:s13] =	ssyncadd.s32 $0xFFFFC000  }
0xb2: {  	[tilespmem:s17], [sflag:$0x2] =	stream.indirect.gather [hbm4b:s4+s15], $0x80, s26, s15, $0xb8;
	[tilespmem:$0x1CC00] =	vst v63  }
0xb3: {  	_ =	swait.ge [sflag:s18], $0x4000  }
0xb4: {  	[sflag:s18] =	ssyncset.done $0x0  }
0xb5: {  	[sflag:s18] =	ssyncadd.s32 $0xFFFFC000  }
0xb6: {  	[spmem:s1] =	stream.indirect.scatter.add.f32 [tilespmem:s16], [sflag:$0x3], $0x80, s28, s15, $0xb8;
	[tilespmem:$0x1CC00] =	vst v63  }
0xb7: {  	_ =	swait.ge [sflag:s13], $0x4000  }
0xb8: {  	[sflag:s13] =	ssyncset.done $0x0  }
0xb9: {  	[sflag:s13] =	ssyncadd.s32 $0xFFFFC000  }
0xba: {  	_ =	swait.ge [sflag:s20], $0x4000  }
0xbb: {  	[sflag:s20] =	ssyncset.done $0x0  }
0xbc: {  	[sflag:s20] =	ssyncadd.s32 $0xFFFFC000  }
0xbd: {  	[spmem:s1] =	stream.indirect.scatter.add.f32 [tilespmem:s17], [sflag:$0x3], $0x80, s29, s15, $0xb8;
	[tilespmem:$0x1CC00] =	vst v63  }
0xbe: {  	s30 =	simm.s32 $0x100;
	_ =	swait.ge [sflag:s13], $0x4000  }
.LBB2_6:
0xbf: {  	s0 =	rddreg [dreg:$0x8];
	s31 =	smov.u32 s30;
	[sflag:s13] =	ssyncset.done $0x0  }
0xc0: {  	s0 =	sadd.s32 s31, s0;
	[sflag:s13] =	ssyncadd.s32 $0xFFFFC000  }
0xc1: {  	[tilespmem:s3], [sflag:$0x3] =	stream.linear.gather [hbm4b:s0+s3], $0x800, $0x38;
	[tilespmem:$0x1CC00] =	vst v63  }
0xc2: {  	_ =	swait.ge [sflag:s13], $0x800  }
0xc3: {  	s0 =	rddreg [dreg:$0x7];
	[sflag:s13] =	ssyncset.done $0x0  }
0xc4: {  	[sflag:s13] =	ssyncadd.s32 $0xFFFFF800;
	s0 =	sadd.s32 s31, s0  }
0xc5: {  	[tilespmem:s14], [sflag:$0x3] =	stream.linear.gather [hbm4b:s0+s3], $0x800, $0x38;
	[tilespmem:$0x1CC00] =	vst v63  }
0xc6: {  	_ =	swait.ge [sflag:s13], $0x800  }
0xc7: {  	[sflag:s13] =	ssyncset.done $0x0  }
0xc8: {  	[sflag:s13] =	ssyncadd.s32 $0xFFFFF800  }
0xc9: {  	[tilespmem:s16], [sflag:$0x1] =	stream.indirect.gather [hbm4b:s4+s15], $0x80, s3, s15, $0xb8;
	[tilespmem:$0x1CC00] =	vst v63  }
0xca: {  	_ = 	snop  }
0xcb: {  	[tilespmem:s17], [sflag:$0x2] =	stream.indirect.gather [hbm4b:s4+s15], $0x80, s15, s15, $0xb8;
	[tilespmem:$0x1CC00] =	vst v63  }
0xcc: {  	_ =	swait.ge [sflag:s18], $0x4000  }
0xcd: {  	[sflag:s18] =	ssyncset.done $0x0  }
0xce: {  	[sflag:s18] =	ssyncadd.s32 $0xFFFFC000  }
0xcf: {  	[spmem:s1] =	stream.indirect.scatter.add.f32 [tilespmem:s16], [sflag:$0x3], $0x80, s14, s15, $0xb8;
	[tilespmem:$0x1CC00] =	vst v63  }
0xd0: {  	_ =	swait.ge [sflag:s13], $0x4000  }
0xd1: {  	[sflag:s13] =	ssyncset.done $0x0  }
0xd2: {  	s31 =	simm.s32 $0x100;
	[sflag:s13] =	ssyncadd.s32 $0xFFFFC000  }
0xd3: {  	[tilespmem:s16], [sflag:$0x1] =	stream.indirect.gather [hbm4b:s4+s15], $0x80, s31, s15, $0xb8;
	[tilespmem:$0x1CC00] =	vst v63  }
0xd4: {  	_ =	swait.ge [sflag:s20], $0x4000  }
0xd5: {  	[sflag:s20] =	ssyncset.done $0x0  }
0xd6: {  	s31 =	simm.s32 $0x880;
	[sflag:s20] =	ssyncadd.s32 $0xFFFFC000  }
0xd7: {  	[spmem:s1] =	stream.indirect.scatter.add.f32 [tilespmem:s17], [sflag:$0x3], $0x80, s31, s15, $0xb8;
	[tilespmem:$0x1CC00] =	vst v63  }
0xd8: {  	_ =	swait.ge [sflag:s13], $0x4000  }
0xd9: {  	[sflag:s13] =	ssyncset.done $0x0  }
0xda: {  	s31 =	simm.s32 $0x180;
	[sflag:s13] =	ssyncadd.s32 $0xFFFFC000  }
0xdb: {  	[tilespmem:s17], [sflag:$0x2] =	stream.indirect.gather [hbm4b:s4+s15], $0x80, s31, s15, $0xb8;
	[tilespmem:$0x1CC00] =	vst v63  }
0xdc: {  	_ =	swait.ge [sflag:s18], $0x4000  }
0xdd: {  	[sflag:s18] =	ssyncset.done $0x0  }
0xde: {  	s31 =	simm.s32 $0x900;
	[sflag:s18] =	ssyncadd.s32 $0xFFFFC000  }
0xdf: {  	[spmem:s1] =	stream.indirect.scatter.add.f32 [tilespmem:s16], [sflag:$0x3], $0x80, s31, s15, $0xb8;
	[tilespmem:$0x1CC00] =	vst v63  }
0xe0: {  	_ =	swait.ge [sflag:s13], $0x4000  }
0xe1: {  	[sflag:s13] =	ssyncset.done $0x0  }
0xe2: {  	s31 =	simm.s32 $0x200;
	[sflag:s13] =	ssyncadd.s32 $0xFFFFC000  }
0xe3: {  	[tilespmem:s16], [sflag:$0x1] =	stream.indirect.gather [hbm4b:s4+s15], $0x80, s31, s15, $0xb8;
	[tilespmem:$0x1CC00] =	vst v63  }
0xe4: {  	_ =	swait.ge [sflag:s20], $0x4000  }
0xe5: {  	[sflag:s20] =	ssyncset.done $0x0  }
0xe6: {  	s31 =	simm.s32 $0x980;
	[sflag:s20] =	ssyncadd.s32 $0xFFFFC000  }
0xe7: {  	[spmem:s1] =	stream.indirect.scatter.add.f32 [tilespmem:s17], [sflag:$0x3], $0x80, s31, s15, $0xb8;
	[tilespmem:$0x1CC00] =	vst v63  }
0xe8: {  	_ =	swait.ge [sflag:s13], $0x4000  }
0xe9: {  	[sflag:s13] =	ssyncset.done $0x0  }
0xea: {  	s31 =	simm.s32 $0x280;
	[sflag:s13] =	ssyncadd.s32 $0xFFFFC000  }
0xeb: {  	[tilespmem:s17], [sflag:$0x2] =	stream.indirect.gather [hbm4b:s4+s15], $0x80, s31, s15, $0xb8;
	[tilespmem:$0x1CC00] =	vst v63  }
0xec: {  	_ =	swait.ge [sflag:s18], $0x4000  }
0xed: {  	[sflag:s18] =	ssyncset.done $0x0  }
0xee: {  	s31 =	simm.s32 $0xA00;
	[sflag:s18] =	ssyncadd.s32 $0xFFFFC000  }
0xef: {  	[spmem:s1] =	stream.indirect.scatter.add.f32 [tilespmem:s16], [sflag:$0x3], $0x80, s31, s15, $0xb8;
	[tilespmem:$0x1CC00] =	vst v63  }
0xf0: {  	_ =	swait.ge [sflag:s13], $0x4000  }
0xf1: {  	[sflag:s13] =	ssyncset.done $0x0  }
0xf2: {  	s31 =	simm.s32 $0x300;
	[sflag:s13] =	ssyncadd.s32 $0xFFFFC000  }
0xf3: {  	[tilespmem:s16], [sflag:$0x1] =	stream.indirect.gather [hbm4b:s4+s15], $0x80, s31, s15, $0xb8;
	[tilespmem:$0x1CC00] =	vst v63  }
0xf4: {  	_ =	swait.ge [sflag:s20], $0x4000  }
0xf5: {  	[sflag:s20] =	ssyncset.done $0x0  }
0xf6: {  	s31 =	simm.s32 $0xA80;
	[sflag:s20] =	ssyncadd.s32 $0xFFFFC000  }
0xf7: {  	[spmem:s1] =	stream.indirect.scatter.add.f32 [tilespmem:s17], [sflag:$0x3], $0x80, s31, s15, $0xb8;
	[tilespmem:$0x1CC00] =	vst v63  }
0xf8: {  	_ =	swait.ge [sflag:s13], $0x4000  }
0xf9: {  	[sflag:s13] =	ssyncset.done $0x0  }
0xfa: {  	s31 =	simm.s32 $0x380;
	[sflag:s13] =	ssyncadd.s32 $0xFFFFC000  }
0xfb: {  	[tilespmem:s17], [sflag:$0x2] =	stream.indirect.gather [hbm4b:s4+s15], $0x80, s31, s15, $0xb8;
	[tilespmem:$0x1CC00] =	vst v63  }
0xfc: {  	_ =	swait.ge [sflag:s18], $0x4000  }
0xfd: {  	[sflag:s18] =	ssyncset.done $0x0  }
0xfe: {  	s31 =	simm.s32 $0xB00;
	[sflag:s18] =	ssyncadd.s32 $0xFFFFC000  }
0xff: {  	[spmem:s1] =	stream.indirect.scatter.add.f32 [tilespmem:s16], [sflag:$0x3], $0x80, s31, s15, $0xb8;
	[tilespmem:$0x1CC00] =	vst v63  }
0x100: {  	_ =	swait.ge [sflag:s13], $0x4000  }
0x101: {  	[sflag:s13] =	ssyncset.done $0x0  }
0x102: {  	[sflag:s13] =	ssyncadd.s32 $0xFFFFC000  }
0x103: {  	[tilespmem:s16], [sflag:$0x1] =	stream.indirect.gather [hbm4b:s4+s15], $0x80, s2, s15, $0xb8;
	[tilespmem:$0x1CC00] =	vst v63  }
0x104: {  	_ =	swait.ge [sflag:s20], $0x4000  }
0x105: {  	[sflag:s20] =	ssyncset.done $0x0  }
0x106: {  	[sflag:s20] =	ssyncadd.s32 $0xFFFFC000  }
0x107: {  	[spmem:s1] =	stream.indirect.scatter.add.f32 [tilespmem:s17], [sflag:$0x3], $0x80, s9, s15, $0xb8;
	[tilespmem:$0x1CC00] =	vst v63  }
0x108: {  	_ =	swait.ge [sflag:s13], $0x4000  }
0x109: {  	[sflag:s13] =	ssyncset.done $0x0  }
0x10a: {  	[sflag:s13] =	ssyncadd.s32 $0xFFFFC000  }
0x10b: {  	[tilespmem:s17], [sflag:$0x2] =	stream.indirect.gather [hbm4b:s4+s15], $0x80, s6, s15, $0xb8;
	[tilespmem:$0x1CC00] =	vst v63  }
0x10c: {  	_ =	swait.ge [sflag:s18], $0x4000  }
0x10d: {  	[sflag:s18] =	ssyncset.done $0x0  }
0x10e: {  	[sflag:s18] =	ssyncadd.s32 $0xFFFFC000  }
0x10f: {  	[spmem:s1] =	stream.indirect.scatter.add.f32 [tilespmem:s16], [sflag:$0x3], $0x80, s7, s15, $0xb8;
	[tilespmem:$0x1CC00] =	vst v63  }
0x110: {  	_ =	swait.ge [sflag:s13], $0x4000  }
0x111: {  	[sflag:s13] =	ssyncset.done $0x0  }
0x112: {  	[sflag:s13] =	ssyncadd.s32 $0xFFFFC000  }
0x113: {  	[tilespmem:s16], [sflag:$0x1] =	stream.indirect.gather [hbm4b:s4+s15], $0x80, s8, s15, $0xb8;
	[tilespmem:$0x1CC00] =	vst v63  }
0x114: {  	_ =	swait.ge [sflag:s20], $0x4000  }
0x115: {  	[sflag:s20] =	ssyncset.done $0x0  }
0x116: {  	[sflag:s20] =	ssyncadd.s32 $0xFFFFC000  }
0x117: {  	[spmem:s1] =	stream.indirect.scatter.add.f32 [tilespmem:s17], [sflag:$0x3], $0x80, s10, s15, $0xb8;
	[tilespmem:$0x1CC00] =	vst v63  }
0x118: {  	_ =	swait.ge [sflag:s13], $0x4000  }
0x119: {  	[sflag:s13] =	ssyncset.done $0x0  }
0x11a: {  	[sflag:s13] =	ssyncadd.s32 $0xFFFFC000  }
0x11b: {  	[tilespmem:s17], [sflag:$0x2] =	stream.indirect.gather [hbm4b:s4+s15], $0x80, s11, s15, $0xb8;
	[tilespmem:$0x1CC00] =	vst v63  }
0x11c: {  	_ =	swait.ge [sflag:s18], $0x4000  }
0x11d: {  	[sflag:s18] =	ssyncset.done $0x0  }
0x11e: {  	[sflag:s18] =	ssyncadd.s32 $0xFFFFC000  }
0x11f: {  	[spmem:s1] =	stream.indirect.scatter.add.f32 [tilespmem:s16], [sflag:$0x3], $0x80, s12, s15, $0xb8;
	[tilespmem:$0x1CC00] =	vst v63  }
0x120: {  	_ =	swait.ge [sflag:s13], $0x4000  }
0x121: {  	[sflag:s13] =	ssyncset.done $0x0  }
0x122: {  	[sflag:s13] =	ssyncadd.s32 $0xFFFFC000  }
0x123: {  	[tilespmem:s16], [sflag:$0x1] =	stream.indirect.gather [hbm4b:s4+s15], $0x80, s19, s15, $0xb8;
	[tilespmem:$0x1CC00] =	vst v63  }
0x124: {  	_ =	swait.ge [sflag:s20], $0x4000  }
0x125: {  	[sflag:s20] =	ssyncset.done $0x0  }
0x126: {  	[sflag:s20] =	ssyncadd.s32 $0xFFFFC000  }
0x127: {  	[spmem:s1] =	stream.indirect.scatter.add.f32 [tilespmem:s17], [sflag:$0x3], $0x80, s21, s15, $0xb8;
	[tilespmem:$0x1CC00] =	vst v63  }
0x128: {  	_ =	swait.ge [sflag:s13], $0x4000  }
0x129: {  	[sflag:s13] =	ssyncset.done $0x0  }
0x12a: {  	[sflag:s13] =	ssyncadd.s32 $0xFFFFC000  }
0x12b: {  	[tilespmem:s17], [sflag:$0x2] =	stream.indirect.gather [hbm4b:s4+s15], $0x80, s22, s15, $0xb8;
	[tilespmem:$0x1CC00] =	vst v63  }
0x12c: {  	_ =	swait.ge [sflag:s18], $0x4000  }
0x12d: {  	[sflag:s18] =	ssyncset.done $0x0  }
0x12e: {  	[sflag:s18] =	ssyncadd.s32 $0xFFFFC000  }
0x12f: {  	[spmem:s1] =	stream.indirect.scatter.add.f32 [tilespmem:s16], [sflag:$0x3], $0x80, s23, s15, $0xb8;
	[tilespmem:$0x1CC00] =	vst v63  }
0x130: {  	_ =	swait.ge [sflag:s13], $0x4000  }
0x131: {  	[sflag:s13] =	ssyncset.done $0x0  }
0x132: {  	[sflag:s13] =	ssyncadd.s32 $0xFFFFC000  }
0x133: {  	[tilespmem:s16], [sflag:$0x1] =	stream.indirect.gather [hbm4b:s4+s15], $0x80, s24, s15, $0xb8;
	[tilespmem:$0x1CC00] =	vst v63  }
0x134: {  	_ =	swait.ge [sflag:s20], $0x4000  }
0x135: {  	[sflag:s20] =	ssyncset.done $0x0  }
0x136: {  	[sflag:s20] =	ssyncadd.s32 $0xFFFFC000  }
0x137: {  	[spmem:s1] =	stream.indirect.scatter.add.f32 [tilespmem:s17], [sflag:$0x3], $0x80, s25, s15, $0xb8;
	[tilespmem:$0x1CC00] =	vst v63  }
0x138: {  	_ =	swait.ge [sflag:s13], $0x4000  }
0x139: {  	[sflag:s13] =	ssyncset.done $0x0  }
0x13a: {  	[sflag:s13] =	ssyncadd.s32 $0xFFFFC000  }
0x13b: {  	[tilespmem:s17], [sflag:$0x2] =	stream.indirect.gather [hbm4b:s4+s15], $0x80, s26, s15, $0xb8;
	[tilespmem:$0x1CC00] =	vst v63  }
0x13c: {  	_ =	swait.ge [sflag:s18], $0x4000  }
0x13d: {  	[sflag:s18] =	ssyncset.done $0x0  }
0x13e: {  	[sflag:s18] =	ssyncadd.s32 $0xFFFFC000  }
0x13f: {  	[spmem:s1] =	stream.indirect.scatter.add.f32 [tilespmem:s16], [sflag:$0x3], $0x80, s28, s15, $0xb8;
	[tilespmem:$0x1CC00] =	vst v63  }
0x140: {  	_ =	swait.ge [sflag:s13], $0x4000  }
0x141: {  	[sflag:s13] =	ssyncset.done $0x0  }
0x142: {  	p1 =	sne.s32 s30, $0x900;
	[sflag:s13] =	ssyncadd.s32 $0xFFFFC000  }
.Ltmp3:
0x143: {  	_ =	swait.ge [sflag:s20], $0x4000;
	(pc) =	sbr.rel @p1 .LBB2_6-.Ltmp3, $4  }
0x144: {  	[sflag:s20] =	ssyncset.done $0x0  }
0x145: {  	[sflag:s20] =	ssyncadd.s32 $0xFFFFC000  }
0x146: {  	[spmem:s1] =	stream.indirect.scatter.add.f32 [tilespmem:s17], [sflag:$0x3], $0x80, s29, s15, $0xb8;
	[tilespmem:$0x1CC00] =	vst v63  }
0x147: {  	s30 =	sadd.s32 $0x100, s30;
	_ =	swait.ge [sflag:s13], $0x4000  }
.Ltmp4:
0x148: {  	_ = 	snop;
	(pc) =	sbr.rel .LBB2_7-.Ltmp4, $1  }
0x149: {  	_ =	sdelay $0x3  }
.LBB2_2:
0x14a: {  	s30 =	rddreg [dreg:$0x6]  }
0x14b: {  	s30 =	sadd.s32 $0x0, s30  }
0x14c: {  	[tilespmem:s3], [sflag:$0x3] =	stream.linear.gather [hbm4b:s30+s3], $0x800, $0x38;
	[tilespmem:$0x1CC00] =	vst v63  }
0x14d: {  	_ =	swait.ge [sflag:s13], $0x800  }
0x14e: {  	s30 =	rddreg [dreg:$0x5];
	[sflag:s13] =	ssyncset.done $0x0  }
0x14f: {  	[sflag:s13] =	ssyncadd.s32 $0xFFFFF800;
	s30 =	sadd.s32 $0x0, s30  }
0x150: {  	[tilespmem:s14], [sflag:$0x3] =	stream.linear.gather [hbm4b:s30+s3], $0x800, $0x38;
	[tilespmem:$0x1CC00] =	vst v63  }
0x151: {  	_ =	swait.ge [sflag:s13], $0x800  }
0x152: {  	[sflag:s13] =	ssyncset.done $0x0  }
0x153: {  	[sflag:s13] =	ssyncadd.s32 $0xFFFFF800  }
0x154: {  	[tilespmem:s16], [sflag:$0x1] =	stream.indirect.gather [hbm4b:s5+s15], $0x80, s3, s15, $0xb8;
	[tilespmem:$0x1CC00] =	vst v63  }
0x155: {  	_ = 	snop  }
0x156: {  	[tilespmem:s17], [sflag:$0x2] =	stream.indirect.gather [hbm4b:s5+s15], $0x80, s15, s15, $0xb8;
	[tilespmem:$0x1CC00] =	vst v63  }
0x157: {  	_ =	swait.ge [sflag:s18], $0x4000  }
0x158: {  	[sflag:s18] =	ssyncset.done $0x0  }
0x159: {  	[sflag:s18] =	ssyncadd.s32 $0xFFFFC000  }
0x15a: {  	[spmem:s1] =	stream.indirect.scatter.add.f32 [tilespmem:s16], [sflag:$0x3], $0x80, s14, s15, $0xb8;
	[tilespmem:$0x1CC00] =	vst v63  }
0x15b: {  	_ =	swait.ge [sflag:s13], $0x4000  }
0x15c: {  	[sflag:s13] =	ssyncset.done $0x0  }
0x15d: {  	s0 =	simm.s32 $0x100;
	[sflag:s13] =	ssyncadd.s32 $0xFFFFC000  }
0x15e: {  	[tilespmem:s16], [sflag:$0x1] =	stream.indirect.gather [hbm4b:s5+s15], $0x80, s0, s15, $0xb8;
	[tilespmem:$0x1CC00] =	vst v63  }
0x15f: {  	_ =	swait.ge [sflag:s20], $0x4000  }
0x160: {  	[sflag:s20] =	ssyncset.done $0x0  }
0x161: {  	s31 =	simm.s32 $0x880;
	[sflag:s20] =	ssyncadd.s32 $0xFFFFC000  }
0x162: {  	[spmem:s1] =	stream.indirect.scatter.add.f32 [tilespmem:s17], [sflag:$0x3], $0x80, s31, s15, $0xb8;
	[tilespmem:$0x1CC00] =	vst v63  }
0x163: {  	_ =	swait.ge [sflag:s13], $0x4000  }
0x164: {  	[sflag:s13] =	ssyncset.done $0x0  }
0x165: {  	s31 =	simm.s32 $0x180;
	[sflag:s13] =	ssyncadd.s32 $0xFFFFC000  }
0x166: {  	[tilespmem:s17], [sflag:$0x2] =	stream.indirect.gather [hbm4b:s5+s15], $0x80, s31, s15, $0xb8;
	[tilespmem:$0x1CC00] =	vst v63  }
0x167: {  	_ =	swait.ge [sflag:s18], $0x4000  }
0x168: {  	[sflag:s18] =	ssyncset.done $0x0  }
0x169: {  	s31 =	simm.s32 $0x900;
	[sflag:s18] =	ssyncadd.s32 $0xFFFFC000  }
0x16a: {  	[spmem:s1] =	stream.indirect.scatter.add.f32 [tilespmem:s16], [sflag:$0x3], $0x80, s31, s15, $0xb8;
	[tilespmem:$0x1CC00] =	vst v63  }
0x16b: {  	_ =	swait.ge [sflag:s13], $0x4000  }
0x16c: {  	[sflag:s13] =	ssyncset.done $0x0  }
0x16d: {  	s31 =	simm.s32 $0x200;
	[sflag:s13] =	ssyncadd.s32 $0xFFFFC000  }
0x16e: {  	[tilespmem:s16], [sflag:$0x1] =	stream.indirect.gather [hbm4b:s5+s15], $0x80, s31, s15, $0xb8;
	[tilespmem:$0x1CC00] =	vst v63  }
0x16f: {  	_ =	swait.ge [sflag:s20], $0x4000  }
0x170: {  	[sflag:s20] =	ssyncset.done $0x0  }
0x171: {  	s31 =	simm.s32 $0x980;
	[sflag:s20] =	ssyncadd.s32 $0xFFFFC000  }
0x172: {  	[spmem:s1] =	stream.indirect.scatter.add.f32 [tilespmem:s17], [sflag:$0x3], $0x80, s31, s15, $0xb8;
	[tilespmem:$0x1CC00] =	vst v63  }
0x173: {  	_ =	swait.ge [sflag:s13], $0x4000  }
0x174: {  	[sflag:s13] =	ssyncset.done $0x0  }
0x175: {  	s31 =	simm.s32 $0x280;
	[sflag:s13] =	ssyncadd.s32 $0xFFFFC000  }
0x176: {  	[tilespmem:s17], [sflag:$0x2] =	stream.indirect.gather [hbm4b:s5+s15], $0x80, s31, s15, $0xb8;
	[tilespmem:$0x1CC00] =	vst v63  }
0x177: {  	_ =	swait.ge [sflag:s18], $0x4000  }
0x178: {  	[sflag:s18] =	ssyncset.done $0x0  }
0x179: {  	s31 =	simm.s32 $0xA00;
	[sflag:s18] =	ssyncadd.s32 $0xFFFFC000  }
0x17a: {  	[spmem:s1] =	stream.indirect.scatter.add.f32 [tilespmem:s16], [sflag:$0x3], $0x80, s31, s15, $0xb8;
	[tilespmem:$0x1CC00] =	vst v63  }
0x17b: {  	_ =	swait.ge [sflag:s13], $0x4000  }
0x17c: {  	[sflag:s13] =	ssyncset.done $0x0  }
0x17d: {  	s31 =	simm.s32 $0x300;
	[sflag:s13] =	ssyncadd.s32 $0xFFFFC000  }
0x17e: {  	[tilespmem:s16], [sflag:$0x1] =	stream.indirect.gather [hbm4b:s5+s15], $0x80, s31, s15, $0xb8;
	[tilespmem:$0x1CC00] =	vst v63  }
0x17f: {  	_ =	swait.ge [sflag:s20], $0x4000  }
0x180: {  	[sflag:s20] =	ssyncset.done $0x0  }
0x181: {  	s31 =	simm.s32 $0xA80;
	[sflag:s20] =	ssyncadd.s32 $0xFFFFC000  }
0x182: {  	[spmem:s1] =	stream.indirect.scatter.add.f32 [tilespmem:s17], [sflag:$0x3], $0x80, s31, s15, $0xb8;
	[tilespmem:$0x1CC00] =	vst v63  }
0x183: {  	_ =	swait.ge [sflag:s13], $0x4000  }
0x184: {  	[sflag:s13] =	ssyncset.done $0x0  }
0x185: {  	s31 =	simm.s32 $0x380;
	[sflag:s13] =	ssyncadd.s32 $0xFFFFC000  }
0x186: {  	[tilespmem:s17], [sflag:$0x2] =	stream.indirect.gather [hbm4b:s5+s15], $0x80, s31, s15, $0xb8;
	[tilespmem:$0x1CC00] =	vst v63  }
0x187: {  	_ =	swait.ge [sflag:s18], $0x4000  }
0x188: {  	[sflag:s18] =	ssyncset.done $0x0  }
0x189: {  	s31 =	simm.s32 $0xB00;
	[sflag:s18] =	ssyncadd.s32 $0xFFFFC000  }
0x18a: {  	[spmem:s1] =	stream.indirect.scatter.add.f32 [tilespmem:s16], [sflag:$0x3], $0x80, s31, s15, $0xb8;
	[tilespmem:$0x1CC00] =	vst v63  }
0x18b: {  	_ =	swait.ge [sflag:s13], $0x4000  }
0x18c: {  	[sflag:s13] =	ssyncset.done $0x0  }
0x18d: {  	[sflag:s13] =	ssyncadd.s32 $0xFFFFC000  }
0x18e: {  	[tilespmem:s16], [sflag:$0x1] =	stream.indirect.gather [hbm4b:s5+s15], $0x80, s2, s15, $0xb8;
	[tilespmem:$0x1CC00] =	vst v63  }
0x18f: {  	_ =	swait.ge [sflag:s20], $0x4000  }
0x190: {  	[sflag:s20] =	ssyncset.done $0x0  }
0x191: {  	[sflag:s20] =	ssyncadd.s32 $0xFFFFC000  }
0x192: {  	[spmem:s1] =	stream.indirect.scatter.add.f32 [tilespmem:s17], [sflag:$0x3], $0x80, s9, s15, $0xb8;
	[tilespmem:$0x1CC00] =	vst v63  }
0x193: {  	_ =	swait.ge [sflag:s13], $0x4000  }
0x194: {  	[sflag:s13] =	ssyncset.done $0x0  }
0x195: {  	[sflag:s13] =	ssyncadd.s32 $0xFFFFC000  }
0x196: {  	[tilespmem:s17], [sflag:$0x2] =	stream.indirect.gather [hbm4b:s5+s15], $0x80, s6, s15, $0xb8;
	[tilespmem:$0x1CC00] =	vst v63  }
0x197: {  	_ =	swait.ge [sflag:s18], $0x4000  }
0x198: {  	[sflag:s18] =	ssyncset.done $0x0  }
0x199: {  	[sflag:s18] =	ssyncadd.s32 $0xFFFFC000  }
0x19a: {  	[spmem:s1] =	stream.indirect.scatter.add.f32 [tilespmem:s16], [sflag:$0x3], $0x80, s7, s15, $0xb8;
	[tilespmem:$0x1CC00] =	vst v63  }
0x19b: {  	_ =	swait.ge [sflag:s13], $0x4000  }
0x19c: {  	[sflag:s13] =	ssyncset.done $0x0  }
0x19d: {  	[sflag:s13] =	ssyncadd.s32 $0xFFFFC000  }
0x19e: {  	[tilespmem:s16], [sflag:$0x1] =	stream.indirect.gather [hbm4b:s5+s15], $0x80, s8, s15, $0xb8;
	[tilespmem:$0x1CC00] =	vst v63  }
0x19f: {  	_ =	swait.ge [sflag:s20], $0x4000  }
0x1a0: {  	[sflag:s20] =	ssyncset.done $0x0  }
0x1a1: {  	[sflag:s20] =	ssyncadd.s32 $0xFFFFC000  }
0x1a2: {  	[spmem:s1] =	stream.indirect.scatter.add.f32 [tilespmem:s17], [sflag:$0x3], $0x80, s10, s15, $0xb8;
	[tilespmem:$0x1CC00] =	vst v63  }
0x1a3: {  	_ =	swait.ge [sflag:s13], $0x4000  }
0x1a4: {  	[sflag:s13] =	ssyncset.done $0x0  }
0x1a5: {  	[sflag:s13] =	ssyncadd.s32 $0xFFFFC000  }
0x1a6: {  	[tilespmem:s17], [sflag:$0x2] =	stream.indirect.gather [hbm4b:s5+s15], $0x80, s11, s15, $0xb8;
	[tilespmem:$0x1CC00] =	vst v63  }
0x1a7: {  	_ =	swait.ge [sflag:s18], $0x4000  }
0x1a8: {  	[sflag:s18] =	ssyncset.done $0x0  }
0x1a9: {  	[sflag:s18] =	ssyncadd.s32 $0xFFFFC000  }
0x1aa: {  	[spmem:s1] =	stream.indirect.scatter.add.f32 [tilespmem:s16], [sflag:$0x3], $0x80, s12, s15, $0xb8;
	[tilespmem:$0x1CC00] =	vst v63  }
0x1ab: {  	_ =	swait.ge [sflag:s13], $0x4000  }
0x1ac: {  	[sflag:s13] =	ssyncset.done $0x0  }
0x1ad: {  	[sflag:s13] =	ssyncadd.s32 $0xFFFFC000  }
0x1ae: {  	[tilespmem:s16], [sflag:$0x1] =	stream.indirect.gather [hbm4b:s5+s15], $0x80, s19, s15, $0xb8;
	[tilespmem:$0x1CC00] =	vst v63  }
0x1af: {  	_ =	swait.ge [sflag:s20], $0x4000  }
0x1b0: {  	[sflag:s20] =	ssyncset.done $0x0  }
0x1b1: {  	[sflag:s20] =	ssyncadd.s32 $0xFFFFC000  }
0x1b2: {  	[spmem:s1] =	stream.indirect.scatter.add.f32 [tilespmem:s17], [sflag:$0x3], $0x80, s21, s15, $0xb8;
	[tilespmem:$0x1CC00] =	vst v63  }
0x1b3: {  	_ =	swait.ge [sflag:s13], $0x4000  }
0x1b4: {  	[sflag:s13] =	ssyncset.done $0x0  }
0x1b5: {  	[sflag:s13] =	ssyncadd.s32 $0xFFFFC000  }
0x1b6: {  	[tilespmem:s17], [sflag:$0x2] =	stream.indirect.gather [hbm4b:s5+s15], $0x80, s22, s15, $0xb8;
	[tilespmem:$0x1CC00] =	vst v63  }
0x1b7: {  	_ =	swait.ge [sflag:s18], $0x4000  }
0x1b8: {  	[sflag:s18] =	ssyncset.done $0x0  }
0x1b9: {  	[sflag:s18] =	ssyncadd.s32 $0xFFFFC000  }
0x1ba: {  	[spmem:s1] =	stream.indirect.scatter.add.f32 [tilespmem:s16], [sflag:$0x3], $0x80, s23, s15, $0xb8;
	[tilespmem:$0x1CC00] =	vst v63  }
0x1bb: {  	_ =	swait.ge [sflag:s13], $0x4000  }
0x1bc: {  	[sflag:s13] =	ssyncset.done $0x0  }
0x1bd: {  	[sflag:s13] =	ssyncadd.s32 $0xFFFFC000  }
0x1be: {  	[tilespmem:s16], [sflag:$0x1] =	stream.indirect.gather [hbm4b:s5+s15], $0x80, s24, s15, $0xb8;
	[tilespmem:$0x1CC00] =	vst v63  }
0x1bf: {  	_ =	swait.ge [sflag:s20], $0x4000  }
0x1c0: {  	[sflag:s20] =	ssyncset.done $0x0  }
0x1c1: {  	[sflag:s20] =	ssyncadd.s32 $0xFFFFC000  }
0x1c2: {  	[spmem:s1] =	stream.indirect.scatter.add.f32 [tilespmem:s17], [sflag:$0x3], $0x80, s25, s15, $0xb8;
	[tilespmem:$0x1CC00] =	vst v63  }
0x1c3: {  	_ =	swait.ge [sflag:s13], $0x4000  }
0x1c4: {  	[sflag:s13] =	ssyncset.done $0x0  }
0x1c5: {  	[sflag:s13] =	ssyncadd.s32 $0xFFFFC000  }
0x1c6: {  	[tilespmem:s17], [sflag:$0x2] =	stream.indirect.gather [hbm4b:s5+s15], $0x80, s26, s15, $0xb8;
	[tilespmem:$0x1CC00] =	vst v63  }
0x1c7: {  	_ =	swait.ge [sflag:s18], $0x4000  }
0x1c8: {  	[sflag:s18] =	ssyncset.done $0x0  }
0x1c9: {  	[sflag:s18] =	ssyncadd.s32 $0xFFFFC000  }
0x1ca: {  	[spmem:s1] =	stream.indirect.scatter.add.f32 [tilespmem:s16], [sflag:$0x3], $0x80, s28, s15, $0xb8;
	[tilespmem:$0x1CC00] =	vst v63  }
0x1cb: {  	_ =	swait.ge [sflag:s13], $0x4000  }
0x1cc: {  	[sflag:s13] =	ssyncset.done $0x0  }
0x1cd: {  	[sflag:s13] =	ssyncadd.s32 $0xFFFFC000  }
0x1ce: {  	_ =	swait.ge [sflag:s20], $0x4000  }
0x1cf: {  	[sflag:s20] =	ssyncset.done $0x0  }
0x1d0: {  	[sflag:s20] =	ssyncadd.s32 $0xFFFFC000  }
0x1d1: {  	[spmem:s1] =	stream.indirect.scatter.add.f32 [tilespmem:s17], [sflag:$0x3], $0x80, s29, s15, $0xb8;
	[tilespmem:$0x1CC00] =	vst v63  }
0x1d2: {  	s30 =	simm.s32 $0x100;
	_ =	swait.ge [sflag:s13], $0x4000  }
.LBB2_3:
0x1d3: {  	s31 =	rddreg [dreg:$0x6];
	s0 =	smov.u32 s30;
	[sflag:s13] =	ssyncset.done $0x0  }
0x1d4: {  	s31 =	sadd.s32 s0, s31;
	[sflag:s13] =	ssyncadd.s32 $0xFFFFC000  }
0x1d5: {  	[tilespmem:s3], [sflag:$0x3] =	stream.linear.gather [hbm4b:s31+s3], $0x800, $0x38;
	[tilespmem:$0x1CC00] =	vst v63  }
0x1d6: {  	_ =	swait.ge [sflag:s13], $0x800  }
0x1d7: {  	s31 =	rddreg [dreg:$0x5];
	[sflag:s13] =	ssyncset.done $0x0  }
0x1d8: {  	[sflag:s13] =	ssyncadd.s32 $0xFFFFF800;
	s0 =	sadd.s32 s0, s31  }
0x1d9: {  	[tilespmem:s14], [sflag:$0x3] =	stream.linear.gather [hbm4b:s0+s3], $0x800, $0x38;
	[tilespmem:$0x1CC00] =	vst v63  }
0x1da: {  	_ =	swait.ge [sflag:s13], $0x800  }
0x1db: {  	[sflag:s13] =	ssyncset.done $0x0  }
0x1dc: {  	[sflag:s13] =	ssyncadd.s32 $0xFFFFF800  }
0x1dd: {  	[tilespmem:s16], [sflag:$0x1] =	stream.indirect.gather [hbm4b:s5+s15], $0x80, s3, s15, $0xb8;
	[tilespmem:$0x1CC00] =	vst v63  }
0x1de: {  	_ = 	snop  }
0x1df: {  	[tilespmem:s17], [sflag:$0x2] =	stream.indirect.gather [hbm4b:s5+s15], $0x80, s15, s15, $0xb8;
	[tilespmem:$0x1CC00] =	vst v63  }
0x1e0: {  	_ =	swait.ge [sflag:s18], $0x4000  }
0x1e1: {  	[sflag:s18] =	ssyncset.done $0x0  }
0x1e2: {  	[sflag:s18] =	ssyncadd.s32 $0xFFFFC000  }
0x1e3: {  	[spmem:s1] =	stream.indirect.scatter.add.f32 [tilespmem:s16], [sflag:$0x3], $0x80, s14, s15, $0xb8;
	[tilespmem:$0x1CC00] =	vst v63  }
0x1e4: {  	_ =	swait.ge [sflag:s13], $0x4000  }
0x1e5: {  	[sflag:s13] =	ssyncset.done $0x0  }
0x1e6: {  	s31 =	simm.s32 $0x100;
	[sflag:s13] =	ssyncadd.s32 $0xFFFFC000  }
0x1e7: {  	[tilespmem:s16], [sflag:$0x1] =	stream.indirect.gather [hbm4b:s5+s15], $0x80, s31, s15, $0xb8;
	[tilespmem:$0x1CC00] =	vst v63  }
0x1e8: {  	_ =	swait.ge [sflag:s20], $0x4000  }
0x1e9: {  	[sflag:s20] =	ssyncset.done $0x0  }
0x1ea: {  	s31 =	simm.s32 $0x880;
	[sflag:s20] =	ssyncadd.s32 $0xFFFFC000  }
0x1eb: {  	[spmem:s1] =	stream.indirect.scatter.add.f32 [tilespmem:s17], [sflag:$0x3], $0x80, s31, s15, $0xb8;
	[tilespmem:$0x1CC00] =	vst v63  }
0x1ec: {  	_ =	swait.ge [sflag:s13], $0x4000  }
0x1ed: {  	[sflag:s13] =	ssyncset.done $0x0  }
0x1ee: {  	s31 =	simm.s32 $0x180;
	[sflag:s13] =	ssyncadd.s32 $0xFFFFC000  }
0x1ef: {  	[tilespmem:s17], [sflag:$0x2] =	stream.indirect.gather [hbm4b:s5+s15], $0x80, s31, s15, $0xb8;
	[tilespmem:$0x1CC00] =	vst v63  }
0x1f0: {  	_ =	swait.ge [sflag:s18], $0x4000  }
0x1f1: {  	[sflag:s18] =	ssyncset.done $0x0  }
0x1f2: {  	s31 =	simm.s32 $0x900;
	[sflag:s18] =	ssyncadd.s32 $0xFFFFC000  }
0x1f3: {  	[spmem:s1] =	stream.indirect.scatter.add.f32 [tilespmem:s16], [sflag:$0x3], $0x80, s31, s15, $0xb8;
	[tilespmem:$0x1CC00] =	vst v63  }
0x1f4: {  	_ =	swait.ge [sflag:s13], $0x4000  }
0x1f5: {  	[sflag:s13] =	ssyncset.done $0x0  }
0x1f6: {  	s31 =	simm.s32 $0x200;
	[sflag:s13] =	ssyncadd.s32 $0xFFFFC000  }
0x1f7: {  	[tilespmem:s16], [sflag:$0x1] =	stream.indirect.gather [hbm4b:s5+s15], $0x80, s31, s15, $0xb8;
	[tilespmem:$0x1CC00] =	vst v63  }
0x1f8: {  	_ =	swait.ge [sflag:s20], $0x4000  }
0x1f9: {  	[sflag:s20] =	ssyncset.done $0x0  }
0x1fa: {  	s31 =	simm.s32 $0x980;
	[sflag:s20] =	ssyncadd.s32 $0xFFFFC000  }
0x1fb: {  	[spmem:s1] =	stream.indirect.scatter.add.f32 [tilespmem:s17], [sflag:$0x3], $0x80, s31, s15, $0xb8;
	[tilespmem:$0x1CC00] =	vst v63  }
0x1fc: {  	_ =	swait.ge [sflag:s13], $0x4000  }
0x1fd: {  	[sflag:s13] =	ssyncset.done $0x0  }
0x1fe: {  	s31 =	simm.s32 $0x280;
	[sflag:s13] =	ssyncadd.s32 $0xFFFFC000  }
0x1ff: {  	[tilespmem:s17], [sflag:$0x2] =	stream.indirect.gather [hbm4b:s5+s15], $0x80, s31, s15, $0xb8;
	[tilespmem:$0x1CC00] =	vst v63  }
0x200: {  	_ =	swait.ge [sflag:s18], $0x4000  }
0x201: {  	[sflag:s18] =	ssyncset.done $0x0  }
0x202: {  	s31 =	simm.s32 $0xA00;
	[sflag:s18] =	ssyncadd.s32 $0xFFFFC000  }
0x203: {  	[spmem:s1] =	stream.indirect.scatter.add.f32 [tilespmem:s16], [sflag:$0x3], $0x80, s31, s15, $0xb8;
	[tilespmem:$0x1CC00] =	vst v63  }
0x204: {  	_ =	swait.ge [sflag:s13], $0x4000  }
0x205: {  	[sflag:s13] =	ssyncset.done $0x0  }
0x206: {  	s31 =	simm.s32 $0x300;
	[sflag:s13] =	ssyncadd.s32 $0xFFFFC000  }
0x207: {  	[tilespmem:s16], [sflag:$0x1] =	stream.indirect.gather [hbm4b:s5+s15], $0x80, s31, s15, $0xb8;
	[tilespmem:$0x1CC00] =	vst v63  }
0x208: {  	_ =	swait.ge [sflag:s20], $0x4000  }
0x209: {  	[sflag:s20] =	ssyncset.done $0x0  }
0x20a: {  	s31 =	simm.s32 $0xA80;
	[sflag:s20] =	ssyncadd.s32 $0xFFFFC000  }
0x20b: {  	[spmem:s1] =	stream.indirect.scatter.add.f32 [tilespmem:s17], [sflag:$0x3], $0x80, s31, s15, $0xb8;
	[tilespmem:$0x1CC00] =	vst v63  }
0x20c: {  	_ =	swait.ge [sflag:s13], $0x4000  }
0x20d: {  	[sflag:s13] =	ssyncset.done $0x0  }
0x20e: {  	s31 =	simm.s32 $0x380;
	[sflag:s13] =	ssyncadd.s32 $0xFFFFC000  }
0x20f: {  	[tilespmem:s17], [sflag:$0x2] =	stream.indirect.gather [hbm4b:s5+s15], $0x80, s31, s15, $0xb8;
	[tilespmem:$0x1CC00] =	vst v63  }
0x210: {  	_ =	swait.ge [sflag:s18], $0x4000  }
0x211: {  	[sflag:s18] =	ssyncset.done $0x0  }
0x212: {  	s31 =	simm.s32 $0xB00;
	[sflag:s18] =	ssyncadd.s32 $0xFFFFC000  }
0x213: {  	[spmem:s1] =	stream.indirect.scatter.add.f32 [tilespmem:s16], [sflag:$0x3], $0x80, s31, s15, $0xb8;
	[tilespmem:$0x1CC00] =	vst v63  }
0x214: {  	_ =	swait.ge [sflag:s13], $0x4000  }
0x215: {  	[sflag:s13] =	ssyncset.done $0x0  }
0x216: {  	[sflag:s13] =	ssyncadd.s32 $0xFFFFC000  }
0x217: {  	[tilespmem:s16], [sflag:$0x1] =	stream.indirect.gather [hbm4b:s5+s15], $0x80, s2, s15, $0xb8;
	[tilespmem:$0x1CC00] =	vst v63  }
0x218: {  	_ =	swait.ge [sflag:s20], $0x4000  }
0x219: {  	[sflag:s20] =	ssyncset.done $0x0  }
0x21a: {  	[sflag:s20] =	ssyncadd.s32 $0xFFFFC000  }
0x21b: {  	[spmem:s1] =	stream.indirect.scatter.add.f32 [tilespmem:s17], [sflag:$0x3], $0x80, s9, s15, $0xb8;
	[tilespmem:$0x1CC00] =	vst v63  }
0x21c: {  	_ =	swait.ge [sflag:s13], $0x4000  }
0x21d: {  	[sflag:s13] =	ssyncset.done $0x0  }
0x21e: {  	[sflag:s13] =	ssyncadd.s32 $0xFFFFC000  }
0x21f: {  	[tilespmem:s17], [sflag:$0x2] =	stream.indirect.gather [hbm4b:s5+s15], $0x80, s6, s15, $0xb8;
	[tilespmem:$0x1CC00] =	vst v63  }
0x220: {  	_ =	swait.ge [sflag:s18], $0x4000  }
0x221: {  	[sflag:s18] =	ssyncset.done $0x0  }
0x222: {  	[sflag:s18] =	ssyncadd.s32 $0xFFFFC000  }
0x223: {  	[spmem:s1] =	stream.indirect.scatter.add.f32 [tilespmem:s16], [sflag:$0x3], $0x80, s7, s15, $0xb8;
	[tilespmem:$0x1CC00] =	vst v63  }
0x224: {  	_ =	swait.ge [sflag:s13], $0x4000  }
0x225: {  	[sflag:s13] =	ssyncset.done $0x0  }
0x226: {  	[sflag:s13] =	ssyncadd.s32 $0xFFFFC000  }
0x227: {  	[tilespmem:s16], [sflag:$0x1] =	stream.indirect.gather [hbm4b:s5+s15], $0x80, s8, s15, $0xb8;
	[tilespmem:$0x1CC00] =	vst v63  }
0x228: {  	_ =	swait.ge [sflag:s20], $0x4000  }
0x229: {  	[sflag:s20] =	ssyncset.done $0x0  }
0x22a: {  	[sflag:s20] =	ssyncadd.s32 $0xFFFFC000  }
0x22b: {  	[spmem:s1] =	stream.indirect.scatter.add.f32 [tilespmem:s17], [sflag:$0x3], $0x80, s10, s15, $0xb8;
	[tilespmem:$0x1CC00] =	vst v63  }
0x22c: {  	_ =	swait.ge [sflag:s13], $0x4000  }
0x22d: {  	[sflag:s13] =	ssyncset.done $0x0  }
0x22e: {  	[sflag:s13] =	ssyncadd.s32 $0xFFFFC000  }
0x22f: {  	[tilespmem:s17], [sflag:$0x2] =	stream.indirect.gather [hbm4b:s5+s15], $0x80, s11, s15, $0xb8;
	[tilespmem:$0x1CC00] =	vst v63  }
0x230: {  	_ =	swait.ge [sflag:s18], $0x4000  }
0x231: {  	[sflag:s18] =	ssyncset.done $0x0  }
0x232: {  	[sflag:s18] =	ssyncadd.s32 $0xFFFFC000  }
0x233: {  	[spmem:s1] =	stream.indirect.scatter.add.f32 [tilespmem:s16], [sflag:$0x3], $0x80, s12, s15, $0xb8;
	[tilespmem:$0x1CC00] =	vst v63  }
0x234: {  	_ =	swait.ge [sflag:s13], $0x4000  }
0x235: {  	[sflag:s13] =	ssyncset.done $0x0  }
0x236: {  	[sflag:s13] =	ssyncadd.s32 $0xFFFFC000  }
0x237: {  	[tilespmem:s16], [sflag:$0x1] =	stream.indirect.gather [hbm4b:s5+s15], $0x80, s19, s15, $0xb8;
	[tilespmem:$0x1CC00] =	vst v63  }
0x238: {  	_ =	swait.ge [sflag:s20], $0x4000  }
0x239: {  	[sflag:s20] =	ssyncset.done $0x0  }
0x23a: {  	[sflag:s20] =	ssyncadd.s32 $0xFFFFC000  }
0x23b: {  	[spmem:s1] =	stream.indirect.scatter.add.f32 [tilespmem:s17], [sflag:$0x3], $0x80, s21, s15, $0xb8;
	[tilespmem:$0x1CC00] =	vst v63  }
0x23c: {  	_ =	swait.ge [sflag:s13], $0x4000  }
0x23d: {  	[sflag:s13] =	ssyncset.done $0x0  }
0x23e: {  	[sflag:s13] =	ssyncadd.s32 $0xFFFFC000  }
0x23f: {  	[tilespmem:s17], [sflag:$0x2] =	stream.indirect.gather [hbm4b:s5+s15], $0x80, s22, s15, $0xb8;
	[tilespmem:$0x1CC00] =	vst v63  }
0x240: {  	_ =	swait.ge [sflag:s18], $0x4000  }
0x241: {  	[sflag:s18] =	ssyncset.done $0x0  }
0x242: {  	[sflag:s18] =	ssyncadd.s32 $0xFFFFC000  }
0x243: {  	[spmem:s1] =	stream.indirect.scatter.add.f32 [tilespmem:s16], [sflag:$0x3], $0x80, s23, s15, $0xb8;
	[tilespmem:$0x1CC00] =	vst v63  }
0x244: {  	_ =	swait.ge [sflag:s13], $0x4000  }
0x245: {  	[sflag:s13] =	ssyncset.done $0x0  }
0x246: {  	[sflag:s13] =	ssyncadd.s32 $0xFFFFC000  }
0x247: {  	[tilespmem:s16], [sflag:$0x1] =	stream.indirect.gather [hbm4b:s5+s15], $0x80, s24, s15, $0xb8;
	[tilespmem:$0x1CC00] =	vst v63  }
0x248: {  	_ =	swait.ge [sflag:s20], $0x4000  }
0x249: {  	[sflag:s20] =	ssyncset.done $0x0  }
0x24a: {  	[sflag:s20] =	ssyncadd.s32 $0xFFFFC000  }
0x24b: {  	[spmem:s1] =	stream.indirect.scatter.add.f32 [tilespmem:s17], [sflag:$0x3], $0x80, s25, s15, $0xb8;
	[tilespmem:$0x1CC00] =	vst v63  }
0x24c: {  	_ =	swait.ge [sflag:s13], $0x4000  }
0x24d: {  	[sflag:s13] =	ssyncset.done $0x0  }
0x24e: {  	[sflag:s13] =	ssyncadd.s32 $0xFFFFC000  }
0x24f: {  	[tilespmem:s17], [sflag:$0x2] =	stream.indirect.gather [hbm4b:s5+s15], $0x80, s26, s15, $0xb8;
	[tilespmem:$0x1CC00] =	vst v63  }
0x250: {  	_ =	swait.ge [sflag:s18], $0x4000  }
0x251: {  	[sflag:s18] =	ssyncset.done $0x0  }
0x252: {  	[sflag:s18] =	ssyncadd.s32 $0xFFFFC000  }
0x253: {  	[spmem:s1] =	stream.indirect.scatter.add.f32 [tilespmem:s16], [sflag:$0x3], $0x80, s28, s15, $0xb8;
	[tilespmem:$0x1CC00] =	vst v63  }
0x254: {  	_ =	swait.ge [sflag:s13], $0x4000  }
0x255: {  	[sflag:s13] =	ssyncset.done $0x0  }
0x256: {  	p1 =	seq.s32 s30, $0x900;
	[sflag:s13] =	ssyncadd.s32 $0xFFFFC000  }
.Ltmp5:
0x257: {  	_ =	swait.ge [sflag:s20], $0x4000;
	(pc) =	sbr.rel @!p1 .LBB2_3-.Ltmp5, $4  }
0x258: {  	[sflag:s20] =	ssyncset.done $0x0  }
0x259: {  	[sflag:s20] =	ssyncadd.s32 $0xFFFFC000  }
0x25a: {  	[spmem:s1] =	stream.indirect.scatter.add.f32 [tilespmem:s17], [sflag:$0x3], $0x80, s29, s15, $0xb8;
	[tilespmem:$0x1CC00] =	vst v63  }
0x25b: {  	s30 =	sadd.s32 $0x100, s30;
	_ =	swait.ge [sflag:s13], $0x4000  }
.Ltmp6:
0x25c: {  	(pc) =	sbr.rel .LBB2_8-.Ltmp6, $3  }
0x25d: {  	_ =	sdelay $0x1  }
0x25e: {  	[sflag:s13] =	ssyncset.done $0x0  }
0x25f: {  	s31 =	rddreg [dreg:$0x9];
	[sflag:s13] =	ssyncadd.s32 $0xFFFFC000  }
.LBB2_9:
0x260: {  	_ =	sfence.sel $0x180000  }
0x261: {  	[bflag:$0x0] =	sbarrier.arrive $0xFFFF  }
0x262: {  	_ =	strace $0x9000004D  }
0x263: {  	s0 =	stileid.u32;
	[bflag:$0x2] =	sbarrier.arrive $0xFFFF  }
0x264: {  	p0 =	sne.s32 s0, $0x0;
	s0 =	rddreg [dreg:$0x4]  }
0x265: {  	s0 =	sadd.s32 @!p0 $0x100000, s0  }
0x266: {  	[sflag:s0] =	ssyncadd.tile.s32 @!p0 $0x1;
	_ =	shalt  }
.Lfunc_end2:
_tile_overlayer_lowered:
.L_overlay_start_2:
0x267: {  	(tag) =	ssettag $0x2  }
0x268: {  	s0 =	rddreg [dreg:$0x0];
	s2 =	stileid.u32  }
0x269: {  	s1 =	rddreg [dreg:$0x1];
	p0 =	sne.s32 s2, $0x0  }
0x26a: {  	s3 =	rddreg [dreg:$0x2];
	[bflag:$0x3] =	sbarrier.arrive $0xFFFF;
	s2 =	simm.s32 @!p0 $0x1C03  }
0x26b: {  	[timem:s3], [sflag:s2] =	dma.local @!p0 [hbm:s0], s1  }
0x26c: {  	s0 =	simm.s32 @!p0 $0x3  }
0x26d: {  	_ =	swait.ge @!p0 [sflag:s0], s1  }
0x26e: {  	s1 =	ssub.s32 @!p0 $0x0, s1;
	[sflag:s0] =	ssyncset.done @!p0 $0x0  }
0x26f: {  	[sflag:s0] =	ssyncadd.s32 @!p0 s1  }
0x270: {  	[bflag:$0x3] =	sbarrier.arrive $0xFFFF  }
0x271: {  	_ =	shalt  }

// kernel: kernel.8.cloned.1.call-start
scs
__scs_entry_jumppad:
0x0: {  	(pc) =	sbr.rel $0x88, $3  }
0x1: {  	(tag) =	ssettag $0x0;
	lr =	simm.s32 $0x1  }
0x2: {  	[smem:$0x3F85] =	sst lr;
	_ =	strace $0xD0000000  }
0x3: {  	_ = 	snop  }
0x4: {  	_ = 	snop  }
0x5: {  	_ = 	snop  }
0x6: {  	_ = 	snop  }
0x7: {  	_ = 	snop  }
__scs_overlays_trampoline_lowered:
0x8: {  	[smem:$0x3F94] =	sst s0  }
0x9: {  	[smem:$0x3F95] =	sst s1  }
0xa: {  	[smem:$0x3F96] =	sst s2  }
0xb: {  	[smem:$0x3F97] =	sst s3  }
0xc: {  	[smem:$0x3F98] =	sst s4  }
0xd: {  	[smem:$0x3F99] =	sst s5  }
0xe: {  	[smem:$0x3F9A] =	sst s6  }
0xf: {  	[smem:$0x3F9B] =	sst s7  }
0x10: {  	[smem:$0x3F9C] =	sst s8  }
0x11: {  	[smem:$0x3F9D] =	sst s9;
	s0 =	simm.s32 @!p0 $0x0  }
0x12: {  	s1 =	sld [smem:$0x3F83];
	s0 =	simm.s32 @p0 $0x1  }
0x13: {  	[smem:$0x3F9E] =	sst s0;
	s0 =	simm.s32 @!p1 $0x0  }
0x14: {  	s2 =	sld [smem:$0x3F82];
	s0 =	simm.s32 @p1 $0x1  }
0x15: {  	[smem:$0x3F9F] =	sst s0;
	s0 =	simm.s32 @!p2 $0x0  }
0x16: {  	s3 =	sld [smem:$0x3FDB];
	s0 =	simm.s32 @p2 $0x1  }
0x17: {  	s4 =	simm.s32 $0x1BF5;
	[smem:$0x3FA1] =	sst s0  }
0x18: {  	s0 =	sld [smem:$0x3F84];
	_ =	swait.ge [sflag:s4], $0x0  }
0x19: {  	s7 =	sld [smem:$0x3F85]  }
0x1a: {  	s8 =	sadd.s32 $0xFFFFE003, lr  }
0x1b: {  	s9 =	sadd.s32 $0xFFFFFEF7, lr;
	s5 =	simm.s32 $0xFFFFFFFF;
	p2 =	slt.u32 s8, $0xFFFFF086  }
0x1c: {  	p1 =	slt.u32 s9, $0xF7A;
	s5 =	simm.s32 @!p2 $0x0  }
0x1d: {  	s5 =	simm.s32 @p1 $0x1;
	p0 =	seq.s32 s7, s2  }
0x1e: {  	s7 =	smul.u32 @!p0 $0xF7A, s2;
	p2 =	seq.s32 @!p0 s5, $0x0  }
0x1f: {  	s9 =	smul.u32 $0xF7A, s1;
	s8 =	simm.s32 @!p0 $0x1BF5;
	p2 =	por !p2, p0  }
0x20: {  	[sflag:s8] =	ssyncset.s32 @!p0 $0xFFFFF086;
	s6 =	sadd.s32 @!p0 s3, s7;
	s7 =	simm.s32 @!p0 $0x108  }
0x21: {  	s3 =	sadd.s32 s3, s9;
	s6 =	sadd.s32 @!p0 $0x88, s6;
	s7 =	simm.s32 @p2 $0x1082  }
0x22: {  	[simem:s7], [sflag:s8] =	dma.local @!p0 [hbm:s6], $0xF7A  }
0x23: {  	s9 =	sor.u32 $0xD0000000, s2;
	s6 =	simm.s32 $0x108;
	_ =	swait.ge @!p0 [sflag:s8], $0x0  }
0x24: {  	s3 =	sadd.s32 $0x88, s3;
	s6 =	simm.s32 @!p1 $0x1082;
	[sflag:s4] =	ssyncset.s32 $0xFFFFF086  }
0x25: {  	[simem:s6], [sflag:s4] =	dma.local [hbm:s3], $0xF7A  }
0x26: {  	[smem:$0x3F85] =	sst s1;
	(tag) =	ssettag s2;
	_ =	strace s9  }
0x27: {  	s1 =	sld [smem:$0x3F95]  }
0x28: {  	s2 =	sld [smem:$0x3F96]  }
0x29: {  	s4 =	sld [smem:$0x3F98]  }
0x2a: {  	p0 =	seq.s32 s5, $0x0;
	s5 =	sld [smem:$0x3F99]  }
0x2b: {  	s6 =	sld [smem:$0x3F9A]  }
0x2c: {  	s7 =	sld [smem:$0x3F9B]  }
0x2d: {  	s3 =	simm.s32 $0x108;
	s8 =	sld [smem:$0x3F9C]  }
0x2e: {  	s3 =	simm.s32 @!p0 $0x1082;
	s9 =	sld [smem:$0x3F9D]  }
0x2f: {  	lr =	sadd.s32 s0, s3;
	s0 =	sld [smem:$0x3F94]  }
0x30: {  	s3 =	sld [smem:$0x3F97]  }
0x31: {  	[smem:$0x3FA0] =	sst s10  }
0x32: {  	s10 =	sld [smem:$0x3F9E];
	_ =	sdelay $0x3  }
0x33: {  	p0 =	seq.s32 s10, $0x1;
	s10 =	sld [smem:$0x3FA0];
	_ =	sdelay $0x3  }
0x34: {  	[smem:$0x3FA0] =	sst s10  }
0x35: {  	s10 =	sld [smem:$0x3F9F];
	_ =	sdelay $0x3  }
0x36: {  	p1 =	seq.s32 s10, $0x1;
	s10 =	sld [smem:$0x3FA0];
	_ =	sdelay $0x3  }
0x37: {  	[smem:$0x3FA0] =	sst s10  }
0x38: {  	s10 =	sld [smem:$0x3FA1]  }
0x39: {  	_ = 	snop;
	(pc) =	sbr.ind lr, $3  }
0x3a: {  	_ = 	snop  }
0x3b: {  	_ = 	snop  }
0x3c: {  	p2 =	seq.s32 s10, $0x1;
	s10 =	sld [smem:$0x3FA0]  }
0x3d: {  	_ =	shalt  }
0x3e: {  	_ =	shalt  }
0x3f: {  	_ =	shalt  }
0x40: {  	_ =	shalt  }
0x41: {  	_ =	shalt  }
0x42: {  	_ =	shalt  }
0x43: {  	_ =	shalt  }
0x44: {  	_ =	shalt  }
0x45: {  	_ =	shalt  }
0x46: {  	_ =	shalt  }
0x47: {  	_ =	shalt  }
0x48: {  	_ =	shalt  }
0x49: {  	_ =	shalt  }
0x4a: {  	_ =	shalt  }
0x4b: {  	_ =	shalt  }
0x4c: {  	_ =	shalt  }
0x4d: {  	_ =	shalt  }
0x4e: {  	_ =	shalt  }
0x4f: {  	_ =	shalt  }
0x50: {  	_ =	shalt  }
0x51: {  	_ =	shalt  }
0x52: {  	_ =	shalt  }
0x53: {  	_ =	shalt  }
0x54: {  	_ =	shalt  }
0x55: {  	_ =	shalt  }
0x56: {  	_ =	shalt  }
0x57: {  	_ =	shalt  }
0x58: {  	_ =	shalt  }
0x59: {  	_ =	shalt  }
0x5a: {  	_ =	shalt  }
0x5b: {  	_ =	shalt  }
0x5c: {  	_ =	shalt  }
0x5d: {  	_ =	shalt  }
0x5e: {  	_ =	shalt  }
0x5f: {  	_ =	shalt  }
0x60: {  	_ =	shalt  }
0x61: {  	_ =	shalt  }
0x62: {  	_ =	shalt  }
0x63: {  	_ =	shalt  }
0x64: {  	_ =	shalt  }
0x65: {  	_ =	shalt  }
0x66: {  	_ =	shalt  }
0x67: {  	_ =	shalt  }
0x68: {  	_ =	shalt  }
0x69: {  	_ =	shalt  }
0x6a: {  	_ =	shalt  }
0x6b: {  	_ =	shalt  }
0x6c: {  	_ =	shalt  }
0x6d: {  	_ =	shalt  }
0x6e: {  	_ =	shalt  }
0x6f: {  	_ =	shalt  }
0x70: {  	_ =	shalt  }
0x71: {  	_ =	shalt  }
0x72: {  	_ =	shalt  }
0x73: {  	_ =	shalt  }
0x74: {  	_ =	shalt  }
0x75: {  	_ =	shalt  }
0x76: {  	_ =	shalt  }
0x77: {  	_ =	shalt  }
0x78: {  	_ =	shalt  }
0x79: {  	_ =	shalt  }
0x7a: {  	_ =	shalt  }
0x7b: {  	_ =	shalt  }
0x7c: {  	_ =	shalt  }
0x7d: {  	_ =	shalt  }
0x7e: {  	_ =	shalt  }
0x7f: {  	_ =	shalt  }
0x80: {  	_ =	shalt  }
0x81: {  	_ =	shalt  }
0x82: {  	_ =	shalt  }
0x83: {  	_ =	shalt  }
0x84: {  	_ =	shalt  }
0x85: {  	_ =	shalt  }
0x86: {  	_ =	shalt  }
0x87: {  	_ =	shalt  }
.Lfunc_end0:
.L_simem_size_0:
called_computation_lowered:
.L_overlay_start_0:
0x88: {  	s2 =	sld [smem:$0x3FD9]  }
0x89: {  	s3 =	sld [smem:$0x3FFE];
	_ =	sdelay $0x1  }
0x8a: {  	s1 =	srdreg.scid  }
0x8b: {  	s0 =	sand.u32 $0x1, s1  }
0x8c: {  	s14 =	sshll.u32 s0, $0xA;
	s2 =	sadd.s32 s3, s2  }
0x8d: {  	s2 =	sadd.s32 s2, s14  }
0x8e: {  	[smem:$0x3FAC] =	sst s2  }
0x8f: {  	_ = 	snop  }
0x90: {  	s2 =	sld [smem:$0x3FD0];
	_ =	sdelay $0x2  }
0x91: {  	s15 =	simm.s32 $0xB;
	s4 =	simm.s32 $0x10  }
0x92: {  	[smem:s4], [sflag:s15] =	dma.local [hbm:s2], $0x1  }
0x93: {  	_ =	swait.eq [sflag:s15], $0x1  }
0x94: {  	[sflag:s15] =	ssyncset.done $0x0  }
0x95: {  	s16 =	sld [smem:$0x10];
	[sflag:s15] =	ssyncadd.s32 $0xFFFFFFFF  }
0x96: {  	s17 =	sld [smem:$0x11];
	(tm) =	ssettm $0x1  }
0x97: {  	s18 =	sld [smem:$0x3FFB];
	_ =	sdelay $0x3  }
0x98: {  	_ =	strace s18  }
0x99: {  	s4 =	sld [smem:$0x3FFC];
	_ =	sdelay $0x3  }
0x9a: {  	_ =	strace s4  }
0x9b: {  	s4 =	sld [smem:$0x3FFD];
	_ =	sdelay $0x3  }
0x9c: {  	_ =	strace s4  }
0x9d: {  	_ =	strace $0x8FFFFFFF  }
0x9e: {  	s19 =	sld [smem:$0x3FDB];
	_ =	sdelay $0x1  }
0x9f: {  	s5 =	simm.s32 $_scs_section_size  }
0xa0: {  	s6 =	simm.s32 $_size__tile_overlayer_lowered;
	s7 =	simm.s32 $_tile_overlayer_lowered  }
0xa1: {  	s22 =	simm.s32 $0x1BFF;
	s21 =	sshll.u32 s7, $0x1;
	s4 =	sadd.s32 s5, s19  }
0xa2: {  	s8 =	simm.s32 $0x0;
	s20 =	sshll.u32 s6, $0x1;
	s6 =	sadd.s32 s21, s4  }
0xa3: {  	[timem:s8], [sflag:s22] =	dma.local [hbm:s6], s20  }
0xa4: {  	_ =	swait.ge [sflag:s22], s20  }
0xa5: {  	s5 =	ssub.s32 $0x0, s20;
	[sflag:s22] =	ssyncset.done $0x0  }
0xa6: {  	[sflag:s22] =	ssyncadd.s32 s5;
	_ =	sdelay $0x1  }
0xa7: {  	s23 =	simm.s32 $0x1B8B  }
0xa8: {  	_ =	swait.ge [sflag:s23], $0x1  }
0xa9: {  	[sflag:s23] =	ssyncset.done $0x0  }
0xaa: {  	s25 =	simm.s32 $0x1B8E;
	s24 =	sld [smem:$0x3FFE];
	[sflag:s23] =	ssyncadd.s32 $0xFFFFFFFF  }
0xab: {  	s26 =	simm.s32 $execute0_lowered;
	[smem:$0x3FD2] =	sst s25  }
0xac: {  	s6 =	sshll.u32 s26, $0x1;
	_ =	strace $0x80000046;
	[dreg:$0x1] =	wrdreg $0xFFFFFFFF  }
0xad: {  	s28 =	simm.s32 $_size_execute0_lowered;
	s4 =	sadd.s32 s4, s6;
	[dreg:$0x0] =	wrdreg $0x0  }
0xae: {  	s6 =	sshll.u32 s28, $0x1;
	[dreg:$0x2] =	wrdreg s4  }
0xaf: {  	[dreg:$0x3] =	wrdreg s6  }
0xb0: {  	[dreg:$0x4] =	wrdreg $0xC0  }
0xb1: {  	_ =	task [dreg:s8], $0x5FFFF  }
0xb2: {  	[dreg:$0x1] =	wrdreg $0xFFFFFFFF  }
0xb3: {  	[dreg:$0x0] =	wrdreg $0x60  }
0xb4: {  	[dreg:$0x2] =	wrdreg s24  }
0xb5: {  	[dreg:$0x3] =	wrdreg s16  }
0xb6: {  	[dreg:$0x4] =	wrdreg s17  }
0xb7: {  	[dreg:$0x5] =	wrdreg $0x90000  }
0xb8: {  	[dreg:$0x6] =	wrdreg $0x9  }
0xb9: {  	_ =	task.clear_ibuf [dreg:s8], $0x7FFFF;
	_ =	strace $0x90000046  }
0xba: {  	s29 =	simm.s32 $0x9;
	_ =	strace $0x80000048  }
0xbb: {  	_ =	swait.ge [sflag:s29], $0x1  }
0xbc: {  	[sflag:s29] =	ssyncadd.s32 $0xFFFFFFFF  }
0xbd: {  	_ =	strace $0x90000048  }
0xbe: {  	_ =	sfence  }
0xbf: {  	s30 =	sld [smem:$0x0];
	_ =	sdelay $0x2  }
0xc0: {  	s31 =	sshll.u32 s1, $0xD;
	s1 =	sshrl.u32 s1, $0x2  }
0xc1: {  	s3 =	sand.u32 $0x4000, s31;
	s1 =	sadd.s32 s1, s30  }
0xc2: {  	s0 =	sor.u32 s3, s0;
	s1 =	sshll.u32 s1, $0x11  }
0xc3: {  	s0 =	sor.u32 s1, s0  }
0xc4: {  	s0 =	sadd.s32 $0x8F2B, s0  }
0xc5: {  	[sflag:s0] =	ssyncadd.remote.s32 $0x1  }
0xc6: {  	_ =	sfence.sel $0xFFFF  }
0xc7: {  	[dreg:$0x0] =	wrdreg $0xFFFFFFFF;
	(pc) =	sbr.abs _section_cstart, $3  }
0xc8: {  	[dreg:$0x1] =	wrdreg $0xFFFFFFFF  }
0xc9: {  	_ =	task.clear_ibuf [dreg:s8], $0x2FFFF;
	_ =	strace $0x9FFFFFFF  }
0xca: {  	(tm) =	ssettm $0x7FFFFFFF  }
0xcb: {  	_ =	shalt  }
tec
execute0_lowered:
.L_overlay_start_1:
0x0: {  	(tag) =	ssettag $0x1  }
0x1: {  	s0 =	rddreg [dreg:$0x0]  }
0x2: {  	s2 =	rddreg [dreg:$0x1]  }
0x3: {  	s6 =	rddreg [dreg:$0x2]  }
0x4: {  	s1 =	rddreg [dreg:$0x3]  }
0x5: {  	s3 =	simm.s32 $0x0;
	s15 =	stileid.u32;
	s8 =	srdreg.scid  }
0x6: {  	s16 =	simm.s32 $0x1000;
	s28 =	simm.s32 $0xF00;
	s7 =	smul.u32 $0xA00, s15  }
0x7: {  	s29 =	simm.s32 $0xF80;
	s30 =	simm.s32 $0x0;
	s12 =	smul.u32 $0x2780, s15  }
0x8: {  	[smem:$0x7FF] =	sst s3;
	s4 =	sadd.s32 $0x2C200, s0;
	s11 =	smul.u32 $0x4F000, s15  }
0x9: {  	s5 =	sadd.s32 $0x5000, s0;
	s8 =	sand.u32 $0x1, s8;
	s14 =	smul.u32 $0x13C00, s15  }
0xa: {  	s24 =	sshll.u32 s15, $0x6;
	s15 =	simm.s32 $0x80;
	_ =	strace $0x80000047  }
0xb: {  	s10 =	ssub.s32 $0x2, s8;
	p0 =	seq.s32 s8, $0x1;
	s8 =	simm.s32 $0x500  }
0xc: {  	s9 =	sadd.s32 s7, s0;
	[dreg:$0x9] =	wrdreg s12;
	s12 =	sadd.s32 s12, s0  }
0xd: {  	s13 =	sshrl.u32 s10, $0x1;
	s0 =	sadd.s32 $0x8EC00, s0;
	s18 =	sshrl.u32 s11, $0x2  }
0xe: {  	s20 =	sshrl.u32 s14, $0x3;
	s23 =	sadd.s32 s7, s2;
	s25 =	sadd.s32 s7, s6  }
0xf: {  	s2 =	sor.u32 $0x1C03, s24;
	s14 =	simm.s32 $0x800;
	s6 =	simm.s32 $0x480  }
0x10: {  	s7 =	simm.s32 $0xC00;
	s11 =	simm.s32 $0x580;
	[dreg:$0xa] =	wrdreg s0  }
0x11: {  	s24 =	simm.s32 $0x700;
	s17 =	ssub.s32 s10, s13;
	[dreg:$0x6] =	wrdreg s23  }
0x12: {  	s19 =	sadd.s32 s18, s1;
	s21 =	sadd.s32 $0x67400, s12;
	[dreg:$0xe] =	wrdreg s2  }
0x13: {  	s10 =	sadd.s32 $0x27800, s20;
	s22 =	sadd.s32 $0x5D400, s9;
	[dreg:$0x7] =	wrdreg s25  }
0x14: {  	s26 =	sadd.s32 $0x53400, s9;
	s13 =	simm.s32 $0x3;
	s18 =	simm.s32 $0x1  }
0x15: {  	s20 =	simm.s32 $0x2;
	s2 =	simm.s32 $0x400;
	[dreg:$0xb] =	wrdreg s21  }
0x16: {  	s9 =	simm.s32 $0xB80;
	s12 =	simm.s32 $0xD00;
	[dreg:$0xc] =	wrdreg s10  }
.Ltmp0:
0x17: {  	s23 =	simm.s32 $0xE00;
	[dreg:$0x5] =	wrdreg s22;
	(pc) =	sbr.rel .LBB2_1-.Ltmp0, $4  }
0x18: {  	s25 =	simm.s32 $0xE80;
	s0 =	smax.u32 s17, $0x1;
	[dreg:$0x8] =	wrdreg s26  }
0x19: {  	s31 =	sshrl.u32 s19, $0x3;
	s17 =	simm.s32 $0x5000;
	s10 =	simm.s32 $0xC80  }
0x1a: {  	s19 =	simm.s32 $0x600;
	s21 =	simm.s32 $0xD80;
	[dreg:$0xd] =	wrdreg s0  }
0x1b: {  	s22 =	simm.s32 $0x680;
	s26 =	simm.s32 $0x780;
	[dreg:$0xf] =	wrdreg s31  }
.LBB2_7:
0x1c: {  	[sflag:s13] =	ssyncset.done $0x0  }
0x1d: {  	s31 =	rddreg [dreg:$0xc];
	[sflag:s13] =	ssyncadd.s32 $0xFFFFC000  }
.LBB2_8:
0x1e: {  	s0 =	rddreg [dreg:$0xa]  }
0x1f: {  	s0 =	sadd.s32 s0, s31  }
0x20: {  	[dreg:$0x11] =	wrdreg s0  }
0x21: {  	[bflag:$0x0] =	sbarrier.arrive $0xFFFF  }
0x22: {  	s31 =	rddreg [dreg:$0x11]  }
0x23: {  	s0 =	rddreg [dreg:$0xf]  }
0x24: {  	s30 =	rddreg [dreg:$0xe]  }
0x25: {  	[hbm:s31], [sflag:s30] =	dma.local [spmem:s0], $0x2780  }
0x26: {  	s31 =	rddreg [dreg:$0xf];
	_ =	swait.ge [sflag:s13], $0x2780  }
0x27: {  	s30 =	rddreg [dreg:$0x10]  }
0x28: {  	s0 =	rddreg [dreg:$0xd];
	s30 =	sadd.s32 $0x1, s30  }
0x29: {  	p1 =	sne.s32 s30, s0  }
.Ltmp1:
0x2a: {  	_ = 	snop;
	(pc) =	sbr.rel @!p1 .LBB2_9-.Ltmp1, $3  }
0x2b: {  	_ =	sdelay $0x1  }
0x2c: {  	[sflag:s13] =	ssyncset.done $0x0  }
0x2d: {  	[sflag:s13] =	ssyncadd.s32 $0xFFFFD880  }
.LBB2_1:
0x2e: {  	[dreg:$0x10] =	wrdreg s30  }
0x2f: {  	s0 =	rddreg [dreg:$0xb]  }
0x30: {  	s30 =	rddreg [dreg:$0xe]  }
0x31: {  	[spmem:s31], [sflag:s30] =	dma.local [hbm:s0], $0x2780  }
.Ltmp2:
0x32: {  	_ =	swait.ge [sflag:s13], $0x2780;
	(pc) =	sbr.rel @!p0 .LBB2_2-.Ltmp2, $3  }
0x33: {  	[sflag:s13] =	ssyncset.done $0x0  }
0x34: {  	[sflag:s13] =	ssyncadd.s32 $0xFFFFD880  }
0x35: {  	[bflag:$0x0] =	sbarrier.arrive $0xFFFF;
	_ =	sdelay $0x1  }
0x36: {  	s0 =	rddreg [dreg:$0x8]  }
0x37: {  	s0 =	sadd.s32 $0x0, s0  }
0x38: {  	[tilespmem:s3], [sflag:$0x3] =	stream.linear.gather [hbm4b:s0+s3], $0x800, $0x38;
	[tilespmem:$0x1CC00] =	vst v63  }
0x39: {  	_ =	swait.ge [sflag:s13], $0x800  }
0x3a: {  	s31 =	rddreg [dreg:$0x7];
	[sflag:s13] =	ssyncset.done $0x0  }
0x3b: {  	[sflag:s13] =	ssyncadd.s32 $0xFFFFF800;
	s0 =	sadd.s32 $0x0, s31  }
0x3c: {  	[tilespmem:s14], [sflag:$0x3] =	stream.linear.gather [hbm4b:s0+s3], $0x800, $0x38;
	[tilespmem:$0x1CC00] =	vst v63  }
0x3d: {  	_ =	swait.ge [sflag:s13], $0x800  }
0x3e: {  	[sflag:s13] =	ssyncset.done $0x0  }
0x3f: {  	[sflag:s13] =	ssyncadd.s32 $0xFFFFF800  }
0x40: {  	[tilespmem:s16], [sflag:$0x1] =	stream.indirect.gather [hbm4b:s4+s15], $0x80, s3, s15, $0xb8;
	[tilespmem:$0x1CC00] =	vst v63  }
0x41: {  	_ = 	snop  }
0x42: {  	[tilespmem:s17], [sflag:$0x2] =	stream.indirect.gather [hbm4b:s4+s15], $0x80, s15, s15, $0xb8;
	[tilespmem:$0x1CC00] =	vst v63  }
0x43: {  	_ =	swait.ge [sflag:s18], $0x4000  }
0x44: {  	[sflag:s18] =	ssyncset.done $0x0  }
0x45: {  	[sflag:s18] =	ssyncadd.s32 $0xFFFFC000  }
0x46: {  	[spmem:s1] =	stream.indirect.scatter.add.f32 [tilespmem:s16], [sflag:$0x3], $0x80, s14, s15, $0xb8;
	[tilespmem:$0x1CC00] =	vst v63  }
0x47: {  	_ =	swait.ge [sflag:s13], $0x4000  }
0x48: {  	[sflag:s13] =	ssyncset.done $0x0  }
0x49: {  	s31 =	simm.s32 $0x100;
	[sflag:s13] =	ssyncadd.s32 $0xFFFFC000  }
0x4a: {  	[tilespmem:s16], [sflag:$0x1] =	stream.indirect.gather [hbm4b:s4+s15], $0x80, s31, s15, $0xb8;
	[tilespmem:$0x1CC00] =	vst v63  }
0x4b: {  	_ =	swait.ge [sflag:s20], $0x4000  }
0x4c: {  	[sflag:s20] =	ssyncset.done $0x0  }
0x4d: {  	s31 =	simm.s32 $0x880;
	[sflag:s20] =	ssyncadd.s32 $0xFFFFC000  }
0x4e: {  	[spmem:s1] =	stream.indirect.scatter.add.f32 [tilespmem:s17], [sflag:$0x3], $0x80, s31, s15, $0xb8;
	[tilespmem:$0x1CC00] =	vst v63  }
0x4f: {  	_ =	swait.ge [sflag:s13], $0x4000  }
0x50: {  	[sflag:s13] =	ssyncset.done $0x0  }
0x51: {  	s31 =	simm.s32 $0x180;
	[sflag:s13] =	ssyncadd.s32 $0xFFFFC000  }
0x52: {  	[tilespmem:s17], [sflag:$0x2] =	stream.indirect.gather [hbm4b:s4+s15], $0x80, s31, s15, $0xb8;
	[tilespmem:$0x1CC00] =	vst v63  }
0x53: {  	_ =	swait.ge [sflag:s18], $0x4000  }
0x54: {  	[sflag:s18] =	ssyncset.done $0x0  }
0x55: {  	s31 =	simm.s32 $0x900;
	[sflag:s18] =	ssyncadd.s32 $0xFFFFC000  }
0x56: {  	[spmem:s1] =	stream.indirect.scatter.add.f32 [tilespmem:s16], [sflag:$0x3], $0x80, s31, s15, $0xb8;
	[tilespmem:$0x1CC00] =	vst v63  }
0x57: {  	_ =	swait.ge [sflag:s13], $0x4000  }
0x58: {  	[sflag:s13] =	ssyncset.done $0x0  }
0x59: {  	s31 =	simm.s32 $0x200;
	[sflag:s13] =	ssyncadd.s32 $0xFFFFC000  }
0x5a: {  	[tilespmem:s16], [sflag:$0x1] =	stream.indirect.gather [hbm4b:s4+s15], $0x80, s31, s15, $0xb8;
	[tilespmem:$0x1CC00] =	vst v63  }
0x5b: {  	_ =	swait.ge [sflag:s20], $0x4000  }
0x5c: {  	[sflag:s20] =	ssyncset.done $0x0  }
0x5d: {  	s31 =	simm.s32 $0x980;
	[sflag:s20] =	ssyncadd.s32 $0xFFFFC000  }
0x5e: {  	[spmem:s1] =	stream.indirect.scatter.add.f32 [tilespmem:s17], [sflag:$0x3], $0x80, s31, s15, $0xb8;
	[tilespmem:$0x1CC00] =	vst v63  }
0x5f: {  	_ =	swait.ge [sflag:s13], $0x4000  }
0x60: {  	[sflag:s13] =	ssyncset.done $0x0  }
0x61: {  	s31 =	simm.s32 $0x280;
	[sflag:s13] =	ssyncadd.s32 $0xFFFFC000  }
0x62: {  	[tilespmem:s17], [sflag:$0x2] =	stream.indirect.gather [hbm4b:s4+s15], $0x80, s31, s15, $0xb8;
	[tilespmem:$0x1CC00] =	vst v63  }
0x63: {  	_ =	swait.ge [sflag:s18], $0x4000  }
0x64: {  	[sflag:s18] =	ssyncset.done $0x0  }
0x65: {  	s31 =	simm.s32 $0xA00;
	[sflag:s18] =	ssyncadd.s32 $0xFFFFC000  }
0x66: {  	[spmem:s1] =	stream.indirect.scatter.add.f32 [tilespmem:s16], [sflag:$0x3], $0x80, s31, s15, $0xb8;
	[tilespmem:$0x1CC00] =	vst v63  }
0x67: {  	_ =	swait.ge [sflag:s13], $0x4000  }
0x68: {  	[sflag:s13] =	ssyncset.done $0x0  }
0x69: {  	s31 =	simm.s32 $0x300;
	[sflag:s13] =	ssyncadd.s32 $0xFFFFC000  }
0x6a: {  	[tilespmem:s16], [sflag:$0x1] =	stream.indirect.gather [hbm4b:s4+s15], $0x80, s31, s15, $0xb8;
	[tilespmem:$0x1CC00] =	vst v63  }
0x6b: {  	_ =	swait.ge [sflag:s20], $0x4000  }
0x6c: {  	[sflag:s20] =	ssyncset.done $0x0  }
0x6d: {  	s31 =	simm.s32 $0xA80;
	[sflag:s20] =	ssyncadd.s32 $0xFFFFC000  }
0x6e: {  	[spmem:s1] =	stream.indirect.scatter.add.f32 [tilespmem:s17], [sflag:$0x3], $0x80, s31, s15, $0xb8;
	[tilespmem:$0x1CC00] =	vst v63  }
0x6f: {  	_ =	swait.ge [sflag:s13], $0x4000  }
0x70: {  	[sflag:s13] =	ssyncset.done $0x0  }
0x71: {  	s31 =	simm.s32 $0x380;
	[sflag:s13] =	ssyncadd.s32 $0xFFFFC000  }
0x72: {  	[tilespmem:s17], [sflag:$0x2] =	stream.indirect.gather [hbm4b:s4+s15], $0x80, s31, s15, $0xb8;
	[tilespmem:$0x1CC00] =	vst v63  }
0x73: {  	_ =	swait.ge [sflag:s18], $0x4000  }
0x74: {  	[sflag:s18] =	ssyncset.done $0x0  }
0x75: {  	s31 =	simm.s32 $0xB00;
	[sflag:s18] =	ssyncadd.s32 $0xFFFFC000  }
0x76: {  	[spmem:s1] =	stream.indirect.scatter.add.f32 [tilespmem:s16], [sflag:$0x3], $0x80, s31, s15, $0xb8;
	[tilespmem:$0x1CC00] =	vst v63  }
0x77: {  	_ =	swait.ge [sflag:s13], $0x4000  }
0x78: {  	[sflag:s13] =	ssyncset.done $0x0  }
0x79: {  	[sflag:s13] =	ssyncadd.s32 $0xFFFFC000  }
0x7a: {  	[tilespmem:s16], [sflag:$0x1] =	stream.indirect.gather [hbm4b:s4+s15], $0x80, s2, s15, $0xb8;
	[tilespmem:$0x1CC00] =	vst v63  }
0x7b: {  	_ =	swait.ge [sflag:s20], $0x4000  }
0x7c: {  	[sflag:s20] =	ssyncset.done $0x0  }
0x7d: {  	[sflag:s20] =	ssyncadd.s32 $0xFFFFC000  }
0x7e: {  	[spmem:s1] =	stream.indirect.scatter.add.f32 [tilespmem:s17], [sflag:$0x3], $0x80, s9, s15, $0xb8;
	[tilespmem:$0x1CC00] =	vst v63  }
0x7f: {  	_ =	swait.ge [sflag:s13], $0x4000  }
0x80: {  	[sflag:s13] =	ssyncset.done $0x0  }
0x81: {  	[sflag:s13] =	ssyncadd.s32 $0xFFFFC000  }
0x82: {  	[tilespmem:s17], [sflag:$0x2] =	stream.indirect.gather [hbm4b:s4+s15], $0x80, s6, s15, $0xb8;
	[tilespmem:$0x1CC00] =	vst v63  }
0x83: {  	_ =	swait.ge [sflag:s18], $0x4000  }
0x84: {  	[sflag:s18] =	ssyncset.done $0x0  }
0x85: {  	[sflag:s18] =	ssyncadd.s32 $0xFFFFC000  }
0x86: {  	[spmem:s1] =	stream.indirect.scatter.add.f32 [tilespmem:s16], [sflag:$0x3], $0x80, s7, s15, $0xb8;
	[tilespmem:$0x1CC00] =	vst v63  }
0x87: {  	_ =	swait.ge [sflag:s13], $0x4000  }
0x88: {  	[sflag:s13] =	ssyncset.done $0x0  }
0x89: {  	[sflag:s13] =	ssyncadd.s32 $0xFFFFC000  }
0x8a: {  	[tilespmem:s16], [sflag:$0x1] =	stream.indirect.gather [hbm4b:s4+s15], $0x80, s8, s15, $0xb8;
	[tilespmem:$0x1CC00] =	vst v63  }
0x8b: {  	_ =	swait.ge [sflag:s20], $0x4000  }
0x8c: {  	[sflag:s20] =	ssyncset.done $0x0  }
0x8d: {  	[sflag:s20] =	ssyncadd.s32 $0xFFFFC000  }
0x8e: {  	[spmem:s1] =	stream.indirect.scatter.add.f32 [tilespmem:s17], [sflag:$0x3], $0x80, s10, s15, $0xb8;
	[tilespmem:$0x1CC00] =	vst v63  }
0x8f: {  	_ =	swait.ge [sflag:s13], $0x4000  }
0x90: {  	[sflag:s13] =	ssyncset.done $0x0  }
0x91: {  	[sflag:s13] =	ssyncadd.s32 $0xFFFFC000  }
0x92: {  	[tilespmem:s17], [sflag:$0x2] =	stream.indirect.gather [hbm4b:s4+s15], $0x80, s11, s15, $0xb8;
	[tilespmem:$0x1CC00] =	vst v63  }
0x93: {  	_ =	swait.ge [sflag:s18], $0x4000  }
0x94: {  	[sflag:s18] =	ssyncset.done $0x0  }
0x95: {  	[sflag:s18] =	ssyncadd.s32 $0xFFFFC000  }
0x96: {  	[spmem:s1] =	stream.indirect.scatter.add.f32 [tilespmem:s16], [sflag:$0x3], $0x80, s12, s15, $0xb8;
	[tilespmem:$0x1CC00] =	vst v63  }
0x97: {  	_ =	swait.ge [sflag:s13], $0x4000  }
0x98: {  	[sflag:s13] =	ssyncset.done $0x0  }
0x99: {  	[sflag:s13] =	ssyncadd.s32 $0xFFFFC000  }
0x9a: {  	[tilespmem:s16], [sflag:$0x1] =	stream.indirect.gather [hbm4b:s4+s15], $0x80, s19, s15, $0xb8;
	[tilespmem:$0x1CC00] =	vst v63  }
0x9b: {  	_ =	swait.ge [sflag:s20], $0x4000  }
0x9c: {  	[sflag:s20] =	ssyncset.done $0x0  }
0x9d: {  	[sflag:s20] =	ssyncadd.s32 $0xFFFFC000  }
0x9e: {  	[spmem:s1] =	stream.indirect.scatter.add.f32 [tilespmem:s17], [sflag:$0x3], $0x80, s21, s15, $0xb8;
	[tilespmem:$0x1CC00] =	vst v63  }
0x9f: {  	_ =	swait.ge [sflag:s13], $0x4000  }
0xa0: {  	[sflag:s13] =	ssyncset.done $0x0  }
0xa1: {  	[sflag:s13] =	ssyncadd.s32 $0xFFFFC000  }
0xa2: {  	[tilespmem:s17], [sflag:$0x2] =	stream.indirect.gather [hbm4b:s4+s15], $0x80, s22, s15, $0xb8;
	[tilespmem:$0x1CC00] =	vst v63  }
0xa3: {  	_ =	swait.ge [sflag:s18], $0x4000  }
0xa4: {  	[sflag:s18] =	ssyncset.done $0x0  }
0xa5: {  	[sflag:s18] =	ssyncadd.s32 $0xFFFFC000  }
0xa6: {  	[spmem:s1] =	stream.indirect.scatter.add.f32 [tilespmem:s16], [sflag:$0x3], $0x80, s23, s15, $0xb8;
	[tilespmem:$0x1CC00] =	vst v63  }
0xa7: {  	_ =	swait.ge [sflag:s13], $0x4000  }
0xa8: {  	[sflag:s13] =	ssyncset.done $0x0  }
0xa9: {  	[sflag:s13] =	ssyncadd.s32 $0xFFFFC000  }
0xaa: {  	[tilespmem:s16], [sflag:$0x1] =	stream.indirect.gather [hbm4b:s4+s15], $0x80, s24, s15, $0xb8;
	[tilespmem:$0x1CC00] =	vst v63  }
0xab: {  	_ =	swait.ge [sflag:s20], $0x4000  }
0xac: {  	[sflag:s20] =	ssyncset.done $0x0  }
0xad: {  	[sflag:s20] =	ssyncadd.s32 $0xFFFFC000  }
0xae: {  	[spmem:s1] =	stream.indirect.scatter.add.f32 [tilespmem:s17], [sflag:$0x3], $0x80, s25, s15, $0xb8;
	[tilespmem:$0x1CC00] =	vst v63  }
0xaf: {  	_ =	swait.ge [sflag:s13], $0x4000  }
0xb0: {  	[sflag:s13] =	ssyncset.done $0x0  }
0xb1: {  	[sflag:s13] =	ssyncadd.s32 $0xFFFFC000  }
0xb2: {  	[tilespmem:s17], [sflag:$0x2] =	stream.indirect.gather [hbm4b:s4+s15], $0x80, s26, s15, $0xb8;
	[tilespmem:$0x1CC00] =	vst v63  }
0xb3: {  	_ =	swait.ge [sflag:s18], $0x4000  }
0xb4: {  	[sflag:s18] =	ssyncset.done $0x0  }
0xb5: {  	[sflag:s18] =	ssyncadd.s32 $0xFFFFC000  }
0xb6: {  	[spmem:s1] =	stream.indirect.scatter.add.f32 [tilespmem:s16], [sflag:$0x3], $0x80, s28, s15, $0xb8;
	[tilespmem:$0x1CC00] =	vst v63  }
0xb7: {  	_ =	swait.ge [sflag:s13], $0x4000  }
0xb8: {  	[sflag:s13] =	ssyncset.done $0x0  }
0xb9: {  	[sflag:s13] =	ssyncadd.s32 $0xFFFFC000  }
0xba: {  	_ =	swait.ge [sflag:s20], $0x4000  }
0xbb: {  	[sflag:s20] =	ssyncset.done $0x0  }
0xbc: {  	[sflag:s20] =	ssyncadd.s32 $0xFFFFC000  }
0xbd: {  	[spmem:s1] =	stream.indirect.scatter.add.f32 [tilespmem:s17], [sflag:$0x3], $0x80, s29, s15, $0xb8;
	[tilespmem:$0x1CC00] =	vst v63  }
0xbe: {  	s30 =	simm.s32 $0x100;
	_ =	swait.ge [sflag:s13], $0x4000  }
.LBB2_6:
0xbf: {  	s0 =	rddreg [dreg:$0x8];
	s31 =	smov.u32 s30;
	[sflag:s13] =	ssyncset.done $0x0  }
0xc0: {  	s0 =	sadd.s32 s31, s0;
	[sflag:s13] =	ssyncadd.s32 $0xFFFFC000  }
0xc1: {  	[tilespmem:s3], [sflag:$0x3] =	stream.linear.gather [hbm4b:s0+s3], $0x800, $0x38;
	[tilespmem:$0x1CC00] =	vst v63  }
0xc2: {  	_ =	swait.ge [sflag:s13], $0x800  }
0xc3: {  	s0 =	rddreg [dreg:$0x7];
	[sflag:s13] =	ssyncset.done $0x0  }
0xc4: {  	[sflag:s13] =	ssyncadd.s32 $0xFFFFF800;
	s0 =	sadd.s32 s31, s0  }
0xc5: {  	[tilespmem:s14], [sflag:$0x3] =	stream.linear.gather [hbm4b:s0+s3], $0x800, $0x38;
	[tilespmem:$0x1CC00] =	vst v63  }
0xc6: {  	_ =	swait.ge [sflag:s13], $0x800  }
0xc7: {  	[sflag:s13] =	ssyncset.done $0x0  }
0xc8: {  	[sflag:s13] =	ssyncadd.s32 $0xFFFFF800  }
0xc9: {  	[tilespmem:s16], [sflag:$0x1] =	stream.indirect.gather [hbm4b:s4+s15], $0x80, s3, s15, $0xb8;
	[tilespmem:$0x1CC00] =	vst v63  }
0xca: {  	_ = 	snop  }
0xcb: {  	[tilespmem:s17], [sflag:$0x2] =	stream.indirect.gather [hbm4b:s4+s15], $0x80, s15, s15, $0xb8;
	[tilespmem:$0x1CC00] =	vst v63  }
0xcc: {  	_ =	swait.ge [sflag:s18], $0x4000  }
0xcd: {  	[sflag:s18] =	ssyncset.done $0x0  }
0xce: {  	[sflag:s18] =	ssyncadd.s32 $0xFFFFC000  }
0xcf: {  	[spmem:s1] =	stream.indirect.scatter.add.f32 [tilespmem:s16], [sflag:$0x3], $0x80, s14, s15, $0xb8;
	[tilespmem:$0x1CC00] =	vst v63  }
0xd0: {  	_ =	swait.ge [sflag:s13], $0x4000  }
0xd1: {  	[sflag:s13] =	ssyncset.done $0x0  }
0xd2: {  	s31 =	simm.s32 $0x100;
	[sflag:s13] =	ssyncadd.s32 $0xFFFFC000  }
0xd3: {  	[tilespmem:s16], [sflag:$0x1] =	stream.indirect.gather [hbm4b:s4+s15], $0x80, s31, s15, $0xb8;
	[tilespmem:$0x1CC00] =	vst v63  }
0xd4: {  	_ =	swait.ge [sflag:s20], $0x4000  }
0xd5: {  	[sflag:s20] =	ssyncset.done $0x0  }
0xd6: {  	s31 =	simm.s32 $0x880;
	[sflag:s20] =	ssyncadd.s32 $0xFFFFC000  }
0xd7: {  	[spmem:s1] =	stream.indirect.scatter.add.f32 [tilespmem:s17], [sflag:$0x3], $0x80, s31, s15, $0xb8;
	[tilespmem:$0x1CC00] =	vst v63  }
0xd8: {  	_ =	swait.ge [sflag:s13], $0x4000  }
0xd9: {  	[sflag:s13] =	ssyncset.done $0x0  }
0xda: {  	s31 =	simm.s32 $0x180;
	[sflag:s13] =	ssyncadd.s32 $0xFFFFC000  }
0xdb: {  	[tilespmem:s17], [sflag:$0x2] =	stream.indirect.gather [hbm4b:s4+s15], $0x80, s31, s15, $0xb8;
	[tilespmem:$0x1CC00] =	vst v63  }
0xdc: {  	_ =	swait.ge [sflag:s18], $0x4000  }
0xdd: {  	[sflag:s18] =	ssyncset.done $0x0  }
0xde: {  	s31 =	simm.s32 $0x900;
	[sflag:s18] =	ssyncadd.s32 $0xFFFFC000  }
0xdf: {  	[spmem:s1] =	stream.indirect.scatter.add.f32 [tilespmem:s16], [sflag:$0x3], $0x80, s31, s15, $0xb8;
	[tilespmem:$0x1CC00] =	vst v63  }
0xe0: {  	_ =	swait.ge [sflag:s13], $0x4000  }
0xe1: {  	[sflag:s13] =	ssyncset.done $0x0  }
0xe2: {  	s31 =	simm.s32 $0x200;
	[sflag:s13] =	ssyncadd.s32 $0xFFFFC000  }
0xe3: {  	[tilespmem:s16], [sflag:$0x1] =	stream.indirect.gather [hbm4b:s4+s15], $0x80, s31, s15, $0xb8;
	[tilespmem:$0x1CC00] =	vst v63  }
0xe4: {  	_ =	swait.ge [sflag:s20], $0x4000  }
0xe5: {  	[sflag:s20] =	ssyncset.done $0x0  }
0xe6: {  	s31 =	simm.s32 $0x980;
	[sflag:s20] =	ssyncadd.s32 $0xFFFFC000  }
0xe7: {  	[spmem:s1] =	stream.indirect.scatter.add.f32 [tilespmem:s17], [sflag:$0x3], $0x80, s31, s15, $0xb8;
	[tilespmem:$0x1CC00] =	vst v63  }
0xe8: {  	_ =	swait.ge [sflag:s13], $0x4000  }
0xe9: {  	[sflag:s13] =	ssyncset.done $0x0  }
0xea: {  	s31 =	simm.s32 $0x280;
	[sflag:s13] =	ssyncadd.s32 $0xFFFFC000  }
0xeb: {  	[tilespmem:s17], [sflag:$0x2] =	stream.indirect.gather [hbm4b:s4+s15], $0x80, s31, s15, $0xb8;
	[tilespmem:$0x1CC00] =	vst v63  }
0xec: {  	_ =	swait.ge [sflag:s18], $0x4000  }
0xed: {  	[sflag:s18] =	ssyncset.done $0x0  }
0xee: {  	s31 =	simm.s32 $0xA00;
	[sflag:s18] =	ssyncadd.s32 $0xFFFFC000  }
0xef: {  	[spmem:s1] =	stream.indirect.scatter.add.f32 [tilespmem:s16], [sflag:$0x3], $0x80, s31, s15, $0xb8;
	[tilespmem:$0x1CC00] =	vst v63  }
0xf0: {  	_ =	swait.ge [sflag:s13], $0x4000  }
0xf1: {  	[sflag:s13] =	ssyncset.done $0x0  }
0xf2: {  	s31 =	simm.s32 $0x300;
	[sflag:s13] =	ssyncadd.s32 $0xFFFFC000  }
0xf3: {  	[tilespmem:s16], [sflag:$0x1] =	stream.indirect.gather [hbm4b:s4+s15], $0x80, s31, s15, $0xb8;
	[tilespmem:$0x1CC00] =	vst v63  }
0xf4: {  	_ =	swait.ge [sflag:s20], $0x4000  }
0xf5: {  	[sflag:s20] =	ssyncset.done $0x0  }
0xf6: {  	s31 =	simm.s32 $0xA80;
	[sflag:s20] =	ssyncadd.s32 $0xFFFFC000  }
0xf7: {  	[spmem:s1] =	stream.indirect.scatter.add.f32 [tilespmem:s17], [sflag:$0x3], $0x80, s31, s15, $0xb8;
	[tilespmem:$0x1CC00] =	vst v63  }
0xf8: {  	_ =	swait.ge [sflag:s13], $0x4000  }
0xf9: {  	[sflag:s13] =	ssyncset.done $0x0  }
0xfa: {  	s31 =	simm.s32 $0x380;
	[sflag:s13] =	ssyncadd.s32 $0xFFFFC000  }
0xfb: {  	[tilespmem:s17], [sflag:$0x2] =	stream.indirect.gather [hbm4b:s4+s15], $0x80, s31, s15, $0xb8;
	[tilespmem:$0x1CC00] =	vst v63  }
0xfc: {  	_ =	swait.ge [sflag:s18], $0x4000  }
0xfd: {  	[sflag:s18] =	ssyncset.done $0x0  }
0xfe: {  	s31 =	simm.s32 $0xB00;
	[sflag:s18] =	ssyncadd.s32 $0xFFFFC000  }
0xff: {  	[spmem:s1] =	stream.indirect.scatter.add.f32 [tilespmem:s16], [sflag:$0x3], $0x80, s31, s15, $0xb8;
	[tilespmem:$0x1CC00] =	vst v63  }
0x100: {  	_ =	swait.ge [sflag:s13], $0x4000  }
0x101: {  	[sflag:s13] =	ssyncset.done $0x0  }
0x102: {  	[sflag:s13] =	ssyncadd.s32 $0xFFFFC000  }
0x103: {  	[tilespmem:s16], [sflag:$0x1] =	stream.indirect.gather [hbm4b:s4+s15], $0x80, s2, s15, $0xb8;
	[tilespmem:$0x1CC00] =	vst v63  }
0x104: {  	_ =	swait.ge [sflag:s20], $0x4000  }
0x105: {  	[sflag:s20] =	ssyncset.done $0x0  }
0x106: {  	[sflag:s20] =	ssyncadd.s32 $0xFFFFC000  }
0x107: {  	[spmem:s1] =	stream.indirect.scatter.add.f32 [tilespmem:s17], [sflag:$0x3], $0x80, s9, s15, $0xb8;
	[tilespmem:$0x1CC00] =	vst v63  }
0x108: {  	_ =	swait.ge [sflag:s13], $0x4000  }
0x109: {  	[sflag:s13] =	ssyncset.done $0x0  }
0x10a: {  	[sflag:s13] =	ssyncadd.s32 $0xFFFFC000  }
0x10b: {  	[tilespmem:s17], [sflag:$0x2] =	stream.indirect.gather [hbm4b:s4+s15], $0x80, s6, s15, $0xb8;
	[tilespmem:$0x1CC00] =	vst v63  }
0x10c: {  	_ =	swait.ge [sflag:s18], $0x4000  }
0x10d: {  	[sflag:s18] =	ssyncset.done $0x0  }
0x10e: {  	[sflag:s18] =	ssyncadd.s32 $0xFFFFC000  }
0x10f: {  	[spmem:s1] =	stream.indirect.scatter.add.f32 [tilespmem:s16], [sflag:$0x3], $0x80, s7, s15, $0xb8;
	[tilespmem:$0x1CC00] =	vst v63  }
0x110: {  	_ =	swait.ge [sflag:s13], $0x4000  }
0x111: {  	[sflag:s13] =	ssyncset.done $0x0  }
0x112: {  	[sflag:s13] =	ssyncadd.s32 $0xFFFFC000  }
0x113: {  	[tilespmem:s16], [sflag:$0x1] =	stream.indirect.gather [hbm4b:s4+s15], $0x80, s8, s15, $0xb8;
	[tilespmem:$0x1CC00] =	vst v63  }
0x114: {  	_ =	swait.ge [sflag:s20], $0x4000  }
0x115: {  	[sflag:s20] =	ssyncset.done $0x0  }
0x116: {  	[sflag:s20] =	ssyncadd.s32 $0xFFFFC000  }
0x117: {  	[spmem:s1] =	stream.indirect.scatter.add.f32 [tilespmem:s17], [sflag:$0x3], $0x80, s10, s15, $0xb8;
	[tilespmem:$0x1CC00] =	vst v63  }
0x118: {  	_ =	swait.ge [sflag:s13], $0x4000  }
0x119: {  	[sflag:s13] =	ssyncset.done $0x0  }
0x11a: {  	[sflag:s13] =	ssyncadd.s32 $0xFFFFC000  }
0x11b: {  	[tilespmem:s17], [sflag:$0x2] =	stream.indirect.gather [hbm4b:s4+s15], $0x80, s11, s15, $0xb8;
	[tilespmem:$0x1CC00] =	vst v63  }
0x11c: {  	_ =	swait.ge [sflag:s18], $0x4000  }
0x11d: {  	[sflag:s18] =	ssyncset.done $0x0  }
0x11e: {  	[sflag:s18] =	ssyncadd.s32 $0xFFFFC000  }
0x11f: {  	[spmem:s1] =	stream.indirect.scatter.add.f32 [tilespmem:s16], [sflag:$0x3], $0x80, s12, s15, $0xb8;
	[tilespmem:$0x1CC00] =	vst v63  }
0x120: {  	_ =	swait.ge [sflag:s13], $0x4000  }
0x121: {  	[sflag:s13] =	ssyncset.done $0x0  }
0x122: {  	[sflag:s13] =	ssyncadd.s32 $0xFFFFC000  }
0x123: {  	[tilespmem:s16], [sflag:$0x1] =	stream.indirect.gather [hbm4b:s4+s15], $0x80, s19, s15, $0xb8;
	[tilespmem:$0x1CC00] =	vst v63  }
0x124: {  	_ =	swait.ge [sflag:s20], $0x4000  }
0x125: {  	[sflag:s20] =	ssyncset.done $0x0  }
0x126: {  	[sflag:s20] =	ssyncadd.s32 $0xFFFFC000  }
0x127: {  	[spmem:s1] =	stream.indirect.scatter.add.f32 [tilespmem:s17], [sflag:$0x3], $0x80, s21, s15, $0xb8;
	[tilespmem:$0x1CC00] =	vst v63  }
0x128: {  	_ =	swait.ge [sflag:s13], $0x4000  }
0x129: {  	[sflag:s13] =	ssyncset.done $0x0  }
0x12a: {  	[sflag:s13] =	ssyncadd.s32 $0xFFFFC000  }
0x12b: {  	[tilespmem:s17], [sflag:$0x2] =	stream.indirect.gather [hbm4b:s4+s15], $0x80, s22, s15, $0xb8;
	[tilespmem:$0x1CC00] =	vst v63  }
0x12c: {  	_ =	swait.ge [sflag:s18], $0x4000  }
0x12d: {  	[sflag:s18] =	ssyncset.done $0x0  }
0x12e: {  	[sflag:s18] =	ssyncadd.s32 $0xFFFFC000  }
0x12f: {  	[spmem:s1] =	stream.indirect.scatter.add.f32 [tilespmem:s16], [sflag:$0x3], $0x80, s23, s15, $0xb8;
	[tilespmem:$0x1CC00] =	vst v63  }
0x130: {  	_ =	swait.ge [sflag:s13], $0x4000  }
0x131: {  	[sflag:s13] =	ssyncset.done $0x0  }
0x132: {  	[sflag:s13] =	ssyncadd.s32 $0xFFFFC000  }
0x133: {  	[tilespmem:s16], [sflag:$0x1] =	stream.indirect.gather [hbm4b:s4+s15], $0x80, s24, s15, $0xb8;
	[tilespmem:$0x1CC00] =	vst v63  }
0x134: {  	_ =	swait.ge [sflag:s20], $0x4000  }
0x135: {  	[sflag:s20] =	ssyncset.done $0x0  }
0x136: {  	[sflag:s20] =	ssyncadd.s32 $0xFFFFC000  }
0x137: {  	[spmem:s1] =	stream.indirect.scatter.add.f32 [tilespmem:s17], [sflag:$0x3], $0x80, s25, s15, $0xb8;
	[tilespmem:$0x1CC00] =	vst v63  }
0x138: {  	_ =	swait.ge [sflag:s13], $0x4000  }
0x139: {  	[sflag:s13] =	ssyncset.done $0x0  }
0x13a: {  	[sflag:s13] =	ssyncadd.s32 $0xFFFFC000  }
0x13b: {  	[tilespmem:s17], [sflag:$0x2] =	stream.indirect.gather [hbm4b:s4+s15], $0x80, s26, s15, $0xb8;
	[tilespmem:$0x1CC00] =	vst v63  }
0x13c: {  	_ =	swait.ge [sflag:s18], $0x4000  }
0x13d: {  	[sflag:s18] =	ssyncset.done $0x0  }
0x13e: {  	[sflag:s18] =	ssyncadd.s32 $0xFFFFC000  }
0x13f: {  	[spmem:s1] =	stream.indirect.scatter.add.f32 [tilespmem:s16], [sflag:$0x3], $0x80, s28, s15, $0xb8;
	[tilespmem:$0x1CC00] =	vst v63  }
0x140: {  	_ =	swait.ge [sflag:s13], $0x4000  }
0x141: {  	[sflag:s13] =	ssyncset.done $0x0  }
0x142: {  	p1 =	sne.s32 s30, $0x900;
	[sflag:s13] =	ssyncadd.s32 $0xFFFFC000  }
.Ltmp3:
0x143: {  	_ =	swait.ge [sflag:s20], $0x4000;
	(pc) =	sbr.rel @p1 .LBB2_6-.Ltmp3, $4  }
0x144: {  	[sflag:s20] =	ssyncset.done $0x0  }
0x145: {  	[sflag:s20] =	ssyncadd.s32 $0xFFFFC000  }
0x146: {  	[spmem:s1] =	stream.indirect.scatter.add.f32 [tilespmem:s17], [sflag:$0x3], $0x80, s29, s15, $0xb8;
	[tilespmem:$0x1CC00] =	vst v63  }
0x147: {  	s30 =	sadd.s32 $0x100, s30;
	_ =	swait.ge [sflag:s13], $0x4000  }
.Ltmp4:
0x148: {  	_ = 	snop;
	(pc) =	sbr.rel .LBB2_7-.Ltmp4, $1  }
0x149: {  	_ =	sdelay $0x3  }
.LBB2_2:
0x14a: {  	s30 =	rddreg [dreg:$0x6]  }
0x14b: {  	s30 =	sadd.s32 $0x0, s30  }
0x14c: {  	[tilespmem:s3], [sflag:$0x3] =	stream.linear.gather [hbm4b:s30+s3], $0x800, $0x38;
	[tilespmem:$0x1CC00] =	vst v63  }
0x14d: {  	_ =	swait.ge [sflag:s13], $0x800  }
0x14e: {  	s30 =	rddreg [dreg:$0x5];
	[sflag:s13] =	ssyncset.done $0x0  }
0x14f: {  	[sflag:s13] =	ssyncadd.s32 $0xFFFFF800;
	s30 =	sadd.s32 $0x0, s30  }
0x150: {  	[tilespmem:s14], [sflag:$0x3] =	stream.linear.gather [hbm4b:s30+s3], $0x800, $0x38;
	[tilespmem:$0x1CC00] =	vst v63  }
0x151: {  	_ =	swait.ge [sflag:s13], $0x800  }
0x152: {  	[sflag:s13] =	ssyncset.done $0x0  }
0x153: {  	[sflag:s13] =	ssyncadd.s32 $0xFFFFF800  }
0x154: {  	[tilespmem:s16], [sflag:$0x1] =	stream.indirect.gather [hbm4b:s5+s15], $0x80, s3, s15, $0xb8;
	[tilespmem:$0x1CC00] =	vst v63  }
0x155: {  	_ = 	snop  }
0x156: {  	[tilespmem:s17], [sflag:$0x2] =	stream.indirect.gather [hbm4b:s5+s15], $0x80, s15, s15, $0xb8;
	[tilespmem:$0x1CC00] =	vst v63  }
0x157: {  	_ =	swait.ge [sflag:s18], $0x4000  }
0x158: {  	[sflag:s18] =	ssyncset.done $0x0  }
0x159: {  	[sflag:s18] =	ssyncadd.s32 $0xFFFFC000  }
0x15a: {  	[spmem:s1] =	stream.indirect.scatter.add.f32 [tilespmem:s16], [sflag:$0x3], $0x80, s14, s15, $0xb8;
	[tilespmem:$0x1CC00] =	vst v63  }
0x15b: {  	_ =	swait.ge [sflag:s13], $0x4000  }
0x15c: {  	[sflag:s13] =	ssyncset.done $0x0  }
0x15d: {  	s0 =	simm.s32 $0x100;
	[sflag:s13] =	ssyncadd.s32 $0xFFFFC000  }
0x15e: {  	[tilespmem:s16], [sflag:$0x1] =	stream.indirect.gather [hbm4b:s5+s15], $0x80, s0, s15, $0xb8;
	[tilespmem:$0x1CC00] =	vst v63  }
0x15f: {  	_ =	swait.ge [sflag:s20], $0x4000  }
0x160: {  	[sflag:s20] =	ssyncset.done $0x0  }
0x161: {  	s31 =	simm.s32 $0x880;
	[sflag:s20] =	ssyncadd.s32 $0xFFFFC000  }
0x162: {  	[spmem:s1] =	stream.indirect.scatter.add.f32 [tilespmem:s17], [sflag:$0x3], $0x80, s31, s15, $0xb8;
	[tilespmem:$0x1CC00] =	vst v63  }
0x163: {  	_ =	swait.ge [sflag:s13], $0x4000  }
0x164: {  	[sflag:s13] =	ssyncset.done $0x0  }
0x165: {  	s31 =	simm.s32 $0x180;
	[sflag:s13] =	ssyncadd.s32 $0xFFFFC000  }
0x166: {  	[tilespmem:s17], [sflag:$0x2] =	stream.indirect.gather [hbm4b:s5+s15], $0x80, s31, s15, $0xb8;
	[tilespmem:$0x1CC00] =	vst v63  }
0x167: {  	_ =	swait.ge [sflag:s18], $0x4000  }
0x168: {  	[sflag:s18] =	ssyncset.done $0x0  }
0x169: {  	s31 =	simm.s32 $0x900;
	[sflag:s18] =	ssyncadd.s32 $0xFFFFC000  }
0x16a: {  	[spmem:s1] =	stream.indirect.scatter.add.f32 [tilespmem:s16], [sflag:$0x3], $0x80, s31, s15, $0xb8;
	[tilespmem:$0x1CC00] =	vst v63  }
0x16b: {  	_ =	swait.ge [sflag:s13], $0x4000  }
0x16c: {  	[sflag:s13] =	ssyncset.done $0x0  }
0x16d: {  	s31 =	simm.s32 $0x200;
	[sflag:s13] =	ssyncadd.s32 $0xFFFFC000  }
0x16e: {  	[tilespmem:s16], [sflag:$0x1] =	stream.indirect.gather [hbm4b:s5+s15], $0x80, s31, s15, $0xb8;
	[tilespmem:$0x1CC00] =	vst v63  }
0x16f: {  	_ =	swait.ge [sflag:s20], $0x4000  }
0x170: {  	[sflag:s20] =	ssyncset.done $0x0  }
0x171: {  	s31 =	simm.s32 $0x980;
	[sflag:s20] =	ssyncadd.s32 $0xFFFFC000  }
0x172: {  	[spmem:s1] =	stream.indirect.scatter.add.f32 [tilespmem:s17], [sflag:$0x3], $0x80, s31, s15, $0xb8;
	[tilespmem:$0x1CC00] =	vst v63  }
0x173: {  	_ =	swait.ge [sflag:s13], $0x4000  }
0x174: {  	[sflag:s13] =	ssyncset.done $0x0  }
0x175: {  	s31 =	simm.s32 $0x280;
	[sflag:s13] =	ssyncadd.s32 $0xFFFFC000  }
0x176: {  	[tilespmem:s17], [sflag:$0x2] =	stream.indirect.gather [hbm4b:s5+s15], $0x80, s31, s15, $0xb8;
	[tilespmem:$0x1CC00] =	vst v63  }
0x177: {  	_ =	swait.ge [sflag:s18], $0x4000  }
0x178: {  	[sflag:s18] =	ssyncset.done $0x0  }
0x179: {  	s31 =	simm.s32 $0xA00;
	[sflag:s18] =	ssyncadd.s32 $0xFFFFC000  }
0x17a: {  	[spmem:s1] =	stream.indirect.scatter.add.f32 [tilespmem:s16], [sflag:$0x3], $0x80, s31, s15, $0xb8;
	[tilespmem:$0x1CC00] =	vst v63  }
0x17b: {  	_ =	swait.ge [sflag:s13], $0x4000  }
0x17c: {  	[sflag:s13] =	ssyncset.done $0x0  }
0x17d: {  	s31 =	simm.s32 $0x300;
	[sflag:s13] =	ssyncadd.s32 $0xFFFFC000  }
0x17e: {  	[tilespmem:s16], [sflag:$0x1] =	stream.indirect.gather [hbm4b:s5+s15], $0x80, s31, s15, $0xb8;
	[tilespmem:$0x1CC00] =	vst v63  }
0x17f: {  	_ =	swait.ge [sflag:s20], $0x4000  }
0x180: {  	[sflag:s20] =	ssyncset.done $0x0  }
0x181: {  	s31 =	simm.s32 $0xA80;
	[sflag:s20] =	ssyncadd.s32 $0xFFFFC000  }
0x182: {  	[spmem:s1] =	stream.indirect.scatter.add.f32 [tilespmem:s17], [sflag:$0x3], $0x80, s31, s15, $0xb8;
	[tilespmem:$0x1CC00] =	vst v63  }
0x183: {  	_ =	swait.ge [sflag:s13], $0x4000  }
0x184: {  	[sflag:s13] =	ssyncset.done $0x0  }
0x185: {  	s31 =	simm.s32 $0x380;
	[sflag:s13] =	ssyncadd.s32 $0xFFFFC000  }
0x186: {  	[tilespmem:s17], [sflag:$0x2] =	stream.indirect.gather [hbm4b:s5+s15], $0x80, s31, s15, $0xb8;
	[tilespmem:$0x1CC00] =	vst v63  }
0x187: {  	_ =	swait.ge [sflag:s18], $0x4000  }
0x188: {  	[sflag:s18] =	ssyncset.done $0x0  }
0x189: {  	s31 =	simm.s32 $0xB00;
	[sflag:s18] =	ssyncadd.s32 $0xFFFFC000  }
0x18a: {  	[spmem:s1] =	stream.indirect.scatter.add.f32 [tilespmem:s16], [sflag:$0x3], $0x80, s31, s15, $0xb8;
	[tilespmem:$0x1CC00] =	vst v63  }
0x18b: {  	_ =	swait.ge [sflag:s13], $0x4000  }
0x18c: {  	[sflag:s13] =	ssyncset.done $0x0  }
0x18d: {  	[sflag:s13] =	ssyncadd.s32 $0xFFFFC000  }
0x18e: {  	[tilespmem:s16], [sflag:$0x1] =	stream.indirect.gather [hbm4b:s5+s15], $0x80, s2, s15, $0xb8;
	[tilespmem:$0x1CC00] =	vst v63  }
0x18f: {  	_ =	swait.ge [sflag:s20], $0x4000  }
0x190: {  	[sflag:s20] =	ssyncset.done $0x0  }
0x191: {  	[sflag:s20] =	ssyncadd.s32 $0xFFFFC000  }
0x192: {  	[spmem:s1] =	stream.indirect.scatter.add.f32 [tilespmem:s17], [sflag:$0x3], $0x80, s9, s15, $0xb8;
	[tilespmem:$0x1CC00] =	vst v63  }
0x193: {  	_ =	swait.ge [sflag:s13], $0x4000  }
0x194: {  	[sflag:s13] =	ssyncset.done $0x0  }
0x195: {  	[sflag:s13] =	ssyncadd.s32 $0xFFFFC000  }
0x196: {  	[tilespmem:s17], [sflag:$0x2] =	stream.indirect.gather [hbm4b:s5+s15], $0x80, s6, s15, $0xb8;
	[tilespmem:$0x1CC00] =	vst v63  }
0x197: {  	_ =	swait.ge [sflag:s18], $0x4000  }
0x198: {  	[sflag:s18] =	ssyncset.done $0x0  }
0x199: {  	[sflag:s18] =	ssyncadd.s32 $0xFFFFC000  }
0x19a: {  	[spmem:s1] =	stream.indirect.scatter.add.f32 [tilespmem:s16], [sflag:$0x3], $0x80, s7, s15, $0xb8;
	[tilespmem:$0x1CC00] =	vst v63  }
0x19b: {  	_ =	swait.ge [sflag:s13], $0x4000  }
0x19c: {  	[sflag:s13] =	ssyncset.done $0x0  }
0x19d: {  	[sflag:s13] =	ssyncadd.s32 $0xFFFFC000  }
0x19e: {  	[tilespmem:s16], [sflag:$0x1] =	stream.indirect.gather [hbm4b:s5+s15], $0x80, s8, s15, $0xb8;
	[tilespmem:$0x1CC00] =	vst v63  }
0x19f: {  	_ =	swait.ge [sflag:s20], $0x4000  }
0x1a0: {  	[sflag:s20] =	ssyncset.done $0x0  }
0x1a1: {  	[sflag:s20] =	ssyncadd.s32 $0xFFFFC000  }
0x1a2: {  	[spmem:s1] =	stream.indirect.scatter.add.f32 [tilespmem:s17], [sflag:$0x3], $0x80, s10, s15, $0xb8;
	[tilespmem:$0x1CC00] =	vst v63  }
0x1a3: {  	_ =	swait.ge [sflag:s13], $0x4000  }
0x1a4: {  	[sflag:s13] =	ssyncset.done $0x0  }
0x1a5: {  	[sflag:s13] =	ssyncadd.s32 $0xFFFFC000  }
0x1a6: {  	[tilespmem:s17], [sflag:$0x2] =	stream.indirect.gather [hbm4b:s5+s15], $0x80, s11, s15, $0xb8;
	[tilespmem:$0x1CC00] =	vst v63  }
0x1a7: {  	_ =	swait.ge [sflag:s18], $0x4000  }
0x1a8: {  	[sflag:s18] =	ssyncset.done $0x0  }
0x1a9: {  	[sflag:s18] =	ssyncadd.s32 $0xFFFFC000  }
0x1aa: {  	[spmem:s1] =	stream.indirect.scatter.add.f32 [tilespmem:s16], [sflag:$0x3], $0x80, s12, s15, $0xb8;
	[tilespmem:$0x1CC00] =	vst v63  }
0x1ab: {  	_ =	swait.ge [sflag:s13], $0x4000  }
0x1ac: {  	[sflag:s13] =	ssyncset.done $0x0  }
0x1ad: {  	[sflag:s13] =	ssyncadd.s32 $0xFFFFC000  }
0x1ae: {  	[tilespmem:s16], [sflag:$0x1] =	stream.indirect.gather [hbm4b:s5+s15], $0x80, s19, s15, $0xb8;
	[tilespmem:$0x1CC00] =	vst v63  }
0x1af: {  	_ =	swait.ge [sflag:s20], $0x4000  }
0x1b0: {  	[sflag:s20] =	ssyncset.done $0x0  }
0x1b1: {  	[sflag:s20] =	ssyncadd.s32 $0xFFFFC000  }
0x1b2: {  	[spmem:s1] =	stream.indirect.scatter.add.f32 [tilespmem:s17], [sflag:$0x3], $0x80, s21, s15, $0xb8;
	[tilespmem:$0x1CC00] =	vst v63  }
0x1b3: {  	_ =	swait.ge [sflag:s13], $0x4000  }
0x1b4: {  	[sflag:s13] =	ssyncset.done $0x0  }
0x1b5: {  	[sflag:s13] =	ssyncadd.s32 $0xFFFFC000  }
0x1b6: {  	[tilespmem:s17], [sflag:$0x2] =	stream.indirect.gather [hbm4b:s5+s15], $0x80, s22, s15, $0xb8;
	[tilespmem:$0x1CC00] =	vst v63  }
0x1b7: {  	_ =	swait.ge [sflag:s18], $0x4000  }
0x1b8: {  	[sflag:s18] =	ssyncset.done $0x0  }
0x1b9: {  	[sflag:s18] =	ssyncadd.s32 $0xFFFFC000  }
0x1ba: {  	[spmem:s1] =	stream.indirect.scatter.add.f32 [tilespmem:s16], [sflag:$0x3], $0x80, s23, s15, $0xb8;
	[tilespmem:$0x1CC00] =	vst v63  }
0x1bb: {  	_ =	swait.ge [sflag:s13], $0x4000  }
0x1bc: {  	[sflag:s13] =	ssyncset.done $0x0  }
0x1bd: {  	[sflag:s13] =	ssyncadd.s32 $0xFFFFC000  }
0x1be: {  	[tilespmem:s16], [sflag:$0x1] =	stream.indirect.gather [hbm4b:s5+s15], $0x80, s24, s15, $0xb8;
	[tilespmem:$0x1CC00] =	vst v63  }
0x1bf: {  	_ =	swait.ge [sflag:s20], $0x4000  }
0x1c0: {  	[sflag:s20] =	ssyncset.done $0x0  }
0x1c1: {  	[sflag:s20] =	ssyncadd.s32 $0xFFFFC000  }
0x1c2: {  	[spmem:s1] =	stream.indirect.scatter.add.f32 [tilespmem:s17], [sflag:$0x3], $0x80, s25, s15, $0xb8;
	[tilespmem:$0x1CC00] =	vst v63  }
0x1c3: {  	_ =	swait.ge [sflag:s13], $0x4000  }
0x1c4: {  	[sflag:s13] =	ssyncset.done $0x0  }
0x1c5: {  	[sflag:s13] =	ssyncadd.s32 $0xFFFFC000  }
0x1c6: {  	[tilespmem:s17], [sflag:$0x2] =	stream.indirect.gather [hbm4b:s5+s15], $0x80, s26, s15, $0xb8;
	[tilespmem:$0x1CC00] =	vst v63  }
0x1c7: {  	_ =	swait.ge [sflag:s18], $0x4000  }
0x1c8: {  	[sflag:s18] =	ssyncset.done $0x0  }
0x1c9: {  	[sflag:s18] =	ssyncadd.s32 $0xFFFFC000  }
0x1ca: {  	[spmem:s1] =	stream.indirect.scatter.add.f32 [tilespmem:s16], [sflag:$0x3], $0x80, s28, s15, $0xb8;
	[tilespmem:$0x1CC00] =	vst v63  }
0x1cb: {  	_ =	swait.ge [sflag:s13], $0x4000  }
0x1cc: {  	[sflag:s13] =	ssyncset.done $0x0  }
0x1cd: {  	[sflag:s13] =	ssyncadd.s32 $0xFFFFC000  }
0x1ce: {  	_ =	swait.ge [sflag:s20], $0x4000  }
0x1cf: {  	[sflag:s20] =	ssyncset.done $0x0  }
0x1d0: {  	[sflag:s20] =	ssyncadd.s32 $0xFFFFC000  }
0x1d1: {  	[spmem:s1] =	stream.indirect.scatter.add.f32 [tilespmem:s17], [sflag:$0x3], $0x80, s29, s15, $0xb8;
	[tilespmem:$0x1CC00] =	vst v63  }
0x1d2: {  	s30 =	simm.s32 $0x100;
	_ =	swait.ge [sflag:s13], $0x4000  }
.LBB2_3:
0x1d3: {  	s31 =	rddreg [dreg:$0x6];
	s0 =	smov.u32 s30;
	[sflag:s13] =	ssyncset.done $0x0  }
0x1d4: {  	s31 =	sadd.s32 s0, s31;
	[sflag:s13] =	ssyncadd.s32 $0xFFFFC000  }
0x1d5: {  	[tilespmem:s3], [sflag:$0x3] =	stream.linear.gather [hbm4b:s31+s3], $0x800, $0x38;
	[tilespmem:$0x1CC00] =	vst v63  }
0x1d6: {  	_ =	swait.ge [sflag:s13], $0x800  }
0x1d7: {  	s31 =	rddreg [dreg:$0x5];
	[sflag:s13] =	ssyncset.done $0x0  }
0x1d8: {  	[sflag:s13] =	ssyncadd.s32 $0xFFFFF800;
	s0 =	sadd.s32 s0, s31  }
0x1d9: {  	[tilespmem:s14], [sflag:$0x3] =	stream.linear.gather [hbm4b:s0+s3], $0x800, $0x38;
	[tilespmem:$0x1CC00] =	vst v63  }
0x1da: {  	_ =	swait.ge [sflag:s13], $0x800  }
0x1db: {  	[sflag:s13] =	ssyncset.done $0x0  }
0x1dc: {  	[sflag:s13] =	ssyncadd.s32 $0xFFFFF800  }
0x1dd: {  	[tilespmem:s16], [sflag:$0x1] =	stream.indirect.gather [hbm4b:s5+s15], $0x80, s3, s15, $0xb8;
	[tilespmem:$0x1CC00] =	vst v63  }
0x1de: {  	_ = 	snop  }
0x1df: {  	[tilespmem:s17], [sflag:$0x2] =	stream.indirect.gather [hbm4b:s5+s15], $0x80, s15, s15, $0xb8;
	[tilespmem:$0x1CC00] =	vst v63  }
0x1e0: {  	_ =	swait.ge [sflag:s18], $0x4000  }
0x1e1: {  	[sflag:s18] =	ssyncset.done $0x0  }
0x1e2: {  	[sflag:s18] =	ssyncadd.s32 $0xFFFFC000  }
0x1e3: {  	[spmem:s1] =	stream.indirect.scatter.add.f32 [tilespmem:s16], [sflag:$0x3], $0x80, s14, s15, $0xb8;
	[tilespmem:$0x1CC00] =	vst v63  }
0x1e4: {  	_ =	swait.ge [sflag:s13], $0x4000  }
0x1e5: {  	[sflag:s13] =	ssyncset.done $0x0  }
0x1e6: {  	s31 =	simm.s32 $0x100;
	[sflag:s13] =	ssyncadd.s32 $0xFFFFC000  }
0x1e7: {  	[tilespmem:s16], [sflag:$0x1] =	stream.indirect.gather [hbm4b:s5+s15], $0x80, s31, s15, $0xb8;
	[tilespmem:$0x1CC00] =	vst v63  }
0x1e8: {  	_ =	swait.ge [sflag:s20], $0x4000  }
0x1e9: {  	[sflag:s20] =	ssyncset.done $0x0  }
0x1ea: {  	s31 =	simm.s32 $0x880;
	[sflag:s20] =	ssyncadd.s32 $0xFFFFC000  }
0x1eb: {  	[spmem:s1] =	stream.indirect.scatter.add.f32 [tilespmem:s17], [sflag:$0x3], $0x80, s31, s15, $0xb8;
	[tilespmem:$0x1CC00] =	vst v63  }
0x1ec: {  	_ =	swait.ge [sflag:s13], $0x4000  }
0x1ed: {  	[sflag:s13] =	ssyncset.done $0x0  }
0x1ee: {  	s31 =	simm.s32 $0x180;
	[sflag:s13] =	ssyncadd.s32 $0xFFFFC000  }
0x1ef: {  	[tilespmem:s17], [sflag:$0x2] =	stream.indirect.gather [hbm4b:s5+s15], $0x80, s31, s15, $0xb8;
	[tilespmem:$0x1CC00] =	vst v63  }
0x1f0: {  	_ =	swait.ge [sflag:s18], $0x4000  }
0x1f1: {  	[sflag:s18] =	ssyncset.done $0x0  }
0x1f2: {  	s31 =	simm.s32 $0x900;
	[sflag:s18] =	ssyncadd.s32 $0xFFFFC000  }
0x1f3: {  	[spmem:s1] =	stream.indirect.scatter.add.f32 [tilespmem:s16], [sflag:$0x3], $0x80, s31, s15, $0xb8;
	[tilespmem:$0x1CC00] =	vst v63  }
0x1f4: {  	_ =	swait.ge [sflag:s13], $0x4000  }
0x1f5: {  	[sflag:s13] =	ssyncset.done $0x0  }
0x1f6: {  	s31 =	simm.s32 $0x200;
	[sflag:s13] =	ssyncadd.s32 $0xFFFFC000  }
0x1f7: {  	[tilespmem:s16], [sflag:$0x1] =	stream.indirect.gather [hbm4b:s5+s15], $0x80, s31, s15, $0xb8;
	[tilespmem:$0x1CC00] =	vst v63  }
0x1f8: {  	_ =	swait.ge [sflag:s20], $0x4000  }
0x1f9: {  	[sflag:s20] =	ssyncset.done $0x0  }
0x1fa: {  	s31 =	simm.s32 $0x980;
	[sflag:s20] =	ssyncadd.s32 $0xFFFFC000  }
0x1fb: {  	[spmem:s1] =	stream.indirect.scatter.add.f32 [tilespmem:s17], [sflag:$0x3], $0x80, s31, s15, $0xb8;
	[tilespmem:$0x1CC00] =	vst v63  }
0x1fc: {  	_ =	swait.ge [sflag:s13], $0x4000  }
0x1fd: {  	[sflag:s13] =	ssyncset.done $0x0  }
0x1fe: {  	s31 =	simm.s32 $0x280;
	[sflag:s13] =	ssyncadd.s32 $0xFFFFC000  }
0x1ff: {  	[tilespmem:s17], [sflag:$0x2] =	stream.indirect.gather [hbm4b:s5+s15], $0x80, s31, s15, $0xb8;
	[tilespmem:$0x1CC00] =	vst v63  }
0x200: {  	_ =	swait.ge [sflag:s18], $0x4000  }
0x201: {  	[sflag:s18] =	ssyncset.done $0x0  }
0x202: {  	s31 =	simm.s32 $0xA00;
	[sflag:s18] =	ssyncadd.s32 $0xFFFFC000  }
0x203: {  	[spmem:s1] =	stream.indirect.scatter.add.f32 [tilespmem:s16], [sflag:$0x3], $0x80, s31, s15, $0xb8;
	[tilespmem:$0x1CC00] =	vst v63  }
0x204: {  	_ =	swait.ge [sflag:s13], $0x4000  }
0x205: {  	[sflag:s13] =	ssyncset.done $0x0  }
0x206: {  	s31 =	simm.s32 $0x300;
	[sflag:s13] =	ssyncadd.s32 $0xFFFFC000  }
0x207: {  	[tilespmem:s16], [sflag:$0x1] =	stream.indirect.gather [hbm4b:s5+s15], $0x80, s31, s15, $0xb8;
	[tilespmem:$0x1CC00] =	vst v63  }
0x208: {  	_ =	swait.ge [sflag:s20], $0x4000  }
0x209: {  	[sflag:s20] =	ssyncset.done $0x0  }
0x20a: {  	s31 =	simm.s32 $0xA80;
	[sflag:s20] =	ssyncadd.s32 $0xFFFFC000  }
0x20b: {  	[spmem:s1] =	stream.indirect.scatter.add.f32 [tilespmem:s17], [sflag:$0x3], $0x80, s31, s15, $0xb8;
	[tilespmem:$0x1CC00] =	vst v63  }
0x20c: {  	_ =	swait.ge [sflag:s13], $0x4000  }
0x20d: {  	[sflag:s13] =	ssyncset.done $0x0  }
0x20e: {  	s31 =	simm.s32 $0x380;
	[sflag:s13] =	ssyncadd.s32 $0xFFFFC000  }
0x20f: {  	[tilespmem:s17], [sflag:$0x2] =	stream.indirect.gather [hbm4b:s5+s15], $0x80, s31, s15, $0xb8;
	[tilespmem:$0x1CC00] =	vst v63  }
0x210: {  	_ =	swait.ge [sflag:s18], $0x4000  }
0x211: {  	[sflag:s18] =	ssyncset.done $0x0  }
0x212: {  	s31 =	simm.s32 $0xB00;
	[sflag:s18] =	ssyncadd.s32 $0xFFFFC000  }
0x213: {  	[spmem:s1] =	stream.indirect.scatter.add.f32 [tilespmem:s16], [sflag:$0x3], $0x80, s31, s15, $0xb8;
	[tilespmem:$0x1CC00] =	vst v63  }
0x214: {  	_ =	swait.ge [sflag:s13], $0x4000  }
0x215: {  	[sflag:s13] =	ssyncset.done $0x0  }
0x216: {  	[sflag:s13] =	ssyncadd.s32 $0xFFFFC000  }
0x217: {  	[tilespmem:s16], [sflag:$0x1] =	stream.indirect.gather [hbm4b:s5+s15], $0x80, s2, s15, $0xb8;
	[tilespmem:$0x1CC00] =	vst v63  }
0x218: {  	_ =	swait.ge [sflag:s20], $0x4000  }
0x219: {  	[sflag:s20] =	ssyncset.done $0x0  }
0x21a: {  	[sflag:s20] =	ssyncadd.s32 $0xFFFFC000  }
0x21b: {  	[spmem:s1] =	stream.indirect.scatter.add.f32 [tilespmem:s17], [sflag:$0x3], $0x80, s9, s15, $0xb8;
	[tilespmem:$0x1CC00] =	vst v63  }
0x21c: {  	_ =	swait.ge [sflag:s13], $0x4000  }
0x21d: {  	[sflag:s13] =	ssyncset.done $0x0  }
0x21e: {  	[sflag:s13] =	ssyncadd.s32 $0xFFFFC000  }
0x21f: {  	[tilespmem:s17], [sflag:$0x2] =	stream.indirect.gather [hbm4b:s5+s15], $0x80, s6, s15, $0xb8;
	[tilespmem:$0x1CC00] =	vst v63  }
0x220: {  	_ =	swait.ge [sflag:s18], $0x4000  }
0x221: {  	[sflag:s18] =	ssyncset.done $0x0  }
0x222: {  	[sflag:s18] =	ssyncadd.s32 $0xFFFFC000  }
0x223: {  	[spmem:s1] =	stream.indirect.scatter.add.f32 [tilespmem:s16], [sflag:$0x3], $0x80, s7, s15, $0xb8;
	[tilespmem:$0x1CC00] =	vst v63  }
0x224: {  	_ =	swait.ge [sflag:s13], $0x4000  }
0x225: {  	[sflag:s13] =	ssyncset.done $0x0  }
0x226: {  	[sflag:s13] =	ssyncadd.s32 $0xFFFFC000  }
0x227: {  	[tilespmem:s16], [sflag:$0x1] =	stream.indirect.gather [hbm4b:s5+s15], $0x80, s8, s15, $0xb8;
	[tilespmem:$0x1CC00] =	vst v63  }
0x228: {  	_ =	swait.ge [sflag:s20], $0x4000  }
0x229: {  	[sflag:s20] =	ssyncset.done $0x0  }
0x22a: {  	[sflag:s20] =	ssyncadd.s32 $0xFFFFC000  }
0x22b: {  	[spmem:s1] =	stream.indirect.scatter.add.f32 [tilespmem:s17], [sflag:$0x3], $0x80, s10, s15, $0xb8;
	[tilespmem:$0x1CC00] =	vst v63  }
0x22c: {  	_ =	swait.ge [sflag:s13], $0x4000  }
0x22d: {  	[sflag:s13] =	ssyncset.done $0x0  }
0x22e: {  	[sflag:s13] =	ssyncadd.s32 $0xFFFFC000  }
0x22f: {  	[tilespmem:s17], [sflag:$0x2] =	stream.indirect.gather [hbm4b:s5+s15], $0x80, s11, s15, $0xb8;
	[tilespmem:$0x1CC00] =	vst v63  }
0x230: {  	_ =	swait.ge [sflag:s18], $0x4000  }
0x231: {  	[sflag:s18] =	ssyncset.done $0x0  }
0x232: {  	[sflag:s18] =	ssyncadd.s32 $0xFFFFC000  }
0x233: {  	[spmem:s1] =	stream.indirect.scatter.add.f32 [tilespmem:s16], [sflag:$0x3], $0x80, s12, s15, $0xb8;
	[tilespmem:$0x1CC00] =	vst v63  }
0x234: {  	_ =	swait.ge [sflag:s13], $0x4000  }
0x235: {  	[sflag:s13] =	ssyncset.done $0x0  }
0x236: {  	[sflag:s13] =	ssyncadd.s32 $0xFFFFC000  }
0x237: {  	[tilespmem:s16], [sflag:$0x1] =	stream.indirect.gather [hbm4b:s5+s15], $0x80, s19, s15, $0xb8;
	[tilespmem:$0x1CC00] =	vst v63  }
0x238: {  	_ =	swait.ge [sflag:s20], $0x4000  }
0x239: {  	[sflag:s20] =	ssyncset.done $0x0  }
0x23a: {  	[sflag:s20] =	ssyncadd.s32 $0xFFFFC000  }
0x23b: {  	[spmem:s1] =	stream.indirect.scatter.add.f32 [tilespmem:s17], [sflag:$0x3], $0x80, s21, s15, $0xb8;
	[tilespmem:$0x1CC00] =	vst v63  }
0x23c: {  	_ =	swait.ge [sflag:s13], $0x4000  }
0x23d: {  	[sflag:s13] =	ssyncset.done $0x0  }
0x23e: {  	[sflag:s13] =	ssyncadd.s32 $0xFFFFC000  }
0x23f: {  	[tilespmem:s17], [sflag:$0x2] =	stream.indirect.gather [hbm4b:s5+s15], $0x80, s22, s15, $0xb8;
	[tilespmem:$0x1CC00] =	vst v63  }
0x240: {  	_ =	swait.ge [sflag:s18], $0x4000  }
0x241: {  	[sflag:s18] =	ssyncset.done $0x0  }
0x242: {  	[sflag:s18] =	ssyncadd.s32 $0xFFFFC000  }
0x243: {  	[spmem:s1] =	stream.indirect.scatter.add.f32 [tilespmem:s16], [sflag:$0x3], $0x80, s23, s15, $0xb8;
	[tilespmem:$0x1CC00] =	vst v63  }
0x244: {  	_ =	swait.ge [sflag:s13], $0x4000  }
0x245: {  	[sflag:s13] =	ssyncset.done $0x0  }
0x246: {  	[sflag:s13] =	ssyncadd.s32 $0xFFFFC000  }
0x247: {  	[tilespmem:s16], [sflag:$0x1] =	stream.indirect.gather [hbm4b:s5+s15], $0x80, s24, s15, $0xb8;
	[tilespmem:$0x1CC00] =	vst v63  }
0x248: {  	_ =	swait.ge [sflag:s20], $0x4000  }
0x249: {  	[sflag:s20] =	ssyncset.done $0x0  }
0x24a: {  	[sflag:s20] =	ssyncadd.s32 $0xFFFFC000  }
0x24b: {  	[spmem:s1] =	stream.indirect.scatter.add.f32 [tilespmem:s17], [sflag:$0x3], $0x80, s25, s15, $0xb8;
	[tilespmem:$0x1CC00] =	vst v63  }
0x24c: {  	_ =	swait.ge [sflag:s13], $0x4000  }
0x24d: {  	[sflag:s13] =	ssyncset.done $0x0  }
0x24e: {  	[sflag:s13] =	ssyncadd.s32 $0xFFFFC000  }
0x24f: {  	[tilespmem:s17], [sflag:$0x2] =	stream.indirect.gather [hbm4b:s5+s15], $0x80, s26, s15, $0xb8;
	[tilespmem:$0x1CC00] =	vst v63  }
0x250: {  	_ =	swait.ge [sflag:s18], $0x4000  }
0x251: {  	[sflag:s18] =	ssyncset.done $0x0  }
0x252: {  	[sflag:s18] =	ssyncadd.s32 $0xFFFFC000  }
0x253: {  	[spmem:s1] =	stream.indirect.scatter.add.f32 [tilespmem:s16], [sflag:$0x3], $0x80, s28, s15, $0xb8;
	[tilespmem:$0x1CC00] =	vst v63  }
0x254: {  	_ =	swait.ge [sflag:s13], $0x4000  }
0x255: {  	[sflag:s13] =	ssyncset.done $0x0  }
0x256: {  	p1 =	seq.s32 s30, $0x900;
	[sflag:s13] =	ssyncadd.s32 $0xFFFFC000  }
.Ltmp5:
0x257: {  	_ =	swait.ge [sflag:s20], $0x4000;
	(pc) =	sbr.rel @!p1 .LBB2_3-.Ltmp5, $4  }
0x258: {  	[sflag:s20] =	ssyncset.done $0x0  }
0x259: {  	[sflag:s20] =	ssyncadd.s32 $0xFFFFC000  }
0x25a: {  	[spmem:s1] =	stream.indirect.scatter.add.f32 [tilespmem:s17], [sflag:$0x3], $0x80, s29, s15, $0xb8;
	[tilespmem:$0x1CC00] =	vst v63  }
0x25b: {  	s30 =	sadd.s32 $0x100, s30;
	_ =	swait.ge [sflag:s13], $0x4000  }
.Ltmp6:
0x25c: {  	(pc) =	sbr.rel .LBB2_8-.Ltmp6, $3  }
0x25d: {  	_ =	sdelay $0x1  }
0x25e: {  	[sflag:s13] =	ssyncset.done $0x0  }
0x25f: {  	s31 =	rddreg [dreg:$0x9];
	[sflag:s13] =	ssyncadd.s32 $0xFFFFC000  }
.LBB2_9:
0x260: {  	_ =	sfence.sel $0x180000  }
0x261: {  	[bflag:$0x0] =	sbarrier.arrive $0xFFFF  }
0x262: {  	_ =	strace $0x90000047  }
0x263: {  	s0 =	stileid.u32;
	[bflag:$0x2] =	sbarrier.arrive $0xFFFF  }
0x264: {  	p0 =	sne.s32 s0, $0x0;
	s0 =	rddreg [dreg:$0x4]  }
0x265: {  	s0 =	sadd.s32 @!p0 $0x100000, s0  }
0x266: {  	[sflag:s0] =	ssyncadd.tile.s32 @!p0 $0x1;
	_ =	shalt  }
.Lfunc_end2:
_tile_overlayer_lowered:
.L_overlay_start_2:
0x267: {  	(tag) =	ssettag $0x2  }
0x268: {  	s0 =	rddreg [dreg:$0x0];
	s2 =	stileid.u32  }
0x269: {  	s1 =	rddreg [dreg:$0x1];
	p0 =	sne.s32 s2, $0x0  }
0x26a: {  	s3 =	rddreg [dreg:$0x2];
	[bflag:$0x3] =	sbarrier.arrive $0xFFFF;
	s2 =	simm.s32 @!p0 $0x1C03  }
0x26b: {  	[timem:s3], [sflag:s2] =	dma.local @!p0 [hbm:s0], s1  }
0x26c: {  	s0 =	simm.s32 @!p0 $0x3  }
0x26d: {  	_ =	swait.ge @!p0 [sflag:s0], s1  }
0x26e: {  	s1 =	ssub.s32 @!p0 $0x0, s1;
	[sflag:s0] =	ssyncset.done @!p0 $0x0  }
0x26f: {  	[sflag:s0] =	ssyncadd.s32 @!p0 s1  }
0x270: {  	[bflag:$0x3] =	sbarrier.arrive $0xFFFF  }
0x271: {  	_ =	shalt  }

</sc_bundles>
